<compile_context>
chip_gen: v7x
topology: tpu7x:2x2x1
jax: 0.10.2.dev20260603
libtpu: 0.0.44.dev20260713+nightly
codegen_flags: <defaults>
</compile_context>

<pallas_src>
import jax
import jax.numpy as jnp
from jax import lax
from jax.experimental import pallas as pl
from jax.experimental.pallas import tpu as pltpu
from jax.experimental.pallas import tpu_sc as plsc

N_NODES = 10000
N_EDGES = 160000
D_FEAT = 256
D_HALF = D_FEAT // 2

NUM_TILES = 16
CHUNK = 80
CHUNKS_TOTAL = N_EDGES // CHUNK
CHUNKS_PER_TILE = CHUNKS_TOTAL // NUM_TILES
STRIPE = 632
LAST_STRIPE = N_NODES - (NUM_TILES - 1) * STRIPE
NBUF = 4
ROUNDS = 15
LAST = CHUNKS_PER_TILE - 1


def _clear_stripe(acc, rows0, base, nrows):
    nfull = nrows // CHUNK
    rest = nrows - nfull * CHUNK

    @pl.loop(0, nfull)
    def _clear(k):
        pltpu.sync_copy(rows0, acc.at[pl.ds(base + k * CHUNK, CHUNK)])

    pltpu.sync_copy(rows0.at[pl.ds(0, rest)],
                    acc.at[pl.ds(base + nfull * CHUNK, rest)])


def _sc_body(x_hbm, src_hbm, dst_hbm, out_hbm, *refs):
    rows = refs[0:4]
    stages = refs[4:12]
    acc = refs[12]
    semr = refs[13:17]
    semi = refs[17:25]
    c = lax.axis_index("c")
    s = lax.axis_index("s")

    def idx_issue(j, st):
        pltpu.async_copy(src_hbm.at[s].at[j], stages[st].at[pl.ds(0, 1)],
                         semi[st])
        pltpu.async_copy(dst_hbm.at[s].at[j], stages[st].at[pl.ds(1, 1)],
                         semi[st])

    def idx_wait(j, st):
        pltpu.make_async_copy(src_hbm.at[s].at[j],
                              stages[st].at[pl.ds(0, 1)], semi[st]).wait()
        pltpu.make_async_copy(dst_hbm.at[s].at[j],
                              stages[st].at[pl.ds(1, 1)], semi[st]).wait()

    def gather(j, b, st):
        return pltpu.async_copy(x_hbm.at[c].at[stages[st].at[0]],
                                rows[b], semr[b])

    def wait_gather(j, b, st):
        pltpu.make_async_copy(x_hbm.at[c].at[stages[st].at[0]],
                              rows[b], semr[b]).wait()

    def scatter(b, st):
        return pltpu.async_copy(rows[b], acc.at[stages[st].at[1]],
                                semr[b], add=True)

    for j in range(8):
        idx_issue(j, (j % 4) * 2 + j // 4)
    for j in range(1, 4):
        idx_wait(j, j * 2)
        gather(j, j, j * 2)

    @pl.loop(0, CHUNK)
    def _zero_rows(r):
        @pl.loop(0, D_HALF // 16)
        def _zero_lanes(j):
            rows[0][r, pl.ds(j * 16, 16)] = jnp.zeros((16,), jnp.float32)

    @pl.when(s < NUM_TILES - 1)
    def _clear_full():
        _clear_stripe(acc, rows[0], s * STRIPE, STRIPE)

    @pl.when(s == NUM_TILES - 1)
    def _clear_last():
        _clear_stripe(acc, rows[0], (NUM_TILES - 1) * STRIPE, LAST_STRIPE)

    idx_wait(0, 0)
    gather(0, 0, 0)

    plsc.subcore_barrier()

    sc = [None] * NBUF

    @pl.loop(0, ROUNDS)
    def _round(i):
        j8 = 8 * i
        for b in range(4):
            wait_gather(j8 + b, b, b * 2)
            sc[b] = scatter(b, b * 2)
        for b in range(4):
            sc[b].wait()
            idx_wait(j8 + 4 + b, b * 2 + 1)
            gather(j8 + 4 + b, b, b * 2 + 1)
            idx_issue(jnp.minimum(j8 + 8 + b, LAST), b * 2)
        for b in range(4):
            wait_gather(j8 + 4 + b, b, b * 2 + 1)
            sc[b] = scatter(b, b * 2 + 1)
        for b in range(4):
            sc[b].wait()
            idx_wait(jnp.minimum(j8 + 8 + b, LAST), b * 2)
            gather(jnp.minimum(j8 + 8 + b, LAST), b, b * 2)
            idx_issue(jnp.minimum(j8 + 12 + b, LAST), b * 2 + 1)

    for b in range(4):
        wait_gather(120 + b, b, b * 2)
        sc[b] = scatter(b, b * 2)
    sc[0].wait()
    idx_wait(LAST, 1)
    g = gather(LAST, 0, 1)
    for b in range(1, 4):
        sc[b].wait()
        idx_wait(LAST, b * 2 + 1)
    g.wait()
    pltpu.sync_copy(rows[0], acc.at[stages[1].at[1]], add=True)

    plsc.subcore_barrier()

    @pl.when(s < NUM_TILES - 1)
    def _store_full():
        pltpu.sync_copy(acc.at[pl.ds(s * STRIPE, STRIPE)],
                        out_hbm.at[c].at[pl.ds(s * STRIPE, STRIPE)])

    @pl.when(s == NUM_TILES - 1)
    def _store_last():
        pltpu.sync_copy(
            acc.at[pl.ds((NUM_TILES - 1) * STRIPE, LAST_STRIPE)],
            out_hbm.at[c].at[pl.ds((NUM_TILES - 1) * STRIPE, LAST_STRIPE)])


@jax.jit
def _message_passing(x2, src_r, dst_r):
    mesh = plsc.VectorSubcoreMesh(core_axis_name="c", subcore_axis_name="s")
    run = pl.kernel(
        _sc_body,
        out_type=jax.ShapeDtypeStruct((2, N_NODES, D_HALF), jnp.float32),
        mesh=mesh,
        scratch_types=(
            [pltpu.VMEM((CHUNK, D_HALF), jnp.float32)] * NBUF +
            [pltpu.VMEM((2, CHUNK), jnp.int32)] * 8 +
            [pltpu.VMEM_SHARED((N_NODES, D_HALF), jnp.float32)] +
            [pltpu.SemaphoreType.DMA] * 12
        ),
        compiler_params=pltpu.CompilerParams(use_tc_tiling_on_sc=False),
    )
    return run(x2, src_r, dst_r)


def kernel(x, edge_index):
    x2 = jnp.moveaxis(x.reshape(N_NODES, 2, D_HALF), 1, 0)
    src_r = edge_index[0].reshape(NUM_TILES, CHUNKS_PER_TILE, 1, CHUNK)
    dst_r = edge_index[1].reshape(NUM_TILES, CHUNKS_PER_TILE, 1, CHUNK)
    out2 = _message_passing(x2, src_r, dst_r)
    return jnp.moveaxis(out2, 0, 1).reshape(N_NODES, D_FEAT)

# --- scband reference (transcript-rebuilt; emitter-appended) ---
"""Pipeline reference for scband-message-passing-12412455485651 (READ-ONLY COPY).

The authoritative reference and input builder live on the scoring server;
editing this copy changes nothing except your own understanding.
"""

import jax, jax.numpy as jnp
import numpy as np

N_NODES = 10000
N_EDGES = 160000
D_FEAT = 256


def setup_inputs(seed: int = 0) -> dict:
    key = jax.random.key(seed)
    k1, k2 = jax.random.split(key)
    x = jax.random.normal(k1, (N_NODES, D_FEAT), dtype=jnp.float32)
    edge_index = jax.random.randint(k2, (2, N_EDGES), 0, N_NODES, dtype=jnp.int32)
    return {"x": x, "edge_index": edge_index}


def reference(x, edge_index):
    # _MessagePassing steps 1 & 2 with identity message and sum intra-aggregation:
    #   message:   x_j = x[index_j]   (gather source-node features per edge)
    #   aggregate: scatter('sum') of messages onto destination nodes
    #   update:    identity
    # This is equivalent to neighborhood @ x with a binary sparse neighborhood matrix
    # stored in COO form as edge_index = [src_row, dst_row].
    src = edge_index[0]
    dst = edge_index[1]
    messages = jnp.take(x, src, axis=0)  # gather x_j, shape [E, d]
    out = jax.ops.segment_sum(messages, dst, num_segments=x.shape[0])  # scatter-add, shape [N, d]
    return out

if __name__ == "__main__":
    import jax
    _d = setup_inputs()
    print(jax.jit(kernel)(*tuple(_d.values())))

</pallas_src>

<mosaic_0001>
#map = affine_map<(d0, d1) -> (0, 0, 0)>
#map1 = affine_map<(d0, d1) -> (0, 0, 0, 0)>
module attributes {stable_mosaic.version = 14 : i64} {
  func.func @_sc_body(%arg0: i32, %arg1: i32, %arg2: memref<2x10000x128xf32, #tpu.memory_space<hbm>>, %arg3: memref<16x125x1x80xi32, #tpu.memory_space<hbm>>, %arg4: memref<16x125x1x80xi32, #tpu.memory_space<hbm>>, %arg5: memref<2x10000x128xf32, #tpu.memory_space<hbm>>, %arg6: memref<80x128xf32, #tpu.memory_space<vmem>>, %arg7: memref<80x128xf32, #tpu.memory_space<vmem>>, %arg8: memref<80x128xf32, #tpu.memory_space<vmem>>, %arg9: memref<80x128xf32, #tpu.memory_space<vmem>>, %arg10: memref<2x80xi32, #tpu.memory_space<vmem>>, %arg11: memref<2x80xi32, #tpu.memory_space<vmem>>, %arg12: memref<2x80xi32, #tpu.memory_space<vmem>>, %arg13: memref<2x80xi32, #tpu.memory_space<vmem>>, %arg14: memref<2x80xi32, #tpu.memory_space<vmem>>, %arg15: memref<2x80xi32, #tpu.memory_space<vmem>>, %arg16: memref<2x80xi32, #tpu.memory_space<vmem>>, %arg17: memref<2x80xi32, #tpu.memory_space<vmem>>, %arg18: memref<10000x128xf32, #tpu.memory_space<vmem_shared>>, %arg19: memref<!tpu.dma_semaphore, #tpu.memory_space<semaphore_mem>>, %arg20: memref<!tpu.dma_semaphore, #tpu.memory_space<semaphore_mem>>, %arg21: memref<!tpu.dma_semaphore, #tpu.memory_space<semaphore_mem>>, %arg22: memref<!tpu.dma_semaphore, #tpu.memory_space<semaphore_mem>>, %arg23: memref<!tpu.dma_semaphore, #tpu.memory_space<semaphore_mem>>, %arg24: memref<!tpu.dma_semaphore, #tpu.memory_space<semaphore_mem>>, %arg25: memref<!tpu.dma_semaphore, #tpu.memory_space<semaphore_mem>>, %arg26: memref<!tpu.dma_semaphore, #tpu.memory_space<semaphore_mem>>, %arg27: memref<!tpu.dma_semaphore, #tpu.memory_space<semaphore_mem>>, %arg28: memref<!tpu.dma_semaphore, #tpu.memory_space<semaphore_mem>>, %arg29: memref<!tpu.dma_semaphore, #tpu.memory_space<semaphore_mem>>, %arg30: memref<!tpu.dma_semaphore, #tpu.memory_space<semaphore_mem>>) attributes {dimension_semantics = [#tpu.dimension_semantics<core_parallel>, #tpu.dimension_semantics<subcore_parallel>], iteration_bounds = array<i64: 2, 16>, scalar_prefetch = 0 : i64, scratch_operands = 25 : i64, tpu.core_type = #tpu.core_type<sc_vector_subcore>, window_params = [{transform_indices = #map}, {transform_indices = #map1}, {transform_indices = #map1}, {transform_indices = #map}]} {
    %dma_start3A = arith.constant 0 : i32
    %dma_start3A_0 = arith.constant 0 : i32
    %dma_start3A_1 = arith.constant 0 : i32
    %dma_start3A_2 = tpu.memref_slice %arg10[%dma_start3A_0, %dma_start3A_1] : memref<2x80xi32, #tpu.memory_space<vmem>> -> memref<1x80xi32, #tpu.memory_space<vmem>>
    %dma_start3A_3 = arith.constant 0 : i32
    %dma_start3A_4 = arith.constant 0 : i32
    %dma_start3A_5 = arith.constant 0 : i32
    %dma_start3A_6 = tpu.memref_slice %arg3[%arg1, %dma_start3A_3, %dma_start3A_4, %dma_start3A_5] : memref<16x125x1x80xi32, #tpu.memory_space<hbm>> -> memref<1x125x1x80xi32, #tpu.memory_space<hbm>>
    %dma_start3A_7 = tpu.memref_squeeze %dma_start3A_6 : memref<1x125x1x80xi32, #tpu.memory_space<hbm>> -> memref<125x1x80xi32, #tpu.memory_space<hbm>>
    %dma_start3A_8 = arith.constant 0 : i32
    %dma_start3A_9 = arith.constant 0 : i32
    %dma_start3A_10 = tpu.memref_slice %dma_start3A_7[%dma_start3A, %dma_start3A_8, %dma_start3A_9] : memref<125x1x80xi32, #tpu.memory_space<hbm>> -> memref<1x1x80xi32, #tpu.memory_space<hbm>>
    %dma_start3A_11 = tpu.memref_squeeze %dma_start3A_10 : memref<1x1x80xi32, #tpu.memory_space<hbm>> -> memref<1x80xi32, #tpu.memory_space<hbm>>
    %dma_start3A_12 = arith.constant 0 : i32
    %dma_start3A_13 = arith.constant 0 : i32
    %dma_start3A_14 = tpu.memref_slice %arg10[%dma_start3A_12, %dma_start3A_13] : memref<2x80xi32, #tpu.memory_space<vmem>> -> memref<1x80xi32, #tpu.memory_space<vmem>>
    %dma_start3A_15 = arith.constant 0 : i32
    %dma_start3A_16 = arith.constant 0 : i32
    %dma_start3A_17 = arith.constant 0 : i32
    %dma_start3A_18 = tpu.memref_slice %arg3[%arg1, %dma_start3A_15, %dma_start3A_16, %dma_start3A_17] : memref<16x125x1x80xi32, #tpu.memory_space<hbm>> -> memref<1x125x1x80xi32, #tpu.memory_space<hbm>>
    %dma_start3A_19 = tpu.memref_squeeze %dma_start3A_18 : memref<1x125x1x80xi32, #tpu.memory_space<hbm>> -> memref<125x1x80xi32, #tpu.memory_space<hbm>>
    %dma_start3A_20 = arith.constant 0 : i32
    %dma_start3A_21 = arith.constant 0 : i32
    %dma_start3A_22 = tpu.memref_slice %dma_start3A_19[%dma_start3A, %dma_start3A_20, %dma_start3A_21] : memref<125x1x80xi32, #tpu.memory_space<hbm>> -> memref<1x1x80xi32, #tpu.memory_space<hbm>>
    %dma_start3A_23 = tpu.memref_squeeze %dma_start3A_22 : memref<1x1x80xi32, #tpu.memory_space<hbm>> -> memref<1x80xi32, #tpu.memory_space<hbm>>
    tpu.enqueue_dma source(%dma_start3A_23 : memref<1x80xi32, #tpu.memory_space<hbm>>) target(%dma_start3A_14 : memref<1x80xi32, #tpu.memory_space<vmem>>) target_semaphore(%arg23 : memref<!tpu.dma_semaphore, #tpu.memory_space<semaphore_mem>>)
    %dma_start3A_24 = arith.constant 0 : i32
    %dma_start3A_25 = arith.constant 1 : i32
    %dma_start3A_26 = arith.constant 0 : i32
    %dma_start3A_27 = tpu.memref_slice %arg10[%dma_start3A_25, %dma_start3A_26] : memref<2x80xi32, #tpu.memory_space<vmem>> -> memref<1x80xi32, #tpu.memory_space<vmem>>
    %dma_start3A_28 = arith.constant 0 : i32
    %dma_start3A_29 = arith.constant 0 : i32
    %dma_start3A_30 = arith.constant 0 : i32
    %dma_start3A_31 = tpu.memref_slice %arg4[%arg1, %dma_start3A_28, %dma_start3A_29, %dma_start3A_30] : memref<16x125x1x80xi32, #tpu.memory_space<hbm>> -> memref<1x125x1x80xi32, #tpu.memory_space<hbm>>
    %dma_start3A_32 = tpu.memref_squeeze %dma_start3A_31 : memref<1x125x1x80xi32, #tpu.memory_space<hbm>> -> memref<125x1x80xi32, #tpu.memory_space<hbm>>
    %dma_start3A_33 = arith.constant 0 : i32
    %dma_start3A_34 = arith.constant 0 : i32
    %dma_start3A_35 = tpu.memref_slice %dma_start3A_32[%dma_start3A_24, %dma_start3A_33, %dma_start3A_34] : memref<125x1x80xi32, #tpu.memory_space<hbm>> -> memref<1x1x80xi32, #tpu.memory_space<hbm>>
    %dma_start3A_36 = tpu.memref_squeeze %dma_start3A_35 : memref<1x1x80xi32, #tpu.memory_space<hbm>> -> memref<1x80xi32, #tpu.memory_space<hbm>>
    %dma_start3A_37 = arith.constant 1 : i32
    %dma_start3A_38 = arith.constant 0 : i32
    %dma_start3A_39 = tpu.memref_slice %arg10[%dma_start3A_37, %dma_start3A_38] : memref<2x80xi32, #tpu.memory_space<vmem>> -> memref<1x80xi32, #tpu.memory_space<vmem>>
    %dma_start3A_40 = arith.constant 0 : i32
    %dma_start3A_41 = arith.constant 0 : i32
    %dma_start3A_42 = arith.constant 0 : i32
    %dma_start3A_43 = tpu.memref_slice %arg4[%arg1, %dma_start3A_40, %dma_start3A_41, %dma_start3A_42] : memref<16x125x1x80xi32, #tpu.memory_space<hbm>> -> memref<1x125x1x80xi32, #tpu.memory_space<hbm>>
    %dma_start3A_44 = tpu.memref_squeeze %dma_start3A_43 : memref<1x125x1x80xi32, #tpu.memory_space<hbm>> -> memref<125x1x80xi32, #tpu.memory_space<hbm>>
    %dma_start3A_45 = arith.constant 0 : i32
    %dma_start3A_46 = arith.constant 0 : i32
    %dma_start3A_47 = tpu.memref_slice %dma_start3A_44[%dma_start3A_24, %dma_start3A_45, %dma_start3A_46] : memref<125x1x80xi32, #tpu.memory_space<hbm>> -> memref<1x1x80xi32, #tpu.memory_space<hbm>>
    %dma_start3A_48 = tpu.memref_squeeze %dma_start3A_47 : memref<1x1x80xi32, #tpu.memory_space<hbm>> -> memref<1x80xi32, #tpu.memory_space<hbm>>
    tpu.enqueue_dma source(%dma_start3A_48 : memref<1x80xi32, #tpu.memory_space<hbm>>) target(%dma_start3A_39 : memref<1x80xi32, #tpu.memory_space<vmem>>) target_semaphore(%arg23 : memref<!tpu.dma_semaphore, #tpu.memory_space<semaphore_mem>>)
    %dma_start3A_49 = arith.constant 1 : i32
    %dma_start3A_50 = arith.constant 0 : i32
    %dma_start3A_51 = arith.constant 0 : i32
    %dma_start3A_52 = tpu.memref_slice %arg12[%dma_start3A_50, %dma_start3A_51] : memref<2x80xi32, #tpu.memory_space<vmem>> -> memref<1x80xi32, #tpu.memory_space<vmem>>
    %dma_start3A_53 = arith.constant 0 : i32
    %dma_start3A_54 = arith.constant 0 : i32
    %dma_start3A_55 = arith.constant 0 : i32
    %dma_start3A_56 = tpu.memref_slice %arg3[%arg1, %dma_start3A_53, %dma_start3A_54, %dma_start3A_55] : memref<16x125x1x80xi32, #tpu.memory_space<hbm>> -> memref<1x125x1x80xi32, #tpu.memory_space<hbm>>
    %dma_start3A_57 = tpu.memref_squeeze %dma_start3A_56 : memref<1x125x1x80xi32, #tpu.memory_space<hbm>> -> memref<125x1x80xi32, #tpu.memory_space<hbm>>
    %dma_start3A_58 = arith.constant 0 : i32
    %dma_start3A_59 = arith.constant 0 : i32
    %dma_start3A_60 = tpu.memref_slice %dma_start3A_57[%dma_start3A_49, %dma_start3A_58, %dma_start3A_59] : memref<125x1x80xi32, #tpu.memory_space<hbm>> -> memref<1x1x80xi32, #tpu.memory_space<hbm>>
    %dma_start3A_61 = tpu.memref_squeeze %dma_start3A_60 : memref<1x1x80xi32, #tpu.memory_space<hbm>> -> memref<1x80xi32, #tpu.memory_space<hbm>>
    %dma_start3A_62 = arith.constant 0 : i32
    %dma_start3A_63 = arith.constant 0 : i32
    %dma_start3A_64 = tpu.memref_slice %arg12[%dma_start3A_62, %dma_start3A_63] : memref<2x80xi32, #tpu.memory_space<vmem>> -> memref<1x80xi32, #tpu.memory_space<vmem>>
    %dma_start3A_65 = arith.constant 0 : i32
    %dma_start3A_66 = arith.constant 0 : i32
    %dma_start3A_67 = arith.constant 0 : i32
    %dma_start3A_68 = tpu.memref_slice %arg3[%arg1, %dma_start3A_65, %dma_start3A_66, %dma_start3A_67] : memref<16x125x1x80xi32, #tpu.memory_space<hbm>> -> memref<1x125x1x80xi32, #tpu.memory_space<hbm>>
    %dma_start3A_69 = tpu.memref_squeeze %dma_start3A_68 : memref<1x125x1x80xi32, #tpu.memory_space<hbm>> -> memref<125x1x80xi32, #tpu.memory_space<hbm>>
    %dma_start3A_70 = arith.constant 0 : i32
    %dma_start3A_71 = arith.constant 0 : i32
    %dma_start3A_72 = tpu.memref_slice %dma_start3A_69[%dma_start3A_49, %dma_start3A_70, %dma_start3A_71] : memref<125x1x80xi32, #tpu.memory_space<hbm>> -> memref<1x1x80xi32, #tpu.memory_space<hbm>>
    %dma_start3A_73 = tpu.memref_squeeze %dma_start3A_72 : memref<1x1x80xi32, #tpu.memory_space<hbm>> -> memref<1x80xi32, #tpu.memory_space<hbm>>
    tpu.enqueue_dma source(%dma_start3A_73 : memref<1x80xi32, #tpu.memory_space<hbm>>) target(%dma_start3A_64 : memref<1x80xi32, #tpu.memory_space<vmem>>) target_semaphore(%arg25 : memref<!tpu.dma_semaphore, #tpu.memory_space<semaphore_mem>>)
    %dma_start3A_74 = arith.constant 1 : i32
    %dma_start3A_75 = arith.constant 1 : i32
    %dma_start3A_76 = arith.constant 0 : i32
    %dma_start3A_77 = tpu.memref_slice %arg12[%dma_start3A_75, %dma_start3A_76] : memref<2x80xi32, #tpu.memory_space<vmem>> -> memref<1x80xi32, #tpu.memory_space<vmem>>
    %dma_start3A_78 = arith.constant 0 : i32
    %dma_start3A_79 = arith.constant 0 : i32
    %dma_start3A_80 = arith.constant 0 : i32
    %dma_start3A_81 = tpu.memref_slice %arg4[%arg1, %dma_start3A_78, %dma_start3A_79, %dma_start3A_80] : memref<16x125x1x80xi32, #tpu.memory_space<hbm>> -> memref<1x125x1x80xi32, #tpu.memory_space<hbm>>
    %dma_start3A_82 = tpu.memref_squeeze %dma_start3A_81 : memref<1x125x1x80xi32, #tpu.memory_space<hbm>> -> memref<125x1x80xi32, #tpu.memory_space<hbm>>
    %dma_start3A_83 = arith.constant 0 : i32
    %dma_start3A_84 = arith.constant 0 : i32
    %dma_start3A_85 = tpu.memref_slice %dma_start3A_82[%dma_start3A_74, %dma_start3A_83, %dma_start3A_84] : memref<125x1x80xi32, #tpu.memory_space<hbm>> -> memref<1x1x80xi32, #tpu.memory_space<hbm>>
    %dma_start3A_86 = tpu.memref_squeeze %dma_start3A_85 : memref<1x1x80xi32, #tpu.memory_space<hbm>> -> memref<1x80xi32, #tpu.memory_space<hbm>>
    %dma_start3A_87 = arith.constant 1 : i32
    %dma_start3A_88 = arith.constant 0 : i32
    %dma_start3A_89 = tpu.memref_slice %arg12[%dma_start3A_87, %dma_start3A_88] : memref<2x80xi32, #tpu.memory_space<vmem>> -> memref<1x80xi32, #tpu.memory_space<vmem>>
    %dma_start3A_90 = arith.constant 0 : i32
    %dma_start3A_91 = arith.constant 0 : i32
    %dma_start3A_92 = arith.constant 0 : i32
    %dma_start3A_93 = tpu.memref_slice %arg4[%arg1, %dma_start3A_90, %dma_start3A_91, %dma_start3A_92] : memref<16x125x1x80xi32, #tpu.memory_space<hbm>> -> memref<1x125x1x80xi32, #tpu.memory_space<hbm>>
    %dma_start3A_94 = tpu.memref_squeeze %dma_start3A_93 : memref<1x125x1x80xi32, #tpu.memory_space<hbm>> -> memref<125x1x80xi32, #tpu.memory_space<hbm>>
    %dma_start3A_95 = arith.constant 0 : i32
    %dma_start3A_96 = arith.constant 0 : i32
    %dma_start3A_97 = tpu.memref_slice %dma_start3A_94[%dma_start3A_74, %dma_start3A_95, %dma_start3A_96] : memref<125x1x80xi32, #tpu.memory_space<hbm>> -> memref<1x1x80xi32, #tpu.memory_space<hbm>>
    %dma_start3A_98 = tpu.memref_squeeze %dma_start3A_97 : memref<1x1x80xi32, #tpu.memory_space<hbm>> -> memref<1x80xi32, #tpu.memory_space<hbm>>
    tpu.enqueue_dma source(%dma_start3A_98 : memref<1x80xi32, #tpu.memory_space<hbm>>) target(%dma_start3A_89 : memref<1x80xi32, #tpu.memory_space<vmem>>) target_semaphore(%arg25 : memref<!tpu.dma_semaphore, #tpu.memory_space<semaphore_mem>>)
    %dma_start3A_99 = arith.constant 2 : i32
    %dma_start3A_100 = arith.constant 0 : i32
    %dma_start3A_101 = arith.constant 0 : i32
    %dma_start3A_102 = tpu.memref_slice %arg14[%dma_start3A_100, %dma_start3A_101] : memref<2x80xi32, #tpu.memory_space<vmem>> -> memref<1x80xi32, #tpu.memory_space<vmem>>
    %dma_start3A_103 = arith.constant 0 : i32
    %dma_start3A_104 = arith.constant 0 : i32
    %dma_start3A_105 = arith.constant 0 : i32
    %dma_start3A_106 = tpu.memref_slice %arg3[%arg1, %dma_start3A_103, %dma_start3A_104, %dma_start3A_105] : memref<16x125x1x80xi32, #tpu.memory_space<hbm>> -> memref<1x125x1x80xi32, #tpu.memory_space<hbm>>
    %dma_start3A_107 = tpu.memref_squeeze %dma_start3A_106 : memref<1x125x1x80xi32, #tpu.memory_space<hbm>> -> memref<125x1x80xi32, #tpu.memory_space<hbm>>
    %dma_start3A_108 = arith.constant 0 : i32
    %dma_start3A_109 = arith.constant 0 : i32
    %dma_start3A_110 = tpu.memref_slice %dma_start3A_107[%dma_start3A_99, %dma_start3A_108, %dma_start3A_109] : memref<125x1x80xi32, #tpu.memory_space<hbm>> -> memref<1x1x80xi32, #tpu.memory_space<hbm>>
    %dma_start3A_111 = tpu.memref_squeeze %dma_start3A_110 : memref<1x1x80xi32, #tpu.memory_space<hbm>> -> memref<1x80xi32, #tpu.memory_space<hbm>>
    %dma_start3A_112 = arith.constant 0 : i32
    %dma_start3A_113 = arith.constant 0 : i32
    %dma_start3A_114 = tpu.memref_slice %arg14[%dma_start3A_112, %dma_start3A_113] : memref<2x80xi32, #tpu.memory_space<vmem>> -> memref<1x80xi32, #tpu.memory_space<vmem>>
    %dma_start3A_115 = arith.constant 0 : i32
    %dma_start3A_116 = arith.constant 0 : i32
    %dma_start3A_117 = arith.constant 0 : i32
    %dma_start3A_118 = tpu.memref_slice %arg3[%arg1, %dma_start3A_115, %dma_start3A_116, %dma_start3A_117] : memref<16x125x1x80xi32, #tpu.memory_space<hbm>> -> memref<1x125x1x80xi32, #tpu.memory_space<hbm>>
    %dma_start3A_119 = tpu.memref_squeeze %dma_start3A_118 : memref<1x125x1x80xi32, #tpu.memory_space<hbm>> -> memref<125x1x80xi32, #tpu.memory_space<hbm>>
    %dma_start3A_120 = arith.constant 0 : i32
    %dma_start3A_121 = arith.constant 0 : i32
    %dma_start3A_122 = tpu.memref_slice %dma_start3A_119[%dma_start3A_99, %dma_start3A_120, %dma_start3A_121] : memref<125x1x80xi32, #tpu.memory_space<hbm>> -> memref<1x1x80xi32, #tpu.memory_space<hbm>>
    %dma_start3A_123 = tpu.memref_squeeze %dma_start3A_122 : memref<1x1x80xi32, #tpu.memory_space<hbm>> -> memref<1x80xi32, #tpu.memory_space<hbm>>
    tpu.enqueue_dma source(%dma_start3A_123 : memref<1x80xi32, #tpu.memory_space<hbm>>) target(%dma_start3A_114 : memref<1x80xi32, #tpu.memory_space<vmem>>) target_semaphore(%arg27 : memref<!tpu.dma_semaphore, #tpu.memory_space<semaphore_mem>>)
    %dma_start3A_124 = arith.constant 2 : i32
    %dma_start3A_125 = arith.constant 1 : i32
    %dma_start3A_126 = arith.constant 0 : i32
    %dma_start3A_127 = tpu.memref_slice %arg14[%dma_start3A_125, %dma_start3A_126] : memref<2x80xi32, #tpu.memory_space<vmem>> -> memref<1x80xi32, #tpu.memory_space<vmem>>
    %dma_start3A_128 = arith.constant 0 : i32
    %dma_start3A_129 = arith.constant 0 : i32
    %dma_start3A_130 = arith.constant 0 : i32
    %dma_start3A_131 = tpu.memref_slice %arg4[%arg1, %dma_start3A_128, %dma_start3A_129, %dma_start3A_130] : memref<16x125x1x80xi32, #tpu.memory_space<hbm>> -> memref<1x125x1x80xi32, #tpu.memory_space<hbm>>
    %dma_start3A_132 = tpu.memref_squeeze %dma_start3A_131 : memref<1x125x1x80xi32, #tpu.memory_space<hbm>> -> memref<125x1x80xi32, #tpu.memory_space<hbm>>
    %dma_start3A_133 = arith.constant 0 : i32
    %dma_start3A_134 = arith.constant 0 : i32
    %dma_start3A_135 = tpu.memref_slice %dma_start3A_132[%dma_start3A_124, %dma_start3A_133, %dma_start3A_134] : memref<125x1x80xi32, #tpu.memory_space<hbm>> -> memref<1x1x80xi32, #tpu.memory_space<hbm>>
    %dma_start3A_136 = tpu.memref_squeeze %dma_start3A_135 : memref<1x1x80xi32, #tpu.memory_space<hbm>> -> memref<1x80xi32, #tpu.memory_space<hbm>>
    %dma_start3A_137 = arith.constant 1 : i32
    %dma_start3A_138 = arith.constant 0 : i32
    %dma_start3A_139 = tpu.memref_slice %arg14[%dma_start3A_137, %dma_start3A_138] : memref<2x80xi32, #tpu.memory_space<vmem>> -> memref<1x80xi32, #tpu.memory_space<vmem>>
    %dma_start3A_140 = arith.constant 0 : i32
    %dma_start3A_141 = arith.constant 0 : i32
    %dma_start3A_142 = arith.constant 0 : i32
    %dma_start3A_143 = tpu.memref_slice %arg4[%arg1, %dma_start3A_140, %dma_start3A_141, %dma_start3A_142] : memref<16x125x1x80xi32, #tpu.memory_space<hbm>> -> memref<1x125x1x80xi32, #tpu.memory_space<hbm>>
    %dma_start3A_144 = tpu.memref_squeeze %dma_start3A_143 : memref<1x125x1x80xi32, #tpu.memory_space<hbm>> -> memref<125x1x80xi32, #tpu.memory_space<hbm>>
    %dma_start3A_145 = arith.constant 0 : i32
    %dma_start3A_146 = arith.constant 0 : i32
    %dma_start3A_147 = tpu.memref_slice %dma_start3A_144[%dma_start3A_124, %dma_start3A_145, %dma_start3A_146] : memref<125x1x80xi32, #tpu.memory_space<hbm>> -> memref<1x1x80xi32, #tpu.memory_space<hbm>>
    %dma_start3A_148 = tpu.memref_squeeze %dma_start3A_147 : memref<1x1x80xi32, #tpu.memory_space<hbm>> -> memref<1x80xi32, #tpu.memory_space<hbm>>
    tpu.enqueue_dma source(%dma_start3A_148 : memref<1x80xi32, #tpu.memory_space<hbm>>) target(%dma_start3A_139 : memref<1x80xi32, #tpu.memory_space<vmem>>) target_semaphore(%arg27 : memref<!tpu.dma_semaphore, #tpu.memory_space<semaphore_mem>>)
    %dma_start3A_149 = arith.constant 3 : i32
    %dma_start3A_150 = arith.constant 0 : i32
    %dma_start3A_151 = arith.constant 0 : i32
    %dma_start3A_152 = tpu.memref_slice %arg16[%dma_start3A_150, %dma_start3A_151] : memref<2x80xi32, #tpu.memory_space<vmem>> -> memref<1x80xi32, #tpu.memory_space<vmem>>
    %dma_start3A_153 = arith.constant 0 : i32
    %dma_start3A_154 = arith.constant 0 : i32
    %dma_start3A_155 = arith.constant 0 : i32
    %dma_start3A_156 = tpu.memref_slice %arg3[%arg1, %dma_start3A_153, %dma_start3A_154, %dma_start3A_155] : memref<16x125x1x80xi32, #tpu.memory_space<hbm>> -> memref<1x125x1x80xi32, #tpu.memory_space<hbm>>
    %dma_start3A_157 = tpu.memref_squeeze %dma_start3A_156 : memref<1x125x1x80xi32, #tpu.memory_space<hbm>> -> memref<125x1x80xi32, #tpu.memory_space<hbm>>
    %dma_start3A_158 = arith.constant 0 : i32
    %dma_start3A_159 = arith.constant 0 : i32
    %dma_start3A_160 = tpu.memref_slice %dma_start3A_157[%dma_start3A_149, %dma_start3A_158, %dma_start3A_159] : memref<125x1x80xi32, #tpu.memory_space<hbm>> -> memref<1x1x80xi32, #tpu.memory_space<hbm>>
    %dma_start3A_161 = tpu.memref_squeeze %dma_start3A_160 : memref<1x1x80xi32, #tpu.memory_space<hbm>> -> memref<1x80xi32, #tpu.memory_space<hbm>>
    %dma_start3A_162 = arith.constant 0 : i32
    %dma_start3A_163 = arith.constant 0 : i32
    %dma_start3A_164 = tpu.memref_slice %arg16[%dma_start3A_162, %dma_start3A_163] : memref<2x80xi32, #tpu.memory_space<vmem>> -> memref<1x80xi32, #tpu.memory_space<vmem>>
    %dma_start3A_165 = arith.constant 0 : i32
    %dma_start3A_166 = arith.constant 0 : i32
    %dma_start3A_167 = arith.constant 0 : i32
    %dma_start3A_168 = tpu.memref_slice %arg3[%arg1, %dma_start3A_165, %dma_start3A_166, %dma_start3A_167] : memref<16x125x1x80xi32, #tpu.memory_space<hbm>> -> memref<1x125x1x80xi32, #tpu.memory_space<hbm>>
    %dma_start3A_169 = tpu.memref_squeeze %dma_start3A_168 : memref<1x125x1x80xi32, #tpu.memory_space<hbm>> -> memref<125x1x80xi32, #tpu.memory_space<hbm>>
    %dma_start3A_170 = arith.constant 0 : i32
    %dma_start3A_171 = arith.constant 0 : i32
    %dma_start3A_172 = tpu.memref_slice %dma_start3A_169[%dma_start3A_149, %dma_start3A_170, %dma_start3A_171] : memref<125x1x80xi32, #tpu.memory_space<hbm>> -> memref<1x1x80xi32, #tpu.memory_space<hbm>>
    %dma_start3A_173 = tpu.memref_squeeze %dma_start3A_172 : memref<1x1x80xi32, #tpu.memory_space<hbm>> -> memref<1x80xi32, #tpu.memory_space<hbm>>
    tpu.enqueue_dma source(%dma_start3A_173 : memref<1x80xi32, #tpu.memory_space<hbm>>) target(%dma_start3A_164 : memref<1x80xi32, #tpu.memory_space<vmem>>) target_semaphore(%arg29 : memref<!tpu.dma_semaphore, #tpu.memory_space<semaphore_mem>>)
    %dma_start3A_174 = arith.constant 3 : i32
    %dma_start3A_175 = arith.constant 1 : i32
    %dma_start3A_176 = arith.constant 0 : i32
    %dma_start3A_177 = tpu.memref_slice %arg16[%dma_start3A_175, %dma_start3A_176] : memref<2x80xi32, #tpu.memory_space<vmem>> -> memref<1x80xi32, #tpu.memory_space<vmem>>
    %dma_start3A_178 = arith.constant 0 : i32
    %dma_start3A_179 = arith.constant 0 : i32
    %dma_start3A_180 = arith.constant 0 : i32
    %dma_start3A_181 = tpu.memref_slice %arg4[%arg1, %dma_start3A_178, %dma_start3A_179, %dma_start3A_180] : memref<16x125x1x80xi32, #tpu.memory_space<hbm>> -> memref<1x125x1x80xi32, #tpu.memory_space<hbm>>
    %dma_start3A_182 = tpu.memref_squeeze %dma_start3A_181 : memref<1x125x1x80xi32, #tpu.memory_space<hbm>> -> memref<125x1x80xi32, #tpu.memory_space<hbm>>
    %dma_start3A_183 = arith.constant 0 : i32
    %dma_start3A_184 = arith.constant 0 : i32
    %dma_start3A_185 = tpu.memref_slice %dma_start3A_182[%dma_start3A_174, %dma_start3A_183, %dma_start3A_184] : memref<125x1x80xi32, #tpu.memory_space<hbm>> -> memref<1x1x80xi32, #tpu.memory_space<hbm>>
    %dma_start3A_186 = tpu.memref_squeeze %dma_start3A_185 : memref<1x1x80xi32, #tpu.memory_space<hbm>> -> memref<1x80xi32, #tpu.memory_space<hbm>>
    %dma_start3A_187 = arith.constant 1 : i32
    %dma_start3A_188 = arith.constant 0 : i32
    %dma_start3A_189 = tpu.memref_slice %arg16[%dma_start3A_187, %dma_start3A_188] : memref<2x80xi32, #tpu.memory_space<vmem>> -> memref<1x80xi32, #tpu.memory_space<vmem>>
    %dma_start3A_190 = arith.constant 0 : i32
    %dma_start3A_191 = arith.constant 0 : i32
    %dma_start3A_192 = arith.constant 0 : i32
    %dma_start3A_193 = tpu.memref_slice %arg4[%arg1, %dma_start3A_190, %dma_start3A_191, %dma_start3A_192] : memref<16x125x1x80xi32, #tpu.memory_space<hbm>> -> memref<1x125x1x80xi32, #tpu.memory_space<hbm>>
    %dma_start3A_194 = tpu.memref_squeeze %dma_start3A_193 : memref<1x125x1x80xi32, #tpu.memory_space<hbm>> -> memref<125x1x80xi32, #tpu.memory_space<hbm>>
    %dma_start3A_195 = arith.constant 0 : i32
    %dma_start3A_196 = arith.constant 0 : i32
    %dma_start3A_197 = tpu.memref_slice %dma_start3A_194[%dma_start3A_174, %dma_start3A_195, %dma_start3A_196] : memref<125x1x80xi32, #tpu.memory_space<hbm>> -> memref<1x1x80xi32, #tpu.memory_space<hbm>>
    %dma_start3A_198 = tpu.memref_squeeze %dma_start3A_197 : memref<1x1x80xi32, #tpu.memory_space<hbm>> -> memref<1x80xi32, #tpu.memory_space<hbm>>
    tpu.enqueue_dma source(%dma_start3A_198 : memref<1x80xi32, #tpu.memory_space<hbm>>) target(%dma_start3A_189 : memref<1x80xi32, #tpu.memory_space<vmem>>) target_semaphore(%arg29 : memref<!tpu.dma_semaphore, #tpu.memory_space<semaphore_mem>>)
    %dma_start3A_199 = arith.constant 4 : i32
    %dma_start3A_200 = arith.constant 0 : i32
    %dma_start3A_201 = arith.constant 0 : i32
    %dma_start3A_202 = tpu.memref_slice %arg11[%dma_start3A_200, %dma_start3A_201] : memref<2x80xi32, #tpu.memory_space<vmem>> -> memref<1x80xi32, #tpu.memory_space<vmem>>
    %dma_start3A_203 = arith.constant 0 : i32
    %dma_start3A_204 = arith.constant 0 : i32
    %dma_start3A_205 = arith.constant 0 : i32
    %dma_start3A_206 = tpu.memref_slice %arg3[%arg1, %dma_start3A_203, %dma_start3A_204, %dma_start3A_205] : memref<16x125x1x80xi32, #tpu.memory_space<hbm>> -> memref<1x125x1x80xi32, #tpu.memory_space<hbm>>
    %dma_start3A_207 = tpu.memref_squeeze %dma_start3A_206 : memref<1x125x1x80xi32, #tpu.memory_space<hbm>> -> memref<125x1x80xi32, #tpu.memory_space<hbm>>
    %dma_start3A_208 = arith.constant 0 : i32
    %dma_start3A_209 = arith.constant 0 : i32
    %dma_start3A_210 = tpu.memref_slice %dma_start3A_207[%dma_start3A_199, %dma_start3A_208, %dma_start3A_209] : memref<125x1x80xi32, #tpu.memory_space<hbm>> -> memref<1x1x80xi32, #tpu.memory_space<hbm>>
    %dma_start3A_211 = tpu.memref_squeeze %dma_start3A_210 : memref<1x1x80xi32, #tpu.memory_space<hbm>> -> memref<1x80xi32, #tpu.memory_space<hbm>>
    %dma_start3A_212 = arith.constant 0 : i32
    %dma_start3A_213 = arith.constant 0 : i32
    %dma_start3A_214 = tpu.memref_slice %arg11[%dma_start3A_212, %dma_start3A_213] : memref<2x80xi32, #tpu.memory_space<vmem>> -> memref<1x80xi32, #tpu.memory_space<vmem>>
    %dma_start3A_215 = arith.constant 0 : i32
    %dma_start3A_216 = arith.constant 0 : i32
    %dma_start3A_217 = arith.constant 0 : i32
    %dma_start3A_218 = tpu.memref_slice %arg3[%arg1, %dma_start3A_215, %dma_start3A_216, %dma_start3A_217] : memref<16x125x1x80xi32, #tpu.memory_space<hbm>> -> memref<1x125x1x80xi32, #tpu.memory_space<hbm>>
    %dma_start3A_219 = tpu.memref_squeeze %dma_start3A_218 : memref<1x125x1x80xi32, #tpu.memory_space<hbm>> -> memref<125x1x80xi32, #tpu.memory_space<hbm>>
    %dma_start3A_220 = arith.constant 0 : i32
    %dma_start3A_221 = arith.constant 0 : i32
    %dma_start3A_222 = tpu.memref_slice %dma_start3A_219[%dma_start3A_199, %dma_start3A_220, %dma_start3A_221] : memref<125x1x80xi32, #tpu.memory_space<hbm>> -> memref<1x1x80xi32, #tpu.memory_space<hbm>>
    %dma_start3A_223 = tpu.memref_squeeze %dma_start3A_222 : memref<1x1x80xi32, #tpu.memory_space<hbm>> -> memref<1x80xi32, #tpu.memory_space<hbm>>
    tpu.enqueue_dma source(%dma_start3A_223 : memref<1x80xi32, #tpu.memory_space<hbm>>) target(%dma_start3A_214 : memref<1x80xi32, #tpu.memory_space<vmem>>) target_semaphore(%arg24 : memref<!tpu.dma_semaphore, #tpu.memory_space<semaphore_mem>>)
    %dma_start3A_224 = arith.constant 4 : i32
    %dma_start3A_225 = arith.constant 1 : i32
    %dma_start3A_226 = arith.constant 0 : i32
    %dma_start3A_227 = tpu.memref_slice %arg11[%dma_start3A_225, %dma_start3A_226] : memref<2x80xi32, #tpu.memory_space<vmem>> -> memref<1x80xi32, #tpu.memory_space<vmem>>
    %dma_start3A_228 = arith.constant 0 : i32
    %dma_start3A_229 = arith.constant 0 : i32
    %dma_start3A_230 = arith.constant 0 : i32
    %dma_start3A_231 = tpu.memref_slice %arg4[%arg1, %dma_start3A_228, %dma_start3A_229, %dma_start3A_230] : memref<16x125x1x80xi32, #tpu.memory_space<hbm>> -> memref<1x125x1x80xi32, #tpu.memory_space<hbm>>
    %dma_start3A_232 = tpu.memref_squeeze %dma_start3A_231 : memref<1x125x1x80xi32, #tpu.memory_space<hbm>> -> memref<125x1x80xi32, #tpu.memory_space<hbm>>
    %dma_start3A_233 = arith.constant 0 : i32
    %dma_start3A_234 = arith.constant 0 : i32
    %dma_start3A_235 = tpu.memref_slice %dma_start3A_232[%dma_start3A_224, %dma_start3A_233, %dma_start3A_234] : memref<125x1x80xi32, #tpu.memory_space<hbm>> -> memref<1x1x80xi32, #tpu.memory_space<hbm>>
    %dma_start3A_236 = tpu.memref_squeeze %dma_start3A_235 : memref<1x1x80xi32, #tpu.memory_space<hbm>> -> memref<1x80xi32, #tpu.memory_space<hbm>>
    %dma_start3A_237 = arith.constant 1 : i32
    %dma_start3A_238 = arith.constant 0 : i32
    %dma_start3A_239 = tpu.memref_slice %arg11[%dma_start3A_237, %dma_start3A_238] : memref<2x80xi32, #tpu.memory_space<vmem>> -> memref<1x80xi32, #tpu.memory_space<vmem>>
    %dma_start3A_240 = arith.constant 0 : i32
    %dma_start3A_241 = arith.constant 0 : i32
    %dma_start3A_242 = arith.constant 0 : i32
    %dma_start3A_243 = tpu.memref_slice %arg4[%arg1, %dma_start3A_240, %dma_start3A_241, %dma_start3A_242] : memref<16x125x1x80xi32, #tpu.memory_space<hbm>> -> memref<1x125x1x80xi32, #tpu.memory_space<hbm>>
    %dma_start3A_244 = tpu.memref_squeeze %dma_start3A_243 : memref<1x125x1x80xi32, #tpu.memory_space<hbm>> -> memref<125x1x80xi32, #tpu.memory_space<hbm>>
    %dma_start3A_245 = arith.constant 0 : i32
    %dma_start3A_246 = arith.constant 0 : i32
    %dma_start3A_247 = tpu.memref_slice %dma_start3A_244[%dma_start3A_224, %dma_start3A_245, %dma_start3A_246] : memref<125x1x80xi32, #tpu.memory_space<hbm>> -> memref<1x1x80xi32, #tpu.memory_space<hbm>>
    %dma_start3A_248 = tpu.memref_squeeze %dma_start3A_247 : memref<1x1x80xi32, #tpu.memory_space<hbm>> -> memref<1x80xi32, #tpu.memory_space<hbm>>
    tpu.enqueue_dma source(%dma_start3A_248 : memref<1x80xi32, #tpu.memory_space<hbm>>) target(%dma_start3A_239 : memref<1x80xi32, #tpu.memory_space<vmem>>) target_semaphore(%arg24 : memref<!tpu.dma_semaphore, #tpu.memory_space<semaphore_mem>>)
    %dma_start3A_249 = arith.constant 5 : i32
    %dma_start3A_250 = arith.constant 0 : i32
    %dma_start3A_251 = arith.constant 0 : i32
    %dma_start3A_252 = tpu.memref_slice %arg13[%dma_start3A_250, %dma_start3A_251] : memref<2x80xi32, #tpu.memory_space<vmem>> -> memref<1x80xi32, #tpu.memory_space<vmem>>
    %dma_start3A_253 = arith.constant 0 : i32
    %dma_start3A_254 = arith.constant 0 : i32
    %dma_start3A_255 = arith.constant 0 : i32
    %dma_start3A_256 = tpu.memref_slice %arg3[%arg1, %dma_start3A_253, %dma_start3A_254, %dma_start3A_255] : memref<16x125x1x80xi32, #tpu.memory_space<hbm>> -> memref<1x125x1x80xi32, #tpu.memory_space<hbm>>
    %dma_start3A_257 = tpu.memref_squeeze %dma_start3A_256 : memref<1x125x1x80xi32, #tpu.memory_space<hbm>> -> memref<125x1x80xi32, #tpu.memory_space<hbm>>
    %dma_start3A_258 = arith.constant 0 : i32
    %dma_start3A_259 = arith.constant 0 : i32
    %dma_start3A_260 = tpu.memref_slice %dma_start3A_257[%dma_start3A_249, %dma_start3A_258, %dma_start3A_259] : memref<125x1x80xi32, #tpu.memory_space<hbm>> -> memref<1x1x80xi32, #tpu.memory_space<hbm>>
    %dma_start3A_261 = tpu.memref_squeeze %dma_start3A_260 : memref<1x1x80xi32, #tpu.memory_space<hbm>> -> memref<1x80xi32, #tpu.memory_space<hbm>>
    %dma_start3A_262 = arith.constant 0 : i32
    %dma_start3A_263 = arith.constant 0 : i32
    %dma_start3A_264 = tpu.memref_slice %arg13[%dma_start3A_262, %dma_start3A_263] : memref<2x80xi32, #tpu.memory_space<vmem>> -> memref<1x80xi32, #tpu.memory_space<vmem>>
    %dma_start3A_265 = arith.constant 0 : i32
    %dma_start3A_266 = arith.constant 0 : i32
    %dma_start3A_267 = arith.constant 0 : i32
    %dma_start3A_268 = tpu.memref_slice %arg3[%arg1, %dma_start3A_265, %dma_start3A_266, %dma_start3A_267] : memref<16x125x1x80xi32, #tpu.memory_space<hbm>> -> memref<1x125x1x80xi32, #tpu.memory_space<hbm>>
    %dma_start3A_269 = tpu.memref_squeeze %dma_start3A_268 : memref<1x125x1x80xi32, #tpu.memory_space<hbm>> -> memref<125x1x80xi32, #tpu.memory_space<hbm>>
    %dma_start3A_270 = arith.constant 0 : i32
    %dma_start3A_271 = arith.constant 0 : i32
    %dma_start3A_272 = tpu.memref_slice %dma_start3A_269[%dma_start3A_249, %dma_start3A_270, %dma_start3A_271] : memref<125x1x80xi32, #tpu.memory_space<hbm>> -> memref<1x1x80xi32, #tpu.memory_space<hbm>>
    %dma_start3A_273 = tpu.memref_squeeze %dma_start3A_272 : memref<1x1x80xi32, #tpu.memory_space<hbm>> -> memref<1x80xi32, #tpu.memory_space<hbm>>
    tpu.enqueue_dma source(%dma_start3A_273 : memref<1x80xi32, #tpu.memory_space<hbm>>) target(%dma_start3A_264 : memref<1x80xi32, #tpu.memory_space<vmem>>) target_semaphore(%arg26 : memref<!tpu.dma_semaphore, #tpu.memory_space<semaphore_mem>>)
    %dma_start3A_274 = arith.constant 5 : i32
    %dma_start3A_275 = arith.constant 1 : i32
    %dma_start3A_276 = arith.constant 0 : i32
    %dma_start3A_277 = tpu.memref_slice %arg13[%dma_start3A_275, %dma_start3A_276] : memref<2x80xi32, #tpu.memory_space<vmem>> -> memref<1x80xi32, #tpu.memory_space<vmem>>
    %dma_start3A_278 = arith.constant 0 : i32
    %dma_start3A_279 = arith.constant 0 : i32
    %dma_start3A_280 = arith.constant 0 : i32
    %dma_start3A_281 = tpu.memref_slice %arg4[%arg1, %dma_start3A_278, %dma_start3A_279, %dma_start3A_280] : memref<16x125x1x80xi32, #tpu.memory_space<hbm>> -> memref<1x125x1x80xi32, #tpu.memory_space<hbm>>
    %dma_start3A_282 = tpu.memref_squeeze %dma_start3A_281 : memref<1x125x1x80xi32, #tpu.memory_space<hbm>> -> memref<125x1x80xi32, #tpu.memory_space<hbm>>
    %dma_start3A_283 = arith.constant 0 : i32
    %dma_start3A_284 = arith.constant 0 : i32
    %dma_start3A_285 = tpu.memref_slice %dma_start3A_282[%dma_start3A_274, %dma_start3A_283, %dma_start3A_284] : memref<125x1x80xi32, #tpu.memory_space<hbm>> -> memref<1x1x80xi32, #tpu.memory_space<hbm>>
    %dma_start3A_286 = tpu.memref_squeeze %dma_start3A_285 : memref<1x1x80xi32, #tpu.memory_space<hbm>> -> memref<1x80xi32, #tpu.memory_space<hbm>>
    %dma_start3A_287 = arith.constant 1 : i32
    %dma_start3A_288 = arith.constant 0 : i32
    %dma_start3A_289 = tpu.memref_slice %arg13[%dma_start3A_287, %dma_start3A_288] : memref<2x80xi32, #tpu.memory_space<vmem>> -> memref<1x80xi32, #tpu.memory_space<vmem>>
    %dma_start3A_290 = arith.constant 0 : i32
    %dma_start3A_291 = arith.constant 0 : i32
    %dma_start3A_292 = arith.constant 0 : i32
    %dma_start3A_293 = tpu.memref_slice %arg4[%arg1, %dma_start3A_290, %dma_start3A_291, %dma_start3A_292] : memref<16x125x1x80xi32, #tpu.memory_space<hbm>> -> memref<1x125x1x80xi32, #tpu.memory_space<hbm>>
    %dma_start3A_294 = tpu.memref_squeeze %dma_start3A_293 : memref<1x125x1x80xi32, #tpu.memory_space<hbm>> -> memref<125x1x80xi32, #tpu.memory_space<hbm>>
    %dma_start3A_295 = arith.constant 0 : i32
    %dma_start3A_296 = arith.constant 0 : i32
    %dma_start3A_297 = tpu.memref_slice %dma_start3A_294[%dma_start3A_274, %dma_start3A_295, %dma_start3A_296] : memref<125x1x80xi32, #tpu.memory_space<hbm>> -> memref<1x1x80xi32, #tpu.memory_space<hbm>>
    %dma_start3A_298 = tpu.memref_squeeze %dma_start3A_297 : memref<1x1x80xi32, #tpu.memory_space<hbm>> -> memref<1x80xi32, #tpu.memory_space<hbm>>
    tpu.enqueue_dma source(%dma_start3A_298 : memref<1x80xi32, #tpu.memory_space<hbm>>) target(%dma_start3A_289 : memref<1x80xi32, #tpu.memory_space<vmem>>) target_semaphore(%arg26 : memref<!tpu.dma_semaphore, #tpu.memory_space<semaphore_mem>>)
    %dma_start3A_299 = arith.constant 6 : i32
    %dma_start3A_300 = arith.constant 0 : i32
    %dma_start3A_301 = arith.constant 0 : i32
    %dma_start3A_302 = tpu.memref_slice %arg15[%dma_start3A_300, %dma_start3A_301] : memref<2x80xi32, #tpu.memory_space<vmem>> -> memref<1x80xi32, #tpu.memory_space<vmem>>
    %dma_start3A_303 = arith.constant 0 : i32
    %dma_start3A_304 = arith.constant 0 : i32
    %dma_start3A_305 = arith.constant 0 : i32
    %dma_start3A_306 = tpu.memref_slice %arg3[%arg1, %dma_start3A_303, %dma_start3A_304, %dma_start3A_305] : memref<16x125x1x80xi32, #tpu.memory_space<hbm>> -> memref<1x125x1x80xi32, #tpu.memory_space<hbm>>
    %dma_start3A_307 = tpu.memref_squeeze %dma_start3A_306 : memref<1x125x1x80xi32, #tpu.memory_space<hbm>> -> memref<125x1x80xi32, #tpu.memory_space<hbm>>
    %dma_start3A_308 = arith.constant 0 : i32
    %dma_start3A_309 = arith.constant 0 : i32
    %dma_start3A_310 = tpu.memref_slice %dma_start3A_307[%dma_start3A_299, %dma_start3A_308, %dma_start3A_309] : memref<125x1x80xi32, #tpu.memory_space<hbm>> -> memref<1x1x80xi32, #tpu.memory_space<hbm>>
    %dma_start3A_311 = tpu.memref_squeeze %dma_start3A_310 : memref<1x1x80xi32, #tpu.memory_space<hbm>> -> memref<1x80xi32, #tpu.memory_space<hbm>>
    %dma_start3A_312 = arith.constant 0 : i32
    %dma_start3A_313 = arith.constant 0 : i32
    %dma_start3A_314 = tpu.memref_slice %arg15[%dma_start3A_312, %dma_start3A_313] : memref<2x80xi32, #tpu.memory_space<vmem>> -> memref<1x80xi32, #tpu.memory_space<vmem>>
    %dma_start3A_315 = arith.constant 0 : i32
    %dma_start3A_316 = arith.constant 0 : i32
    %dma_start3A_317 = arith.constant 0 : i32
    %dma_start3A_318 = tpu.memref_slice %arg3[%arg1, %dma_start3A_315, %dma_start3A_316, %dma_start3A_317] : memref<16x125x1x80xi32, #tpu.memory_space<hbm>> -> memref<1x125x1x80xi32, #tpu.memory_space<hbm>>
    %dma_start3A_319 = tpu.memref_squeeze %dma_start3A_318 : memref<1x125x1x80xi32, #tpu.memory_space<hbm>> -> memref<125x1x80xi32, #tpu.memory_space<hbm>>
    %dma_start3A_320 = arith.constant 0 : i32
    %dma_start3A_321 = arith.constant 0 : i32
    %dma_start3A_322 = tpu.memref_slice %dma_start3A_319[%dma_start3A_299, %dma_start3A_320, %dma_start3A_321] : memref<125x1x80xi32, #tpu.memory_space<hbm>> -> memref<1x1x80xi32, #tpu.memory_space<hbm>>
    %dma_start3A_323 = tpu.memref_squeeze %dma_start3A_322 : memref<1x1x80xi32, #tpu.memory_space<hbm>> -> memref<1x80xi32, #tpu.memory_space<hbm>>
    tpu.enqueue_dma source(%dma_start3A_323 : memref<1x80xi32, #tpu.memory_space<hbm>>) target(%dma_start3A_314 : memref<1x80xi32, #tpu.memory_space<vmem>>) target_semaphore(%arg28 : memref<!tpu.dma_semaphore, #tpu.memory_space<semaphore_mem>>)
    %dma_start3A_324 = arith.constant 6 : i32
    %dma_start3A_325 = arith.constant 1 : i32
    %dma_start3A_326 = arith.constant 0 : i32
    %dma_start3A_327 = tpu.memref_slice %arg15[%dma_start3A_325, %dma_start3A_326] : memref<2x80xi32, #tpu.memory_space<vmem>> -> memref<1x80xi32, #tpu.memory_space<vmem>>
    %dma_start3A_328 = arith.constant 0 : i32
    %dma_start3A_329 = arith.constant 0 : i32
    %dma_start3A_330 = arith.constant 0 : i32
    %dma_start3A_331 = tpu.memref_slice %arg4[%arg1, %dma_start3A_328, %dma_start3A_329, %dma_start3A_330] : memref<16x125x1x80xi32, #tpu.memory_space<hbm>> -> memref<1x125x1x80xi32, #tpu.memory_space<hbm>>
    %dma_start3A_332 = tpu.memref_squeeze %dma_start3A_331 : memref<1x125x1x80xi32, #tpu.memory_space<hbm>> -> memref<125x1x80xi32, #tpu.memory_space<hbm>>
    %dma_start3A_333 = arith.constant 0 : i32
    %dma_start3A_334 = arith.constant 0 : i32
    %dma_start3A_335 = tpu.memref_slice %dma_start3A_332[%dma_start3A_324, %dma_start3A_333, %dma_start3A_334] : memref<125x1x80xi32, #tpu.memory_space<hbm>> -> memref<1x1x80xi32, #tpu.memory_space<hbm>>
    %dma_start3A_336 = tpu.memref_squeeze %dma_start3A_335 : memref<1x1x80xi32, #tpu.memory_space<hbm>> -> memref<1x80xi32, #tpu.memory_space<hbm>>
    %dma_start3A_337 = arith.constant 1 : i32
    %dma_start3A_338 = arith.constant 0 : i32
    %dma_start3A_339 = tpu.memref_slice %arg15[%dma_start3A_337, %dma_start3A_338] : memref<2x80xi32, #tpu.memory_space<vmem>> -> memref<1x80xi32, #tpu.memory_space<vmem>>
    %dma_start3A_340 = arith.constant 0 : i32
    %dma_start3A_341 = arith.constant 0 : i32
    %dma_start3A_342 = arith.constant 0 : i32
    %dma_start3A_343 = tpu.memref_slice %arg4[%arg1, %dma_start3A_340, %dma_start3A_341, %dma_start3A_342] : memref<16x125x1x80xi32, #tpu.memory_space<hbm>> -> memref<1x125x1x80xi32, #tpu.memory_space<hbm>>
    %dma_start3A_344 = tpu.memref_squeeze %dma_start3A_343 : memref<1x125x1x80xi32, #tpu.memory_space<hbm>> -> memref<125x1x80xi32, #tpu.memory_space<hbm>>
    %dma_start3A_345 = arith.constant 0 : i32
    %dma_start3A_346 = arith.constant 0 : i32
    %dma_start3A_347 = tpu.memref_slice %dma_start3A_344[%dma_start3A_324, %dma_start3A_345, %dma_start3A_346] : memref<125x1x80xi32, #tpu.memory_space<hbm>> -> memref<1x1x80xi32, #tpu.memory_space<hbm>>
    %dma_start3A_348 = tpu.memref_squeeze %dma_start3A_347 : memref<1x1x80xi32, #tpu.memory_space<hbm>> -> memref<1x80xi32, #tpu.memory_space<hbm>>
    tpu.enqueue_dma source(%dma_start3A_348 : memref<1x80xi32, #tpu.memory_space<hbm>>) target(%dma_start3A_339 : memref<1x80xi32, #tpu.memory_space<vmem>>) target_semaphore(%arg28 : memref<!tpu.dma_semaphore, #tpu.memory_space<semaphore_mem>>)
    %dma_start3A_349 = arith.constant 7 : i32
    %dma_start3A_350 = arith.constant 0 : i32
    %dma_start3A_351 = arith.constant 0 : i32
    %dma_start3A_352 = tpu.memref_slice %arg17[%dma_start3A_350, %dma_start3A_351] : memref<2x80xi32, #tpu.memory_space<vmem>> -> memref<1x80xi32, #tpu.memory_space<vmem>>
    %dma_start3A_353 = arith.constant 0 : i32
    %dma_start3A_354 = arith.constant 0 : i32
    %dma_start3A_355 = arith.constant 0 : i32
    %dma_start3A_356 = tpu.memref_slice %arg3[%arg1, %dma_start3A_353, %dma_start3A_354, %dma_start3A_355] : memref<16x125x1x80xi32, #tpu.memory_space<hbm>> -> memref<1x125x1x80xi32, #tpu.memory_space<hbm>>
    %dma_start3A_357 = tpu.memref_squeeze %dma_start3A_356 : memref<1x125x1x80xi32, #tpu.memory_space<hbm>> -> memref<125x1x80xi32, #tpu.memory_space<hbm>>
    %dma_start3A_358 = arith.constant 0 : i32
    %dma_start3A_359 = arith.constant 0 : i32
    %dma_start3A_360 = tpu.memref_slice %dma_start3A_357[%dma_start3A_349, %dma_start3A_358, %dma_start3A_359] : memref<125x1x80xi32, #tpu.memory_space<hbm>> -> memref<1x1x80xi32, #tpu.memory_space<hbm>>
    %dma_start3A_361 = tpu.memref_squeeze %dma_start3A_360 : memref<1x1x80xi32, #tpu.memory_space<hbm>> -> memref<1x80xi32, #tpu.memory_space<hbm>>
    %dma_start3A_362 = arith.constant 0 : i32
    %dma_start3A_363 = arith.constant 0 : i32
    %dma_start3A_364 = tpu.memref_slice %arg17[%dma_start3A_362, %dma_start3A_363] : memref<2x80xi32, #tpu.memory_space<vmem>> -> memref<1x80xi32, #tpu.memory_space<vmem>>
    %dma_start3A_365 = arith.constant 0 : i32
    %dma_start3A_366 = arith.constant 0 : i32
    %dma_start3A_367 = arith.constant 0 : i32
    %dma_start3A_368 = tpu.memref_slice %arg3[%arg1, %dma_start3A_365, %dma_start3A_366, %dma_start3A_367] : memref<16x125x1x80xi32, #tpu.memory_space<hbm>> -> memref<1x125x1x80xi32, #tpu.memory_space<hbm>>
    %dma_start3A_369 = tpu.memref_squeeze %dma_start3A_368 : memref<1x125x1x80xi32, #tpu.memory_space<hbm>> -> memref<125x1x80xi32, #tpu.memory_space<hbm>>
    %dma_start3A_370 = arith.constant 0 : i32
    %dma_start3A_371 = arith.constant 0 : i32
    %dma_start3A_372 = tpu.memref_slice %dma_start3A_369[%dma_start3A_349, %dma_start3A_370, %dma_start3A_371] : memref<125x1x80xi32, #tpu.memory_space<hbm>> -> memref<1x1x80xi32, #tpu.memory_space<hbm>>
    %dma_start3A_373 = tpu.memref_squeeze %dma_start3A_372 : memref<1x1x80xi32, #tpu.memory_space<hbm>> -> memref<1x80xi32, #tpu.memory_space<hbm>>
    tpu.enqueue_dma source(%dma_start3A_373 : memref<1x80xi32, #tpu.memory_space<hbm>>) target(%dma_start3A_364 : memref<1x80xi32, #tpu.memory_space<vmem>>) target_semaphore(%arg30 : memref<!tpu.dma_semaphore, #tpu.memory_space<semaphore_mem>>)
    %dma_start3A_374 = arith.constant 7 : i32
    %dma_start3A_375 = arith.constant 1 : i32
    %dma_start3A_376 = arith.constant 0 : i32
    %dma_start3A_377 = tpu.memref_slice %arg17[%dma_start3A_375, %dma_start3A_376] : memref<2x80xi32, #tpu.memory_space<vmem>> -> memref<1x80xi32, #tpu.memory_space<vmem>>
    %dma_start3A_378 = arith.constant 0 : i32
    %dma_start3A_379 = arith.constant 0 : i32
    %dma_start3A_380 = arith.constant 0 : i32
    %dma_start3A_381 = tpu.memref_slice %arg4[%arg1, %dma_start3A_378, %dma_start3A_379, %dma_start3A_380] : memref<16x125x1x80xi32, #tpu.memory_space<hbm>> -> memref<1x125x1x80xi32, #tpu.memory_space<hbm>>
    %dma_start3A_382 = tpu.memref_squeeze %dma_start3A_381 : memref<1x125x1x80xi32, #tpu.memory_space<hbm>> -> memref<125x1x80xi32, #tpu.memory_space<hbm>>
    %dma_start3A_383 = arith.constant 0 : i32
    %dma_start3A_384 = arith.constant 0 : i32
    %dma_start3A_385 = tpu.memref_slice %dma_start3A_382[%dma_start3A_374, %dma_start3A_383, %dma_start3A_384] : memref<125x1x80xi32, #tpu.memory_space<hbm>> -> memref<1x1x80xi32, #tpu.memory_space<hbm>>
    %dma_start3A_386 = tpu.memref_squeeze %dma_start3A_385 : memref<1x1x80xi32, #tpu.memory_space<hbm>> -> memref<1x80xi32, #tpu.memory_space<hbm>>
    %dma_start3A_387 = arith.constant 1 : i32
    %dma_start3A_388 = arith.constant 0 : i32
    %dma_start3A_389 = tpu.memref_slice %arg17[%dma_start3A_387, %dma_start3A_388] : memref<2x80xi32, #tpu.memory_space<vmem>> -> memref<1x80xi32, #tpu.memory_space<vmem>>
    %dma_start3A_390 = arith.constant 0 : i32
    %dma_start3A_391 = arith.constant 0 : i32
    %dma_start3A_392 = arith.constant 0 : i32
    %dma_start3A_393 = tpu.memref_slice %arg4[%arg1, %dma_start3A_390, %dma_start3A_391, %dma_start3A_392] : memref<16x125x1x80xi32, #tpu.memory_space<hbm>> -> memref<1x125x1x80xi32, #tpu.memory_space<hbm>>
    %dma_start3A_394 = tpu.memref_squeeze %dma_start3A_393 : memref<1x125x1x80xi32, #tpu.memory_space<hbm>> -> memref<125x1x80xi32, #tpu.memory_space<hbm>>
    %dma_start3A_395 = arith.constant 0 : i32
    %dma_start3A_396 = arith.constant 0 : i32
    %dma_start3A_397 = tpu.memref_slice %dma_start3A_394[%dma_start3A_374, %dma_start3A_395, %dma_start3A_396] : memref<125x1x80xi32, #tpu.memory_space<hbm>> -> memref<1x1x80xi32, #tpu.memory_space<hbm>>
    %dma_start3A_398 = tpu.memref_squeeze %dma_start3A_397 : memref<1x1x80xi32, #tpu.memory_space<hbm>> -> memref<1x80xi32, #tpu.memory_space<hbm>>
    tpu.enqueue_dma source(%dma_start3A_398 : memref<1x80xi32, #tpu.memory_space<hbm>>) target(%dma_start3A_389 : memref<1x80xi32, #tpu.memory_space<vmem>>) target_semaphore(%arg30 : memref<!tpu.dma_semaphore, #tpu.memory_space<semaphore_mem>>)
    %dma_wait3A = arith.constant 1 : i32
    %dma_wait3A_399 = arith.constant 0 : i32
    %dma_wait3A_400 = arith.constant 0 : i32
    %dma_wait3A_401 = tpu.memref_slice %arg12[%dma_wait3A_399, %dma_wait3A_400] : memref<2x80xi32, #tpu.memory_space<vmem>> -> memref<1x80xi32, #tpu.memory_space<vmem>>
    %dma_wait3A_402 = arith.constant 0 : i32
    %dma_wait3A_403 = arith.constant 0 : i32
    %dma_wait3A_404 = arith.constant 0 : i32
    %dma_wait3A_405 = tpu.memref_slice %arg3[%arg1, %dma_wait3A_402, %dma_wait3A_403, %dma_wait3A_404] : memref<16x125x1x80xi32, #tpu.memory_space<hbm>> -> memref<1x125x1x80xi32, #tpu.memory_space<hbm>>
    %dma_wait3A_406 = tpu.memref_squeeze %dma_wait3A_405 : memref<1x125x1x80xi32, #tpu.memory_space<hbm>> -> memref<125x1x80xi32, #tpu.memory_space<hbm>>
    %dma_wait3A_407 = arith.constant 0 : i32
    %dma_wait3A_408 = arith.constant 0 : i32
    %dma_wait3A_409 = tpu.memref_slice %dma_wait3A_406[%dma_wait3A, %dma_wait3A_407, %dma_wait3A_408] : memref<125x1x80xi32, #tpu.memory_space<hbm>> -> memref<1x1x80xi32, #tpu.memory_space<hbm>>
    %dma_wait3A_410 = tpu.memref_squeeze %dma_wait3A_409 : memref<1x1x80xi32, #tpu.memory_space<hbm>> -> memref<1x80xi32, #tpu.memory_space<hbm>>
    %dma_wait3A_411 = arith.constant 0 : i32
    %dma_wait3A_412 = arith.constant 0 : i32
    %dma_wait3A_413 = tpu.memref_slice %arg12[%dma_wait3A_411, %dma_wait3A_412] : memref<2x80xi32, #tpu.memory_space<vmem>> -> memref<1x80xi32, #tpu.memory_space<vmem>>
    %dma_wait3A_414 = arith.constant 0 : i32
    %dma_wait3A_415 = arith.constant 0 : i32
    %dma_wait3A_416 = arith.constant 0 : i32
    %dma_wait3A_417 = tpu.memref_slice %arg3[%arg1, %dma_wait3A_414, %dma_wait3A_415, %dma_wait3A_416] : memref<16x125x1x80xi32, #tpu.memory_space<hbm>> -> memref<1x125x1x80xi32, #tpu.memory_space<hbm>>
    %dma_wait3A_418 = tpu.memref_squeeze %dma_wait3A_417 : memref<1x125x1x80xi32, #tpu.memory_space<hbm>> -> memref<125x1x80xi32, #tpu.memory_space<hbm>>
    %dma_wait3A_419 = arith.constant 0 : i32
    %dma_wait3A_420 = arith.constant 0 : i32
    %dma_wait3A_421 = tpu.memref_slice %dma_wait3A_418[%dma_wait3A, %dma_wait3A_419, %dma_wait3A_420] : memref<125x1x80xi32, #tpu.memory_space<hbm>> -> memref<1x1x80xi32, #tpu.memory_space<hbm>>
    %dma_wait3A_422 = tpu.memref_squeeze %dma_wait3A_421 : memref<1x1x80xi32, #tpu.memory_space<hbm>> -> memref<1x80xi32, #tpu.memory_space<hbm>>
    tpu.wait_dma2 semaphore(%arg25 : memref<!tpu.dma_semaphore, #tpu.memory_space<semaphore_mem>>) src(%dma_wait3A_422 : memref<1x80xi32, #tpu.memory_space<hbm>>) dst(%dma_wait3A_413 : memref<1x80xi32, #tpu.memory_space<vmem>>)
    %dma_wait3A_423 = arith.constant 1 : i32
    %dma_wait3A_424 = arith.constant 1 : i32
    %dma_wait3A_425 = arith.constant 0 : i32
    %dma_wait3A_426 = tpu.memref_slice %arg12[%dma_wait3A_424, %dma_wait3A_425] : memref<2x80xi32, #tpu.memory_space<vmem>> -> memref<1x80xi32, #tpu.memory_space<vmem>>
    %dma_wait3A_427 = arith.constant 0 : i32
    %dma_wait3A_428 = arith.constant 0 : i32
    %dma_wait3A_429 = arith.constant 0 : i32
    %dma_wait3A_430 = tpu.memref_slice %arg4[%arg1, %dma_wait3A_427, %dma_wait3A_428, %dma_wait3A_429] : memref<16x125x1x80xi32, #tpu.memory_space<hbm>> -> memref<1x125x1x80xi32, #tpu.memory_space<hbm>>
    %dma_wait3A_431 = tpu.memref_squeeze %dma_wait3A_430 : memref<1x125x1x80xi32, #tpu.memory_space<hbm>> -> memref<125x1x80xi32, #tpu.memory_space<hbm>>
    %dma_wait3A_432 = arith.constant 0 : i32
    %dma_wait3A_433 = arith.constant 0 : i32
    %dma_wait3A_434 = tpu.memref_slice %dma_wait3A_431[%dma_wait3A_423, %dma_wait3A_432, %dma_wait3A_433] : memref<125x1x80xi32, #tpu.memory_space<hbm>> -> memref<1x1x80xi32, #tpu.memory_space<hbm>>
    %dma_wait3A_435 = tpu.memref_squeeze %dma_wait3A_434 : memref<1x1x80xi32, #tpu.memory_space<hbm>> -> memref<1x80xi32, #tpu.memory_space<hbm>>
    %dma_wait3A_436 = arith.constant 1 : i32
    %dma_wait3A_437 = arith.constant 0 : i32
    %dma_wait3A_438 = tpu.memref_slice %arg12[%dma_wait3A_436, %dma_wait3A_437] : memref<2x80xi32, #tpu.memory_space<vmem>> -> memref<1x80xi32, #tpu.memory_space<vmem>>
    %dma_wait3A_439 = arith.constant 0 : i32
    %dma_wait3A_440 = arith.constant 0 : i32
    %dma_wait3A_441 = arith.constant 0 : i32
    %dma_wait3A_442 = tpu.memref_slice %arg4[%arg1, %dma_wait3A_439, %dma_wait3A_440, %dma_wait3A_441] : memref<16x125x1x80xi32, #tpu.memory_space<hbm>> -> memref<1x125x1x80xi32, #tpu.memory_space<hbm>>
    %dma_wait3A_443 = tpu.memref_squeeze %dma_wait3A_442 : memref<1x125x1x80xi32, #tpu.memory_space<hbm>> -> memref<125x1x80xi32, #tpu.memory_space<hbm>>
    %dma_wait3A_444 = arith.constant 0 : i32
    %dma_wait3A_445 = arith.constant 0 : i32
    %dma_wait3A_446 = tpu.memref_slice %dma_wait3A_443[%dma_wait3A_423, %dma_wait3A_444, %dma_wait3A_445] : memref<125x1x80xi32, #tpu.memory_space<hbm>> -> memref<1x1x80xi32, #tpu.memory_space<hbm>>
    %dma_wait3A_447 = tpu.memref_squeeze %dma_wait3A_446 : memref<1x1x80xi32, #tpu.memory_space<hbm>> -> memref<1x80xi32, #tpu.memory_space<hbm>>
    tpu.wait_dma2 semaphore(%arg25 : memref<!tpu.dma_semaphore, #tpu.memory_space<semaphore_mem>>) src(%dma_wait3A_447 : memref<1x80xi32, #tpu.memory_space<hbm>>) dst(%dma_wait3A_438 : memref<1x80xi32, #tpu.memory_space<vmem>>)
    %dma_start3A_448 = arith.constant 0 : i32
    %dma_start3A_449 = arith.constant 0 : i32
    %dma_start3A_450 = tpu.memref_slice %arg12[%dma_start3A_448, %dma_start3A_449] : memref<2x80xi32, #tpu.memory_space<vmem>> -> memref<1x80xi32, #tpu.memory_space<vmem>>
    %dma_start3A_451 = tpu.memref_squeeze %dma_start3A_450 : memref<1x80xi32, #tpu.memory_space<vmem>> -> memref<80xi32, #tpu.memory_space<vmem>>
    %dma_start3A_452 = arith.constant 0 : i32
    %dma_start3A_453 = arith.constant 0 : i32
    %dma_start3A_454 = tpu.memref_slice %arg2[%arg0, %dma_start3A_452, %dma_start3A_453] : memref<2x10000x128xf32, #tpu.memory_space<hbm>> -> memref<1x10000x128xf32, #tpu.memory_space<hbm>>
    %dma_start3A_455 = tpu.memref_squeeze %dma_start3A_454 : memref<1x10000x128xf32, #tpu.memory_space<hbm>> -> memref<10000x128xf32, #tpu.memory_space<hbm>>
    %dma_start3A_456 = arith.constant 0 : i32
    %dma_start3A_457 = arith.constant 0 : i32
    %dma_start3A_458 = tpu.memref_slice %dma_start3A_455[%dma_start3A_456, %dma_start3A_457] : memref<10000x128xf32, #tpu.memory_space<hbm>> -> memref<10000x128xf32, #tpu.memory_space<hbm>>
    tpu.enqueue_indirect_dma source(%dma_start3A_458 : memref<10000x128xf32, #tpu.memory_space<hbm>>) target(%arg7 : memref<80x128xf32, #tpu.memory_space<vmem>>) offsets(%dma_start3A_451 : memref<80xi32, #tpu.memory_space<vmem>>) semaphore(%arg20 : memref<!tpu.dma_semaphore, #tpu.memory_space<semaphore_mem>>)
    %dma_wait3A_459 = arith.constant 2 : i32
    %dma_wait3A_460 = arith.constant 0 : i32
    %dma_wait3A_461 = arith.constant 0 : i32
    %dma_wait3A_462 = tpu.memref_slice %arg14[%dma_wait3A_460, %dma_wait3A_461] : memref<2x80xi32, #tpu.memory_space<vmem>> -> memref<1x80xi32, #tpu.memory_space<vmem>>
    %dma_wait3A_463 = arith.constant 0 : i32
    %dma_wait3A_464 = arith.constant 0 : i32
    %dma_wait3A_465 = arith.constant 0 : i32
    %dma_wait3A_466 = tpu.memref_slice %arg3[%arg1, %dma_wait3A_463, %dma_wait3A_464, %dma_wait3A_465] : memref<16x125x1x80xi32, #tpu.memory_space<hbm>> -> memref<1x125x1x80xi32, #tpu.memory_space<hbm>>
    %dma_wait3A_467 = tpu.memref_squeeze %dma_wait3A_466 : memref<1x125x1x80xi32, #tpu.memory_space<hbm>> -> memref<125x1x80xi32, #tpu.memory_space<hbm>>
    %dma_wait3A_468 = arith.constant 0 : i32
    %dma_wait3A_469 = arith.constant 0 : i32
    %dma_wait3A_470 = tpu.memref_slice %dma_wait3A_467[%dma_wait3A_459, %dma_wait3A_468, %dma_wait3A_469] : memref<125x1x80xi32, #tpu.memory_space<hbm>> -> memref<1x1x80xi32, #tpu.memory_space<hbm>>
    %dma_wait3A_471 = tpu.memref_squeeze %dma_wait3A_470 : memref<1x1x80xi32, #tpu.memory_space<hbm>> -> memref<1x80xi32, #tpu.memory_space<hbm>>
    %dma_wait3A_472 = arith.constant 0 : i32
    %dma_wait3A_473 = arith.constant 0 : i32
    %dma_wait3A_474 = tpu.memref_slice %arg14[%dma_wait3A_472, %dma_wait3A_473] : memref<2x80xi32, #tpu.memory_space<vmem>> -> memref<1x80xi32, #tpu.memory_space<vmem>>
    %dma_wait3A_475 = arith.constant 0 : i32
    %dma_wait3A_476 = arith.constant 0 : i32
    %dma_wait3A_477 = arith.constant 0 : i32
    %dma_wait3A_478 = tpu.memref_slice %arg3[%arg1, %dma_wait3A_475, %dma_wait3A_476, %dma_wait3A_477] : memref<16x125x1x80xi32, #tpu.memory_space<hbm>> -> memref<1x125x1x80xi32, #tpu.memory_space<hbm>>
    %dma_wait3A_479 = tpu.memref_squeeze %dma_wait3A_478 : memref<1x125x1x80xi32, #tpu.memory_space<hbm>> -> memref<125x1x80xi32, #tpu.memory_space<hbm>>
    %dma_wait3A_480 = arith.constant 0 : i32
    %dma_wait3A_481 = arith.constant 0 : i32
    %dma_wait3A_482 = tpu.memref_slice %dma_wait3A_479[%dma_wait3A_459, %dma_wait3A_480, %dma_wait3A_481] : memref<125x1x80xi32, #tpu.memory_space<hbm>> -> memref<1x1x80xi32, #tpu.memory_space<hbm>>
    %dma_wait3A_483 = tpu.memref_squeeze %dma_wait3A_482 : memref<1x1x80xi32, #tpu.memory_space<hbm>> -> memref<1x80xi32, #tpu.memory_space<hbm>>
    tpu.wait_dma2 semaphore(%arg27 : memref<!tpu.dma_semaphore, #tpu.memory_space<semaphore_mem>>) src(%dma_wait3A_483 : memref<1x80xi32, #tpu.memory_space<hbm>>) dst(%dma_wait3A_474 : memref<1x80xi32, #tpu.memory_space<vmem>>)
    %dma_wait3A_484 = arith.constant 2 : i32
    %dma_wait3A_485 = arith.constant 1 : i32
    %dma_wait3A_486 = arith.constant 0 : i32
    %dma_wait3A_487 = tpu.memref_slice %arg14[%dma_wait3A_485, %dma_wait3A_486] : memref<2x80xi32, #tpu.memory_space<vmem>> -> memref<1x80xi32, #tpu.memory_space<vmem>>
    %dma_wait3A_488 = arith.constant 0 : i32
    %dma_wait3A_489 = arith.constant 0 : i32
    %dma_wait3A_490 = arith.constant 0 : i32
    %dma_wait3A_491 = tpu.memref_slice %arg4[%arg1, %dma_wait3A_488, %dma_wait3A_489, %dma_wait3A_490] : memref<16x125x1x80xi32, #tpu.memory_space<hbm>> -> memref<1x125x1x80xi32, #tpu.memory_space<hbm>>
    %dma_wait3A_492 = tpu.memref_squeeze %dma_wait3A_491 : memref<1x125x1x80xi32, #tpu.memory_space<hbm>> -> memref<125x1x80xi32, #tpu.memory_space<hbm>>
    %dma_wait3A_493 = arith.constant 0 : i32
    %dma_wait3A_494 = arith.constant 0 : i32
    %dma_wait3A_495 = tpu.memref_slice %dma_wait3A_492[%dma_wait3A_484, %dma_wait3A_493, %dma_wait3A_494] : memref<125x1x80xi32, #tpu.memory_space<hbm>> -> memref<1x1x80xi32, #tpu.memory_space<hbm>>
    %dma_wait3A_496 = tpu.memref_squeeze %dma_wait3A_495 : memref<1x1x80xi32, #tpu.memory_space<hbm>> -> memref<1x80xi32, #tpu.memory_space<hbm>>
    %dma_wait3A_497 = arith.constant 1 : i32
    %dma_wait3A_498 = arith.constant 0 : i32
    %dma_wait3A_499 = tpu.memref_slice %arg14[%dma_wait3A_497, %dma_wait3A_498] : memref<2x80xi32, #tpu.memory_space<vmem>> -> memref<1x80xi32, #tpu.memory_space<vmem>>
    %dma_wait3A_500 = arith.constant 0 : i32
    %dma_wait3A_501 = arith.constant 0 : i32
    %dma_wait3A_502 = arith.constant 0 : i32
    %dma_wait3A_503 = tpu.memref_slice %arg4[%arg1, %dma_wait3A_500, %dma_wait3A_501, %dma_wait3A_502] : memref<16x125x1x80xi32, #tpu.memory_space<hbm>> -> memref<1x125x1x80xi32, #tpu.memory_space<hbm>>
    %dma_wait3A_504 = tpu.memref_squeeze %dma_wait3A_503 : memref<1x125x1x80xi32, #tpu.memory_space<hbm>> -> memref<125x1x80xi32, #tpu.memory_space<hbm>>
    %dma_wait3A_505 = arith.constant 0 : i32
    %dma_wait3A_506 = arith.constant 0 : i32
    %dma_wait3A_507 = tpu.memref_slice %dma_wait3A_504[%dma_wait3A_484, %dma_wait3A_505, %dma_wait3A_506] : memref<125x1x80xi32, #tpu.memory_space<hbm>> -> memref<1x1x80xi32, #tpu.memory_space<hbm>>
    %dma_wait3A_508 = tpu.memref_squeeze %dma_wait3A_507 : memref<1x1x80xi32, #tpu.memory_space<hbm>> -> memref<1x80xi32, #tpu.memory_space<hbm>>
    tpu.wait_dma2 semaphore(%arg27 : memref<!tpu.dma_semaphore, #tpu.memory_space<semaphore_mem>>) src(%dma_wait3A_508 : memref<1x80xi32, #tpu.memory_space<hbm>>) dst(%dma_wait3A_499 : memref<1x80xi32, #tpu.memory_space<vmem>>)
    %dma_start3A_509 = arith.constant 0 : i32
    %dma_start3A_510 = arith.constant 0 : i32
    %dma_start3A_511 = tpu.memref_slice %arg14[%dma_start3A_509, %dma_start3A_510] : memref<2x80xi32, #tpu.memory_space<vmem>> -> memref<1x80xi32, #tpu.memory_space<vmem>>
    %dma_start3A_512 = tpu.memref_squeeze %dma_start3A_511 : memref<1x80xi32, #tpu.memory_space<vmem>> -> memref<80xi32, #tpu.memory_space<vmem>>
    %dma_start3A_513 = arith.constant 0 : i32
    %dma_start3A_514 = arith.constant 0 : i32
    %dma_start3A_515 = tpu.memref_slice %arg2[%arg0, %dma_start3A_513, %dma_start3A_514] : memref<2x10000x128xf32, #tpu.memory_space<hbm>> -> memref<1x10000x128xf32, #tpu.memory_space<hbm>>
    %dma_start3A_516 = tpu.memref_squeeze %dma_start3A_515 : memref<1x10000x128xf32, #tpu.memory_space<hbm>> -> memref<10000x128xf32, #tpu.memory_space<hbm>>
    %dma_start3A_517 = arith.constant 0 : i32
    %dma_start3A_518 = arith.constant 0 : i32
    %dma_start3A_519 = tpu.memref_slice %dma_start3A_516[%dma_start3A_517, %dma_start3A_518] : memref<10000x128xf32, #tpu.memory_space<hbm>> -> memref<10000x128xf32, #tpu.memory_space<hbm>>
    tpu.enqueue_indirect_dma source(%dma_start3A_519 : memref<10000x128xf32, #tpu.memory_space<hbm>>) target(%arg8 : memref<80x128xf32, #tpu.memory_space<vmem>>) offsets(%dma_start3A_512 : memref<80xi32, #tpu.memory_space<vmem>>) semaphore(%arg21 : memref<!tpu.dma_semaphore, #tpu.memory_space<semaphore_mem>>)
    %dma_wait3A_520 = arith.constant 3 : i32
    %dma_wait3A_521 = arith.constant 0 : i32
    %dma_wait3A_522 = arith.constant 0 : i32
    %dma_wait3A_523 = tpu.memref_slice %arg16[%dma_wait3A_521, %dma_wait3A_522] : memref<2x80xi32, #tpu.memory_space<vmem>> -> memref<1x80xi32, #tpu.memory_space<vmem>>
    %dma_wait3A_524 = arith.constant 0 : i32
    %dma_wait3A_525 = arith.constant 0 : i32
    %dma_wait3A_526 = arith.constant 0 : i32
    %dma_wait3A_527 = tpu.memref_slice %arg3[%arg1, %dma_wait3A_524, %dma_wait3A_525, %dma_wait3A_526] : memref<16x125x1x80xi32, #tpu.memory_space<hbm>> -> memref<1x125x1x80xi32, #tpu.memory_space<hbm>>
    %dma_wait3A_528 = tpu.memref_squeeze %dma_wait3A_527 : memref<1x125x1x80xi32, #tpu.memory_space<hbm>> -> memref<125x1x80xi32, #tpu.memory_space<hbm>>
    %dma_wait3A_529 = arith.constant 0 : i32
    %dma_wait3A_530 = arith.constant 0 : i32
    %dma_wait3A_531 = tpu.memref_slice %dma_wait3A_528[%dma_wait3A_520, %dma_wait3A_529, %dma_wait3A_530] : memref<125x1x80xi32, #tpu.memory_space<hbm>> -> memref<1x1x80xi32, #tpu.memory_space<hbm>>
    %dma_wait3A_532 = tpu.memref_squeeze %dma_wait3A_531 : memref<1x1x80xi32, #tpu.memory_space<hbm>> -> memref<1x80xi32, #tpu.memory_space<hbm>>
    %dma_wait3A_533 = arith.constant 0 : i32
    %dma_wait3A_534 = arith.constant 0 : i32
    %dma_wait3A_535 = tpu.memref_slice %arg16[%dma_wait3A_533, %dma_wait3A_534] : memref<2x80xi32, #tpu.memory_space<vmem>> -> memref<1x80xi32, #tpu.memory_space<vmem>>
    %dma_wait3A_536 = arith.constant 0 : i32
    %dma_wait3A_537 = arith.constant 0 : i32
    %dma_wait3A_538 = arith.constant 0 : i32
    %dma_wait3A_539 = tpu.memref_slice %arg3[%arg1, %dma_wait3A_536, %dma_wait3A_537, %dma_wait3A_538] : memref<16x125x1x80xi32, #tpu.memory_space<hbm>> -> memref<1x125x1x80xi32, #tpu.memory_space<hbm>>
    %dma_wait3A_540 = tpu.memref_squeeze %dma_wait3A_539 : memref<1x125x1x80xi32, #tpu.memory_space<hbm>> -> memref<125x1x80xi32, #tpu.memory_space<hbm>>
    %dma_wait3A_541 = arith.constant 0 : i32
    %dma_wait3A_542 = arith.constant 0 : i32
    %dma_wait3A_543 = tpu.memref_slice %dma_wait3A_540[%dma_wait3A_520, %dma_wait3A_541, %dma_wait3A_542] : memref<125x1x80xi32, #tpu.memory_space<hbm>> -> memref<1x1x80xi32, #tpu.memory_space<hbm>>
    %dma_wait3A_544 = tpu.memref_squeeze %dma_wait3A_543 : memref<1x1x80xi32, #tpu.memory_space<hbm>> -> memref<1x80xi32, #tpu.memory_space<hbm>>
    tpu.wait_dma2 semaphore(%arg29 : memref<!tpu.dma_semaphore, #tpu.memory_space<semaphore_mem>>) src(%dma_wait3A_544 : memref<1x80xi32, #tpu.memory_space<hbm>>) dst(%dma_wait3A_535 : memref<1x80xi32, #tpu.memory_space<vmem>>)
    %dma_wait3A_545 = arith.constant 3 : i32
    %dma_wait3A_546 = arith.constant 1 : i32
    %dma_wait3A_547 = arith.constant 0 : i32
    %dma_wait3A_548 = tpu.memref_slice %arg16[%dma_wait3A_546, %dma_wait3A_547] : memref<2x80xi32, #tpu.memory_space<vmem>> -> memref<1x80xi32, #tpu.memory_space<vmem>>
    %dma_wait3A_549 = arith.constant 0 : i32
    %dma_wait3A_550 = arith.constant 0 : i32
    %dma_wait3A_551 = arith.constant 0 : i32
    %dma_wait3A_552 = tpu.memref_slice %arg4[%arg1, %dma_wait3A_549, %dma_wait3A_550, %dma_wait3A_551] : memref<16x125x1x80xi32, #tpu.memory_space<hbm>> -> memref<1x125x1x80xi32, #tpu.memory_space<hbm>>
    %dma_wait3A_553 = tpu.memref_squeeze %dma_wait3A_552 : memref<1x125x1x80xi32, #tpu.memory_space<hbm>> -> memref<125x1x80xi32, #tpu.memory_space<hbm>>
    %dma_wait3A_554 = arith.constant 0 : i32
    %dma_wait3A_555 = arith.constant 0 : i32
    %dma_wait3A_556 = tpu.memref_slice %dma_wait3A_553[%dma_wait3A_545, %dma_wait3A_554, %dma_wait3A_555] : memref<125x1x80xi32, #tpu.memory_space<hbm>> -> memref<1x1x80xi32, #tpu.memory_space<hbm>>
    %dma_wait3A_557 = tpu.memref_squeeze %dma_wait3A_556 : memref<1x1x80xi32, #tpu.memory_space<hbm>> -> memref<1x80xi32, #tpu.memory_space<hbm>>
    %dma_wait3A_558 = arith.constant 1 : i32
    %dma_wait3A_559 = arith.constant 0 : i32
    %dma_wait3A_560 = tpu.memref_slice %arg16[%dma_wait3A_558, %dma_wait3A_559] : memref<2x80xi32, #tpu.memory_space<vmem>> -> memref<1x80xi32, #tpu.memory_space<vmem>>
    %dma_wait3A_561 = arith.constant 0 : i32
    %dma_wait3A_562 = arith.constant 0 : i32
    %dma_wait3A_563 = arith.constant 0 : i32
    %dma_wait3A_564 = tpu.memref_slice %arg4[%arg1, %dma_wait3A_561, %dma_wait3A_562, %dma_wait3A_563] : memref<16x125x1x80xi32, #tpu.memory_space<hbm>> -> memref<1x125x1x80xi32, #tpu.memory_space<hbm>>
    %dma_wait3A_565 = tpu.memref_squeeze %dma_wait3A_564 : memref<1x125x1x80xi32, #tpu.memory_space<hbm>> -> memref<125x1x80xi32, #tpu.memory_space<hbm>>
    %dma_wait3A_566 = arith.constant 0 : i32
    %dma_wait3A_567 = arith.constant 0 : i32
    %dma_wait3A_568 = tpu.memref_slice %dma_wait3A_565[%dma_wait3A_545, %dma_wait3A_566, %dma_wait3A_567] : memref<125x1x80xi32, #tpu.memory_space<hbm>> -> memref<1x1x80xi32, #tpu.memory_space<hbm>>
    %dma_wait3A_569 = tpu.memref_squeeze %dma_wait3A_568 : memref<1x1x80xi32, #tpu.memory_space<hbm>> -> memref<1x80xi32, #tpu.memory_space<hbm>>
    tpu.wait_dma2 semaphore(%arg29 : memref<!tpu.dma_semaphore, #tpu.memory_space<semaphore_mem>>) src(%dma_wait3A_569 : memref<1x80xi32, #tpu.memory_space<hbm>>) dst(%dma_wait3A_560 : memref<1x80xi32, #tpu.memory_space<vmem>>)
    %dma_start3A_570 = arith.constant 0 : i32
    %dma_start3A_571 = arith.constant 0 : i32
    %dma_start3A_572 = tpu.memref_slice %arg16[%dma_start3A_570, %dma_start3A_571] : memref<2x80xi32, #tpu.memory_space<vmem>> -> memref<1x80xi32, #tpu.memory_space<vmem>>
    %dma_start3A_573 = tpu.memref_squeeze %dma_start3A_572 : memref<1x80xi32, #tpu.memory_space<vmem>> -> memref<80xi32, #tpu.memory_space<vmem>>
    %dma_start3A_574 = arith.constant 0 : i32
    %dma_start3A_575 = arith.constant 0 : i32
    %dma_start3A_576 = tpu.memref_slice %arg2[%arg0, %dma_start3A_574, %dma_start3A_575] : memref<2x10000x128xf32, #tpu.memory_space<hbm>> -> memref<1x10000x128xf32, #tpu.memory_space<hbm>>
    %dma_start3A_577 = tpu.memref_squeeze %dma_start3A_576 : memref<1x10000x128xf32, #tpu.memory_space<hbm>> -> memref<10000x128xf32, #tpu.memory_space<hbm>>
    %dma_start3A_578 = arith.constant 0 : i32
    %dma_start3A_579 = arith.constant 0 : i32
    %dma_start3A_580 = tpu.memref_slice %dma_start3A_577[%dma_start3A_578, %dma_start3A_579] : memref<10000x128xf32, #tpu.memory_space<hbm>> -> memref<10000x128xf32, #tpu.memory_space<hbm>>
    tpu.enqueue_indirect_dma source(%dma_start3A_580 : memref<10000x128xf32, #tpu.memory_space<hbm>>) target(%arg9 : memref<80x128xf32, #tpu.memory_space<vmem>>) offsets(%dma_start3A_573 : memref<80xi32, #tpu.memory_space<vmem>>) semaphore(%arg22 : memref<!tpu.dma_semaphore, #tpu.memory_space<semaphore_mem>>)
    %scan3A = arith.constant 0 : i32
    %scan3A_581 = arith.constant 80 : i32
    %scan3A_582 = arith.addi %scan3A, %scan3A_581 : i32
    %scan3A_583 = arith.constant 1 : i32
    scf.for %scan3A_990 = %scan3A to %scan3A_582 step %scan3A_583  : i32 {
      %mul3A = arith.constant 1 : i32
      %mul3A_991 = arith.muli %scan3A_990, %mul3A : i32
      %add3A = arith.constant 0 : i32
      %add3A_992 = arith.addi %add3A, %mul3A_991 : i32
      %scan3A_993 = arith.constant 0 : i32
      %scan3A_994 = arith.constant 8 : i32
      %scan3A_995 = arith.addi %scan3A_993, %scan3A_994 : i32
      %scan3A_996 = arith.constant 1 : i32
      scf.for %scan3A_998 = %scan3A_993 to %scan3A_995 step %scan3A_996  : i32 {
        %mul3A_999 = arith.constant 1 : i32
        %mul3A_1000 = arith.muli %scan3A_998, %mul3A_999 : i32
        %add3A_1001 = arith.constant 0 : i32
        %add3A_1002 = arith.addi %add3A_1001, %mul3A_1000 : i32
        %broadcast_in_dim3A = arith.constant 0.000000e+00 : f32
        %broadcast_in_dim3A_1003 = vector.broadcast %broadcast_in_dim3A : f32 to vector<16xf32>
        %mul3A_1004 = arith.constant 16 : i32
        %mul3A_1005 = arith.muli %add3A_1002, %mul3A_1004 : i32
        %swap3A = arith.index_cast %add3A_992 : i32 to index
        %swap3A_1006 = arith.index_cast %mul3A_1005 : i32 to index
        %swap3A_1007 = tpu.vector_load %arg6[%swap3A, %swap3A_1006] {strides = array<i32>} : memref<80x128xf32, #tpu.memory_space<vmem>>, vector<1x16xf32>,
        %swap3A_1008 = vector.shape_cast %swap3A_1007 : vector<1x16xf32> to vector<16xf32>
        %swap3A_1009 = vector.shape_cast %broadcast_in_dim3A_1003 : vector<16xf32> to vector<1x16xf32>
        tpu.vector_store %arg6[%swap3A, %swap3A_1006], %swap3A_1009 {strides = array<i32>} : memref<80x128xf32, #tpu.memory_space<vmem>>, vector<1x16xf32>,
      }
      %scan3A_997 = arith.constant 8 : i32
    }
    %scan3A_584 = arith.constant 80 : i32
    %lt3A = arith.constant 15 : i32
    %lt3A_585 = arith.cmpi slt, %arg1, %lt3A : i32
    %convert_element_type3A = arith.extui %lt3A_585 : i1 to i32
    %cond3A = arith.constant 0 : i32
    %cond3A_586 = arith.cmpi ne, %convert_element_type3A, %cond3A : i32
    scf.if %cond3A_586 {
      %mul3A = arith.constant 632 : i32
      %mul3A_990 = arith.muli %arg1, %mul3A : i32
      %scan3A_991 = arith.constant 0 : i32
      %scan3A_992 = arith.constant 7 : i32
      %scan3A_993 = arith.addi %scan3A_991, %scan3A_992 : i32
      %scan3A_994 = arith.constant 1 : i32
      scf.for %scan3A_997 = %scan3A_991 to %scan3A_993 step %scan3A_994  : i32 {
        %mul3A_998 = arith.constant 1 : i32
        %mul3A_999 = arith.muli %scan3A_997, %mul3A_998 : i32
        %add3A_1000 = arith.constant 0 : i32
        %add3A_1001 = arith.addi %add3A_1000, %mul3A_999 : i32
        %mul3A_1002 = arith.constant 80 : i32
        %mul3A_1003 = arith.muli %add3A_1001, %mul3A_1002 : i32
        %add3A_1004 = arith.addi %mul3A_990, %mul3A_1003 : i32
        "tpu.region"() ({
          %run_scoped3A_1005 = tpu.sem_alloc : memref<!tpu.dma_semaphore, #tpu.memory_space<semaphore_mem>>
          %dma_start3A_1006 = arith.constant 0 : i32
          %dma_start3A_1007 = tpu.memref_slice %arg18[%add3A_1004, %dma_start3A_1006] : memref<10000x128xf32, #tpu.memory_space<vmem_shared>> -> memref<80x128xf32, #tpu.memory_space<vmem_shared>>
          %dma_start3A_1008 = arith.constant 0 : i32
          %dma_start3A_1009 = tpu.memref_slice %arg18[%add3A_1004, %dma_start3A_1008] : memref<10000x128xf32, #tpu.memory_space<vmem_shared>> -> memref<80x128xf32, #tpu.memory_space<vmem_shared>>
          tpu.enqueue_dma source(%arg6 : memref<80x128xf32, #tpu.memory_space<vmem>>) target(%dma_start3A_1009 : memref<80x128xf32, #tpu.memory_space<vmem_shared>>) target_semaphore(%run_scoped3A_1005 : memref<!tpu.dma_semaphore, #tpu.memory_space<semaphore_mem>>)
          %dma_wait3A_1010 = arith.constant 0 : i32
          %dma_wait3A_1011 = tpu.memref_slice %arg18[%add3A_1004, %dma_wait3A_1010] : memref<10000x128xf32, #tpu.memory_space<vmem_shared>> -> memref<80x128xf32, #tpu.memory_space<vmem_shared>>
          %dma_wait3A_1012 = arith.constant 0 : i32
          %dma_wait3A_1013 = tpu.memref_slice %arg18[%add3A_1004, %dma_wait3A_1012] : memref<10000x128xf32, #tpu.memory_space<vmem_shared>> -> memref<80x128xf32, #tpu.memory_space<vmem_shared>>
          tpu.wait_dma2 semaphore(%run_scoped3A_1005 : memref<!tpu.dma_semaphore, #tpu.memory_space<semaphore_mem>>) src(%arg6 : memref<80x128xf32, #tpu.memory_space<vmem>>) dst(%dma_wait3A_1013 : memref<80x128xf32, #tpu.memory_space<vmem_shared>>)
          tpu.yield
        }) : () -> ()
      }
      %scan3A_995 = arith.constant 7 : i32
      %add3A = arith.constant 560 : i32
      %add3A_996 = arith.addi %mul3A_990, %add3A : i32
      "tpu.region"() ({
        %run_scoped3A_997 = tpu.sem_alloc : memref<!tpu.dma_semaphore, #tpu.memory_space<semaphore_mem>>
        %dma_start3A_998 = arith.constant 0 : i32
        %dma_start3A_999 = arith.constant 0 : i32
        %dma_start3A_1000 = tpu.memref_slice %arg6[%dma_start3A_998, %dma_start3A_999] : memref<80x128xf32, #tpu.memory_space<vmem>> -> memref<72x128xf32, #tpu.memory_space<vmem>>
        %dma_start3A_1001 = arith.constant 0 : i32
        %dma_start3A_1002 = tpu.memref_slice %arg18[%add3A_996, %dma_start3A_1001] : memref<10000x128xf32, #tpu.memory_space<vmem_shared>> -> memref<72x128xf32, #tpu.memory_space<vmem_shared>>
        %dma_start3A_1003 = arith.constant 0 : i32
        %dma_start3A_1004 = tpu.memref_slice %arg18[%add3A_996, %dma_start3A_1003] : memref<10000x128xf32, #tpu.memory_space<vmem_shared>> -> memref<72x128xf32, #tpu.memory_space<vmem_shared>>
        %dma_start3A_1005 = arith.constant 0 : i32
        %dma_start3A_1006 = arith.constant 0 : i32
        %dma_start3A_1007 = tpu.memref_slice %arg6[%dma_start3A_1005, %dma_start3A_1006] : memref<80x128xf32, #tpu.memory_space<vmem>> -> memref<72x128xf32, #tpu.memory_space<vmem>>
        tpu.enqueue_dma source(%dma_start3A_1007 : memref<72x128xf32, #tpu.memory_space<vmem>>) target(%dma_start3A_1004 : memref<72x128xf32, #tpu.memory_space<vmem_shared>>) target_semaphore(%run_scoped3A_997 : memref<!tpu.dma_semaphore, #tpu.memory_space<semaphore_mem>>)
        %dma_wait3A_1008 = arith.constant 0 : i32
        %dma_wait3A_1009 = arith.constant 0 : i32
        %dma_wait3A_1010 = tpu.memref_slice %arg6[%dma_wait3A_1008, %dma_wait3A_1009] : memref<80x128xf32, #tpu.memory_space<vmem>> -> memref<72x128xf32, #tpu.memory_space<vmem>>
        %dma_wait3A_1011 = arith.constant 0 : i32
        %dma_wait3A_1012 = tpu.memref_slice %arg18[%add3A_996, %dma_wait3A_1011] : memref<10000x128xf32, #tpu.memory_space<vmem_shared>> -> memref<72x128xf32, #tpu.memory_space<vmem_shared>>
        %dma_wait3A_1013 = arith.constant 0 : i32
        %dma_wait3A_1014 = tpu.memref_slice %arg18[%add3A_996, %dma_wait3A_1013] : memref<10000x128xf32, #tpu.memory_space<vmem_shared>> -> memref<72x128xf32, #tpu.memory_space<vmem_shared>>
        %dma_wait3A_1015 = arith.constant 0 : i32
        %dma_wait3A_1016 = arith.constant 0 : i32
        %dma_wait3A_1017 = tpu.memref_slice %arg6[%dma_wait3A_1015, %dma_wait3A_1016] : memref<80x128xf32, #tpu.memory_space<vmem>> -> memref<72x128xf32, #tpu.memory_space<vmem>>
        tpu.wait_dma2 semaphore(%run_scoped3A_997 : memref<!tpu.dma_semaphore, #tpu.memory_space<semaphore_mem>>) src(%dma_wait3A_1017 : memref<72x128xf32, #tpu.memory_space<vmem>>) dst(%dma_wait3A_1014 : memref<72x128xf32, #tpu.memory_space<vmem_shared>>)
        tpu.yield
      }) : () -> ()
    } else {
    }
    %eq3A = arith.constant 15 : i32
    %eq3A_587 = arith.cmpi eq, %arg1, %eq3A : i32
    %convert_element_type3A_588 = arith.extui %eq3A_587 : i1 to i32
    %cond3A_589 = arith.constant 0 : i32
    %cond3A_590 = arith.cmpi ne, %convert_element_type3A_588, %cond3A_589 : i32
    scf.if %cond3A_590 {
      %scan3A_990 = arith.constant 0 : i32
      %scan3A_991 = arith.constant 6 : i32
      %scan3A_992 = arith.addi %scan3A_990, %scan3A_991 : i32
      %scan3A_993 = arith.constant 1 : i32
      scf.for %scan3A_995 = %scan3A_990 to %scan3A_992 step %scan3A_993  : i32 {
        %mul3A = arith.constant 1 : i32
        %mul3A_996 = arith.muli %scan3A_995, %mul3A : i32
        %add3A = arith.constant 0 : i32
        %add3A_997 = arith.addi %add3A, %mul3A_996 : i32
        %mul3A_998 = arith.constant 80 : i32
        %mul3A_999 = arith.muli %add3A_997, %mul3A_998 : i32
        %add3A_1000 = arith.constant 9480 : i32
        %add3A_1001 = arith.addi %add3A_1000, %mul3A_999 : i32
        "tpu.region"() ({
          %run_scoped3A_1002 = tpu.sem_alloc : memref<!tpu.dma_semaphore, #tpu.memory_space<semaphore_mem>>
          %dma_start3A_1003 = arith.constant 0 : i32
          %dma_start3A_1004 = tpu.memref_slice %arg18[%add3A_1001, %dma_start3A_1003] : memref<10000x128xf32, #tpu.memory_space<vmem_shared>> -> memref<80x128xf32, #tpu.memory_space<vmem_shared>>
          %dma_start3A_1005 = arith.constant 0 : i32
          %dma_start3A_1006 = tpu.memref_slice %arg18[%add3A_1001, %dma_start3A_1005] : memref<10000x128xf32, #tpu.memory_space<vmem_shared>> -> memref<80x128xf32, #tpu.memory_space<vmem_shared>>
          tpu.enqueue_dma source(%arg6 : memref<80x128xf32, #tpu.memory_space<vmem>>) target(%dma_start3A_1006 : memref<80x128xf32, #tpu.memory_space<vmem_shared>>) target_semaphore(%run_scoped3A_1002 : memref<!tpu.dma_semaphore, #tpu.memory_space<semaphore_mem>>)
          %dma_wait3A_1007 = arith.constant 0 : i32
          %dma_wait3A_1008 = tpu.memref_slice %arg18[%add3A_1001, %dma_wait3A_1007] : memref<10000x128xf32, #tpu.memory_space<vmem_shared>> -> memref<80x128xf32, #tpu.memory_space<vmem_shared>>
          %dma_wait3A_1009 = arith.constant 0 : i32
          %dma_wait3A_1010 = tpu.memref_slice %arg18[%add3A_1001, %dma_wait3A_1009] : memref<10000x128xf32, #tpu.memory_space<vmem_shared>> -> memref<80x128xf32, #tpu.memory_space<vmem_shared>>
          tpu.wait_dma2 semaphore(%run_scoped3A_1002 : memref<!tpu.dma_semaphore, #tpu.memory_space<semaphore_mem>>) src(%arg6 : memref<80x128xf32, #tpu.memory_space<vmem>>) dst(%dma_wait3A_1010 : memref<80x128xf32, #tpu.memory_space<vmem_shared>>)
          tpu.yield
        }) : () -> ()
      }
      %scan3A_994 = arith.constant 6 : i32
      "tpu.region"() ({
        %run_scoped3A_995 = tpu.sem_alloc : memref<!tpu.dma_semaphore, #tpu.memory_space<semaphore_mem>>
        %dma_start3A_996 = arith.constant 0 : i32
        %dma_start3A_997 = arith.constant 0 : i32
        %dma_start3A_998 = tpu.memref_slice %arg6[%dma_start3A_996, %dma_start3A_997] : memref<80x128xf32, #tpu.memory_space<vmem>> -> memref<40x128xf32, #tpu.memory_space<vmem>>
        %dma_start3A_999 = arith.constant 9960 : i32
        %dma_start3A_1000 = arith.constant 0 : i32
        %dma_start3A_1001 = tpu.memref_slice %arg18[%dma_start3A_999, %dma_start3A_1000] : memref<10000x128xf32, #tpu.memory_space<vmem_shared>> -> memref<40x128xf32, #tpu.memory_space<vmem_shared>>
        %dma_start3A_1002 = arith.constant 9960 : i32
        %dma_start3A_1003 = arith.constant 0 : i32
        %dma_start3A_1004 = tpu.memref_slice %arg18[%dma_start3A_1002, %dma_start3A_1003] : memref<10000x128xf32, #tpu.memory_space<vmem_shared>> -> memref<40x128xf32, #tpu.memory_space<vmem_shared>>
        %dma_start3A_1005 = arith.constant 0 : i32
        %dma_start3A_1006 = arith.constant 0 : i32
        %dma_start3A_1007 = tpu.memref_slice %arg6[%dma_start3A_1005, %dma_start3A_1006] : memref<80x128xf32, #tpu.memory_space<vmem>> -> memref<40x128xf32, #tpu.memory_space<vmem>>
        tpu.enqueue_dma source(%dma_start3A_1007 : memref<40x128xf32, #tpu.memory_space<vmem>>) target(%dma_start3A_1004 : memref<40x128xf32, #tpu.memory_space<vmem_shared>>) target_semaphore(%run_scoped3A_995 : memref<!tpu.dma_semaphore, #tpu.memory_space<semaphore_mem>>)
        %dma_wait3A_1008 = arith.constant 0 : i32
        %dma_wait3A_1009 = arith.constant 0 : i32
        %dma_wait3A_1010 = tpu.memref_slice %arg6[%dma_wait3A_1008, %dma_wait3A_1009] : memref<80x128xf32, #tpu.memory_space<vmem>> -> memref<40x128xf32, #tpu.memory_space<vmem>>
        %dma_wait3A_1011 = arith.constant 9960 : i32
        %dma_wait3A_1012 = arith.constant 0 : i32
        %dma_wait3A_1013 = tpu.memref_slice %arg18[%dma_wait3A_1011, %dma_wait3A_1012] : memref<10000x128xf32, #tpu.memory_space<vmem_shared>> -> memref<40x128xf32, #tpu.memory_space<vmem_shared>>
        %dma_wait3A_1014 = arith.constant 9960 : i32
        %dma_wait3A_1015 = arith.constant 0 : i32
        %dma_wait3A_1016 = tpu.memref_slice %arg18[%dma_wait3A_1014, %dma_wait3A_1015] : memref<10000x128xf32, #tpu.memory_space<vmem_shared>> -> memref<40x128xf32, #tpu.memory_space<vmem_shared>>
        %dma_wait3A_1017 = arith.constant 0 : i32
        %dma_wait3A_1018 = arith.constant 0 : i32
        %dma_wait3A_1019 = tpu.memref_slice %arg6[%dma_wait3A_1017, %dma_wait3A_1018] : memref<80x128xf32, #tpu.memory_space<vmem>> -> memref<40x128xf32, #tpu.memory_space<vmem>>
        tpu.wait_dma2 semaphore(%run_scoped3A_995 : memref<!tpu.dma_semaphore, #tpu.memory_space<semaphore_mem>>) src(%dma_wait3A_1019 : memref<40x128xf32, #tpu.memory_space<vmem>>) dst(%dma_wait3A_1016 : memref<40x128xf32, #tpu.memory_space<vmem_shared>>)
        tpu.yield
      }) : () -> ()
    } else {
    }
    %dma_wait3A_591 = arith.constant 0 : i32
    %dma_wait3A_592 = arith.constant 0 : i32
    %dma_wait3A_593 = arith.constant 0 : i32
    %dma_wait3A_594 = tpu.memref_slice %arg10[%dma_wait3A_592, %dma_wait3A_593] : memref<2x80xi32, #tpu.memory_space<vmem>> -> memref<1x80xi32, #tpu.memory_space<vmem>>
    %dma_wait3A_595 = arith.constant 0 : i32
    %dma_wait3A_596 = arith.constant 0 : i32
    %dma_wait3A_597 = arith.constant 0 : i32
    %dma_wait3A_598 = tpu.memref_slice %arg3[%arg1, %dma_wait3A_595, %dma_wait3A_596, %dma_wait3A_597] : memref<16x125x1x80xi32, #tpu.memory_space<hbm>> -> memref<1x125x1x80xi32, #tpu.memory_space<hbm>>
    %dma_wait3A_599 = tpu.memref_squeeze %dma_wait3A_598 : memref<1x125x1x80xi32, #tpu.memory_space<hbm>> -> memref<125x1x80xi32, #tpu.memory_space<hbm>>
    %dma_wait3A_600 = arith.constant 0 : i32
    %dma_wait3A_601 = arith.constant 0 : i32
    %dma_wait3A_602 = tpu.memref_slice %dma_wait3A_599[%dma_wait3A_591, %dma_wait3A_600, %dma_wait3A_601] : memref<125x1x80xi32, #tpu.memory_space<hbm>> -> memref<1x1x80xi32, #tpu.memory_space<hbm>>
    %dma_wait3A_603 = tpu.memref_squeeze %dma_wait3A_602 : memref<1x1x80xi32, #tpu.memory_space<hbm>> -> memref<1x80xi32, #tpu.memory_space<hbm>>
    %dma_wait3A_604 = arith.constant 0 : i32
    %dma_wait3A_605 = arith.constant 0 : i32
    %dma_wait3A_606 = tpu.memref_slice %arg10[%dma_wait3A_604, %dma_wait3A_605] : memref<2x80xi32, #tpu.memory_space<vmem>> -> memref<1x80xi32, #tpu.memory_space<vmem>>
    %dma_wait3A_607 = arith.constant 0 : i32
    %dma_wait3A_608 = arith.constant 0 : i32
    %dma_wait3A_609 = arith.constant 0 : i32
    %dma_wait3A_610 = tpu.memref_slice %arg3[%arg1, %dma_wait3A_607, %dma_wait3A_608, %dma_wait3A_609] : memref<16x125x1x80xi32, #tpu.memory_space<hbm>> -> memref<1x125x1x80xi32, #tpu.memory_space<hbm>>
    %dma_wait3A_611 = tpu.memref_squeeze %dma_wait3A_610 : memref<1x125x1x80xi32, #tpu.memory_space<hbm>> -> memref<125x1x80xi32, #tpu.memory_space<hbm>>
    %dma_wait3A_612 = arith.constant 0 : i32
    %dma_wait3A_613 = arith.constant 0 : i32
    %dma_wait3A_614 = tpu.memref_slice %dma_wait3A_611[%dma_wait3A_591, %dma_wait3A_612, %dma_wait3A_613] : memref<125x1x80xi32, #tpu.memory_space<hbm>> -> memref<1x1x80xi32, #tpu.memory_space<hbm>>
    %dma_wait3A_615 = tpu.memref_squeeze %dma_wait3A_614 : memref<1x1x80xi32, #tpu.memory_space<hbm>> -> memref<1x80xi32, #tpu.memory_space<hbm>>
    tpu.wait_dma2 semaphore(%arg23 : memref<!tpu.dma_semaphore, #tpu.memory_space<semaphore_mem>>) src(%dma_wait3A_615 : memref<1x80xi32, #tpu.memory_space<hbm>>) dst(%dma_wait3A_606 : memref<1x80xi32, #tpu.memory_space<vmem>>)
    %dma_wait3A_616 = arith.constant 0 : i32
    %dma_wait3A_617 = arith.constant 1 : i32
    %dma_wait3A_618 = arith.constant 0 : i32
    %dma_wait3A_619 = tpu.memref_slice %arg10[%dma_wait3A_617, %dma_wait3A_618] : memref<2x80xi32, #tpu.memory_space<vmem>> -> memref<1x80xi32, #tpu.memory_space<vmem>>
    %dma_wait3A_620 = arith.constant 0 : i32
    %dma_wait3A_621 = arith.constant 0 : i32
    %dma_wait3A_622 = arith.constant 0 : i32
    %dma_wait3A_623 = tpu.memref_slice %arg4[%arg1, %dma_wait3A_620, %dma_wait3A_621, %dma_wait3A_622] : memref<16x125x1x80xi32, #tpu.memory_space<hbm>> -> memref<1x125x1x80xi32, #tpu.memory_space<hbm>>
    %dma_wait3A_624 = tpu.memref_squeeze %dma_wait3A_623 : memref<1x125x1x80xi32, #tpu.memory_space<hbm>> -> memref<125x1x80xi32, #tpu.memory_space<hbm>>
    %dma_wait3A_625 = arith.constant 0 : i32
    %dma_wait3A_626 = arith.constant 0 : i32
    %dma_wait3A_627 = tpu.memref_slice %dma_wait3A_624[%dma_wait3A_616, %dma_wait3A_625, %dma_wait3A_626] : memref<125x1x80xi32, #tpu.memory_space<hbm>> -> memref<1x1x80xi32, #tpu.memory_space<hbm>>
    %dma_wait3A_628 = tpu.memref_squeeze %dma_wait3A_627 : memref<1x1x80xi32, #tpu.memory_space<hbm>> -> memref<1x80xi32, #tpu.memory_space<hbm>>
    %dma_wait3A_629 = arith.constant 1 : i32
    %dma_wait3A_630 = arith.constant 0 : i32
    %dma_wait3A_631 = tpu.memref_slice %arg10[%dma_wait3A_629, %dma_wait3A_630] : memref<2x80xi32, #tpu.memory_space<vmem>> -> memref<1x80xi32, #tpu.memory_space<vmem>>
    %dma_wait3A_632 = arith.constant 0 : i32
    %dma_wait3A_633 = arith.constant 0 : i32
    %dma_wait3A_634 = arith.constant 0 : i32
    %dma_wait3A_635 = tpu.memref_slice %arg4[%arg1, %dma_wait3A_632, %dma_wait3A_633, %dma_wait3A_634] : memref<16x125x1x80xi32, #tpu.memory_space<hbm>> -> memref<1x125x1x80xi32, #tpu.memory_space<hbm>>
    %dma_wait3A_636 = tpu.memref_squeeze %dma_wait3A_635 : memref<1x125x1x80xi32, #tpu.memory_space<hbm>> -> memref<125x1x80xi32, #tpu.memory_space<hbm>>
    %dma_wait3A_637 = arith.constant 0 : i32
    %dma_wait3A_638 = arith.constant 0 : i32
    %dma_wait3A_639 = tpu.memref_slice %dma_wait3A_636[%dma_wait3A_616, %dma_wait3A_637, %dma_wait3A_638] : memref<125x1x80xi32, #tpu.memory_space<hbm>> -> memref<1x1x80xi32, #tpu.memory_space<hbm>>
    %dma_wait3A_640 = tpu.memref_squeeze %dma_wait3A_639 : memref<1x1x80xi32, #tpu.memory_space<hbm>> -> memref<1x80xi32, #tpu.memory_space<hbm>>
    tpu.wait_dma2 semaphore(%arg23 : memref<!tpu.dma_semaphore, #tpu.memory_space<semaphore_mem>>) src(%dma_wait3A_640 : memref<1x80xi32, #tpu.memory_space<hbm>>) dst(%dma_wait3A_631 : memref<1x80xi32, #tpu.memory_space<vmem>>)
    %dma_start3A_641 = arith.constant 0 : i32
    %dma_start3A_642 = arith.constant 0 : i32
    %dma_start3A_643 = tpu.memref_slice %arg10[%dma_start3A_641, %dma_start3A_642] : memref<2x80xi32, #tpu.memory_space<vmem>> -> memref<1x80xi32, #tpu.memory_space<vmem>>
    %dma_start3A_644 = tpu.memref_squeeze %dma_start3A_643 : memref<1x80xi32, #tpu.memory_space<vmem>> -> memref<80xi32, #tpu.memory_space<vmem>>
    %dma_start3A_645 = arith.constant 0 : i32
    %dma_start3A_646 = arith.constant 0 : i32
    %dma_start3A_647 = tpu.memref_slice %arg2[%arg0, %dma_start3A_645, %dma_start3A_646] : memref<2x10000x128xf32, #tpu.memory_space<hbm>> -> memref<1x10000x128xf32, #tpu.memory_space<hbm>>
    %dma_start3A_648 = tpu.memref_squeeze %dma_start3A_647 : memref<1x10000x128xf32, #tpu.memory_space<hbm>> -> memref<10000x128xf32, #tpu.memory_space<hbm>>
    %dma_start3A_649 = arith.constant 0 : i32
    %dma_start3A_650 = arith.constant 0 : i32
    %dma_start3A_651 = tpu.memref_slice %dma_start3A_648[%dma_start3A_649, %dma_start3A_650] : memref<10000x128xf32, #tpu.memory_space<hbm>> -> memref<10000x128xf32, #tpu.memory_space<hbm>>
    tpu.enqueue_indirect_dma source(%dma_start3A_651 : memref<10000x128xf32, #tpu.memory_space<hbm>>) target(%arg6 : memref<80x128xf32, #tpu.memory_space<vmem>>) offsets(%dma_start3A_644 : memref<80xi32, #tpu.memory_space<vmem>>) semaphore(%arg19 : memref<!tpu.dma_semaphore, #tpu.memory_space<semaphore_mem>>)
    %barrier3A = arith.constant 0 : index
    tpu.barrier barrier_id(%barrier3A)
    %scan3A_652 = arith.constant 0 : i32
    %scan3A_653 = arith.constant 15 : i32
    %scan3A_654 = arith.addi %scan3A_652, %scan3A_653 : i32
    %scan3A_655 = arith.constant 1 : i32
    scf.for %scan3A_990 = %scan3A_652 to %scan3A_654 step %scan3A_655  : i32 {
      %mul3A = arith.constant 1 : i32
      %mul3A_991 = arith.muli %scan3A_990, %mul3A : i32
      %add3A = arith.constant 0 : i32
      %add3A_992 = arith.addi %add3A, %mul3A_991 : i32
      %mul3A_993 = arith.constant 8 : i32
      %mul3A_994 = arith.muli %mul3A_993, %add3A_992 : i32
      %add3A_995 = arith.constant 0 : i32
      %add3A_996 = arith.addi %mul3A_994, %add3A_995 : i32
      %dma_wait3A_997 = arith.constant 0 : i32
      %dma_wait3A_998 = arith.constant 0 : i32
      %dma_wait3A_999 = tpu.memref_slice %arg10[%dma_wait3A_997, %dma_wait3A_998] : memref<2x80xi32, #tpu.memory_space<vmem>> -> memref<1x80xi32, #tpu.memory_space<vmem>>
      %dma_wait3A_1000 = tpu.memref_squeeze %dma_wait3A_999 : memref<1x80xi32, #tpu.memory_space<vmem>> -> memref<80xi32, #tpu.memory_space<vmem>>
      %dma_wait3A_1001 = arith.constant 0 : i32
      %dma_wait3A_1002 = arith.constant 0 : i32
      %dma_wait3A_1003 = tpu.memref_slice %arg2[%arg0, %dma_wait3A_1001, %dma_wait3A_1002] : memref<2x10000x128xf32, #tpu.memory_space<hbm>> -> memref<1x10000x128xf32, #tpu.memory_space<hbm>>
      %dma_wait3A_1004 = tpu.memref_squeeze %dma_wait3A_1003 : memref<1x10000x128xf32, #tpu.memory_space<hbm>> -> memref<10000x128xf32, #tpu.memory_space<hbm>>
      %dma_wait3A_1005 = arith.constant 0 : i32
      %dma_wait3A_1006 = arith.constant 0 : i32
      %dma_wait3A_1007 = tpu.memref_slice %dma_wait3A_1004[%dma_wait3A_1005, %dma_wait3A_1006] : memref<10000x128xf32, #tpu.memory_space<hbm>> -> memref<10000x128xf32, #tpu.memory_space<hbm>>
      tpu.wait_indirect_dma semaphore(%arg19 : memref<!tpu.dma_semaphore, #tpu.memory_space<semaphore_mem>>) src(%dma_wait3A_1007 : memref<10000x128xf32, #tpu.memory_space<hbm>>) dst(%arg6 : memref<80x128xf32, #tpu.memory_space<vmem>>)
      %dma_start3A_1008 = arith.constant 1 : i32
      %dma_start3A_1009 = arith.constant 0 : i32
      %dma_start3A_1010 = tpu.memref_slice %arg10[%dma_start3A_1008, %dma_start3A_1009] : memref<2x80xi32, #tpu.memory_space<vmem>> -> memref<1x80xi32, #tpu.memory_space<vmem>>
      %dma_start3A_1011 = tpu.memref_squeeze %dma_start3A_1010 : memref<1x80xi32, #tpu.memory_space<vmem>> -> memref<80xi32, #tpu.memory_space<vmem>>
      %dma_start3A_1012 = arith.constant 0 : i32
      %dma_start3A_1013 = arith.constant 0 : i32
      %dma_start3A_1014 = tpu.memref_slice %arg18[%dma_start3A_1012, %dma_start3A_1013] : memref<10000x128xf32, #tpu.memory_space<vmem_shared>> -> memref<10000x128xf32, #tpu.memory_space<vmem_shared>>
      tpu.enqueue_indirect_dma source(%arg6 : memref<80x128xf32, #tpu.memory_space<vmem>>) target(%dma_start3A_1014 : memref<10000x128xf32, #tpu.memory_space<vmem_shared>>) offsets(%dma_start3A_1011 : memref<80xi32, #tpu.memory_space<vmem>>) semaphore(%arg19 : memref<!tpu.dma_semaphore, #tpu.memory_space<semaphore_mem>>) {add = true}
      %add3A_1015 = arith.constant 1 : i32
      %add3A_1016 = arith.addi %mul3A_994, %add3A_1015 : i32
      %dma_wait3A_1017 = arith.constant 0 : i32
      %dma_wait3A_1018 = arith.constant 0 : i32
      %dma_wait3A_1019 = tpu.memref_slice %arg12[%dma_wait3A_1017, %dma_wait3A_1018] : memref<2x80xi32, #tpu.memory_space<vmem>> -> memref<1x80xi32, #tpu.memory_space<vmem>>
      %dma_wait3A_1020 = tpu.memref_squeeze %dma_wait3A_1019 : memref<1x80xi32, #tpu.memory_space<vmem>> -> memref<80xi32, #tpu.memory_space<vmem>>
      %dma_wait3A_1021 = arith.constant 0 : i32
      %dma_wait3A_1022 = arith.constant 0 : i32
      %dma_wait3A_1023 = tpu.memref_slice %arg2[%arg0, %dma_wait3A_1021, %dma_wait3A_1022] : memref<2x10000x128xf32, #tpu.memory_space<hbm>> -> memref<1x10000x128xf32, #tpu.memory_space<hbm>>
      %dma_wait3A_1024 = tpu.memref_squeeze %dma_wait3A_1023 : memref<1x10000x128xf32, #tpu.memory_space<hbm>> -> memref<10000x128xf32, #tpu.memory_space<hbm>>
      %dma_wait3A_1025 = arith.constant 0 : i32
      %dma_wait3A_1026 = arith.constant 0 : i32
      %dma_wait3A_1027 = tpu.memref_slice %dma_wait3A_1024[%dma_wait3A_1025, %dma_wait3A_1026] : memref<10000x128xf32, #tpu.memory_space<hbm>> -> memref<10000x128xf32, #tpu.memory_space<hbm>>
      tpu.wait_indirect_dma semaphore(%arg20 : memref<!tpu.dma_semaphore, #tpu.memory_space<semaphore_mem>>) src(%dma_wait3A_1027 : memref<10000x128xf32, #tpu.memory_space<hbm>>) dst(%arg7 : memref<80x128xf32, #tpu.memory_space<vmem>>)
      %dma_start3A_1028 = arith.constant 1 : i32
      %dma_start3A_1029 = arith.constant 0 : i32
      %dma_start3A_1030 = tpu.memref_slice %arg12[%dma_start3A_1028, %dma_start3A_1029] : memref<2x80xi32, #tpu.memory_space<vmem>> -> memref<1x80xi32, #tpu.memory_space<vmem>>
      %dma_start3A_1031 = tpu.memref_squeeze %dma_start3A_1030 : memref<1x80xi32, #tpu.memory_space<vmem>> -> memref<80xi32, #tpu.memory_space<vmem>>
      %dma_start3A_1032 = arith.constant 0 : i32
      %dma_start3A_1033 = arith.constant 0 : i32
      %dma_start3A_1034 = tpu.memref_slice %arg18[%dma_start3A_1032, %dma_start3A_1033] : memref<10000x128xf32, #tpu.memory_space<vmem_shared>> -> memref<10000x128xf32, #tpu.memory_space<vmem_shared>>
      tpu.enqueue_indirect_dma source(%arg7 : memref<80x128xf32, #tpu.memory_space<vmem>>) target(%dma_start3A_1034 : memref<10000x128xf32, #tpu.memory_space<vmem_shared>>) offsets(%dma_start3A_1031 : memref<80xi32, #tpu.memory_space<vmem>>) semaphore(%arg20 : memref<!tpu.dma_semaphore, #tpu.memory_space<semaphore_mem>>) {add = true}
      %add3A_1035 = arith.constant 2 : i32
      %add3A_1036 = arith.addi %mul3A_994, %add3A_1035 : i32
      %dma_wait3A_1037 = arith.constant 0 : i32
      %dma_wait3A_1038 = arith.constant 0 : i32
      %dma_wait3A_1039 = tpu.memref_slice %arg14[%dma_wait3A_1037, %dma_wait3A_1038] : memref<2x80xi32, #tpu.memory_space<vmem>> -> memref<1x80xi32, #tpu.memory_space<vmem>>
      %dma_wait3A_1040 = tpu.memref_squeeze %dma_wait3A_1039 : memref<1x80xi32, #tpu.memory_space<vmem>> -> memref<80xi32, #tpu.memory_space<vmem>>
      %dma_wait3A_1041 = arith.constant 0 : i32
      %dma_wait3A_1042 = arith.constant 0 : i32
      %dma_wait3A_1043 = tpu.memref_slice %arg2[%arg0, %dma_wait3A_1041, %dma_wait3A_1042] : memref<2x10000x128xf32, #tpu.memory_space<hbm>> -> memref<1x10000x128xf32, #tpu.memory_space<hbm>>
      %dma_wait3A_1044 = tpu.memref_squeeze %dma_wait3A_1043 : memref<1x10000x128xf32, #tpu.memory_space<hbm>> -> memref<10000x128xf32, #tpu.memory_space<hbm>>
      %dma_wait3A_1045 = arith.constant 0 : i32
      %dma_wait3A_1046 = arith.constant 0 : i32
      %dma_wait3A_1047 = tpu.memref_slice %dma_wait3A_1044[%dma_wait3A_1045, %dma_wait3A_1046] : memref<10000x128xf32, #tpu.memory_space<hbm>> -> memref<10000x128xf32, #tpu.memory_space<hbm>>
      tpu.wait_indirect_dma semaphore(%arg21 : memref<!tpu.dma_semaphore, #tpu.memory_space<semaphore_mem>>) src(%dma_wait3A_1047 : memref<10000x128xf32, #tpu.memory_space<hbm>>) dst(%arg8 : memref<80x128xf32, #tpu.memory_space<vmem>>)
      %dma_start3A_1048 = arith.constant 1 : i32
      %dma_start3A_1049 = arith.constant 0 : i32
      %dma_start3A_1050 = tpu.memref_slice %arg14[%dma_start3A_1048, %dma_start3A_1049] : memref<2x80xi32, #tpu.memory_space<vmem>> -> memref<1x80xi32, #tpu.memory_space<vmem>>
      %dma_start3A_1051 = tpu.memref_squeeze %dma_start3A_1050 : memref<1x80xi32, #tpu.memory_space<vmem>> -> memref<80xi32, #tpu.memory_space<vmem>>
      %dma_start3A_1052 = arith.constant 0 : i32
      %dma_start3A_1053 = arith.constant 0 : i32
      %dma_start3A_1054 = tpu.memref_slice %arg18[%dma_start3A_1052, %dma_start3A_1053] : memref<10000x128xf32, #tpu.memory_space<vmem_shared>> -> memref<10000x128xf32, #tpu.memory_space<vmem_shared>>
      tpu.enqueue_indirect_dma source(%arg8 : memref<80x128xf32, #tpu.memory_space<vmem>>) target(%dma_start3A_1054 : memref<10000x128xf32, #tpu.memory_space<vmem_shared>>) offsets(%dma_start3A_1051 : memref<80xi32, #tpu.memory_space<vmem>>) semaphore(%arg21 : memref<!tpu.dma_semaphore, #tpu.memory_space<semaphore_mem>>) {add = true}
      %add3A_1055 = arith.constant 3 : i32
      %add3A_1056 = arith.addi %mul3A_994, %add3A_1055 : i32
      %dma_wait3A_1057 = arith.constant 0 : i32
      %dma_wait3A_1058 = arith.constant 0 : i32
      %dma_wait3A_1059 = tpu.memref_slice %arg16[%dma_wait3A_1057, %dma_wait3A_1058] : memref<2x80xi32, #tpu.memory_space<vmem>> -> memref<1x80xi32, #tpu.memory_space<vmem>>
      %dma_wait3A_1060 = tpu.memref_squeeze %dma_wait3A_1059 : memref<1x80xi32, #tpu.memory_space<vmem>> -> memref<80xi32, #tpu.memory_space<vmem>>
      %dma_wait3A_1061 = arith.constant 0 : i32
      %dma_wait3A_1062 = arith.constant 0 : i32
      %dma_wait3A_1063 = tpu.memref_slice %arg2[%arg0, %dma_wait3A_1061, %dma_wait3A_1062] : memref<2x10000x128xf32, #tpu.memory_space<hbm>> -> memref<1x10000x128xf32, #tpu.memory_space<hbm>>
      %dma_wait3A_1064 = tpu.memref_squeeze %dma_wait3A_1063 : memref<1x10000x128xf32, #tpu.memory_space<hbm>> -> memref<10000x128xf32, #tpu.memory_space<hbm>>
      %dma_wait3A_1065 = arith.constant 0 : i32
      %dma_wait3A_1066 = arith.constant 0 : i32
      %dma_wait3A_1067 = tpu.memref_slice %dma_wait3A_1064[%dma_wait3A_1065, %dma_wait3A_1066] : memref<10000x128xf32, #tpu.memory_space<hbm>> -> memref<10000x128xf32, #tpu.memory_space<hbm>>
      tpu.wait_indirect_dma semaphore(%arg22 : memref<!tpu.dma_semaphore, #tpu.memory_space<semaphore_mem>>) src(%dma_wait3A_1067 : memref<10000x128xf32, #tpu.memory_space<hbm>>) dst(%arg9 : memref<80x128xf32, #tpu.memory_space<vmem>>)
      %dma_start3A_1068 = arith.constant 1 : i32
      %dma_start3A_1069 = arith.constant 0 : i32
      %dma_start3A_1070 = tpu.memref_slice %arg16[%dma_start3A_1068, %dma_start3A_1069] : memref<2x80xi32, #tpu.memory_space<vmem>> -> memref<1x80xi32, #tpu.memory_space<vmem>>
      %dma_start3A_1071 = tpu.memref_squeeze %dma_start3A_1070 : memref<1x80xi32, #tpu.memory_space<vmem>> -> memref<80xi32, #tpu.memory_space<vmem>>
      %dma_start3A_1072 = arith.constant 0 : i32
      %dma_start3A_1073 = arith.constant 0 : i32
      %dma_start3A_1074 = tpu.memref_slice %arg18[%dma_start3A_1072, %dma_start3A_1073] : memref<10000x128xf32, #tpu.memory_space<vmem_shared>> -> memref<10000x128xf32, #tpu.memory_space<vmem_shared>>
      tpu.enqueue_indirect_dma source(%arg9 : memref<80x128xf32, #tpu.memory_space<vmem>>) target(%dma_start3A_1074 : memref<10000x128xf32, #tpu.memory_space<vmem_shared>>) offsets(%dma_start3A_1071 : memref<80xi32, #tpu.memory_space<vmem>>) semaphore(%arg22 : memref<!tpu.dma_semaphore, #tpu.memory_space<semaphore_mem>>) {add = true}
      %dma_wait3A_1075 = arith.constant 1 : i32
      %dma_wait3A_1076 = arith.constant 0 : i32
      %dma_wait3A_1077 = tpu.memref_slice %arg10[%dma_wait3A_1075, %dma_wait3A_1076] : memref<2x80xi32, #tpu.memory_space<vmem>> -> memref<1x80xi32, #tpu.memory_space<vmem>>
      %dma_wait3A_1078 = tpu.memref_squeeze %dma_wait3A_1077 : memref<1x80xi32, #tpu.memory_space<vmem>> -> memref<80xi32, #tpu.memory_space<vmem>>
      %dma_wait3A_1079 = arith.constant 0 : i32
      %dma_wait3A_1080 = arith.constant 0 : i32
      %dma_wait3A_1081 = tpu.memref_slice %arg18[%dma_wait3A_1079, %dma_wait3A_1080] : memref<10000x128xf32, #tpu.memory_space<vmem_shared>> -> memref<10000x128xf32, #tpu.memory_space<vmem_shared>>
      tpu.wait_indirect_dma semaphore(%arg19 : memref<!tpu.dma_semaphore, #tpu.memory_space<semaphore_mem>>) src(%arg6 : memref<80x128xf32, #tpu.memory_space<vmem>>) dst(%dma_wait3A_1081 : memref<10000x128xf32, #tpu.memory_space<vmem_shared>>)
      %add3A_1082 = arith.constant 4 : i32
      %add3A_1083 = arith.addi %mul3A_994, %add3A_1082 : i32
      %add3A_1084 = arith.constant 0 : i32
      %add3A_1085 = arith.addi %add3A_1083, %add3A_1084 : i32
      %dma_wait3A_1086 = arith.constant 0 : i32
      %dma_wait3A_1087 = arith.constant 0 : i32
      %dma_wait3A_1088 = tpu.memref_slice %arg11[%dma_wait3A_1086, %dma_wait3A_1087] : memref<2x80xi32, #tpu.memory_space<vmem>> -> memref<1x80xi32, #tpu.memory_space<vmem>>
      %dma_wait3A_1089 = arith.constant 0 : i32
      %dma_wait3A_1090 = arith.constant 0 : i32
      %dma_wait3A_1091 = arith.constant 0 : i32
      %dma_wait3A_1092 = tpu.memref_slice %arg3[%arg1, %dma_wait3A_1089, %dma_wait3A_1090, %dma_wait3A_1091] : memref<16x125x1x80xi32, #tpu.memory_space<hbm>> -> memref<1x125x1x80xi32, #tpu.memory_space<hbm>>
      %dma_wait3A_1093 = tpu.memref_squeeze %dma_wait3A_1092 : memref<1x125x1x80xi32, #tpu.memory_space<hbm>> -> memref<125x1x80xi32, #tpu.memory_space<hbm>>
      %dma_wait3A_1094 = arith.constant 0 : i32
      %dma_wait3A_1095 = arith.constant 0 : i32
      %dma_wait3A_1096 = tpu.memref_slice %dma_wait3A_1093[%add3A_1085, %dma_wait3A_1094, %dma_wait3A_1095] : memref<125x1x80xi32, #tpu.memory_space<hbm>> -> memref<1x1x80xi32, #tpu.memory_space<hbm>>
      %dma_wait3A_1097 = tpu.memref_squeeze %dma_wait3A_1096 : memref<1x1x80xi32, #tpu.memory_space<hbm>> -> memref<1x80xi32, #tpu.memory_space<hbm>>
      %dma_wait3A_1098 = arith.constant 0 : i32
      %dma_wait3A_1099 = arith.constant 0 : i32
      %dma_wait3A_1100 = tpu.memref_slice %arg11[%dma_wait3A_1098, %dma_wait3A_1099] : memref<2x80xi32, #tpu.memory_space<vmem>> -> memref<1x80xi32, #tpu.memory_space<vmem>>
      %dma_wait3A_1101 = arith.constant 0 : i32
      %dma_wait3A_1102 = arith.constant 0 : i32
      %dma_wait3A_1103 = arith.constant 0 : i32
      %dma_wait3A_1104 = tpu.memref_slice %arg3[%arg1, %dma_wait3A_1101, %dma_wait3A_1102, %dma_wait3A_1103] : memref<16x125x1x80xi32, #tpu.memory_space<hbm>> -> memref<1x125x1x80xi32, #tpu.memory_space<hbm>>
      %dma_wait3A_1105 = tpu.memref_squeeze %dma_wait3A_1104 : memref<1x125x1x80xi32, #tpu.memory_space<hbm>> -> memref<125x1x80xi32, #tpu.memory_space<hbm>>
      %dma_wait3A_1106 = arith.constant 0 : i32
      %dma_wait3A_1107 = arith.constant 0 : i32
      %dma_wait3A_1108 = tpu.memref_slice %dma_wait3A_1105[%add3A_1085, %dma_wait3A_1106, %dma_wait3A_1107] : memref<125x1x80xi32, #tpu.memory_space<hbm>> -> memref<1x1x80xi32, #tpu.memory_space<hbm>>
      %dma_wait3A_1109 = tpu.memref_squeeze %dma_wait3A_1108 : memref<1x1x80xi32, #tpu.memory_space<hbm>> -> memref<1x80xi32, #tpu.memory_space<hbm>>
      tpu.wait_dma2 semaphore(%arg24 : memref<!tpu.dma_semaphore, #tpu.memory_space<semaphore_mem>>) src(%dma_wait3A_1109 : memref<1x80xi32, #tpu.memory_space<hbm>>) dst(%dma_wait3A_1100 : memref<1x80xi32, #tpu.memory_space<vmem>>)
      %dma_wait3A_1110 = arith.constant 1 : i32
      %dma_wait3A_1111 = arith.constant 0 : i32
      %dma_wait3A_1112 = tpu.memref_slice %arg11[%dma_wait3A_1110, %dma_wait3A_1111] : memref<2x80xi32, #tpu.memory_space<vmem>> -> memref<1x80xi32, #tpu.memory_space<vmem>>
      %dma_wait3A_1113 = arith.constant 0 : i32
      %dma_wait3A_1114 = arith.constant 0 : i32
      %dma_wait3A_1115 = arith.constant 0 : i32
      %dma_wait3A_1116 = tpu.memref_slice %arg4[%arg1, %dma_wait3A_1113, %dma_wait3A_1114, %dma_wait3A_1115] : memref<16x125x1x80xi32, #tpu.memory_space<hbm>> -> memref<1x125x1x80xi32, #tpu.memory_space<hbm>>
      %dma_wait3A_1117 = tpu.memref_squeeze %dma_wait3A_1116 : memref<1x125x1x80xi32, #tpu.memory_space<hbm>> -> memref<125x1x80xi32, #tpu.memory_space<hbm>>
      %dma_wait3A_1118 = arith.constant 0 : i32
      %dma_wait3A_1119 = arith.constant 0 : i32
      %dma_wait3A_1120 = tpu.memref_slice %dma_wait3A_1117[%add3A_1085, %dma_wait3A_1118, %dma_wait3A_1119] : memref<125x1x80xi32, #tpu.memory_space<hbm>> -> memref<1x1x80xi32, #tpu.memory_space<hbm>>
      %dma_wait3A_1121 = tpu.memref_squeeze %dma_wait3A_1120 : memref<1x1x80xi32, #tpu.memory_space<hbm>> -> memref<1x80xi32, #tpu.memory_space<hbm>>
      %dma_wait3A_1122 = arith.constant 1 : i32
      %dma_wait3A_1123 = arith.constant 0 : i32
      %dma_wait3A_1124 = tpu.memref_slice %arg11[%dma_wait3A_1122, %dma_wait3A_1123] : memref<2x80xi32, #tpu.memory_space<vmem>> -> memref<1x80xi32, #tpu.memory_space<vmem>>
      %dma_wait3A_1125 = arith.constant 0 : i32
      %dma_wait3A_1126 = arith.constant 0 : i32
      %dma_wait3A_1127 = arith.constant 0 : i32
      %dma_wait3A_1128 = tpu.memref_slice %arg4[%arg1, %dma_wait3A_1125, %dma_wait3A_1126, %dma_wait3A_1127] : memref<16x125x1x80xi32, #tpu.memory_space<hbm>> -> memref<1x125x1x80xi32, #tpu.memory_space<hbm>>
      %dma_wait3A_1129 = tpu.memref_squeeze %dma_wait3A_1128 : memref<1x125x1x80xi32, #tpu.memory_space<hbm>> -> memref<125x1x80xi32, #tpu.memory_space<hbm>>
      %dma_wait3A_1130 = arith.constant 0 : i32
      %dma_wait3A_1131 = arith.constant 0 : i32
      %dma_wait3A_1132 = tpu.memref_slice %dma_wait3A_1129[%add3A_1085, %dma_wait3A_1130, %dma_wait3A_1131] : memref<125x1x80xi32, #tpu.memory_space<hbm>> -> memref<1x1x80xi32, #tpu.memory_space<hbm>>
      %dma_wait3A_1133 = tpu.memref_squeeze %dma_wait3A_1132 : memref<1x1x80xi32, #tpu.memory_space<hbm>> -> memref<1x80xi32, #tpu.memory_space<hbm>>
      tpu.wait_dma2 semaphore(%arg24 : memref<!tpu.dma_semaphore, #tpu.memory_space<semaphore_mem>>) src(%dma_wait3A_1133 : memref<1x80xi32, #tpu.memory_space<hbm>>) dst(%dma_wait3A_1124 : memref<1x80xi32, #tpu.memory_space<vmem>>)
      %add3A_1134 = arith.constant 4 : i32
      %add3A_1135 = arith.addi %mul3A_994, %add3A_1134 : i32
      %add3A_1136 = arith.constant 0 : i32
      %add3A_1137 = arith.addi %add3A_1135, %add3A_1136 : i32
      %dma_start3A_1138 = arith.constant 0 : i32
      %dma_start3A_1139 = arith.constant 0 : i32
      %dma_start3A_1140 = tpu.memref_slice %arg11[%dma_start3A_1138, %dma_start3A_1139] : memref<2x80xi32, #tpu.memory_space<vmem>> -> memref<1x80xi32, #tpu.memory_space<vmem>>
      %dma_start3A_1141 = tpu.memref_squeeze %dma_start3A_1140 : memref<1x80xi32, #tpu.memory_space<vmem>> -> memref<80xi32, #tpu.memory_space<vmem>>
      %dma_start3A_1142 = arith.constant 0 : i32
      %dma_start3A_1143 = arith.constant 0 : i32
      %dma_start3A_1144 = tpu.memref_slice %arg2[%arg0, %dma_start3A_1142, %dma_start3A_1143] : memref<2x10000x128xf32, #tpu.memory_space<hbm>> -> memref<1x10000x128xf32, #tpu.memory_space<hbm>>
      %dma_start3A_1145 = tpu.memref_squeeze %dma_start3A_1144 : memref<1x10000x128xf32, #tpu.memory_space<hbm>> -> memref<10000x128xf32, #tpu.memory_space<hbm>>
      %dma_start3A_1146 = arith.constant 0 : i32
      %dma_start3A_1147 = arith.constant 0 : i32
      %dma_start3A_1148 = tpu.memref_slice %dma_start3A_1145[%dma_start3A_1146, %dma_start3A_1147] : memref<10000x128xf32, #tpu.memory_space<hbm>> -> memref<10000x128xf32, #tpu.memory_space<hbm>>
      tpu.enqueue_indirect_dma source(%dma_start3A_1148 : memref<10000x128xf32, #tpu.memory_space<hbm>>) target(%arg6 : memref<80x128xf32, #tpu.memory_space<vmem>>) offsets(%dma_start3A_1141 : memref<80xi32, #tpu.memory_space<vmem>>) semaphore(%arg19 : memref<!tpu.dma_semaphore, #tpu.memory_space<semaphore_mem>>)
      %add3A_1149 = arith.constant 8 : i32
      %add3A_1150 = arith.addi %mul3A_994, %add3A_1149 : i32
      %add3A_1151 = arith.constant 0 : i32
      %add3A_1152 = arith.addi %add3A_1150, %add3A_1151 : i32
      %min3A = arith.constant 124 : i32
      %min3A_1153 = arith.minsi %add3A_1152, %min3A : i32
      %dma_start3A_1154 = arith.constant 0 : i32
      %dma_start3A_1155 = arith.constant 0 : i32
      %dma_start3A_1156 = tpu.memref_slice %arg10[%dma_start3A_1154, %dma_start3A_1155] : memref<2x80xi32, #tpu.memory_space<vmem>> -> memref<1x80xi32, #tpu.memory_space<vmem>>
      %dma_start3A_1157 = arith.constant 0 : i32
      %dma_start3A_1158 = arith.constant 0 : i32
      %dma_start3A_1159 = arith.constant 0 : i32
      %dma_start3A_1160 = tpu.memref_slice %arg3[%arg1, %dma_start3A_1157, %dma_start3A_1158, %dma_start3A_1159] : memref<16x125x1x80xi32, #tpu.memory_space<hbm>> -> memref<1x125x1x80xi32, #tpu.memory_space<hbm>>
      %dma_start3A_1161 = tpu.memref_squeeze %dma_start3A_1160 : memref<1x125x1x80xi32, #tpu.memory_space<hbm>> -> memref<125x1x80xi32, #tpu.memory_space<hbm>>
      %dma_start3A_1162 = arith.constant 0 : i32
      %dma_start3A_1163 = arith.constant 0 : i32
      %dma_start3A_1164 = tpu.memref_slice %dma_start3A_1161[%min3A_1153, %dma_start3A_1162, %dma_start3A_1163] : memref<125x1x80xi32, #tpu.memory_space<hbm>> -> memref<1x1x80xi32, #tpu.memory_space<hbm>>
      %dma_start3A_1165 = tpu.memref_squeeze %dma_start3A_1164 : memref<1x1x80xi32, #tpu.memory_space<hbm>> -> memref<1x80xi32, #tpu.memory_space<hbm>>
      %dma_start3A_1166 = arith.constant 0 : i32
      %dma_start3A_1167 = arith.constant 0 : i32
      %dma_start3A_1168 = tpu.memref_slice %arg10[%dma_start3A_1166, %dma_start3A_1167] : memref<2x80xi32, #tpu.memory_space<vmem>> -> memref<1x80xi32, #tpu.memory_space<vmem>>
      %dma_start3A_1169 = arith.constant 0 : i32
      %dma_start3A_1170 = arith.constant 0 : i32
      %dma_start3A_1171 = arith.constant 0 : i32
      %dma_start3A_1172 = tpu.memref_slice %arg3[%arg1, %dma_start3A_1169, %dma_start3A_1170, %dma_start3A_1171] : memref<16x125x1x80xi32, #tpu.memory_space<hbm>> -> memref<1x125x1x80xi32, #tpu.memory_space<hbm>>
      %dma_start3A_1173 = tpu.memref_squeeze %dma_start3A_1172 : memref<1x125x1x80xi32, #tpu.memory_space<hbm>> -> memref<125x1x80xi32, #tpu.memory_space<hbm>>
      %dma_start3A_1174 = arith.constant 0 : i32
      %dma_start3A_1175 = arith.constant 0 : i32
      %dma_start3A_1176 = tpu.memref_slice %dma_start3A_1173[%min3A_1153, %dma_start3A_1174, %dma_start3A_1175] : memref<125x1x80xi32, #tpu.memory_space<hbm>> -> memref<1x1x80xi32, #tpu.memory_space<hbm>>
      %dma_start3A_1177 = tpu.memref_squeeze %dma_start3A_1176 : memref<1x1x80xi32, #tpu.memory_space<hbm>> -> memref<1x80xi32, #tpu.memory_space<hbm>>
      tpu.enqueue_dma source(%dma_start3A_1177 : memref<1x80xi32, #tpu.memory_space<hbm>>) target(%dma_start3A_1168 : memref<1x80xi32, #tpu.memory_space<vmem>>) target_semaphore(%arg23 : memref<!tpu.dma_semaphore, #tpu.memory_space<semaphore_mem>>)
      %dma_start3A_1178 = arith.constant 1 : i32
      %dma_start3A_1179 = arith.constant 0 : i32
      %dma_start3A_1180 = tpu.memref_slice %arg10[%dma_start3A_1178, %dma_start3A_1179] : memref<2x80xi32, #tpu.memory_space<vmem>> -> memref<1x80xi32, #tpu.memory_space<vmem>>
      %dma_start3A_1181 = arith.constant 0 : i32
      %dma_start3A_1182 = arith.constant 0 : i32
      %dma_start3A_1183 = arith.constant 0 : i32
      %dma_start3A_1184 = tpu.memref_slice %arg4[%arg1, %dma_start3A_1181, %dma_start3A_1182, %dma_start3A_1183] : memref<16x125x1x80xi32, #tpu.memory_space<hbm>> -> memref<1x125x1x80xi32, #tpu.memory_space<hbm>>
      %dma_start3A_1185 = tpu.memref_squeeze %dma_start3A_1184 : memref<1x125x1x80xi32, #tpu.memory_space<hbm>> -> memref<125x1x80xi32, #tpu.memory_space<hbm>>
      %dma_start3A_1186 = arith.constant 0 : i32
      %dma_start3A_1187 = arith.constant 0 : i32
      %dma_start3A_1188 = tpu.memref_slice %dma_start3A_1185[%min3A_1153, %dma_start3A_1186, %dma_start3A_1187] : memref<125x1x80xi32, #tpu.memory_space<hbm>> -> memref<1x1x80xi32, #tpu.memory_space<hbm>>
      %dma_start3A_1189 = tpu.memref_squeeze %dma_start3A_1188 : memref<1x1x80xi32, #tpu.memory_space<hbm>> -> memref<1x80xi32, #tpu.memory_space<hbm>>
      %dma_start3A_1190 = arith.constant 1 : i32
      %dma_start3A_1191 = arith.constant 0 : i32
      %dma_start3A_1192 = tpu.memref_slice %arg10[%dma_start3A_1190, %dma_start3A_1191] : memref<2x80xi32, #tpu.memory_space<vmem>> -> memref<1x80xi32, #tpu.memory_space<vmem>>
      %dma_start3A_1193 = arith.constant 0 : i32
      %dma_start3A_1194 = arith.constant 0 : i32
      %dma_start3A_1195 = arith.constant 0 : i32
      %dma_start3A_1196 = tpu.memref_slice %arg4[%arg1, %dma_start3A_1193, %dma_start3A_1194, %dma_start3A_1195] : memref<16x125x1x80xi32, #tpu.memory_space<hbm>> -> memref<1x125x1x80xi32, #tpu.memory_space<hbm>>
      %dma_start3A_1197 = tpu.memref_squeeze %dma_start3A_1196 : memref<1x125x1x80xi32, #tpu.memory_space<hbm>> -> memref<125x1x80xi32, #tpu.memory_space<hbm>>
      %dma_start3A_1198 = arith.constant 0 : i32
      %dma_start3A_1199 = arith.constant 0 : i32
      %dma_start3A_1200 = tpu.memref_slice %dma_start3A_1197[%min3A_1153, %dma_start3A_1198, %dma_start3A_1199] : memref<125x1x80xi32, #tpu.memory_space<hbm>> -> memref<1x1x80xi32, #tpu.memory_space<hbm>>
      %dma_start3A_1201 = tpu.memref_squeeze %dma_start3A_1200 : memref<1x1x80xi32, #tpu.memory_space<hbm>> -> memref<1x80xi32, #tpu.memory_space<hbm>>
      tpu.enqueue_dma source(%dma_start3A_1201 : memref<1x80xi32, #tpu.memory_space<hbm>>) target(%dma_start3A_1192 : memref<1x80xi32, #tpu.memory_space<vmem>>) target_semaphore(%arg23 : memref<!tpu.dma_semaphore, #tpu.memory_space<semaphore_mem>>)
      %dma_wait3A_1202 = arith.constant 1 : i32
      %dma_wait3A_1203 = arith.constant 0 : i32
      %dma_wait3A_1204 = tpu.memref_slice %arg12[%dma_wait3A_1202, %dma_wait3A_1203] : memref<2x80xi32, #tpu.memory_space<vmem>> -> memref<1x80xi32, #tpu.memory_space<vmem>>
      %dma_wait3A_1205 = tpu.memref_squeeze %dma_wait3A_1204 : memref<1x80xi32, #tpu.memory_space<vmem>> -> memref<80xi32, #tpu.memory_space<vmem>>
      %dma_wait3A_1206 = arith.constant 0 : i32
      %dma_wait3A_1207 = arith.constant 0 : i32
      %dma_wait3A_1208 = tpu.memref_slice %arg18[%dma_wait3A_1206, %dma_wait3A_1207] : memref<10000x128xf32, #tpu.memory_space<vmem_shared>> -> memref<10000x128xf32, #tpu.memory_space<vmem_shared>>
      tpu.wait_indirect_dma semaphore(%arg20 : memref<!tpu.dma_semaphore, #tpu.memory_space<semaphore_mem>>) src(%arg7 : memref<80x128xf32, #tpu.memory_space<vmem>>) dst(%dma_wait3A_1208 : memref<10000x128xf32, #tpu.memory_space<vmem_shared>>)
      %add3A_1209 = arith.constant 4 : i32
      %add3A_1210 = arith.addi %mul3A_994, %add3A_1209 : i32
      %add3A_1211 = arith.constant 1 : i32
      %add3A_1212 = arith.addi %add3A_1210, %add3A_1211 : i32
      %dma_wait3A_1213 = arith.constant 0 : i32
      %dma_wait3A_1214 = arith.constant 0 : i32
      %dma_wait3A_1215 = tpu.memref_slice %arg13[%dma_wait3A_1213, %dma_wait3A_1214] : memref<2x80xi32, #tpu.memory_space<vmem>> -> memref<1x80xi32, #tpu.memory_space<vmem>>
      %dma_wait3A_1216 = arith.constant 0 : i32
      %dma_wait3A_1217 = arith.constant 0 : i32
      %dma_wait3A_1218 = arith.constant 0 : i32
      %dma_wait3A_1219 = tpu.memref_slice %arg3[%arg1, %dma_wait3A_1216, %dma_wait3A_1217, %dma_wait3A_1218] : memref<16x125x1x80xi32, #tpu.memory_space<hbm>> -> memref<1x125x1x80xi32, #tpu.memory_space<hbm>>
      %dma_wait3A_1220 = tpu.memref_squeeze %dma_wait3A_1219 : memref<1x125x1x80xi32, #tpu.memory_space<hbm>> -> memref<125x1x80xi32, #tpu.memory_space<hbm>>
      %dma_wait3A_1221 = arith.constant 0 : i32
      %dma_wait3A_1222 = arith.constant 0 : i32
      %dma_wait3A_1223 = tpu.memref_slice %dma_wait3A_1220[%add3A_1212, %dma_wait3A_1221, %dma_wait3A_1222] : memref<125x1x80xi32, #tpu.memory_space<hbm>> -> memref<1x1x80xi32, #tpu.memory_space<hbm>>
      %dma_wait3A_1224 = tpu.memref_squeeze %dma_wait3A_1223 : memref<1x1x80xi32, #tpu.memory_space<hbm>> -> memref<1x80xi32, #tpu.memory_space<hbm>>
      %dma_wait3A_1225 = arith.constant 0 : i32
      %dma_wait3A_1226 = arith.constant 0 : i32
      %dma_wait3A_1227 = tpu.memref_slice %arg13[%dma_wait3A_1225, %dma_wait3A_1226] : memref<2x80xi32, #tpu.memory_space<vmem>> -> memref<1x80xi32, #tpu.memory_space<vmem>>
      %dma_wait3A_1228 = arith.constant 0 : i32
      %dma_wait3A_1229 = arith.constant 0 : i32
      %dma_wait3A_1230 = arith.constant 0 : i32
      %dma_wait3A_1231 = tpu.memref_slice %arg3[%arg1, %dma_wait3A_1228, %dma_wait3A_1229, %dma_wait3A_1230] : memref<16x125x1x80xi32, #tpu.memory_space<hbm>> -> memref<1x125x1x80xi32, #tpu.memory_space<hbm>>
      %dma_wait3A_1232 = tpu.memref_squeeze %dma_wait3A_1231 : memref<1x125x1x80xi32, #tpu.memory_space<hbm>> -> memref<125x1x80xi32, #tpu.memory_space<hbm>>
      %dma_wait3A_1233 = arith.constant 0 : i32
      %dma_wait3A_1234 = arith.constant 0 : i32
      %dma_wait3A_1235 = tpu.memref_slice %dma_wait3A_1232[%add3A_1212, %dma_wait3A_1233, %dma_wait3A_1234] : memref<125x1x80xi32, #tpu.memory_space<hbm>> -> memref<1x1x80xi32, #tpu.memory_space<hbm>>
      %dma_wait3A_1236 = tpu.memref_squeeze %dma_wait3A_1235 : memref<1x1x80xi32, #tpu.memory_space<hbm>> -> memref<1x80xi32, #tpu.memory_space<hbm>>
      tpu.wait_dma2 semaphore(%arg26 : memref<!tpu.dma_semaphore, #tpu.memory_space<semaphore_mem>>) src(%dma_wait3A_1236 : memref<1x80xi32, #tpu.memory_space<hbm>>) dst(%dma_wait3A_1227 : memref<1x80xi32, #tpu.memory_space<vmem>>)
      %dma_wait3A_1237 = arith.constant 1 : i32
      %dma_wait3A_1238 = arith.constant 0 : i32
      %dma_wait3A_1239 = tpu.memref_slice %arg13[%dma_wait3A_1237, %dma_wait3A_1238] : memref<2x80xi32, #tpu.memory_space<vmem>> -> memref<1x80xi32, #tpu.memory_space<vmem>>
      %dma_wait3A_1240 = arith.constant 0 : i32
      %dma_wait3A_1241 = arith.constant 0 : i32
      %dma_wait3A_1242 = arith.constant 0 : i32
      %dma_wait3A_1243 = tpu.memref_slice %arg4[%arg1, %dma_wait3A_1240, %dma_wait3A_1241, %dma_wait3A_1242] : memref<16x125x1x80xi32, #tpu.memory_space<hbm>> -> memref<1x125x1x80xi32, #tpu.memory_space<hbm>>
      %dma_wait3A_1244 = tpu.memref_squeeze %dma_wait3A_1243 : memref<1x125x1x80xi32, #tpu.memory_space<hbm>> -> memref<125x1x80xi32, #tpu.memory_space<hbm>>
      %dma_wait3A_1245 = arith.constant 0 : i32
      %dma_wait3A_1246 = arith.constant 0 : i32
      %dma_wait3A_1247 = tpu.memref_slice %dma_wait3A_1244[%add3A_1212, %dma_wait3A_1245, %dma_wait3A_1246] : memref<125x1x80xi32, #tpu.memory_space<hbm>> -> memref<1x1x80xi32, #tpu.memory_space<hbm>>
      %dma_wait3A_1248 = tpu.memref_squeeze %dma_wait3A_1247 : memref<1x1x80xi32, #tpu.memory_space<hbm>> -> memref<1x80xi32, #tpu.memory_space<hbm>>
      %dma_wait3A_1249 = arith.constant 1 : i32
      %dma_wait3A_1250 = arith.constant 0 : i32
      %dma_wait3A_1251 = tpu.memref_slice %arg13[%dma_wait3A_1249, %dma_wait3A_1250] : memref<2x80xi32, #tpu.memory_space<vmem>> -> memref<1x80xi32, #tpu.memory_space<vmem>>
      %dma_wait3A_1252 = arith.constant 0 : i32
      %dma_wait3A_1253 = arith.constant 0 : i32
      %dma_wait3A_1254 = arith.constant 0 : i32
      %dma_wait3A_1255 = tpu.memref_slice %arg4[%arg1, %dma_wait3A_1252, %dma_wait3A_1253, %dma_wait3A_1254] : memref<16x125x1x80xi32, #tpu.memory_space<hbm>> -> memref<1x125x1x80xi32, #tpu.memory_space<hbm>>
      %dma_wait3A_1256 = tpu.memref_squeeze %dma_wait3A_1255 : memref<1x125x1x80xi32, #tpu.memory_space<hbm>> -> memref<125x1x80xi32, #tpu.memory_space<hbm>>
      %dma_wait3A_1257 = arith.constant 0 : i32
      %dma_wait3A_1258 = arith.constant 0 : i32
      %dma_wait3A_1259 = tpu.memref_slice %dma_wait3A_1256[%add3A_1212, %dma_wait3A_1257, %dma_wait3A_1258] : memref<125x1x80xi32, #tpu.memory_space<hbm>> -> memref<1x1x80xi32, #tpu.memory_space<hbm>>
      %dma_wait3A_1260 = tpu.memref_squeeze %dma_wait3A_1259 : memref<1x1x80xi32, #tpu.memory_space<hbm>> -> memref<1x80xi32, #tpu.memory_space<hbm>>
      tpu.wait_dma2 semaphore(%arg26 : memref<!tpu.dma_semaphore, #tpu.memory_space<semaphore_mem>>) src(%dma_wait3A_1260 : memref<1x80xi32, #tpu.memory_space<hbm>>) dst(%dma_wait3A_1251 : memref<1x80xi32, #tpu.memory_space<vmem>>)
      %add3A_1261 = arith.constant 4 : i32
      %add3A_1262 = arith.addi %mul3A_994, %add3A_1261 : i32
      %add3A_1263 = arith.constant 1 : i32
      %add3A_1264 = arith.addi %add3A_1262, %add3A_1263 : i32
      %dma_start3A_1265 = arith.constant 0 : i32
      %dma_start3A_1266 = arith.constant 0 : i32
      %dma_start3A_1267 = tpu.memref_slice %arg13[%dma_start3A_1265, %dma_start3A_1266] : memref<2x80xi32, #tpu.memory_space<vmem>> -> memref<1x80xi32, #tpu.memory_space<vmem>>
      %dma_start3A_1268 = tpu.memref_squeeze %dma_start3A_1267 : memref<1x80xi32, #tpu.memory_space<vmem>> -> memref<80xi32, #tpu.memory_space<vmem>>
      %dma_start3A_1269 = arith.constant 0 : i32
      %dma_start3A_1270 = arith.constant 0 : i32
      %dma_start3A_1271 = tpu.memref_slice %arg2[%arg0, %dma_start3A_1269, %dma_start3A_1270] : memref<2x10000x128xf32, #tpu.memory_space<hbm>> -> memref<1x10000x128xf32, #tpu.memory_space<hbm>>
      %dma_start3A_1272 = tpu.memref_squeeze %dma_start3A_1271 : memref<1x10000x128xf32, #tpu.memory_space<hbm>> -> memref<10000x128xf32, #tpu.memory_space<hbm>>
      %dma_start3A_1273 = arith.constant 0 : i32
      %dma_start3A_1274 = arith.constant 0 : i32
      %dma_start3A_1275 = tpu.memref_slice %dma_start3A_1272[%dma_start3A_1273, %dma_start3A_1274] : memref<10000x128xf32, #tpu.memory_space<hbm>> -> memref<10000x128xf32, #tpu.memory_space<hbm>>
      tpu.enqueue_indirect_dma source(%dma_start3A_1275 : memref<10000x128xf32, #tpu.memory_space<hbm>>) target(%arg7 : memref<80x128xf32, #tpu.memory_space<vmem>>) offsets(%dma_start3A_1268 : memref<80xi32, #tpu.memory_space<vmem>>) semaphore(%arg20 : memref<!tpu.dma_semaphore, #tpu.memory_space<semaphore_mem>>)
      %add3A_1276 = arith.constant 8 : i32
      %add3A_1277 = arith.addi %mul3A_994, %add3A_1276 : i32
      %add3A_1278 = arith.constant 1 : i32
      %add3A_1279 = arith.addi %add3A_1277, %add3A_1278 : i32
      %min3A_1280 = arith.constant 124 : i32
      %min3A_1281 = arith.minsi %add3A_1279, %min3A_1280 : i32
      %dma_start3A_1282 = arith.constant 0 : i32
      %dma_start3A_1283 = arith.constant 0 : i32
      %dma_start3A_1284 = tpu.memref_slice %arg12[%dma_start3A_1282, %dma_start3A_1283] : memref<2x80xi32, #tpu.memory_space<vmem>> -> memref<1x80xi32, #tpu.memory_space<vmem>>
      %dma_start3A_1285 = arith.constant 0 : i32
      %dma_start3A_1286 = arith.constant 0 : i32
      %dma_start3A_1287 = arith.constant 0 : i32
      %dma_start3A_1288 = tpu.memref_slice %arg3[%arg1, %dma_start3A_1285, %dma_start3A_1286, %dma_start3A_1287] : memref<16x125x1x80xi32, #tpu.memory_space<hbm>> -> memref<1x125x1x80xi32, #tpu.memory_space<hbm>>
      %dma_start3A_1289 = tpu.memref_squeeze %dma_start3A_1288 : memref<1x125x1x80xi32, #tpu.memory_space<hbm>> -> memref<125x1x80xi32, #tpu.memory_space<hbm>>
      %dma_start3A_1290 = arith.constant 0 : i32
      %dma_start3A_1291 = arith.constant 0 : i32
      %dma_start3A_1292 = tpu.memref_slice %dma_start3A_1289[%min3A_1281, %dma_start3A_1290, %dma_start3A_1291] : memref<125x1x80xi32, #tpu.memory_space<hbm>> -> memref<1x1x80xi32, #tpu.memory_space<hbm>>
      %dma_start3A_1293 = tpu.memref_squeeze %dma_start3A_1292 : memref<1x1x80xi32, #tpu.memory_space<hbm>> -> memref<1x80xi32, #tpu.memory_space<hbm>>
      %dma_start3A_1294 = arith.constant 0 : i32
      %dma_start3A_1295 = arith.constant 0 : i32
      %dma_start3A_1296 = tpu.memref_slice %arg12[%dma_start3A_1294, %dma_start3A_1295] : memref<2x80xi32, #tpu.memory_space<vmem>> -> memref<1x80xi32, #tpu.memory_space<vmem>>
      %dma_start3A_1297 = arith.constant 0 : i32
      %dma_start3A_1298 = arith.constant 0 : i32
      %dma_start3A_1299 = arith.constant 0 : i32
      %dma_start3A_1300 = tpu.memref_slice %arg3[%arg1, %dma_start3A_1297, %dma_start3A_1298, %dma_start3A_1299] : memref<16x125x1x80xi32, #tpu.memory_space<hbm>> -> memref<1x125x1x80xi32, #tpu.memory_space<hbm>>
      %dma_start3A_1301 = tpu.memref_squeeze %dma_start3A_1300 : memref<1x125x1x80xi32, #tpu.memory_space<hbm>> -> memref<125x1x80xi32, #tpu.memory_space<hbm>>
      %dma_start3A_1302 = arith.constant 0 : i32
      %dma_start3A_1303 = arith.constant 0 : i32
      %dma_start3A_1304 = tpu.memref_slice %dma_start3A_1301[%min3A_1281, %dma_start3A_1302, %dma_start3A_1303] : memref<125x1x80xi32, #tpu.memory_space<hbm>> -> memref<1x1x80xi32, #tpu.memory_space<hbm>>
      %dma_start3A_1305 = tpu.memref_squeeze %dma_start3A_1304 : memref<1x1x80xi32, #tpu.memory_space<hbm>> -> memref<1x80xi32, #tpu.memory_space<hbm>>
      tpu.enqueue_dma source(%dma_start3A_1305 : memref<1x80xi32, #tpu.memory_space<hbm>>) target(%dma_start3A_1296 : memref<1x80xi32, #tpu.memory_space<vmem>>) target_semaphore(%arg25 : memref<!tpu.dma_semaphore, #tpu.memory_space<semaphore_mem>>)
      %dma_start3A_1306 = arith.constant 1 : i32
      %dma_start3A_1307 = arith.constant 0 : i32
      %dma_start3A_1308 = tpu.memref_slice %arg12[%dma_start3A_1306, %dma_start3A_1307] : memref<2x80xi32, #tpu.memory_space<vmem>> -> memref<1x80xi32, #tpu.memory_space<vmem>>
      %dma_start3A_1309 = arith.constant 0 : i32
      %dma_start3A_1310 = arith.constant 0 : i32
      %dma_start3A_1311 = arith.constant 0 : i32
      %dma_start3A_1312 = tpu.memref_slice %arg4[%arg1, %dma_start3A_1309, %dma_start3A_1310, %dma_start3A_1311] : memref<16x125x1x80xi32, #tpu.memory_space<hbm>> -> memref<1x125x1x80xi32, #tpu.memory_space<hbm>>
      %dma_start3A_1313 = tpu.memref_squeeze %dma_start3A_1312 : memref<1x125x1x80xi32, #tpu.memory_space<hbm>> -> memref<125x1x80xi32, #tpu.memory_space<hbm>>
      %dma_start3A_1314 = arith.constant 0 : i32
      %dma_start3A_1315 = arith.constant 0 : i32
      %dma_start3A_1316 = tpu.memref_slice %dma_start3A_1313[%min3A_1281, %dma_start3A_1314, %dma_start3A_1315] : memref<125x1x80xi32, #tpu.memory_space<hbm>> -> memref<1x1x80xi32, #tpu.memory_space<hbm>>
      %dma_start3A_1317 = tpu.memref_squeeze %dma_start3A_1316 : memref<1x1x80xi32, #tpu.memory_space<hbm>> -> memref<1x80xi32, #tpu.memory_space<hbm>>
      %dma_start3A_1318 = arith.constant 1 : i32
      %dma_start3A_1319 = arith.constant 0 : i32
      %dma_start3A_1320 = tpu.memref_slice %arg12[%dma_start3A_1318, %dma_start3A_1319] : memref<2x80xi32, #tpu.memory_space<vmem>> -> memref<1x80xi32, #tpu.memory_space<vmem>>
      %dma_start3A_1321 = arith.constant 0 : i32
      %dma_start3A_1322 = arith.constant 0 : i32
      %dma_start3A_1323 = arith.constant 0 : i32
      %dma_start3A_1324 = tpu.memref_slice %arg4[%arg1, %dma_start3A_1321, %dma_start3A_1322, %dma_start3A_1323] : memref<16x125x1x80xi32, #tpu.memory_space<hbm>> -> memref<1x125x1x80xi32, #tpu.memory_space<hbm>>
      %dma_start3A_1325 = tpu.memref_squeeze %dma_start3A_1324 : memref<1x125x1x80xi32, #tpu.memory_space<hbm>> -> memref<125x1x80xi32, #tpu.memory_space<hbm>>
      %dma_start3A_1326 = arith.constant 0 : i32
      %dma_start3A_1327 = arith.constant 0 : i32
      %dma_start3A_1328 = tpu.memref_slice %dma_start3A_1325[%min3A_1281, %dma_start3A_1326, %dma_start3A_1327] : memref<125x1x80xi32, #tpu.memory_space<hbm>> -> memref<1x1x80xi32, #tpu.memory_space<hbm>>
      %dma_start3A_1329 = tpu.memref_squeeze %dma_start3A_1328 : memref<1x1x80xi32, #tpu.memory_space<hbm>> -> memref<1x80xi32, #tpu.memory_space<hbm>>
      tpu.enqueue_dma source(%dma_start3A_1329 : memref<1x80xi32, #tpu.memory_space<hbm>>) target(%dma_start3A_1320 : memref<1x80xi32, #tpu.memory_space<vmem>>) target_semaphore(%arg25 : memref<!tpu.dma_semaphore, #tpu.memory_space<semaphore_mem>>)
      %dma_wait3A_1330 = arith.constant 1 : i32
      %dma_wait3A_1331 = arith.constant 0 : i32
      %dma_wait3A_1332 = tpu.memref_slice %arg14[%dma_wait3A_1330, %dma_wait3A_1331] : memref<2x80xi32, #tpu.memory_space<vmem>> -> memref<1x80xi32, #tpu.memory_space<vmem>>
      %dma_wait3A_1333 = tpu.memref_squeeze %dma_wait3A_1332 : memref<1x80xi32, #tpu.memory_space<vmem>> -> memref<80xi32, #tpu.memory_space<vmem>>
      %dma_wait3A_1334 = arith.constant 0 : i32
      %dma_wait3A_1335 = arith.constant 0 : i32
      %dma_wait3A_1336 = tpu.memref_slice %arg18[%dma_wait3A_1334, %dma_wait3A_1335] : memref<10000x128xf32, #tpu.memory_space<vmem_shared>> -> memref<10000x128xf32, #tpu.memory_space<vmem_shared>>
      tpu.wait_indirect_dma semaphore(%arg21 : memref<!tpu.dma_semaphore, #tpu.memory_space<semaphore_mem>>) src(%arg8 : memref<80x128xf32, #tpu.memory_space<vmem>>) dst(%dma_wait3A_1336 : memref<10000x128xf32, #tpu.memory_space<vmem_shared>>)
      %add3A_1337 = arith.constant 4 : i32
      %add3A_1338 = arith.addi %mul3A_994, %add3A_1337 : i32
      %add3A_1339 = arith.constant 2 : i32
      %add3A_1340 = arith.addi %add3A_1338, %add3A_1339 : i32
      %dma_wait3A_1341 = arith.constant 0 : i32
      %dma_wait3A_1342 = arith.constant 0 : i32
      %dma_wait3A_1343 = tpu.memref_slice %arg15[%dma_wait3A_1341, %dma_wait3A_1342] : memref<2x80xi32, #tpu.memory_space<vmem>> -> memref<1x80xi32, #tpu.memory_space<vmem>>
      %dma_wait3A_1344 = arith.constant 0 : i32
      %dma_wait3A_1345 = arith.constant 0 : i32
      %dma_wait3A_1346 = arith.constant 0 : i32
      %dma_wait3A_1347 = tpu.memref_slice %arg3[%arg1, %dma_wait3A_1344, %dma_wait3A_1345, %dma_wait3A_1346] : memref<16x125x1x80xi32, #tpu.memory_space<hbm>> -> memref<1x125x1x80xi32, #tpu.memory_space<hbm>>
      %dma_wait3A_1348 = tpu.memref_squeeze %dma_wait3A_1347 : memref<1x125x1x80xi32, #tpu.memory_space<hbm>> -> memref<125x1x80xi32, #tpu.memory_space<hbm>>
      %dma_wait3A_1349 = arith.constant 0 : i32
      %dma_wait3A_1350 = arith.constant 0 : i32
      %dma_wait3A_1351 = tpu.memref_slice %dma_wait3A_1348[%add3A_1340, %dma_wait3A_1349, %dma_wait3A_1350] : memref<125x1x80xi32, #tpu.memory_space<hbm>> -> memref<1x1x80xi32, #tpu.memory_space<hbm>>
      %dma_wait3A_1352 = tpu.memref_squeeze %dma_wait3A_1351 : memref<1x1x80xi32, #tpu.memory_space<hbm>> -> memref<1x80xi32, #tpu.memory_space<hbm>>
      %dma_wait3A_1353 = arith.constant 0 : i32
      %dma_wait3A_1354 = arith.constant 0 : i32
      %dma_wait3A_1355 = tpu.memref_slice %arg15[%dma_wait3A_1353, %dma_wait3A_1354] : memref<2x80xi32, #tpu.memory_space<vmem>> -> memref<1x80xi32, #tpu.memory_space<vmem>>
      %dma_wait3A_1356 = arith.constant 0 : i32
      %dma_wait3A_1357 = arith.constant 0 : i32
      %dma_wait3A_1358 = arith.constant 0 : i32
      %dma_wait3A_1359 = tpu.memref_slice %arg3[%arg1, %dma_wait3A_1356, %dma_wait3A_1357, %dma_wait3A_1358] : memref<16x125x1x80xi32, #tpu.memory_space<hbm>> -> memref<1x125x1x80xi32, #tpu.memory_space<hbm>>
      %dma_wait3A_1360 = tpu.memref_squeeze %dma_wait3A_1359 : memref<1x125x1x80xi32, #tpu.memory_space<hbm>> -> memref<125x1x80xi32, #tpu.memory_space<hbm>>
      %dma_wait3A_1361 = arith.constant 0 : i32
      %dma_wait3A_1362 = arith.constant 0 : i32
      %dma_wait3A_1363 = tpu.memref_slice %dma_wait3A_1360[%add3A_1340, %dma_wait3A_1361, %dma_wait3A_1362] : memref<125x1x80xi32, #tpu.memory_space<hbm>> -> memref<1x1x80xi32, #tpu.memory_space<hbm>>
      %dma_wait3A_1364 = tpu.memref_squeeze %dma_wait3A_1363 : memref<1x1x80xi32, #tpu.memory_space<hbm>> -> memref<1x80xi32, #tpu.memory_space<hbm>>
      tpu.wait_dma2 semaphore(%arg28 : memref<!tpu.dma_semaphore, #tpu.memory_space<semaphore_mem>>) src(%dma_wait3A_1364 : memref<1x80xi32, #tpu.memory_space<hbm>>) dst(%dma_wait3A_1355 : memref<1x80xi32, #tpu.memory_space<vmem>>)
      %dma_wait3A_1365 = arith.constant 1 : i32
      %dma_wait3A_1366 = arith.constant 0 : i32
      %dma_wait3A_1367 = tpu.memref_slice %arg15[%dma_wait3A_1365, %dma_wait3A_1366] : memref<2x80xi32, #tpu.memory_space<vmem>> -> memref<1x80xi32, #tpu.memory_space<vmem>>
      %dma_wait3A_1368 = arith.constant 0 : i32
      %dma_wait3A_1369 = arith.constant 0 : i32
      %dma_wait3A_1370 = arith.constant 0 : i32
      %dma_wait3A_1371 = tpu.memref_slice %arg4[%arg1, %dma_wait3A_1368, %dma_wait3A_1369, %dma_wait3A_1370] : memref<16x125x1x80xi32, #tpu.memory_space<hbm>> -> memref<1x125x1x80xi32, #tpu.memory_space<hbm>>
      %dma_wait3A_1372 = tpu.memref_squeeze %dma_wait3A_1371 : memref<1x125x1x80xi32, #tpu.memory_space<hbm>> -> memref<125x1x80xi32, #tpu.memory_space<hbm>>
      %dma_wait3A_1373 = arith.constant 0 : i32
      %dma_wait3A_1374 = arith.constant 0 : i32
      %dma_wait3A_1375 = tpu.memref_slice %dma_wait3A_1372[%add3A_1340, %dma_wait3A_1373, %dma_wait3A_1374] : memref<125x1x80xi32, #tpu.memory_space<hbm>> -> memref<1x1x80xi32, #tpu.memory_space<hbm>>
      %dma_wait3A_1376 = tpu.memref_squeeze %dma_wait3A_1375 : memref<1x1x80xi32, #tpu.memory_space<hbm>> -> memref<1x80xi32, #tpu.memory_space<hbm>>
      %dma_wait3A_1377 = arith.constant 1 : i32
      %dma_wait3A_1378 = arith.constant 0 : i32
      %dma_wait3A_1379 = tpu.memref_slice %arg15[%dma_wait3A_1377, %dma_wait3A_1378] : memref<2x80xi32, #tpu.memory_space<vmem>> -> memref<1x80xi32, #tpu.memory_space<vmem>>
      %dma_wait3A_1380 = arith.constant 0 : i32
      %dma_wait3A_1381 = arith.constant 0 : i32
      %dma_wait3A_1382 = arith.constant 0 : i32
      %dma_wait3A_1383 = tpu.memref_slice %arg4[%arg1, %dma_wait3A_1380, %dma_wait3A_1381, %dma_wait3A_1382] : memref<16x125x1x80xi32, #tpu.memory_space<hbm>> -> memref<1x125x1x80xi32, #tpu.memory_space<hbm>>
      %dma_wait3A_1384 = tpu.memref_squeeze %dma_wait3A_1383 : memref<1x125x1x80xi32, #tpu.memory_space<hbm>> -> memref<125x1x80xi32, #tpu.memory_space<hbm>>
      %dma_wait3A_1385 = arith.constant 0 : i32
      %dma_wait3A_1386 = arith.constant 0 : i32
      %dma_wait3A_1387 = tpu.memref_slice %dma_wait3A_1384[%add3A_1340, %dma_wait3A_1385, %dma_wait3A_1386] : memref<125x1x80xi32, #tpu.memory_space<hbm>> -> memref<1x1x80xi32, #tpu.memory_space<hbm>>
      %dma_wait3A_1388 = tpu.memref_squeeze %dma_wait3A_1387 : memref<1x1x80xi32, #tpu.memory_space<hbm>> -> memref<1x80xi32, #tpu.memory_space<hbm>>
      tpu.wait_dma2 semaphore(%arg28 : memref<!tpu.dma_semaphore, #tpu.memory_space<semaphore_mem>>) src(%dma_wait3A_1388 : memref<1x80xi32, #tpu.memory_space<hbm>>) dst(%dma_wait3A_1379 : memref<1x80xi32, #tpu.memory_space<vmem>>)
      %add3A_1389 = arith.constant 4 : i32
      %add3A_1390 = arith.addi %mul3A_994, %add3A_1389 : i32
      %add3A_1391 = arith.constant 2 : i32
      %add3A_1392 = arith.addi %add3A_1390, %add3A_1391 : i32
      %dma_start3A_1393 = arith.constant 0 : i32
      %dma_start3A_1394 = arith.constant 0 : i32
      %dma_start3A_1395 = tpu.memref_slice %arg15[%dma_start3A_1393, %dma_start3A_1394] : memref<2x80xi32, #tpu.memory_space<vmem>> -> memref<1x80xi32, #tpu.memory_space<vmem>>
      %dma_start3A_1396 = tpu.memref_squeeze %dma_start3A_1395 : memref<1x80xi32, #tpu.memory_space<vmem>> -> memref<80xi32, #tpu.memory_space<vmem>>
      %dma_start3A_1397 = arith.constant 0 : i32
      %dma_start3A_1398 = arith.constant 0 : i32
      %dma_start3A_1399 = tpu.memref_slice %arg2[%arg0, %dma_start3A_1397, %dma_start3A_1398] : memref<2x10000x128xf32, #tpu.memory_space<hbm>> -> memref<1x10000x128xf32, #tpu.memory_space<hbm>>
      %dma_start3A_1400 = tpu.memref_squeeze %dma_start3A_1399 : memref<1x10000x128xf32, #tpu.memory_space<hbm>> -> memref<10000x128xf32, #tpu.memory_space<hbm>>
      %dma_start3A_1401 = arith.constant 0 : i32
      %dma_start3A_1402 = arith.constant 0 : i32
      %dma_start3A_1403 = tpu.memref_slice %dma_start3A_1400[%dma_start3A_1401, %dma_start3A_1402] : memref<10000x128xf32, #tpu.memory_space<hbm>> -> memref<10000x128xf32, #tpu.memory_space<hbm>>
      tpu.enqueue_indirect_dma source(%dma_start3A_1403 : memref<10000x128xf32, #tpu.memory_space<hbm>>) target(%arg8 : memref<80x128xf32, #tpu.memory_space<vmem>>) offsets(%dma_start3A_1396 : memref<80xi32, #tpu.memory_space<vmem>>) semaphore(%arg21 : memref<!tpu.dma_semaphore, #tpu.memory_space<semaphore_mem>>)
      %add3A_1404 = arith.constant 8 : i32
      %add3A_1405 = arith.addi %mul3A_994, %add3A_1404 : i32
      %add3A_1406 = arith.constant 2 : i32
      %add3A_1407 = arith.addi %add3A_1405, %add3A_1406 : i32
      %min3A_1408 = arith.constant 124 : i32
      %min3A_1409 = arith.minsi %add3A_1407, %min3A_1408 : i32
      %dma_start3A_1410 = arith.constant 0 : i32
      %dma_start3A_1411 = arith.constant 0 : i32
      %dma_start3A_1412 = tpu.memref_slice %arg14[%dma_start3A_1410, %dma_start3A_1411] : memref<2x80xi32, #tpu.memory_space<vmem>> -> memref<1x80xi32, #tpu.memory_space<vmem>>
      %dma_start3A_1413 = arith.constant 0 : i32
      %dma_start3A_1414 = arith.constant 0 : i32
      %dma_start3A_1415 = arith.constant 0 : i32
      %dma_start3A_1416 = tpu.memref_slice %arg3[%arg1, %dma_start3A_1413, %dma_start3A_1414, %dma_start3A_1415] : memref<16x125x1x80xi32, #tpu.memory_space<hbm>> -> memref<1x125x1x80xi32, #tpu.memory_space<hbm>>
      %dma_start3A_1417 = tpu.memref_squeeze %dma_start3A_1416 : memref<1x125x1x80xi32, #tpu.memory_space<hbm>> -> memref<125x1x80xi32, #tpu.memory_space<hbm>>
      %dma_start3A_1418 = arith.constant 0 : i32
      %dma_start3A_1419 = arith.constant 0 : i32
      %dma_start3A_1420 = tpu.memref_slice %dma_start3A_1417[%min3A_1409, %dma_start3A_1418, %dma_start3A_1419] : memref<125x1x80xi32, #tpu.memory_space<hbm>> -> memref<1x1x80xi32, #tpu.memory_space<hbm>>
      %dma_start3A_1421 = tpu.memref_squeeze %dma_start3A_1420 : memref<1x1x80xi32, #tpu.memory_space<hbm>> -> memref<1x80xi32, #tpu.memory_space<hbm>>
      %dma_start3A_1422 = arith.constant 0 : i32
      %dma_start3A_1423 = arith.constant 0 : i32
      %dma_start3A_1424 = tpu.memref_slice %arg14[%dma_start3A_1422, %dma_start3A_1423] : memref<2x80xi32, #tpu.memory_space<vmem>> -> memref<1x80xi32, #tpu.memory_space<vmem>>
      %dma_start3A_1425 = arith.constant 0 : i32
      %dma_start3A_1426 = arith.constant 0 : i32
      %dma_start3A_1427 = arith.constant 0 : i32
      %dma_start3A_1428 = tpu.memref_slice %arg3[%arg1, %dma_start3A_1425, %dma_start3A_1426, %dma_start3A_1427] : memref<16x125x1x80xi32, #tpu.memory_space<hbm>> -> memref<1x125x1x80xi32, #tpu.memory_space<hbm>>
      %dma_start3A_1429 = tpu.memref_squeeze %dma_start3A_1428 : memref<1x125x1x80xi32, #tpu.memory_space<hbm>> -> memref<125x1x80xi32, #tpu.memory_space<hbm>>
      %dma_start3A_1430 = arith.constant 0 : i32
      %dma_start3A_1431 = arith.constant 0 : i32
      %dma_start3A_1432 = tpu.memref_slice %dma_start3A_1429[%min3A_1409, %dma_start3A_1430, %dma_start3A_1431] : memref<125x1x80xi32, #tpu.memory_space<hbm>> -> memref<1x1x80xi32, #tpu.memory_space<hbm>>
      %dma_start3A_1433 = tpu.memref_squeeze %dma_start3A_1432 : memref<1x1x80xi32, #tpu.memory_space<hbm>> -> memref<1x80xi32, #tpu.memory_space<hbm>>
      tpu.enqueue_dma source(%dma_start3A_1433 : memref<1x80xi32, #tpu.memory_space<hbm>>) target(%dma_start3A_1424 : memref<1x80xi32, #tpu.memory_space<vmem>>) target_semaphore(%arg27 : memref<!tpu.dma_semaphore, #tpu.memory_space<semaphore_mem>>)
      %dma_start3A_1434 = arith.constant 1 : i32
      %dma_start3A_1435 = arith.constant 0 : i32
      %dma_start3A_1436 = tpu.memref_slice %arg14[%dma_start3A_1434, %dma_start3A_1435] : memref<2x80xi32, #tpu.memory_space<vmem>> -> memref<1x80xi32, #tpu.memory_space<vmem>>
      %dma_start3A_1437 = arith.constant 0 : i32
      %dma_start3A_1438 = arith.constant 0 : i32
      %dma_start3A_1439 = arith.constant 0 : i32
      %dma_start3A_1440 = tpu.memref_slice %arg4[%arg1, %dma_start3A_1437, %dma_start3A_1438, %dma_start3A_1439] : memref<16x125x1x80xi32, #tpu.memory_space<hbm>> -> memref<1x125x1x80xi32, #tpu.memory_space<hbm>>
      %dma_start3A_1441 = tpu.memref_squeeze %dma_start3A_1440 : memref<1x125x1x80xi32, #tpu.memory_space<hbm>> -> memref<125x1x80xi32, #tpu.memory_space<hbm>>
      %dma_start3A_1442 = arith.constant 0 : i32
      %dma_start3A_1443 = arith.constant 0 : i32
      %dma_start3A_1444 = tpu.memref_slice %dma_start3A_1441[%min3A_1409, %dma_start3A_1442, %dma_start3A_1443] : memref<125x1x80xi32, #tpu.memory_space<hbm>> -> memref<1x1x80xi32, #tpu.memory_space<hbm>>
      %dma_start3A_1445 = tpu.memref_squeeze %dma_start3A_1444 : memref<1x1x80xi32, #tpu.memory_space<hbm>> -> memref<1x80xi32, #tpu.memory_space<hbm>>
      %dma_start3A_1446 = arith.constant 1 : i32
      %dma_start3A_1447 = arith.constant 0 : i32
      %dma_start3A_1448 = tpu.memref_slice %arg14[%dma_start3A_1446, %dma_start3A_1447] : memref<2x80xi32, #tpu.memory_space<vmem>> -> memref<1x80xi32, #tpu.memory_space<vmem>>
      %dma_start3A_1449 = arith.constant 0 : i32
      %dma_start3A_1450 = arith.constant 0 : i32
      %dma_start3A_1451 = arith.constant 0 : i32
      %dma_start3A_1452 = tpu.memref_slice %arg4[%arg1, %dma_start3A_1449, %dma_start3A_1450, %dma_start3A_1451] : memref<16x125x1x80xi32, #tpu.memory_space<hbm>> -> memref<1x125x1x80xi32, #tpu.memory_space<hbm>>
      %dma_start3A_1453 = tpu.memref_squeeze %dma_start3A_1452 : memref<1x125x1x80xi32, #tpu.memory_space<hbm>> -> memref<125x1x80xi32, #tpu.memory_space<hbm>>
      %dma_start3A_1454 = arith.constant 0 : i32
      %dma_start3A_1455 = arith.constant 0 : i32
      %dma_start3A_1456 = tpu.memref_slice %dma_start3A_1453[%min3A_1409, %dma_start3A_1454, %dma_start3A_1455] : memref<125x1x80xi32, #tpu.memory_space<hbm>> -> memref<1x1x80xi32, #tpu.memory_space<hbm>>
      %dma_start3A_1457 = tpu.memref_squeeze %dma_start3A_1456 : memref<1x1x80xi32, #tpu.memory_space<hbm>> -> memref<1x80xi32, #tpu.memory_space<hbm>>
      tpu.enqueue_dma source(%dma_start3A_1457 : memref<1x80xi32, #tpu.memory_space<hbm>>) target(%dma_start3A_1448 : memref<1x80xi32, #tpu.memory_space<vmem>>) target_semaphore(%arg27 : memref<!tpu.dma_semaphore, #tpu.memory_space<semaphore_mem>>)
      %dma_wait3A_1458 = arith.constant 1 : i32
      %dma_wait3A_1459 = arith.constant 0 : i32
      %dma_wait3A_1460 = tpu.memref_slice %arg16[%dma_wait3A_1458, %dma_wait3A_1459] : memref<2x80xi32, #tpu.memory_space<vmem>> -> memref<1x80xi32, #tpu.memory_space<vmem>>
      %dma_wait3A_1461 = tpu.memref_squeeze %dma_wait3A_1460 : memref<1x80xi32, #tpu.memory_space<vmem>> -> memref<80xi32, #tpu.memory_space<vmem>>
      %dma_wait3A_1462 = arith.constant 0 : i32
      %dma_wait3A_1463 = arith.constant 0 : i32
      %dma_wait3A_1464 = tpu.memref_slice %arg18[%dma_wait3A_1462, %dma_wait3A_1463] : memref<10000x128xf32, #tpu.memory_space<vmem_shared>> -> memref<10000x128xf32, #tpu.memory_space<vmem_shared>>
      tpu.wait_indirect_dma semaphore(%arg22 : memref<!tpu.dma_semaphore, #tpu.memory_space<semaphore_mem>>) src(%arg9 : memref<80x128xf32, #tpu.memory_space<vmem>>) dst(%dma_wait3A_1464 : memref<10000x128xf32, #tpu.memory_space<vmem_shared>>)
      %add3A_1465 = arith.constant 4 : i32
      %add3A_1466 = arith.addi %mul3A_994, %add3A_1465 : i32
      %add3A_1467 = arith.constant 3 : i32
      %add3A_1468 = arith.addi %add3A_1466, %add3A_1467 : i32
      %dma_wait3A_1469 = arith.constant 0 : i32
      %dma_wait3A_1470 = arith.constant 0 : i32
      %dma_wait3A_1471 = tpu.memref_slice %arg17[%dma_wait3A_1469, %dma_wait3A_1470] : memref<2x80xi32, #tpu.memory_space<vmem>> -> memref<1x80xi32, #tpu.memory_space<vmem>>
      %dma_wait3A_1472 = arith.constant 0 : i32
      %dma_wait3A_1473 = arith.constant 0 : i32
      %dma_wait3A_1474 = arith.constant 0 : i32
      %dma_wait3A_1475 = tpu.memref_slice %arg3[%arg1, %dma_wait3A_1472, %dma_wait3A_1473, %dma_wait3A_1474] : memref<16x125x1x80xi32, #tpu.memory_space<hbm>> -> memref<1x125x1x80xi32, #tpu.memory_space<hbm>>
      %dma_wait3A_1476 = tpu.memref_squeeze %dma_wait3A_1475 : memref<1x125x1x80xi32, #tpu.memory_space<hbm>> -> memref<125x1x80xi32, #tpu.memory_space<hbm>>
      %dma_wait3A_1477 = arith.constant 0 : i32
      %dma_wait3A_1478 = arith.constant 0 : i32
      %dma_wait3A_1479 = tpu.memref_slice %dma_wait3A_1476[%add3A_1468, %dma_wait3A_1477, %dma_wait3A_1478] : memref<125x1x80xi32, #tpu.memory_space<hbm>> -> memref<1x1x80xi32, #tpu.memory_space<hbm>>
      %dma_wait3A_1480 = tpu.memref_squeeze %dma_wait3A_1479 : memref<1x1x80xi32, #tpu.memory_space<hbm>> -> memref<1x80xi32, #tpu.memory_space<hbm>>
      %dma_wait3A_1481 = arith.constant 0 : i32
      %dma_wait3A_1482 = arith.constant 0 : i32
      %dma_wait3A_1483 = tpu.memref_slice %arg17[%dma_wait3A_1481, %dma_wait3A_1482] : memref<2x80xi32, #tpu.memory_space<vmem>> -> memref<1x80xi32, #tpu.memory_space<vmem>>
      %dma_wait3A_1484 = arith.constant 0 : i32
      %dma_wait3A_1485 = arith.constant 0 : i32
      %dma_wait3A_1486 = arith.constant 0 : i32
      %dma_wait3A_1487 = tpu.memref_slice %arg3[%arg1, %dma_wait3A_1484, %dma_wait3A_1485, %dma_wait3A_1486] : memref<16x125x1x80xi32, #tpu.memory_space<hbm>> -> memref<1x125x1x80xi32, #tpu.memory_space<hbm>>
      %dma_wait3A_1488 = tpu.memref_squeeze %dma_wait3A_1487 : memref<1x125x1x80xi32, #tpu.memory_space<hbm>> -> memref<125x1x80xi32, #tpu.memory_space<hbm>>
      %dma_wait3A_1489 = arith.constant 0 : i32
      %dma_wait3A_1490 = arith.constant 0 : i32
      %dma_wait3A_1491 = tpu.memref_slice %dma_wait3A_1488[%add3A_1468, %dma_wait3A_1489, %dma_wait3A_1490] : memref<125x1x80xi32, #tpu.memory_space<hbm>> -> memref<1x1x80xi32, #tpu.memory_space<hbm>>
      %dma_wait3A_1492 = tpu.memref_squeeze %dma_wait3A_1491 : memref<1x1x80xi32, #tpu.memory_space<hbm>> -> memref<1x80xi32, #tpu.memory_space<hbm>>
      tpu.wait_dma2 semaphore(%arg30 : memref<!tpu.dma_semaphore, #tpu.memory_space<semaphore_mem>>) src(%dma_wait3A_1492 : memref<1x80xi32, #tpu.memory_space<hbm>>) dst(%dma_wait3A_1483 : memref<1x80xi32, #tpu.memory_space<vmem>>)
      %dma_wait3A_1493 = arith.constant 1 : i32
      %dma_wait3A_1494 = arith.constant 0 : i32
      %dma_wait3A_1495 = tpu.memref_slice %arg17[%dma_wait3A_1493, %dma_wait3A_1494] : memref<2x80xi32, #tpu.memory_space<vmem>> -> memref<1x80xi32, #tpu.memory_space<vmem>>
      %dma_wait3A_1496 = arith.constant 0 : i32
      %dma_wait3A_1497 = arith.constant 0 : i32
      %dma_wait3A_1498 = arith.constant 0 : i32
      %dma_wait3A_1499 = tpu.memref_slice %arg4[%arg1, %dma_wait3A_1496, %dma_wait3A_1497, %dma_wait3A_1498] : memref<16x125x1x80xi32, #tpu.memory_space<hbm>> -> memref<1x125x1x80xi32, #tpu.memory_space<hbm>>
      %dma_wait3A_1500 = tpu.memref_squeeze %dma_wait3A_1499 : memref<1x125x1x80xi32, #tpu.memory_space<hbm>> -> memref<125x1x80xi32, #tpu.memory_space<hbm>>
      %dma_wait3A_1501 = arith.constant 0 : i32
      %dma_wait3A_1502 = arith.constant 0 : i32
      %dma_wait3A_1503 = tpu.memref_slice %dma_wait3A_1500[%add3A_1468, %dma_wait3A_1501, %dma_wait3A_1502] : memref<125x1x80xi32, #tpu.memory_space<hbm>> -> memref<1x1x80xi32, #tpu.memory_space<hbm>>
      %dma_wait3A_1504 = tpu.memref_squeeze %dma_wait3A_1503 : memref<1x1x80xi32, #tpu.memory_space<hbm>> -> memref<1x80xi32, #tpu.memory_space<hbm>>
      %dma_wait3A_1505 = arith.constant 1 : i32
      %dma_wait3A_1506 = arith.constant 0 : i32
      %dma_wait3A_1507 = tpu.memref_slice %arg17[%dma_wait3A_1505, %dma_wait3A_1506] : memref<2x80xi32, #tpu.memory_space<vmem>> -> memref<1x80xi32, #tpu.memory_space<vmem>>
      %dma_wait3A_1508 = arith.constant 0 : i32
      %dma_wait3A_1509 = arith.constant 0 : i32
      %dma_wait3A_1510 = arith.constant 0 : i32
      %dma_wait3A_1511 = tpu.memref_slice %arg4[%arg1, %dma_wait3A_1508, %dma_wait3A_1509, %dma_wait3A_1510] : memref<16x125x1x80xi32, #tpu.memory_space<hbm>> -> memref<1x125x1x80xi32, #tpu.memory_space<hbm>>
      %dma_wait3A_1512 = tpu.memref_squeeze %dma_wait3A_1511 : memref<1x125x1x80xi32, #tpu.memory_space<hbm>> -> memref<125x1x80xi32, #tpu.memory_space<hbm>>
      %dma_wait3A_1513 = arith.constant 0 : i32
      %dma_wait3A_1514 = arith.constant 0 : i32
      %dma_wait3A_1515 = tpu.memref_slice %dma_wait3A_1512[%add3A_1468, %dma_wait3A_1513, %dma_wait3A_1514] : memref<125x1x80xi32, #tpu.memory_space<hbm>> -> memref<1x1x80xi32, #tpu.memory_space<hbm>>
      %dma_wait3A_1516 = tpu.memref_squeeze %dma_wait3A_1515 : memref<1x1x80xi32, #tpu.memory_space<hbm>> -> memref<1x80xi32, #tpu.memory_space<hbm>>
      tpu.wait_dma2 semaphore(%arg30 : memref<!tpu.dma_semaphore, #tpu.memory_space<semaphore_mem>>) src(%dma_wait3A_1516 : memref<1x80xi32, #tpu.memory_space<hbm>>) dst(%dma_wait3A_1507 : memref<1x80xi32, #tpu.memory_space<vmem>>)
      %add3A_1517 = arith.constant 4 : i32
      %add3A_1518 = arith.addi %mul3A_994, %add3A_1517 : i32
      %add3A_1519 = arith.constant 3 : i32
      %add3A_1520 = arith.addi %add3A_1518, %add3A_1519 : i32
      %dma_start3A_1521 = arith.constant 0 : i32
      %dma_start3A_1522 = arith.constant 0 : i32
      %dma_start3A_1523 = tpu.memref_slice %arg17[%dma_start3A_1521, %dma_start3A_1522] : memref<2x80xi32, #tpu.memory_space<vmem>> -> memref<1x80xi32, #tpu.memory_space<vmem>>
      %dma_start3A_1524 = tpu.memref_squeeze %dma_start3A_1523 : memref<1x80xi32, #tpu.memory_space<vmem>> -> memref<80xi32, #tpu.memory_space<vmem>>
      %dma_start3A_1525 = arith.constant 0 : i32
      %dma_start3A_1526 = arith.constant 0 : i32
      %dma_start3A_1527 = tpu.memref_slice %arg2[%arg0, %dma_start3A_1525, %dma_start3A_1526] : memref<2x10000x128xf32, #tpu.memory_space<hbm>> -> memref<1x10000x128xf32, #tpu.memory_space<hbm>>
      %dma_start3A_1528 = tpu.memref_squeeze %dma_start3A_1527 : memref<1x10000x128xf32, #tpu.memory_space<hbm>> -> memref<10000x128xf32, #tpu.memory_space<hbm>>
      %dma_start3A_1529 = arith.constant 0 : i32
      %dma_start3A_1530 = arith.constant 0 : i32
      %dma_start3A_1531 = tpu.memref_slice %dma_start3A_1528[%dma_start3A_1529, %dma_start3A_1530] : memref<10000x128xf32, #tpu.memory_space<hbm>> -> memref<10000x128xf32, #tpu.memory_space<hbm>>
      tpu.enqueue_indirect_dma source(%dma_start3A_1531 : memref<10000x128xf32, #tpu.memory_space<hbm>>) target(%arg9 : memref<80x128xf32, #tpu.memory_space<vmem>>) offsets(%dma_start3A_1524 : memref<80xi32, #tpu.memory_space<vmem>>) semaphore(%arg22 : memref<!tpu.dma_semaphore, #tpu.memory_space<semaphore_mem>>)
      %add3A_1532 = arith.constant 8 : i32
      %add3A_1533 = arith.addi %mul3A_994, %add3A_1532 : i32
      %add3A_1534 = arith.constant 3 : i32
      %add3A_1535 = arith.addi %add3A_1533, %add3A_1534 : i32
      %min3A_1536 = arith.constant 124 : i32
      %min3A_1537 = arith.minsi %add3A_1535, %min3A_1536 : i32
      %dma_start3A_1538 = arith.constant 0 : i32
      %dma_start3A_1539 = arith.constant 0 : i32
      %dma_start3A_1540 = tpu.memref_slice %arg16[%dma_start3A_1538, %dma_start3A_1539] : memref<2x80xi32, #tpu.memory_space<vmem>> -> memref<1x80xi32, #tpu.memory_space<vmem>>
      %dma_start3A_1541 = arith.constant 0 : i32
      %dma_start3A_1542 = arith.constant 0 : i32
      %dma_start3A_1543 = arith.constant 0 : i32
      %dma_start3A_1544 = tpu.memref_slice %arg3[%arg1, %dma_start3A_1541, %dma_start3A_1542, %dma_start3A_1543] : memref<16x125x1x80xi32, #tpu.memory_space<hbm>> -> memref<1x125x1x80xi32, #tpu.memory_space<hbm>>
      %dma_start3A_1545 = tpu.memref_squeeze %dma_start3A_1544 : memref<1x125x1x80xi32, #tpu.memory_space<hbm>> -> memref<125x1x80xi32, #tpu.memory_space<hbm>>
      %dma_start3A_1546 = arith.constant 0 : i32
      %dma_start3A_1547 = arith.constant 0 : i32
      %dma_start3A_1548 = tpu.memref_slice %dma_start3A_1545[%min3A_1537, %dma_start3A_1546, %dma_start3A_1547] : memref<125x1x80xi32, #tpu.memory_space<hbm>> -> memref<1x1x80xi32, #tpu.memory_space<hbm>>
      %dma_start3A_1549 = tpu.memref_squeeze %dma_start3A_1548 : memref<1x1x80xi32, #tpu.memory_space<hbm>> -> memref<1x80xi32, #tpu.memory_space<hbm>>
      %dma_start3A_1550 = arith.constant 0 : i32
      %dma_start3A_1551 = arith.constant 0 : i32
      %dma_start3A_1552 = tpu.memref_slice %arg16[%dma_start3A_1550, %dma_start3A_1551] : memref<2x80xi32, #tpu.memory_space<vmem>> -> memref<1x80xi32, #tpu.memory_space<vmem>>
      %dma_start3A_1553 = arith.constant 0 : i32
      %dma_start3A_1554 = arith.constant 0 : i32
      %dma_start3A_1555 = arith.constant 0 : i32
      %dma_start3A_1556 = tpu.memref_slice %arg3[%arg1, %dma_start3A_1553, %dma_start3A_1554, %dma_start3A_1555] : memref<16x125x1x80xi32, #tpu.memory_space<hbm>> -> memref<1x125x1x80xi32, #tpu.memory_space<hbm>>
      %dma_start3A_1557 = tpu.memref_squeeze %dma_start3A_1556 : memref<1x125x1x80xi32, #tpu.memory_space<hbm>> -> memref<125x1x80xi32, #tpu.memory_space<hbm>>
      %dma_start3A_1558 = arith.constant 0 : i32
      %dma_start3A_1559 = arith.constant 0 : i32
      %dma_start3A_1560 = tpu.memref_slice %dma_start3A_1557[%min3A_1537, %dma_start3A_1558, %dma_start3A_1559] : memref<125x1x80xi32, #tpu.memory_space<hbm>> -> memref<1x1x80xi32, #tpu.memory_space<hbm>>
      %dma_start3A_1561 = tpu.memref_squeeze %dma_start3A_1560 : memref<1x1x80xi32, #tpu.memory_space<hbm>> -> memref<1x80xi32, #tpu.memory_space<hbm>>
      tpu.enqueue_dma source(%dma_start3A_1561 : memref<1x80xi32, #tpu.memory_space<hbm>>) target(%dma_start3A_1552 : memref<1x80xi32, #tpu.memory_space<vmem>>) target_semaphore(%arg29 : memref<!tpu.dma_semaphore, #tpu.memory_space<semaphore_mem>>)
      %dma_start3A_1562 = arith.constant 1 : i32
      %dma_start3A_1563 = arith.constant 0 : i32
      %dma_start3A_1564 = tpu.memref_slice %arg16[%dma_start3A_1562, %dma_start3A_1563] : memref<2x80xi32, #tpu.memory_space<vmem>> -> memref<1x80xi32, #tpu.memory_space<vmem>>
      %dma_start3A_1565 = arith.constant 0 : i32
      %dma_start3A_1566 = arith.constant 0 : i32
      %dma_start3A_1567 = arith.constant 0 : i32
      %dma_start3A_1568 = tpu.memref_slice %arg4[%arg1, %dma_start3A_1565, %dma_start3A_1566, %dma_start3A_1567] : memref<16x125x1x80xi32, #tpu.memory_space<hbm>> -> memref<1x125x1x80xi32, #tpu.memory_space<hbm>>
      %dma_start3A_1569 = tpu.memref_squeeze %dma_start3A_1568 : memref<1x125x1x80xi32, #tpu.memory_space<hbm>> -> memref<125x1x80xi32, #tpu.memory_space<hbm>>
      %dma_start3A_1570 = arith.constant 0 : i32
      %dma_start3A_1571 = arith.constant 0 : i32
      %dma_start3A_1572 = tpu.memref_slice %dma_start3A_1569[%min3A_1537, %dma_start3A_1570, %dma_start3A_1571] : memref<125x1x80xi32, #tpu.memory_space<hbm>> -> memref<1x1x80xi32, #tpu.memory_space<hbm>>
      %dma_start3A_1573 = tpu.memref_squeeze %dma_start3A_1572 : memref<1x1x80xi32, #tpu.memory_space<hbm>> -> memref<1x80xi32, #tpu.memory_space<hbm>>
      %dma_start3A_1574 = arith.constant 1 : i32
      %dma_start3A_1575 = arith.constant 0 : i32
      %dma_start3A_1576 = tpu.memref_slice %arg16[%dma_start3A_1574, %dma_start3A_1575] : memref<2x80xi32, #tpu.memory_space<vmem>> -> memref<1x80xi32, #tpu.memory_space<vmem>>
      %dma_start3A_1577 = arith.constant 0 : i32
      %dma_start3A_1578 = arith.constant 0 : i32
      %dma_start3A_1579 = arith.constant 0 : i32
      %dma_start3A_1580 = tpu.memref_slice %arg4[%arg1, %dma_start3A_1577, %dma_start3A_1578, %dma_start3A_1579] : memref<16x125x1x80xi32, #tpu.memory_space<hbm>> -> memref<1x125x1x80xi32, #tpu.memory_space<hbm>>
      %dma_start3A_1581 = tpu.memref_squeeze %dma_start3A_1580 : memref<1x125x1x80xi32, #tpu.memory_space<hbm>> -> memref<125x1x80xi32, #tpu.memory_space<hbm>>
      %dma_start3A_1582 = arith.constant 0 : i32
      %dma_start3A_1583 = arith.constant 0 : i32
      %dma_start3A_1584 = tpu.memref_slice %dma_start3A_1581[%min3A_1537, %dma_start3A_1582, %dma_start3A_1583] : memref<125x1x80xi32, #tpu.memory_space<hbm>> -> memref<1x1x80xi32, #tpu.memory_space<hbm>>
      %dma_start3A_1585 = tpu.memref_squeeze %dma_start3A_1584 : memref<1x1x80xi32, #tpu.memory_space<hbm>> -> memref<1x80xi32, #tpu.memory_space<hbm>>
      tpu.enqueue_dma source(%dma_start3A_1585 : memref<1x80xi32, #tpu.memory_space<hbm>>) target(%dma_start3A_1576 : memref<1x80xi32, #tpu.memory_space<vmem>>) target_semaphore(%arg29 : memref<!tpu.dma_semaphore, #tpu.memory_space<semaphore_mem>>)
      %add3A_1586 = arith.constant 4 : i32
      %add3A_1587 = arith.addi %mul3A_994, %add3A_1586 : i32
      %add3A_1588 = arith.constant 0 : i32
      %add3A_1589 = arith.addi %add3A_1587, %add3A_1588 : i32
      %dma_wait3A_1590 = arith.constant 0 : i32
      %dma_wait3A_1591 = arith.constant 0 : i32
      %dma_wait3A_1592 = tpu.memref_slice %arg11[%dma_wait3A_1590, %dma_wait3A_1591] : memref<2x80xi32, #tpu.memory_space<vmem>> -> memref<1x80xi32, #tpu.memory_space<vmem>>
      %dma_wait3A_1593 = tpu.memref_squeeze %dma_wait3A_1592 : memref<1x80xi32, #tpu.memory_space<vmem>> -> memref<80xi32, #tpu.memory_space<vmem>>
      %dma_wait3A_1594 = arith.constant 0 : i32
      %dma_wait3A_1595 = arith.constant 0 : i32
      %dma_wait3A_1596 = tpu.memref_slice %arg2[%arg0, %dma_wait3A_1594, %dma_wait3A_1595] : memref<2x10000x128xf32, #tpu.memory_space<hbm>> -> memref<1x10000x128xf32, #tpu.memory_space<hbm>>
      %dma_wait3A_1597 = tpu.memref_squeeze %dma_wait3A_1596 : memref<1x10000x128xf32, #tpu.memory_space<hbm>> -> memref<10000x128xf32, #tpu.memory_space<hbm>>
      %dma_wait3A_1598 = arith.constant 0 : i32
      %dma_wait3A_1599 = arith.constant 0 : i32
      %dma_wait3A_1600 = tpu.memref_slice %dma_wait3A_1597[%dma_wait3A_1598, %dma_wait3A_1599] : memref<10000x128xf32, #tpu.memory_space<hbm>> -> memref<10000x128xf32, #tpu.memory_space<hbm>>
      tpu.wait_indirect_dma semaphore(%arg19 : memref<!tpu.dma_semaphore, #tpu.memory_space<semaphore_mem>>) src(%dma_wait3A_1600 : memref<10000x128xf32, #tpu.memory_space<hbm>>) dst(%arg6 : memref<80x128xf32, #tpu.memory_space<vmem>>)
      %dma_start3A_1601 = arith.constant 1 : i32
      %dma_start3A_1602 = arith.constant 0 : i32
      %dma_start3A_1603 = tpu.memref_slice %arg11[%dma_start3A_1601, %dma_start3A_1602] : memref<2x80xi32, #tpu.memory_space<vmem>> -> memref<1x80xi32, #tpu.memory_space<vmem>>
      %dma_start3A_1604 = tpu.memref_squeeze %dma_start3A_1603 : memref<1x80xi32, #tpu.memory_space<vmem>> -> memref<80xi32, #tpu.memory_space<vmem>>
      %dma_start3A_1605 = arith.constant 0 : i32
      %dma_start3A_1606 = arith.constant 0 : i32
      %dma_start3A_1607 = tpu.memref_slice %arg18[%dma_start3A_1605, %dma_start3A_1606] : memref<10000x128xf32, #tpu.memory_space<vmem_shared>> -> memref<10000x128xf32, #tpu.memory_space<vmem_shared>>
      tpu.enqueue_indirect_dma source(%arg6 : memref<80x128xf32, #tpu.memory_space<vmem>>) target(%dma_start3A_1607 : memref<10000x128xf32, #tpu.memory_space<vmem_shared>>) offsets(%dma_start3A_1604 : memref<80xi32, #tpu.memory_space<vmem>>) semaphore(%arg19 : memref<!tpu.dma_semaphore, #tpu.memory_space<semaphore_mem>>) {add = true}
      %add3A_1608 = arith.constant 4 : i32
      %add3A_1609 = arith.addi %mul3A_994, %add3A_1608 : i32
      %add3A_1610 = arith.constant 1 : i32
      %add3A_1611 = arith.addi %add3A_1609, %add3A_1610 : i32
      %dma_wait3A_1612 = arith.constant 0 : i32
      %dma_wait3A_1613 = arith.constant 0 : i32
      %dma_wait3A_1614 = tpu.memref_slice %arg13[%dma_wait3A_1612, %dma_wait3A_1613] : memref<2x80xi32, #tpu.memory_space<vmem>> -> memref<1x80xi32, #tpu.memory_space<vmem>>
      %dma_wait3A_1615 = tpu.memref_squeeze %dma_wait3A_1614 : memref<1x80xi32, #tpu.memory_space<vmem>> -> memref<80xi32, #tpu.memory_space<vmem>>
      %dma_wait3A_1616 = arith.constant 0 : i32
      %dma_wait3A_1617 = arith.constant 0 : i32
      %dma_wait3A_1618 = tpu.memref_slice %arg2[%arg0, %dma_wait3A_1616, %dma_wait3A_1617] : memref<2x10000x128xf32, #tpu.memory_space<hbm>> -> memref<1x10000x128xf32, #tpu.memory_space<hbm>>
      %dma_wait3A_1619 = tpu.memref_squeeze %dma_wait3A_1618 : memref<1x10000x128xf32, #tpu.memory_space<hbm>> -> memref<10000x128xf32, #tpu.memory_space<hbm>>
      %dma_wait3A_1620 = arith.constant 0 : i32
      %dma_wait3A_1621 = arith.constant 0 : i32
      %dma_wait3A_1622 = tpu.memref_slice %dma_wait3A_1619[%dma_wait3A_1620, %dma_wait3A_1621] : memref<10000x128xf32, #tpu.memory_space<hbm>> -> memref<10000x128xf32, #tpu.memory_space<hbm>>
      tpu.wait_indirect_dma semaphore(%arg20 : memref<!tpu.dma_semaphore, #tpu.memory_space<semaphore_mem>>) src(%dma_wait3A_1622 : memref<10000x128xf32, #tpu.memory_space<hbm>>) dst(%arg7 : memref<80x128xf32, #tpu.memory_space<vmem>>)
      %dma_start3A_1623 = arith.constant 1 : i32
      %dma_start3A_1624 = arith.constant 0 : i32
      %dma_start3A_1625 = tpu.memref_slice %arg13[%dma_start3A_1623, %dma_start3A_1624] : memref<2x80xi32, #tpu.memory_space<vmem>> -> memref<1x80xi32, #tpu.memory_space<vmem>>
      %dma_start3A_1626 = tpu.memref_squeeze %dma_start3A_1625 : memref<1x80xi32, #tpu.memory_space<vmem>> -> memref<80xi32, #tpu.memory_space<vmem>>
      %dma_start3A_1627 = arith.constant 0 : i32
      %dma_start3A_1628 = arith.constant 0 : i32
      %dma_start3A_1629 = tpu.memref_slice %arg18[%dma_start3A_1627, %dma_start3A_1628] : memref<10000x128xf32, #tpu.memory_space<vmem_shared>> -> memref<10000x128xf32, #tpu.memory_space<vmem_shared>>
      tpu.enqueue_indirect_dma source(%arg7 : memref<80x128xf32, #tpu.memory_space<vmem>>) target(%dma_start3A_1629 : memref<10000x128xf32, #tpu.memory_space<vmem_shared>>) offsets(%dma_start3A_1626 : memref<80xi32, #tpu.memory_space<vmem>>) semaphore(%arg20 : memref<!tpu.dma_semaphore, #tpu.memory_space<semaphore_mem>>) {add = true}
      %add3A_1630 = arith.constant 4 : i32
      %add3A_1631 = arith.addi %mul3A_994, %add3A_1630 : i32
      %add3A_1632 = arith.constant 2 : i32
      %add3A_1633 = arith.addi %add3A_1631, %add3A_1632 : i32
      %dma_wait3A_1634 = arith.constant 0 : i32
      %dma_wait3A_1635 = arith.constant 0 : i32
      %dma_wait3A_1636 = tpu.memref_slice %arg15[%dma_wait3A_1634, %dma_wait3A_1635] : memref<2x80xi32, #tpu.memory_space<vmem>> -> memref<1x80xi32, #tpu.memory_space<vmem>>
      %dma_wait3A_1637 = tpu.memref_squeeze %dma_wait3A_1636 : memref<1x80xi32, #tpu.memory_space<vmem>> -> memref<80xi32, #tpu.memory_space<vmem>>
      %dma_wait3A_1638 = arith.constant 0 : i32
      %dma_wait3A_1639 = arith.constant 0 : i32
      %dma_wait3A_1640 = tpu.memref_slice %arg2[%arg0, %dma_wait3A_1638, %dma_wait3A_1639] : memref<2x10000x128xf32, #tpu.memory_space<hbm>> -> memref<1x10000x128xf32, #tpu.memory_space<hbm>>
      %dma_wait3A_1641 = tpu.memref_squeeze %dma_wait3A_1640 : memref<1x10000x128xf32, #tpu.memory_space<hbm>> -> memref<10000x128xf32, #tpu.memory_space<hbm>>
      %dma_wait3A_1642 = arith.constant 0 : i32
      %dma_wait3A_1643 = arith.constant 0 : i32
      %dma_wait3A_1644 = tpu.memref_slice %dma_wait3A_1641[%dma_wait3A_1642, %dma_wait3A_1643] : memref<10000x128xf32, #tpu.memory_space<hbm>> -> memref<10000x128xf32, #tpu.memory_space<hbm>>
      tpu.wait_indirect_dma semaphore(%arg21 : memref<!tpu.dma_semaphore, #tpu.memory_space<semaphore_mem>>) src(%dma_wait3A_1644 : memref<10000x128xf32, #tpu.memory_space<hbm>>) dst(%arg8 : memref<80x128xf32, #tpu.memory_space<vmem>>)
      %dma_start3A_1645 = arith.constant 1 : i32
      %dma_start3A_1646 = arith.constant 0 : i32
      %dma_start3A_1647 = tpu.memref_slice %arg15[%dma_start3A_1645, %dma_start3A_1646] : memref<2x80xi32, #tpu.memory_space<vmem>> -> memref<1x80xi32, #tpu.memory_space<vmem>>
      %dma_start3A_1648 = tpu.memref_squeeze %dma_start3A_1647 : memref<1x80xi32, #tpu.memory_space<vmem>> -> memref<80xi32, #tpu.memory_space<vmem>>
      %dma_start3A_1649 = arith.constant 0 : i32
      %dma_start3A_1650 = arith.constant 0 : i32
      %dma_start3A_1651 = tpu.memref_slice %arg18[%dma_start3A_1649, %dma_start3A_1650] : memref<10000x128xf32, #tpu.memory_space<vmem_shared>> -> memref<10000x128xf32, #tpu.memory_space<vmem_shared>>
      tpu.enqueue_indirect_dma source(%arg8 : memref<80x128xf32, #tpu.memory_space<vmem>>) target(%dma_start3A_1651 : memref<10000x128xf32, #tpu.memory_space<vmem_shared>>) offsets(%dma_start3A_1648 : memref<80xi32, #tpu.memory_space<vmem>>) semaphore(%arg21 : memref<!tpu.dma_semaphore, #tpu.memory_space<semaphore_mem>>) {add = true}
      %add3A_1652 = arith.constant 4 : i32
      %add3A_1653 = arith.addi %mul3A_994, %add3A_1652 : i32
      %add3A_1654 = arith.constant 3 : i32
      %add3A_1655 = arith.addi %add3A_1653, %add3A_1654 : i32
      %dma_wait3A_1656 = arith.constant 0 : i32
      %dma_wait3A_1657 = arith.constant 0 : i32
      %dma_wait3A_1658 = tpu.memref_slice %arg17[%dma_wait3A_1656, %dma_wait3A_1657] : memref<2x80xi32, #tpu.memory_space<vmem>> -> memref<1x80xi32, #tpu.memory_space<vmem>>
      %dma_wait3A_1659 = tpu.memref_squeeze %dma_wait3A_1658 : memref<1x80xi32, #tpu.memory_space<vmem>> -> memref<80xi32, #tpu.memory_space<vmem>>
      %dma_wait3A_1660 = arith.constant 0 : i32
      %dma_wait3A_1661 = arith.constant 0 : i32
      %dma_wait3A_1662 = tpu.memref_slice %arg2[%arg0, %dma_wait3A_1660, %dma_wait3A_1661] : memref<2x10000x128xf32, #tpu.memory_space<hbm>> -> memref<1x10000x128xf32, #tpu.memory_space<hbm>>
      %dma_wait3A_1663 = tpu.memref_squeeze %dma_wait3A_1662 : memref<1x10000x128xf32, #tpu.memory_space<hbm>> -> memref<10000x128xf32, #tpu.memory_space<hbm>>
      %dma_wait3A_1664 = arith.constant 0 : i32
      %dma_wait3A_1665 = arith.constant 0 : i32
      %dma_wait3A_1666 = tpu.memref_slice %dma_wait3A_1663[%dma_wait3A_1664, %dma_wait3A_1665] : memref<10000x128xf32, #tpu.memory_space<hbm>> -> memref<10000x128xf32, #tpu.memory_space<hbm>>
      tpu.wait_indirect_dma semaphore(%arg22 : memref<!tpu.dma_semaphore, #tpu.memory_space<semaphore_mem>>) src(%dma_wait3A_1666 : memref<10000x128xf32, #tpu.memory_space<hbm>>) dst(%arg9 : memref<80x128xf32, #tpu.memory_space<vmem>>)
      %dma_start3A_1667 = arith.constant 1 : i32
      %dma_start3A_1668 = arith.constant 0 : i32
      %dma_start3A_1669 = tpu.memref_slice %arg17[%dma_start3A_1667, %dma_start3A_1668] : memref<2x80xi32, #tpu.memory_space<vmem>> -> memref<1x80xi32, #tpu.memory_space<vmem>>
      %dma_start3A_1670 = tpu.memref_squeeze %dma_start3A_1669 : memref<1x80xi32, #tpu.memory_space<vmem>> -> memref<80xi32, #tpu.memory_space<vmem>>
      %dma_start3A_1671 = arith.constant 0 : i32
      %dma_start3A_1672 = arith.constant 0 : i32
      %dma_start3A_1673 = tpu.memref_slice %arg18[%dma_start3A_1671, %dma_start3A_1672] : memref<10000x128xf32, #tpu.memory_space<vmem_shared>> -> memref<10000x128xf32, #tpu.memory_space<vmem_shared>>
      tpu.enqueue_indirect_dma source(%arg9 : memref<80x128xf32, #tpu.memory_space<vmem>>) target(%dma_start3A_1673 : memref<10000x128xf32, #tpu.memory_space<vmem_shared>>) offsets(%dma_start3A_1670 : memref<80xi32, #tpu.memory_space<vmem>>) semaphore(%arg22 : memref<!tpu.dma_semaphore, #tpu.memory_space<semaphore_mem>>) {add = true}
      %dma_wait3A_1674 = arith.constant 1 : i32
      %dma_wait3A_1675 = arith.constant 0 : i32
      %dma_wait3A_1676 = tpu.memref_slice %arg11[%dma_wait3A_1674, %dma_wait3A_1675] : memref<2x80xi32, #tpu.memory_space<vmem>> -> memref<1x80xi32, #tpu.memory_space<vmem>>
      %dma_wait3A_1677 = tpu.memref_squeeze %dma_wait3A_1676 : memref<1x80xi32, #tpu.memory_space<vmem>> -> memref<80xi32, #tpu.memory_space<vmem>>
      %dma_wait3A_1678 = arith.constant 0 : i32
      %dma_wait3A_1679 = arith.constant 0 : i32
      %dma_wait3A_1680 = tpu.memref_slice %arg18[%dma_wait3A_1678, %dma_wait3A_1679] : memref<10000x128xf32, #tpu.memory_space<vmem_shared>> -> memref<10000x128xf32, #tpu.memory_space<vmem_shared>>
      tpu.wait_indirect_dma semaphore(%arg19 : memref<!tpu.dma_semaphore, #tpu.memory_space<semaphore_mem>>) src(%arg6 : memref<80x128xf32, #tpu.memory_space<vmem>>) dst(%dma_wait3A_1680 : memref<10000x128xf32, #tpu.memory_space<vmem_shared>>)
      %add3A_1681 = arith.constant 8 : i32
      %add3A_1682 = arith.addi %mul3A_994, %add3A_1681 : i32
      %add3A_1683 = arith.constant 0 : i32
      %add3A_1684 = arith.addi %add3A_1682, %add3A_1683 : i32
      %min3A_1685 = arith.constant 124 : i32
      %min3A_1686 = arith.minsi %add3A_1684, %min3A_1685 : i32
      %dma_wait3A_1687 = arith.constant 0 : i32
      %dma_wait3A_1688 = arith.constant 0 : i32
      %dma_wait3A_1689 = tpu.memref_slice %arg10[%dma_wait3A_1687, %dma_wait3A_1688] : memref<2x80xi32, #tpu.memory_space<vmem>> -> memref<1x80xi32, #tpu.memory_space<vmem>>
      %dma_wait3A_1690 = arith.constant 0 : i32
      %dma_wait3A_1691 = arith.constant 0 : i32
      %dma_wait3A_1692 = arith.constant 0 : i32
      %dma_wait3A_1693 = tpu.memref_slice %arg3[%arg1, %dma_wait3A_1690, %dma_wait3A_1691, %dma_wait3A_1692] : memref<16x125x1x80xi32, #tpu.memory_space<hbm>> -> memref<1x125x1x80xi32, #tpu.memory_space<hbm>>
      %dma_wait3A_1694 = tpu.memref_squeeze %dma_wait3A_1693 : memref<1x125x1x80xi32, #tpu.memory_space<hbm>> -> memref<125x1x80xi32, #tpu.memory_space<hbm>>
      %dma_wait3A_1695 = arith.constant 0 : i32
      %dma_wait3A_1696 = arith.constant 0 : i32
      %dma_wait3A_1697 = tpu.memref_slice %dma_wait3A_1694[%min3A_1686, %dma_wait3A_1695, %dma_wait3A_1696] : memref<125x1x80xi32, #tpu.memory_space<hbm>> -> memref<1x1x80xi32, #tpu.memory_space<hbm>>
      %dma_wait3A_1698 = tpu.memref_squeeze %dma_wait3A_1697 : memref<1x1x80xi32, #tpu.memory_space<hbm>> -> memref<1x80xi32, #tpu.memory_space<hbm>>
      %dma_wait3A_1699 = arith.constant 0 : i32
      %dma_wait3A_1700 = arith.constant 0 : i32
      %dma_wait3A_1701 = tpu.memref_slice %arg10[%dma_wait3A_1699, %dma_wait3A_1700] : memref<2x80xi32, #tpu.memory_space<vmem>> -> memref<1x80xi32, #tpu.memory_space<vmem>>
      %dma_wait3A_1702 = arith.constant 0 : i32
      %dma_wait3A_1703 = arith.constant 0 : i32
      %dma_wait3A_1704 = arith.constant 0 : i32
      %dma_wait3A_1705 = tpu.memref_slice %arg3[%arg1, %dma_wait3A_1702, %dma_wait3A_1703, %dma_wait3A_1704] : memref<16x125x1x80xi32, #tpu.memory_space<hbm>> -> memref<1x125x1x80xi32, #tpu.memory_space<hbm>>
      %dma_wait3A_1706 = tpu.memref_squeeze %dma_wait3A_1705 : memref<1x125x1x80xi32, #tpu.memory_space<hbm>> -> memref<125x1x80xi32, #tpu.memory_space<hbm>>
      %dma_wait3A_1707 = arith.constant 0 : i32
      %dma_wait3A_1708 = arith.constant 0 : i32
      %dma_wait3A_1709 = tpu.memref_slice %dma_wait3A_1706[%min3A_1686, %dma_wait3A_1707, %dma_wait3A_1708] : memref<125x1x80xi32, #tpu.memory_space<hbm>> -> memref<1x1x80xi32, #tpu.memory_space<hbm>>
      %dma_wait3A_1710 = tpu.memref_squeeze %dma_wait3A_1709 : memref<1x1x80xi32, #tpu.memory_space<hbm>> -> memref<1x80xi32, #tpu.memory_space<hbm>>
      tpu.wait_dma2 semaphore(%arg23 : memref<!tpu.dma_semaphore, #tpu.memory_space<semaphore_mem>>) src(%dma_wait3A_1710 : memref<1x80xi32, #tpu.memory_space<hbm>>) dst(%dma_wait3A_1701 : memref<1x80xi32, #tpu.memory_space<vmem>>)
      %dma_wait3A_1711 = arith.constant 1 : i32
      %dma_wait3A_1712 = arith.constant 0 : i32
      %dma_wait3A_1713 = tpu.memref_slice %arg10[%dma_wait3A_1711, %dma_wait3A_1712] : memref<2x80xi32, #tpu.memory_space<vmem>> -> memref<1x80xi32, #tpu.memory_space<vmem>>
      %dma_wait3A_1714 = arith.constant 0 : i32
      %dma_wait3A_1715 = arith.constant 0 : i32
      %dma_wait3A_1716 = arith.constant 0 : i32
      %dma_wait3A_1717 = tpu.memref_slice %arg4[%arg1, %dma_wait3A_1714, %dma_wait3A_1715, %dma_wait3A_1716] : memref<16x125x1x80xi32, #tpu.memory_space<hbm>> -> memref<1x125x1x80xi32, #tpu.memory_space<hbm>>
      %dma_wait3A_1718 = tpu.memref_squeeze %dma_wait3A_1717 : memref<1x125x1x80xi32, #tpu.memory_space<hbm>> -> memref<125x1x80xi32, #tpu.memory_space<hbm>>
      %dma_wait3A_1719 = arith.constant 0 : i32
      %dma_wait3A_1720 = arith.constant 0 : i32
      %dma_wait3A_1721 = tpu.memref_slice %dma_wait3A_1718[%min3A_1686, %dma_wait3A_1719, %dma_wait3A_1720] : memref<125x1x80xi32, #tpu.memory_space<hbm>> -> memref<1x1x80xi32, #tpu.memory_space<hbm>>
      %dma_wait3A_1722 = tpu.memref_squeeze %dma_wait3A_1721 : memref<1x1x80xi32, #tpu.memory_space<hbm>> -> memref<1x80xi32, #tpu.memory_space<hbm>>
      %dma_wait3A_1723 = arith.constant 1 : i32
      %dma_wait3A_1724 = arith.constant 0 : i32
      %dma_wait3A_1725 = tpu.memref_slice %arg10[%dma_wait3A_1723, %dma_wait3A_1724] : memref<2x80xi32, #tpu.memory_space<vmem>> -> memref<1x80xi32, #tpu.memory_space<vmem>>
      %dma_wait3A_1726 = arith.constant 0 : i32
      %dma_wait3A_1727 = arith.constant 0 : i32
      %dma_wait3A_1728 = arith.constant 0 : i32
      %dma_wait3A_1729 = tpu.memref_slice %arg4[%arg1, %dma_wait3A_1726, %dma_wait3A_1727, %dma_wait3A_1728] : memref<16x125x1x80xi32, #tpu.memory_space<hbm>> -> memref<1x125x1x80xi32, #tpu.memory_space<hbm>>
      %dma_wait3A_1730 = tpu.memref_squeeze %dma_wait3A_1729 : memref<1x125x1x80xi32, #tpu.memory_space<hbm>> -> memref<125x1x80xi32, #tpu.memory_space<hbm>>
      %dma_wait3A_1731 = arith.constant 0 : i32
      %dma_wait3A_1732 = arith.constant 0 : i32
      %dma_wait3A_1733 = tpu.memref_slice %dma_wait3A_1730[%min3A_1686, %dma_wait3A_1731, %dma_wait3A_1732] : memref<125x1x80xi32, #tpu.memory_space<hbm>> -> memref<1x1x80xi32, #tpu.memory_space<hbm>>
      %dma_wait3A_1734 = tpu.memref_squeeze %dma_wait3A_1733 : memref<1x1x80xi32, #tpu.memory_space<hbm>> -> memref<1x80xi32, #tpu.memory_space<hbm>>
      tpu.wait_dma2 semaphore(%arg23 : memref<!tpu.dma_semaphore, #tpu.memory_space<semaphore_mem>>) src(%dma_wait3A_1734 : memref<1x80xi32, #tpu.memory_space<hbm>>) dst(%dma_wait3A_1725 : memref<1x80xi32, #tpu.memory_space<vmem>>)
      %add3A_1735 = arith.constant 8 : i32
      %add3A_1736 = arith.addi %mul3A_994, %add3A_1735 : i32
      %add3A_1737 = arith.constant 0 : i32
      %add3A_1738 = arith.addi %add3A_1736, %add3A_1737 : i32
      %min3A_1739 = arith.constant 124 : i32
      %min3A_1740 = arith.minsi %add3A_1738, %min3A_1739 : i32
      %dma_start3A_1741 = arith.constant 0 : i32
      %dma_start3A_1742 = arith.constant 0 : i32
      %dma_start3A_1743 = tpu.memref_slice %arg10[%dma_start3A_1741, %dma_start3A_1742] : memref<2x80xi32, #tpu.memory_space<vmem>> -> memref<1x80xi32, #tpu.memory_space<vmem>>
      %dma_start3A_1744 = tpu.memref_squeeze %dma_start3A_1743 : memref<1x80xi32, #tpu.memory_space<vmem>> -> memref<80xi32, #tpu.memory_space<vmem>>
      %dma_start3A_1745 = arith.constant 0 : i32
      %dma_start3A_1746 = arith.constant 0 : i32
      %dma_start3A_1747 = tpu.memref_slice %arg2[%arg0, %dma_start3A_1745, %dma_start3A_1746] : memref<2x10000x128xf32, #tpu.memory_space<hbm>> -> memref<1x10000x128xf32, #tpu.memory_space<hbm>>
      %dma_start3A_1748 = tpu.memref_squeeze %dma_start3A_1747 : memref<1x10000x128xf32, #tpu.memory_space<hbm>> -> memref<10000x128xf32, #tpu.memory_space<hbm>>
      %dma_start3A_1749 = arith.constant 0 : i32
      %dma_start3A_1750 = arith.constant 0 : i32
      %dma_start3A_1751 = tpu.memref_slice %dma_start3A_1748[%dma_start3A_1749, %dma_start3A_1750] : memref<10000x128xf32, #tpu.memory_space<hbm>> -> memref<10000x128xf32, #tpu.memory_space<hbm>>
      tpu.enqueue_indirect_dma source(%dma_start3A_1751 : memref<10000x128xf32, #tpu.memory_space<hbm>>) target(%arg6 : memref<80x128xf32, #tpu.memory_space<vmem>>) offsets(%dma_start3A_1744 : memref<80xi32, #tpu.memory_space<vmem>>) semaphore(%arg19 : memref<!tpu.dma_semaphore, #tpu.memory_space<semaphore_mem>>)
      %add3A_1752 = arith.constant 12 : i32
      %add3A_1753 = arith.addi %mul3A_994, %add3A_1752 : i32
      %add3A_1754 = arith.constant 0 : i32
      %add3A_1755 = arith.addi %add3A_1753, %add3A_1754 : i32
      %min3A_1756 = arith.constant 124 : i32
      %min3A_1757 = arith.minsi %add3A_1755, %min3A_1756 : i32
      %dma_start3A_1758 = arith.constant 0 : i32
      %dma_start3A_1759 = arith.constant 0 : i32
      %dma_start3A_1760 = tpu.memref_slice %arg11[%dma_start3A_1758, %dma_start3A_1759] : memref<2x80xi32, #tpu.memory_space<vmem>> -> memref<1x80xi32, #tpu.memory_space<vmem>>
      %dma_start3A_1761 = arith.constant 0 : i32
      %dma_start3A_1762 = arith.constant 0 : i32
      %dma_start3A_1763 = arith.constant 0 : i32
      %dma_start3A_1764 = tpu.memref_slice %arg3[%arg1, %dma_start3A_1761, %dma_start3A_1762, %dma_start3A_1763] : memref<16x125x1x80xi32, #tpu.memory_space<hbm>> -> memref<1x125x1x80xi32, #tpu.memory_space<hbm>>
      %dma_start3A_1765 = tpu.memref_squeeze %dma_start3A_1764 : memref<1x125x1x80xi32, #tpu.memory_space<hbm>> -> memref<125x1x80xi32, #tpu.memory_space<hbm>>
      %dma_start3A_1766 = arith.constant 0 : i32
      %dma_start3A_1767 = arith.constant 0 : i32
      %dma_start3A_1768 = tpu.memref_slice %dma_start3A_1765[%min3A_1757, %dma_start3A_1766, %dma_start3A_1767] : memref<125x1x80xi32, #tpu.memory_space<hbm>> -> memref<1x1x80xi32, #tpu.memory_space<hbm>>
      %dma_start3A_1769 = tpu.memref_squeeze %dma_start3A_1768 : memref<1x1x80xi32, #tpu.memory_space<hbm>> -> memref<1x80xi32, #tpu.memory_space<hbm>>
      %dma_start3A_1770 = arith.constant 0 : i32
      %dma_start3A_1771 = arith.constant 0 : i32
      %dma_start3A_1772 = tpu.memref_slice %arg11[%dma_start3A_1770, %dma_start3A_1771] : memref<2x80xi32, #tpu.memory_space<vmem>> -> memref<1x80xi32, #tpu.memory_space<vmem>>
      %dma_start3A_1773 = arith.constant 0 : i32
      %dma_start3A_1774 = arith.constant 0 : i32
      %dma_start3A_1775 = arith.constant 0 : i32
      %dma_start3A_1776 = tpu.memref_slice %arg3[%arg1, %dma_start3A_1773, %dma_start3A_1774, %dma_start3A_1775] : memref<16x125x1x80xi32, #tpu.memory_space<hbm>> -> memref<1x125x1x80xi32, #tpu.memory_space<hbm>>
      %dma_start3A_1777 = tpu.memref_squeeze %dma_start3A_1776 : memref<1x125x1x80xi32, #tpu.memory_space<hbm>> -> memref<125x1x80xi32, #tpu.memory_space<hbm>>
      %dma_start3A_1778 = arith.constant 0 : i32
      %dma_start3A_1779 = arith.constant 0 : i32
      %dma_start3A_1780 = tpu.memref_slice %dma_start3A_1777[%min3A_1757, %dma_start3A_1778, %dma_start3A_1779] : memref<125x1x80xi32, #tpu.memory_space<hbm>> -> memref<1x1x80xi32, #tpu.memory_space<hbm>>
      %dma_start3A_1781 = tpu.memref_squeeze %dma_start3A_1780 : memref<1x1x80xi32, #tpu.memory_space<hbm>> -> memref<1x80xi32, #tpu.memory_space<hbm>>
      tpu.enqueue_dma source(%dma_start3A_1781 : memref<1x80xi32, #tpu.memory_space<hbm>>) target(%dma_start3A_1772 : memref<1x80xi32, #tpu.memory_space<vmem>>) target_semaphore(%arg24 : memref<!tpu.dma_semaphore, #tpu.memory_space<semaphore_mem>>)
      %dma_start3A_1782 = arith.constant 1 : i32
      %dma_start3A_1783 = arith.constant 0 : i32
      %dma_start3A_1784 = tpu.memref_slice %arg11[%dma_start3A_1782, %dma_start3A_1783] : memref<2x80xi32, #tpu.memory_space<vmem>> -> memref<1x80xi32, #tpu.memory_space<vmem>>
      %dma_start3A_1785 = arith.constant 0 : i32
      %dma_start3A_1786 = arith.constant 0 : i32
      %dma_start3A_1787 = arith.constant 0 : i32
      %dma_start3A_1788 = tpu.memref_slice %arg4[%arg1, %dma_start3A_1785, %dma_start3A_1786, %dma_start3A_1787] : memref<16x125x1x80xi32, #tpu.memory_space<hbm>> -> memref<1x125x1x80xi32, #tpu.memory_space<hbm>>
      %dma_start3A_1789 = tpu.memref_squeeze %dma_start3A_1788 : memref<1x125x1x80xi32, #tpu.memory_space<hbm>> -> memref<125x1x80xi32, #tpu.memory_space<hbm>>
      %dma_start3A_1790 = arith.constant 0 : i32
      %dma_start3A_1791 = arith.constant 0 : i32
      %dma_start3A_1792 = tpu.memref_slice %dma_start3A_1789[%min3A_1757, %dma_start3A_1790, %dma_start3A_1791] : memref<125x1x80xi32, #tpu.memory_space<hbm>> -> memref<1x1x80xi32, #tpu.memory_space<hbm>>
      %dma_start3A_1793 = tpu.memref_squeeze %dma_start3A_1792 : memref<1x1x80xi32, #tpu.memory_space<hbm>> -> memref<1x80xi32, #tpu.memory_space<hbm>>
      %dma_start3A_1794 = arith.constant 1 : i32
      %dma_start3A_1795 = arith.constant 0 : i32
      %dma_start3A_1796 = tpu.memref_slice %arg11[%dma_start3A_1794, %dma_start3A_1795] : memref<2x80xi32, #tpu.memory_space<vmem>> -> memref<1x80xi32, #tpu.memory_space<vmem>>
      %dma_start3A_1797 = arith.constant 0 : i32
      %dma_start3A_1798 = arith.constant 0 : i32
      %dma_start3A_1799 = arith.constant 0 : i32
      %dma_start3A_1800 = tpu.memref_slice %arg4[%arg1, %dma_start3A_1797, %dma_start3A_1798, %dma_start3A_1799] : memref<16x125x1x80xi32, #tpu.memory_space<hbm>> -> memref<1x125x1x80xi32, #tpu.memory_space<hbm>>
      %dma_start3A_1801 = tpu.memref_squeeze %dma_start3A_1800 : memref<1x125x1x80xi32, #tpu.memory_space<hbm>> -> memref<125x1x80xi32, #tpu.memory_space<hbm>>
      %dma_start3A_1802 = arith.constant 0 : i32
      %dma_start3A_1803 = arith.constant 0 : i32
      %dma_start3A_1804 = tpu.memref_slice %dma_start3A_1801[%min3A_1757, %dma_start3A_1802, %dma_start3A_1803] : memref<125x1x80xi32, #tpu.memory_space<hbm>> -> memref<1x1x80xi32, #tpu.memory_space<hbm>>
      %dma_start3A_1805 = tpu.memref_squeeze %dma_start3A_1804 : memref<1x1x80xi32, #tpu.memory_space<hbm>> -> memref<1x80xi32, #tpu.memory_space<hbm>>
      tpu.enqueue_dma source(%dma_start3A_1805 : memref<1x80xi32, #tpu.memory_space<hbm>>) target(%dma_start3A_1796 : memref<1x80xi32, #tpu.memory_space<vmem>>) target_semaphore(%arg24 : memref<!tpu.dma_semaphore, #tpu.memory_space<semaphore_mem>>)
      %dma_wait3A_1806 = arith.constant 1 : i32
      %dma_wait3A_1807 = arith.constant 0 : i32
      %dma_wait3A_1808 = tpu.memref_slice %arg13[%dma_wait3A_1806, %dma_wait3A_1807] : memref<2x80xi32, #tpu.memory_space<vmem>> -> memref<1x80xi32, #tpu.memory_space<vmem>>
      %dma_wait3A_1809 = tpu.memref_squeeze %dma_wait3A_1808 : memref<1x80xi32, #tpu.memory_space<vmem>> -> memref<80xi32, #tpu.memory_space<vmem>>
      %dma_wait3A_1810 = arith.constant 0 : i32
      %dma_wait3A_1811 = arith.constant 0 : i32
      %dma_wait3A_1812 = tpu.memref_slice %arg18[%dma_wait3A_1810, %dma_wait3A_1811] : memref<10000x128xf32, #tpu.memory_space<vmem_shared>> -> memref<10000x128xf32, #tpu.memory_space<vmem_shared>>
      tpu.wait_indirect_dma semaphore(%arg20 : memref<!tpu.dma_semaphore, #tpu.memory_space<semaphore_mem>>) src(%arg7 : memref<80x128xf32, #tpu.memory_space<vmem>>) dst(%dma_wait3A_1812 : memref<10000x128xf32, #tpu.memory_space<vmem_shared>>)
      %add3A_1813 = arith.constant 8 : i32
      %add3A_1814 = arith.addi %mul3A_994, %add3A_1813 : i32
      %add3A_1815 = arith.constant 1 : i32
      %add3A_1816 = arith.addi %add3A_1814, %add3A_1815 : i32
      %min3A_1817 = arith.constant 124 : i32
      %min3A_1818 = arith.minsi %add3A_1816, %min3A_1817 : i32
      %dma_wait3A_1819 = arith.constant 0 : i32
      %dma_wait3A_1820 = arith.constant 0 : i32
      %dma_wait3A_1821 = tpu.memref_slice %arg12[%dma_wait3A_1819, %dma_wait3A_1820] : memref<2x80xi32, #tpu.memory_space<vmem>> -> memref<1x80xi32, #tpu.memory_space<vmem>>
      %dma_wait3A_1822 = arith.constant 0 : i32
      %dma_wait3A_1823 = arith.constant 0 : i32
      %dma_wait3A_1824 = arith.constant 0 : i32
      %dma_wait3A_1825 = tpu.memref_slice %arg3[%arg1, %dma_wait3A_1822, %dma_wait3A_1823, %dma_wait3A_1824] : memref<16x125x1x80xi32, #tpu.memory_space<hbm>> -> memref<1x125x1x80xi32, #tpu.memory_space<hbm>>
      %dma_wait3A_1826 = tpu.memref_squeeze %dma_wait3A_1825 : memref<1x125x1x80xi32, #tpu.memory_space<hbm>> -> memref<125x1x80xi32, #tpu.memory_space<hbm>>
      %dma_wait3A_1827 = arith.constant 0 : i32
      %dma_wait3A_1828 = arith.constant 0 : i32
      %dma_wait3A_1829 = tpu.memref_slice %dma_wait3A_1826[%min3A_1818, %dma_wait3A_1827, %dma_wait3A_1828] : memref<125x1x80xi32, #tpu.memory_space<hbm>> -> memref<1x1x80xi32, #tpu.memory_space<hbm>>
      %dma_wait3A_1830 = tpu.memref_squeeze %dma_wait3A_1829 : memref<1x1x80xi32, #tpu.memory_space<hbm>> -> memref<1x80xi32, #tpu.memory_space<hbm>>
      %dma_wait3A_1831 = arith.constant 0 : i32
      %dma_wait3A_1832 = arith.constant 0 : i32
      %dma_wait3A_1833 = tpu.memref_slice %arg12[%dma_wait3A_1831, %dma_wait3A_1832] : memref<2x80xi32, #tpu.memory_space<vmem>> -> memref<1x80xi32, #tpu.memory_space<vmem>>
      %dma_wait3A_1834 = arith.constant 0 : i32
      %dma_wait3A_1835 = arith.constant 0 : i32
      %dma_wait3A_1836 = arith.constant 0 : i32
      %dma_wait3A_1837 = tpu.memref_slice %arg3[%arg1, %dma_wait3A_1834, %dma_wait3A_1835, %dma_wait3A_1836] : memref<16x125x1x80xi32, #tpu.memory_space<hbm>> -> memref<1x125x1x80xi32, #tpu.memory_space<hbm>>
      %dma_wait3A_1838 = tpu.memref_squeeze %dma_wait3A_1837 : memref<1x125x1x80xi32, #tpu.memory_space<hbm>> -> memref<125x1x80xi32, #tpu.memory_space<hbm>>
      %dma_wait3A_1839 = arith.constant 0 : i32
      %dma_wait3A_1840 = arith.constant 0 : i32
      %dma_wait3A_1841 = tpu.memref_slice %dma_wait3A_1838[%min3A_1818, %dma_wait3A_1839, %dma_wait3A_1840] : memref<125x1x80xi32, #tpu.memory_space<hbm>> -> memref<1x1x80xi32, #tpu.memory_space<hbm>>
      %dma_wait3A_1842 = tpu.memref_squeeze %dma_wait3A_1841 : memref<1x1x80xi32, #tpu.memory_space<hbm>> -> memref<1x80xi32, #tpu.memory_space<hbm>>
      tpu.wait_dma2 semaphore(%arg25 : memref<!tpu.dma_semaphore, #tpu.memory_space<semaphore_mem>>) src(%dma_wait3A_1842 : memref<1x80xi32, #tpu.memory_space<hbm>>) dst(%dma_wait3A_1833 : memref<1x80xi32, #tpu.memory_space<vmem>>)
      %dma_wait3A_1843 = arith.constant 1 : i32
      %dma_wait3A_1844 = arith.constant 0 : i32
      %dma_wait3A_1845 = tpu.memref_slice %arg12[%dma_wait3A_1843, %dma_wait3A_1844] : memref<2x80xi32, #tpu.memory_space<vmem>> -> memref<1x80xi32, #tpu.memory_space<vmem>>
      %dma_wait3A_1846 = arith.constant 0 : i32
      %dma_wait3A_1847 = arith.constant 0 : i32
      %dma_wait3A_1848 = arith.constant 0 : i32
      %dma_wait3A_1849 = tpu.memref_slice %arg4[%arg1, %dma_wait3A_1846, %dma_wait3A_1847, %dma_wait3A_1848] : memref<16x125x1x80xi32, #tpu.memory_space<hbm>> -> memref<1x125x1x80xi32, #tpu.memory_space<hbm>>
      %dma_wait3A_1850 = tpu.memref_squeeze %dma_wait3A_1849 : memref<1x125x1x80xi32, #tpu.memory_space<hbm>> -> memref<125x1x80xi32, #tpu.memory_space<hbm>>
      %dma_wait3A_1851 = arith.constant 0 : i32
      %dma_wait3A_1852 = arith.constant 0 : i32
      %dma_wait3A_1853 = tpu.memref_slice %dma_wait3A_1850[%min3A_1818, %dma_wait3A_1851, %dma_wait3A_1852] : memref<125x1x80xi32, #tpu.memory_space<hbm>> -> memref<1x1x80xi32, #tpu.memory_space<hbm>>
      %dma_wait3A_1854 = tpu.memref_squeeze %dma_wait3A_1853 : memref<1x1x80xi32, #tpu.memory_space<hbm>> -> memref<1x80xi32, #tpu.memory_space<hbm>>
      %dma_wait3A_1855 = arith.constant 1 : i32
      %dma_wait3A_1856 = arith.constant 0 : i32
      %dma_wait3A_1857 = tpu.memref_slice %arg12[%dma_wait3A_1855, %dma_wait3A_1856] : memref<2x80xi32, #tpu.memory_space<vmem>> -> memref<1x80xi32, #tpu.memory_space<vmem>>
      %dma_wait3A_1858 = arith.constant 0 : i32
      %dma_wait3A_1859 = arith.constant 0 : i32
      %dma_wait3A_1860 = arith.constant 0 : i32
      %dma_wait3A_1861 = tpu.memref_slice %arg4[%arg1, %dma_wait3A_1858, %dma_wait3A_1859, %dma_wait3A_1860] : memref<16x125x1x80xi32, #tpu.memory_space<hbm>> -> memref<1x125x1x80xi32, #tpu.memory_space<hbm>>
      %dma_wait3A_1862 = tpu.memref_squeeze %dma_wait3A_1861 : memref<1x125x1x80xi32, #tpu.memory_space<hbm>> -> memref<125x1x80xi32, #tpu.memory_space<hbm>>
      %dma_wait3A_1863 = arith.constant 0 : i32
      %dma_wait3A_1864 = arith.constant 0 : i32
      %dma_wait3A_1865 = tpu.memref_slice %dma_wait3A_1862[%min3A_1818, %dma_wait3A_1863, %dma_wait3A_1864] : memref<125x1x80xi32, #tpu.memory_space<hbm>> -> memref<1x1x80xi32, #tpu.memory_space<hbm>>
      %dma_wait3A_1866 = tpu.memref_squeeze %dma_wait3A_1865 : memref<1x1x80xi32, #tpu.memory_space<hbm>> -> memref<1x80xi32, #tpu.memory_space<hbm>>
      tpu.wait_dma2 semaphore(%arg25 : memref<!tpu.dma_semaphore, #tpu.memory_space<semaphore_mem>>) src(%dma_wait3A_1866 : memref<1x80xi32, #tpu.memory_space<hbm>>) dst(%dma_wait3A_1857 : memref<1x80xi32, #tpu.memory_space<vmem>>)
      %add3A_1867 = arith.constant 8 : i32
      %add3A_1868 = arith.addi %mul3A_994, %add3A_1867 : i32
      %add3A_1869 = arith.constant 1 : i32
      %add3A_1870 = arith.addi %add3A_1868, %add3A_1869 : i32
      %min3A_1871 = arith.constant 124 : i32
      %min3A_1872 = arith.minsi %add3A_1870, %min3A_1871 : i32
      %dma_start3A_1873 = arith.constant 0 : i32
      %dma_start3A_1874 = arith.constant 0 : i32
      %dma_start3A_1875 = tpu.memref_slice %arg12[%dma_start3A_1873, %dma_start3A_1874] : memref<2x80xi32, #tpu.memory_space<vmem>> -> memref<1x80xi32, #tpu.memory_space<vmem>>
      %dma_start3A_1876 = tpu.memref_squeeze %dma_start3A_1875 : memref<1x80xi32, #tpu.memory_space<vmem>> -> memref<80xi32, #tpu.memory_space<vmem>>
      %dma_start3A_1877 = arith.constant 0 : i32
      %dma_start3A_1878 = arith.constant 0 : i32
      %dma_start3A_1879 = tpu.memref_slice %arg2[%arg0, %dma_start3A_1877, %dma_start3A_1878] : memref<2x10000x128xf32, #tpu.memory_space<hbm>> -> memref<1x10000x128xf32, #tpu.memory_space<hbm>>
      %dma_start3A_1880 = tpu.memref_squeeze %dma_start3A_1879 : memref<1x10000x128xf32, #tpu.memory_space<hbm>> -> memref<10000x128xf32, #tpu.memory_space<hbm>>
      %dma_start3A_1881 = arith.constant 0 : i32
      %dma_start3A_1882 = arith.constant 0 : i32
      %dma_start3A_1883 = tpu.memref_slice %dma_start3A_1880[%dma_start3A_1881, %dma_start3A_1882] : memref<10000x128xf32, #tpu.memory_space<hbm>> -> memref<10000x128xf32, #tpu.memory_space<hbm>>
      tpu.enqueue_indirect_dma source(%dma_start3A_1883 : memref<10000x128xf32, #tpu.memory_space<hbm>>) target(%arg7 : memref<80x128xf32, #tpu.memory_space<vmem>>) offsets(%dma_start3A_1876 : memref<80xi32, #tpu.memory_space<vmem>>) semaphore(%arg20 : memref<!tpu.dma_semaphore, #tpu.memory_space<semaphore_mem>>)
      %add3A_1884 = arith.constant 12 : i32
      %add3A_1885 = arith.addi %mul3A_994, %add3A_1884 : i32
      %add3A_1886 = arith.constant 1 : i32
      %add3A_1887 = arith.addi %add3A_1885, %add3A_1886 : i32
      %min3A_1888 = arith.constant 124 : i32
      %min3A_1889 = arith.minsi %add3A_1887, %min3A_1888 : i32
      %dma_start3A_1890 = arith.constant 0 : i32
      %dma_start3A_1891 = arith.constant 0 : i32
      %dma_start3A_1892 = tpu.memref_slice %arg13[%dma_start3A_1890, %dma_start3A_1891] : memref<2x80xi32, #tpu.memory_space<vmem>> -> memref<1x80xi32, #tpu.memory_space<vmem>>
      %dma_start3A_1893 = arith.constant 0 : i32
      %dma_start3A_1894 = arith.constant 0 : i32
      %dma_start3A_1895 = arith.constant 0 : i32
      %dma_start3A_1896 = tpu.memref_slice %arg3[%arg1, %dma_start3A_1893, %dma_start3A_1894, %dma_start3A_1895] : memref<16x125x1x80xi32, #tpu.memory_space<hbm>> -> memref<1x125x1x80xi32, #tpu.memory_space<hbm>>
      %dma_start3A_1897 = tpu.memref_squeeze %dma_start3A_1896 : memref<1x125x1x80xi32, #tpu.memory_space<hbm>> -> memref<125x1x80xi32, #tpu.memory_space<hbm>>
      %dma_start3A_1898 = arith.constant 0 : i32
      %dma_start3A_1899 = arith.constant 0 : i32
      %dma_start3A_1900 = tpu.memref_slice %dma_start3A_1897[%min3A_1889, %dma_start3A_1898, %dma_start3A_1899] : memref<125x1x80xi32, #tpu.memory_space<hbm>> -> memref<1x1x80xi32, #tpu.memory_space<hbm>>
      %dma_start3A_1901 = tpu.memref_squeeze %dma_start3A_1900 : memref<1x1x80xi32, #tpu.memory_space<hbm>> -> memref<1x80xi32, #tpu.memory_space<hbm>>
      %dma_start3A_1902 = arith.constant 0 : i32
      %dma_start3A_1903 = arith.constant 0 : i32
      %dma_start3A_1904 = tpu.memref_slice %arg13[%dma_start3A_1902, %dma_start3A_1903] : memref<2x80xi32, #tpu.memory_space<vmem>> -> memref<1x80xi32, #tpu.memory_space<vmem>>
      %dma_start3A_1905 = arith.constant 0 : i32
      %dma_start3A_1906 = arith.constant 0 : i32
      %dma_start3A_1907 = arith.constant 0 : i32
      %dma_start3A_1908 = tpu.memref_slice %arg3[%arg1, %dma_start3A_1905, %dma_start3A_1906, %dma_start3A_1907] : memref<16x125x1x80xi32, #tpu.memory_space<hbm>> -> memref<1x125x1x80xi32, #tpu.memory_space<hbm>>
      %dma_start3A_1909 = tpu.memref_squeeze %dma_start3A_1908 : memref<1x125x1x80xi32, #tpu.memory_space<hbm>> -> memref<125x1x80xi32, #tpu.memory_space<hbm>>
      %dma_start3A_1910 = arith.constant 0 : i32
      %dma_start3A_1911 = arith.constant 0 : i32
      %dma_start3A_1912 = tpu.memref_slice %dma_start3A_1909[%min3A_1889, %dma_start3A_1910, %dma_start3A_1911] : memref<125x1x80xi32, #tpu.memory_space<hbm>> -> memref<1x1x80xi32, #tpu.memory_space<hbm>>
      %dma_start3A_1913 = tpu.memref_squeeze %dma_start3A_1912 : memref<1x1x80xi32, #tpu.memory_space<hbm>> -> memref<1x80xi32, #tpu.memory_space<hbm>>
      tpu.enqueue_dma source(%dma_start3A_1913 : memref<1x80xi32, #tpu.memory_space<hbm>>) target(%dma_start3A_1904 : memref<1x80xi32, #tpu.memory_space<vmem>>) target_semaphore(%arg26 : memref<!tpu.dma_semaphore, #tpu.memory_space<semaphore_mem>>)
      %dma_start3A_1914 = arith.constant 1 : i32
      %dma_start3A_1915 = arith.constant 0 : i32
      %dma_start3A_1916 = tpu.memref_slice %arg13[%dma_start3A_1914, %dma_start3A_1915] : memref<2x80xi32, #tpu.memory_space<vmem>> -> memref<1x80xi32, #tpu.memory_space<vmem>>
      %dma_start3A_1917 = arith.constant 0 : i32
      %dma_start3A_1918 = arith.constant 0 : i32
      %dma_start3A_1919 = arith.constant 0 : i32
      %dma_start3A_1920 = tpu.memref_slice %arg4[%arg1, %dma_start3A_1917, %dma_start3A_1918, %dma_start3A_1919] : memref<16x125x1x80xi32, #tpu.memory_space<hbm>> -> memref<1x125x1x80xi32, #tpu.memory_space<hbm>>
      %dma_start3A_1921 = tpu.memref_squeeze %dma_start3A_1920 : memref<1x125x1x80xi32, #tpu.memory_space<hbm>> -> memref<125x1x80xi32, #tpu.memory_space<hbm>>
      %dma_start3A_1922 = arith.constant 0 : i32
      %dma_start3A_1923 = arith.constant 0 : i32
      %dma_start3A_1924 = tpu.memref_slice %dma_start3A_1921[%min3A_1889, %dma_start3A_1922, %dma_start3A_1923] : memref<125x1x80xi32, #tpu.memory_space<hbm>> -> memref<1x1x80xi32, #tpu.memory_space<hbm>>
      %dma_start3A_1925 = tpu.memref_squeeze %dma_start3A_1924 : memref<1x1x80xi32, #tpu.memory_space<hbm>> -> memref<1x80xi32, #tpu.memory_space<hbm>>
      %dma_start3A_1926 = arith.constant 1 : i32
      %dma_start3A_1927 = arith.constant 0 : i32
      %dma_start3A_1928 = tpu.memref_slice %arg13[%dma_start3A_1926, %dma_start3A_1927] : memref<2x80xi32, #tpu.memory_space<vmem>> -> memref<1x80xi32, #tpu.memory_space<vmem>>
      %dma_start3A_1929 = arith.constant 0 : i32
      %dma_start3A_1930 = arith.constant 0 : i32
      %dma_start3A_1931 = arith.constant 0 : i32
      %dma_start3A_1932 = tpu.memref_slice %arg4[%arg1, %dma_start3A_1929, %dma_start3A_1930, %dma_start3A_1931] : memref<16x125x1x80xi32, #tpu.memory_space<hbm>> -> memref<1x125x1x80xi32, #tpu.memory_space<hbm>>
      %dma_start3A_1933 = tpu.memref_squeeze %dma_start3A_1932 : memref<1x125x1x80xi32, #tpu.memory_space<hbm>> -> memref<125x1x80xi32, #tpu.memory_space<hbm>>
      %dma_start3A_1934 = arith.constant 0 : i32
      %dma_start3A_1935 = arith.constant 0 : i32
      %dma_start3A_1936 = tpu.memref_slice %dma_start3A_1933[%min3A_1889, %dma_start3A_1934, %dma_start3A_1935] : memref<125x1x80xi32, #tpu.memory_space<hbm>> -> memref<1x1x80xi32, #tpu.memory_space<hbm>>
      %dma_start3A_1937 = tpu.memref_squeeze %dma_start3A_1936 : memref<1x1x80xi32, #tpu.memory_space<hbm>> -> memref<1x80xi32, #tpu.memory_space<hbm>>
      tpu.enqueue_dma source(%dma_start3A_1937 : memref<1x80xi32, #tpu.memory_space<hbm>>) target(%dma_start3A_1928 : memref<1x80xi32, #tpu.memory_space<vmem>>) target_semaphore(%arg26 : memref<!tpu.dma_semaphore, #tpu.memory_space<semaphore_mem>>)
      %dma_wait3A_1938 = arith.constant 1 : i32
      %dma_wait3A_1939 = arith.constant 0 : i32
      %dma_wait3A_1940 = tpu.memref_slice %arg15[%dma_wait3A_1938, %dma_wait3A_1939] : memref<2x80xi32, #tpu.memory_space<vmem>> -> memref<1x80xi32, #tpu.memory_space<vmem>>
      %dma_wait3A_1941 = tpu.memref_squeeze %dma_wait3A_1940 : memref<1x80xi32, #tpu.memory_space<vmem>> -> memref<80xi32, #tpu.memory_space<vmem>>
      %dma_wait3A_1942 = arith.constant 0 : i32
      %dma_wait3A_1943 = arith.constant 0 : i32
      %dma_wait3A_1944 = tpu.memref_slice %arg18[%dma_wait3A_1942, %dma_wait3A_1943] : memref<10000x128xf32, #tpu.memory_space<vmem_shared>> -> memref<10000x128xf32, #tpu.memory_space<vmem_shared>>
      tpu.wait_indirect_dma semaphore(%arg21 : memref<!tpu.dma_semaphore, #tpu.memory_space<semaphore_mem>>) src(%arg8 : memref<80x128xf32, #tpu.memory_space<vmem>>) dst(%dma_wait3A_1944 : memref<10000x128xf32, #tpu.memory_space<vmem_shared>>)
      %add3A_1945 = arith.constant 8 : i32
      %add3A_1946 = arith.addi %mul3A_994, %add3A_1945 : i32
      %add3A_1947 = arith.constant 2 : i32
      %add3A_1948 = arith.addi %add3A_1946, %add3A_1947 : i32
      %min3A_1949 = arith.constant 124 : i32
      %min3A_1950 = arith.minsi %add3A_1948, %min3A_1949 : i32
      %dma_wait3A_1951 = arith.constant 0 : i32
      %dma_wait3A_1952 = arith.constant 0 : i32
      %dma_wait3A_1953 = tpu.memref_slice %arg14[%dma_wait3A_1951, %dma_wait3A_1952] : memref<2x80xi32, #tpu.memory_space<vmem>> -> memref<1x80xi32, #tpu.memory_space<vmem>>
      %dma_wait3A_1954 = arith.constant 0 : i32
      %dma_wait3A_1955 = arith.constant 0 : i32
      %dma_wait3A_1956 = arith.constant 0 : i32
      %dma_wait3A_1957 = tpu.memref_slice %arg3[%arg1, %dma_wait3A_1954, %dma_wait3A_1955, %dma_wait3A_1956] : memref<16x125x1x80xi32, #tpu.memory_space<hbm>> -> memref<1x125x1x80xi32, #tpu.memory_space<hbm>>
      %dma_wait3A_1958 = tpu.memref_squeeze %dma_wait3A_1957 : memref<1x125x1x80xi32, #tpu.memory_space<hbm>> -> memref<125x1x80xi32, #tpu.memory_space<hbm>>
      %dma_wait3A_1959 = arith.constant 0 : i32
      %dma_wait3A_1960 = arith.constant 0 : i32
      %dma_wait3A_1961 = tpu.memref_slice %dma_wait3A_1958[%min3A_1950, %dma_wait3A_1959, %dma_wait3A_1960] : memref<125x1x80xi32, #tpu.memory_space<hbm>> -> memref<1x1x80xi32, #tpu.memory_space<hbm>>
      %dma_wait3A_1962 = tpu.memref_squeeze %dma_wait3A_1961 : memref<1x1x80xi32, #tpu.memory_space<hbm>> -> memref<1x80xi32, #tpu.memory_space<hbm>>
      %dma_wait3A_1963 = arith.constant 0 : i32
      %dma_wait3A_1964 = arith.constant 0 : i32
      %dma_wait3A_1965 = tpu.memref_slice %arg14[%dma_wait3A_1963, %dma_wait3A_1964] : memref<2x80xi32, #tpu.memory_space<vmem>> -> memref<1x80xi32, #tpu.memory_space<vmem>>
      %dma_wait3A_1966 = arith.constant 0 : i32
      %dma_wait3A_1967 = arith.constant 0 : i32
      %dma_wait3A_1968 = arith.constant 0 : i32
      %dma_wait3A_1969 = tpu.memref_slice %arg3[%arg1, %dma_wait3A_1966, %dma_wait3A_1967, %dma_wait3A_1968] : memref<16x125x1x80xi32, #tpu.memory_space<hbm>> -> memref<1x125x1x80xi32, #tpu.memory_space<hbm>>
      %dma_wait3A_1970 = tpu.memref_squeeze %dma_wait3A_1969 : memref<1x125x1x80xi32, #tpu.memory_space<hbm>> -> memref<125x1x80xi32, #tpu.memory_space<hbm>>
      %dma_wait3A_1971 = arith.constant 0 : i32
      %dma_wait3A_1972 = arith.constant 0 : i32
      %dma_wait3A_1973 = tpu.memref_slice %dma_wait3A_1970[%min3A_1950, %dma_wait3A_1971, %dma_wait3A_1972] : memref<125x1x80xi32, #tpu.memory_space<hbm>> -> memref<1x1x80xi32, #tpu.memory_space<hbm>>
      %dma_wait3A_1974 = tpu.memref_squeeze %dma_wait3A_1973 : memref<1x1x80xi32, #tpu.memory_space<hbm>> -> memref<1x80xi32, #tpu.memory_space<hbm>>
      tpu.wait_dma2 semaphore(%arg27 : memref<!tpu.dma_semaphore, #tpu.memory_space<semaphore_mem>>) src(%dma_wait3A_1974 : memref<1x80xi32, #tpu.memory_space<hbm>>) dst(%dma_wait3A_1965 : memref<1x80xi32, #tpu.memory_space<vmem>>)
      %dma_wait3A_1975 = arith.constant 1 : i32
      %dma_wait3A_1976 = arith.constant 0 : i32
      %dma_wait3A_1977 = tpu.memref_slice %arg14[%dma_wait3A_1975, %dma_wait3A_1976] : memref<2x80xi32, #tpu.memory_space<vmem>> -> memref<1x80xi32, #tpu.memory_space<vmem>>
      %dma_wait3A_1978 = arith.constant 0 : i32
      %dma_wait3A_1979 = arith.constant 0 : i32
      %dma_wait3A_1980 = arith.constant 0 : i32
      %dma_wait3A_1981 = tpu.memref_slice %arg4[%arg1, %dma_wait3A_1978, %dma_wait3A_1979, %dma_wait3A_1980] : memref<16x125x1x80xi32, #tpu.memory_space<hbm>> -> memref<1x125x1x80xi32, #tpu.memory_space<hbm>>
      %dma_wait3A_1982 = tpu.memref_squeeze %dma_wait3A_1981 : memref<1x125x1x80xi32, #tpu.memory_space<hbm>> -> memref<125x1x80xi32, #tpu.memory_space<hbm>>
      %dma_wait3A_1983 = arith.constant 0 : i32
      %dma_wait3A_1984 = arith.constant 0 : i32
      %dma_wait3A_1985 = tpu.memref_slice %dma_wait3A_1982[%min3A_1950, %dma_wait3A_1983, %dma_wait3A_1984] : memref<125x1x80xi32, #tpu.memory_space<hbm>> -> memref<1x1x80xi32, #tpu.memory_space<hbm>>
      %dma_wait3A_1986 = tpu.memref_squeeze %dma_wait3A_1985 : memref<1x1x80xi32, #tpu.memory_space<hbm>> -> memref<1x80xi32, #tpu.memory_space<hbm>>
      %dma_wait3A_1987 = arith.constant 1 : i32
      %dma_wait3A_1988 = arith.constant 0 : i32
      %dma_wait3A_1989 = tpu.memref_slice %arg14[%dma_wait3A_1987, %dma_wait3A_1988] : memref<2x80xi32, #tpu.memory_space<vmem>> -> memref<1x80xi32, #tpu.memory_space<vmem>>
      %dma_wait3A_1990 = arith.constant 0 : i32
      %dma_wait3A_1991 = arith.constant 0 : i32
      %dma_wait3A_1992 = arith.constant 0 : i32
      %dma_wait3A_1993 = tpu.memref_slice %arg4[%arg1, %dma_wait3A_1990, %dma_wait3A_1991, %dma_wait3A_1992] : memref<16x125x1x80xi32, #tpu.memory_space<hbm>> -> memref<1x125x1x80xi32, #tpu.memory_space<hbm>>
      %dma_wait3A_1994 = tpu.memref_squeeze %dma_wait3A_1993 : memref<1x125x1x80xi32, #tpu.memory_space<hbm>> -> memref<125x1x80xi32, #tpu.memory_space<hbm>>
      %dma_wait3A_1995 = arith.constant 0 : i32
      %dma_wait3A_1996 = arith.constant 0 : i32
      %dma_wait3A_1997 = tpu.memref_slice %dma_wait3A_1994[%min3A_1950, %dma_wait3A_1995, %dma_wait3A_1996] : memref<125x1x80xi32, #tpu.memory_space<hbm>> -> memref<1x1x80xi32, #tpu.memory_space<hbm>>
      %dma_wait3A_1998 = tpu.memref_squeeze %dma_wait3A_1997 : memref<1x1x80xi32, #tpu.memory_space<hbm>> -> memref<1x80xi32, #tpu.memory_space<hbm>>
      tpu.wait_dma2 semaphore(%arg27 : memref<!tpu.dma_semaphore, #tpu.memory_space<semaphore_mem>>) src(%dma_wait3A_1998 : memref<1x80xi32, #tpu.memory_space<hbm>>) dst(%dma_wait3A_1989 : memref<1x80xi32, #tpu.memory_space<vmem>>)
      %add3A_1999 = arith.constant 8 : i32
      %add3A_2000 = arith.addi %mul3A_994, %add3A_1999 : i32
      %add3A_2001 = arith.constant 2 : i32
      %add3A_2002 = arith.addi %add3A_2000, %add3A_2001 : i32
      %min3A_2003 = arith.constant 124 : i32
      %min3A_2004 = arith.minsi %add3A_2002, %min3A_2003 : i32
      %dma_start3A_2005 = arith.constant 0 : i32
      %dma_start3A_2006 = arith.constant 0 : i32
      %dma_start3A_2007 = tpu.memref_slice %arg14[%dma_start3A_2005, %dma_start3A_2006] : memref<2x80xi32, #tpu.memory_space<vmem>> -> memref<1x80xi32, #tpu.memory_space<vmem>>
      %dma_start3A_2008 = tpu.memref_squeeze %dma_start3A_2007 : memref<1x80xi32, #tpu.memory_space<vmem>> -> memref<80xi32, #tpu.memory_space<vmem>>
      %dma_start3A_2009 = arith.constant 0 : i32
      %dma_start3A_2010 = arith.constant 0 : i32
      %dma_start3A_2011 = tpu.memref_slice %arg2[%arg0, %dma_start3A_2009, %dma_start3A_2010] : memref<2x10000x128xf32, #tpu.memory_space<hbm>> -> memref<1x10000x128xf32, #tpu.memory_space<hbm>>
      %dma_start3A_2012 = tpu.memref_squeeze %dma_start3A_2011 : memref<1x10000x128xf32, #tpu.memory_space<hbm>> -> memref<10000x128xf32, #tpu.memory_space<hbm>>
      %dma_start3A_2013 = arith.constant 0 : i32
      %dma_start3A_2014 = arith.constant 0 : i32
      %dma_start3A_2015 = tpu.memref_slice %dma_start3A_2012[%dma_start3A_2013, %dma_start3A_2014] : memref<10000x128xf32, #tpu.memory_space<hbm>> -> memref<10000x128xf32, #tpu.memory_space<hbm>>
      tpu.enqueue_indirect_dma source(%dma_start3A_2015 : memref<10000x128xf32, #tpu.memory_space<hbm>>) target(%arg8 : memref<80x128xf32, #tpu.memory_space<vmem>>) offsets(%dma_start3A_2008 : memref<80xi32, #tpu.memory_space<vmem>>) semaphore(%arg21 : memref<!tpu.dma_semaphore, #tpu.memory_space<semaphore_mem>>)
      %add3A_2016 = arith.constant 12 : i32
      %add3A_2017 = arith.addi %mul3A_994, %add3A_2016 : i32
      %add3A_2018 = arith.constant 2 : i32
      %add3A_2019 = arith.addi %add3A_2017, %add3A_2018 : i32
      %min3A_2020 = arith.constant 124 : i32
      %min3A_2021 = arith.minsi %add3A_2019, %min3A_2020 : i32
      %dma_start3A_2022 = arith.constant 0 : i32
      %dma_start3A_2023 = arith.constant 0 : i32
      %dma_start3A_2024 = tpu.memref_slice %arg15[%dma_start3A_2022, %dma_start3A_2023] : memref<2x80xi32, #tpu.memory_space<vmem>> -> memref<1x80xi32, #tpu.memory_space<vmem>>
      %dma_start3A_2025 = arith.constant 0 : i32
      %dma_start3A_2026 = arith.constant 0 : i32
      %dma_start3A_2027 = arith.constant 0 : i32
      %dma_start3A_2028 = tpu.memref_slice %arg3[%arg1, %dma_start3A_2025, %dma_start3A_2026, %dma_start3A_2027] : memref<16x125x1x80xi32, #tpu.memory_space<hbm>> -> memref<1x125x1x80xi32, #tpu.memory_space<hbm>>
      %dma_start3A_2029 = tpu.memref_squeeze %dma_start3A_2028 : memref<1x125x1x80xi32, #tpu.memory_space<hbm>> -> memref<125x1x80xi32, #tpu.memory_space<hbm>>
      %dma_start3A_2030 = arith.constant 0 : i32
      %dma_start3A_2031 = arith.constant 0 : i32
      %dma_start3A_2032 = tpu.memref_slice %dma_start3A_2029[%min3A_2021, %dma_start3A_2030, %dma_start3A_2031] : memref<125x1x80xi32, #tpu.memory_space<hbm>> -> memref<1x1x80xi32, #tpu.memory_space<hbm>>
      %dma_start3A_2033 = tpu.memref_squeeze %dma_start3A_2032 : memref<1x1x80xi32, #tpu.memory_space<hbm>> -> memref<1x80xi32, #tpu.memory_space<hbm>>
      %dma_start3A_2034 = arith.constant 0 : i32
      %dma_start3A_2035 = arith.constant 0 : i32
      %dma_start3A_2036 = tpu.memref_slice %arg15[%dma_start3A_2034, %dma_start3A_2035] : memref<2x80xi32, #tpu.memory_space<vmem>> -> memref<1x80xi32, #tpu.memory_space<vmem>>
      %dma_start3A_2037 = arith.constant 0 : i32
      %dma_start3A_2038 = arith.constant 0 : i32
      %dma_start3A_2039 = arith.constant 0 : i32
      %dma_start3A_2040 = tpu.memref_slice %arg3[%arg1, %dma_start3A_2037, %dma_start3A_2038, %dma_start3A_2039] : memref<16x125x1x80xi32, #tpu.memory_space<hbm>> -> memref<1x125x1x80xi32, #tpu.memory_space<hbm>>
      %dma_start3A_2041 = tpu.memref_squeeze %dma_start3A_2040 : memref<1x125x1x80xi32, #tpu.memory_space<hbm>> -> memref<125x1x80xi32, #tpu.memory_space<hbm>>
      %dma_start3A_2042 = arith.constant 0 : i32
      %dma_start3A_2043 = arith.constant 0 : i32
      %dma_start3A_2044 = tpu.memref_slice %dma_start3A_2041[%min3A_2021, %dma_start3A_2042, %dma_start3A_2043] : memref<125x1x80xi32, #tpu.memory_space<hbm>> -> memref<1x1x80xi32, #tpu.memory_space<hbm>>
      %dma_start3A_2045 = tpu.memref_squeeze %dma_start3A_2044 : memref<1x1x80xi32, #tpu.memory_space<hbm>> -> memref<1x80xi32, #tpu.memory_space<hbm>>
      tpu.enqueue_dma source(%dma_start3A_2045 : memref<1x80xi32, #tpu.memory_space<hbm>>) target(%dma_start3A_2036 : memref<1x80xi32, #tpu.memory_space<vmem>>) target_semaphore(%arg28 : memref<!tpu.dma_semaphore, #tpu.memory_space<semaphore_mem>>)
      %dma_start3A_2046 = arith.constant 1 : i32
      %dma_start3A_2047 = arith.constant 0 : i32
      %dma_start3A_2048 = tpu.memref_slice %arg15[%dma_start3A_2046, %dma_start3A_2047] : memref<2x80xi32, #tpu.memory_space<vmem>> -> memref<1x80xi32, #tpu.memory_space<vmem>>
      %dma_start3A_2049 = arith.constant 0 : i32
      %dma_start3A_2050 = arith.constant 0 : i32
      %dma_start3A_2051 = arith.constant 0 : i32
      %dma_start3A_2052 = tpu.memref_slice %arg4[%arg1, %dma_start3A_2049, %dma_start3A_2050, %dma_start3A_2051] : memref<16x125x1x80xi32, #tpu.memory_space<hbm>> -> memref<1x125x1x80xi32, #tpu.memory_space<hbm>>
      %dma_start3A_2053 = tpu.memref_squeeze %dma_start3A_2052 : memref<1x125x1x80xi32, #tpu.memory_space<hbm>> -> memref<125x1x80xi32, #tpu.memory_space<hbm>>
      %dma_start3A_2054 = arith.constant 0 : i32
      %dma_start3A_2055 = arith.constant 0 : i32
      %dma_start3A_2056 = tpu.memref_slice %dma_start3A_2053[%min3A_2021, %dma_start3A_2054, %dma_start3A_2055] : memref<125x1x80xi32, #tpu.memory_space<hbm>> -> memref<1x1x80xi32, #tpu.memory_space<hbm>>
      %dma_start3A_2057 = tpu.memref_squeeze %dma_start3A_2056 : memref<1x1x80xi32, #tpu.memory_space<hbm>> -> memref<1x80xi32, #tpu.memory_space<hbm>>
      %dma_start3A_2058 = arith.constant 1 : i32
      %dma_start3A_2059 = arith.constant 0 : i32
      %dma_start3A_2060 = tpu.memref_slice %arg15[%dma_start3A_2058, %dma_start3A_2059] : memref<2x80xi32, #tpu.memory_space<vmem>> -> memref<1x80xi32, #tpu.memory_space<vmem>>
      %dma_start3A_2061 = arith.constant 0 : i32
      %dma_start3A_2062 = arith.constant 0 : i32
      %dma_start3A_2063 = arith.constant 0 : i32
      %dma_start3A_2064 = tpu.memref_slice %arg4[%arg1, %dma_start3A_2061, %dma_start3A_2062, %dma_start3A_2063] : memref<16x125x1x80xi32, #tpu.memory_space<hbm>> -> memref<1x125x1x80xi32, #tpu.memory_space<hbm>>
      %dma_start3A_2065 = tpu.memref_squeeze %dma_start3A_2064 : memref<1x125x1x80xi32, #tpu.memory_space<hbm>> -> memref<125x1x80xi32, #tpu.memory_space<hbm>>
      %dma_start3A_2066 = arith.constant 0 : i32
      %dma_start3A_2067 = arith.constant 0 : i32
      %dma_start3A_2068 = tpu.memref_slice %dma_start3A_2065[%min3A_2021, %dma_start3A_2066, %dma_start3A_2067] : memref<125x1x80xi32, #tpu.memory_space<hbm>> -> memref<1x1x80xi32, #tpu.memory_space<hbm>>
      %dma_start3A_2069 = tpu.memref_squeeze %dma_start3A_2068 : memref<1x1x80xi32, #tpu.memory_space<hbm>> -> memref<1x80xi32, #tpu.memory_space<hbm>>
      tpu.enqueue_dma source(%dma_start3A_2069 : memref<1x80xi32, #tpu.memory_space<hbm>>) target(%dma_start3A_2060 : memref<1x80xi32, #tpu.memory_space<vmem>>) target_semaphore(%arg28 : memref<!tpu.dma_semaphore, #tpu.memory_space<semaphore_mem>>)
      %dma_wait3A_2070 = arith.constant 1 : i32
      %dma_wait3A_2071 = arith.constant 0 : i32
      %dma_wait3A_2072 = tpu.memref_slice %arg17[%dma_wait3A_2070, %dma_wait3A_2071] : memref<2x80xi32, #tpu.memory_space<vmem>> -> memref<1x80xi32, #tpu.memory_space<vmem>>
      %dma_wait3A_2073 = tpu.memref_squeeze %dma_wait3A_2072 : memref<1x80xi32, #tpu.memory_space<vmem>> -> memref<80xi32, #tpu.memory_space<vmem>>
      %dma_wait3A_2074 = arith.constant 0 : i32
      %dma_wait3A_2075 = arith.constant 0 : i32
      %dma_wait3A_2076 = tpu.memref_slice %arg18[%dma_wait3A_2074, %dma_wait3A_2075] : memref<10000x128xf32, #tpu.memory_space<vmem_shared>> -> memref<10000x128xf32, #tpu.memory_space<vmem_shared>>
      tpu.wait_indirect_dma semaphore(%arg22 : memref<!tpu.dma_semaphore, #tpu.memory_space<semaphore_mem>>) src(%arg9 : memref<80x128xf32, #tpu.memory_space<vmem>>) dst(%dma_wait3A_2076 : memref<10000x128xf32, #tpu.memory_space<vmem_shared>>)
      %add3A_2077 = arith.constant 8 : i32
      %add3A_2078 = arith.addi %mul3A_994, %add3A_2077 : i32
      %add3A_2079 = arith.constant 3 : i32
      %add3A_2080 = arith.addi %add3A_2078, %add3A_2079 : i32
      %min3A_2081 = arith.constant 124 : i32
      %min3A_2082 = arith.minsi %add3A_2080, %min3A_2081 : i32
      %dma_wait3A_2083 = arith.constant 0 : i32
      %dma_wait3A_2084 = arith.constant 0 : i32
      %dma_wait3A_2085 = tpu.memref_slice %arg16[%dma_wait3A_2083, %dma_wait3A_2084] : memref<2x80xi32, #tpu.memory_space<vmem>> -> memref<1x80xi32, #tpu.memory_space<vmem>>
      %dma_wait3A_2086 = arith.constant 0 : i32
      %dma_wait3A_2087 = arith.constant 0 : i32
      %dma_wait3A_2088 = arith.constant 0 : i32
      %dma_wait3A_2089 = tpu.memref_slice %arg3[%arg1, %dma_wait3A_2086, %dma_wait3A_2087, %dma_wait3A_2088] : memref<16x125x1x80xi32, #tpu.memory_space<hbm>> -> memref<1x125x1x80xi32, #tpu.memory_space<hbm>>
      %dma_wait3A_2090 = tpu.memref_squeeze %dma_wait3A_2089 : memref<1x125x1x80xi32, #tpu.memory_space<hbm>> -> memref<125x1x80xi32, #tpu.memory_space<hbm>>
      %dma_wait3A_2091 = arith.constant 0 : i32
      %dma_wait3A_2092 = arith.constant 0 : i32
      %dma_wait3A_2093 = tpu.memref_slice %dma_wait3A_2090[%min3A_2082, %dma_wait3A_2091, %dma_wait3A_2092] : memref<125x1x80xi32, #tpu.memory_space<hbm>> -> memref<1x1x80xi32, #tpu.memory_space<hbm>>
      %dma_wait3A_2094 = tpu.memref_squeeze %dma_wait3A_2093 : memref<1x1x80xi32, #tpu.memory_space<hbm>> -> memref<1x80xi32, #tpu.memory_space<hbm>>
      %dma_wait3A_2095 = arith.constant 0 : i32
      %dma_wait3A_2096 = arith.constant 0 : i32
      %dma_wait3A_2097 = tpu.memref_slice %arg16[%dma_wait3A_2095, %dma_wait3A_2096] : memref<2x80xi32, #tpu.memory_space<vmem>> -> memref<1x80xi32, #tpu.memory_space<vmem>>
      %dma_wait3A_2098 = arith.constant 0 : i32
      %dma_wait3A_2099 = arith.constant 0 : i32
      %dma_wait3A_2100 = arith.constant 0 : i32
      %dma_wait3A_2101 = tpu.memref_slice %arg3[%arg1, %dma_wait3A_2098, %dma_wait3A_2099, %dma_wait3A_2100] : memref<16x125x1x80xi32, #tpu.memory_space<hbm>> -> memref<1x125x1x80xi32, #tpu.memory_space<hbm>>
      %dma_wait3A_2102 = tpu.memref_squeeze %dma_wait3A_2101 : memref<1x125x1x80xi32, #tpu.memory_space<hbm>> -> memref<125x1x80xi32, #tpu.memory_space<hbm>>
      %dma_wait3A_2103 = arith.constant 0 : i32
      %dma_wait3A_2104 = arith.constant 0 : i32
      %dma_wait3A_2105 = tpu.memref_slice %dma_wait3A_2102[%min3A_2082, %dma_wait3A_2103, %dma_wait3A_2104] : memref<125x1x80xi32, #tpu.memory_space<hbm>> -> memref<1x1x80xi32, #tpu.memory_space<hbm>>
      %dma_wait3A_2106 = tpu.memref_squeeze %dma_wait3A_2105 : memref<1x1x80xi32, #tpu.memory_space<hbm>> -> memref<1x80xi32, #tpu.memory_space<hbm>>
      tpu.wait_dma2 semaphore(%arg29 : memref<!tpu.dma_semaphore, #tpu.memory_space<semaphore_mem>>) src(%dma_wait3A_2106 : memref<1x80xi32, #tpu.memory_space<hbm>>) dst(%dma_wait3A_2097 : memref<1x80xi32, #tpu.memory_space<vmem>>)
      %dma_wait3A_2107 = arith.constant 1 : i32
      %dma_wait3A_2108 = arith.constant 0 : i32
      %dma_wait3A_2109 = tpu.memref_slice %arg16[%dma_wait3A_2107, %dma_wait3A_2108] : memref<2x80xi32, #tpu.memory_space<vmem>> -> memref<1x80xi32, #tpu.memory_space<vmem>>
      %dma_wait3A_2110 = arith.constant 0 : i32
      %dma_wait3A_2111 = arith.constant 0 : i32
      %dma_wait3A_2112 = arith.constant 0 : i32
      %dma_wait3A_2113 = tpu.memref_slice %arg4[%arg1, %dma_wait3A_2110, %dma_wait3A_2111, %dma_wait3A_2112] : memref<16x125x1x80xi32, #tpu.memory_space<hbm>> -> memref<1x125x1x80xi32, #tpu.memory_space<hbm>>
      %dma_wait3A_2114 = tpu.memref_squeeze %dma_wait3A_2113 : memref<1x125x1x80xi32, #tpu.memory_space<hbm>> -> memref<125x1x80xi32, #tpu.memory_space<hbm>>
      %dma_wait3A_2115 = arith.constant 0 : i32
      %dma_wait3A_2116 = arith.constant 0 : i32
      %dma_wait3A_2117 = tpu.memref_slice %dma_wait3A_2114[%min3A_2082, %dma_wait3A_2115, %dma_wait3A_2116] : memref<125x1x80xi32, #tpu.memory_space<hbm>> -> memref<1x1x80xi32, #tpu.memory_space<hbm>>
      %dma_wait3A_2118 = tpu.memref_squeeze %dma_wait3A_2117 : memref<1x1x80xi32, #tpu.memory_space<hbm>> -> memref<1x80xi32, #tpu.memory_space<hbm>>
      %dma_wait3A_2119 = arith.constant 1 : i32
      %dma_wait3A_2120 = arith.constant 0 : i32
      %dma_wait3A_2121 = tpu.memref_slice %arg16[%dma_wait3A_2119, %dma_wait3A_2120] : memref<2x80xi32, #tpu.memory_space<vmem>> -> memref<1x80xi32, #tpu.memory_space<vmem>>
      %dma_wait3A_2122 = arith.constant 0 : i32
      %dma_wait3A_2123 = arith.constant 0 : i32
      %dma_wait3A_2124 = arith.constant 0 : i32
      %dma_wait3A_2125 = tpu.memref_slice %arg4[%arg1, %dma_wait3A_2122, %dma_wait3A_2123, %dma_wait3A_2124] : memref<16x125x1x80xi32, #tpu.memory_space<hbm>> -> memref<1x125x1x80xi32, #tpu.memory_space<hbm>>
      %dma_wait3A_2126 = tpu.memref_squeeze %dma_wait3A_2125 : memref<1x125x1x80xi32, #tpu.memory_space<hbm>> -> memref<125x1x80xi32, #tpu.memory_space<hbm>>
      %dma_wait3A_2127 = arith.constant 0 : i32
      %dma_wait3A_2128 = arith.constant 0 : i32
      %dma_wait3A_2129 = tpu.memref_slice %dma_wait3A_2126[%min3A_2082, %dma_wait3A_2127, %dma_wait3A_2128] : memref<125x1x80xi32, #tpu.memory_space<hbm>> -> memref<1x1x80xi32, #tpu.memory_space<hbm>>
      %dma_wait3A_2130 = tpu.memref_squeeze %dma_wait3A_2129 : memref<1x1x80xi32, #tpu.memory_space<hbm>> -> memref<1x80xi32, #tpu.memory_space<hbm>>
      tpu.wait_dma2 semaphore(%arg29 : memref<!tpu.dma_semaphore, #tpu.memory_space<semaphore_mem>>) src(%dma_wait3A_2130 : memref<1x80xi32, #tpu.memory_space<hbm>>) dst(%dma_wait3A_2121 : memref<1x80xi32, #tpu.memory_space<vmem>>)
      %add3A_2131 = arith.constant 8 : i32
      %add3A_2132 = arith.addi %mul3A_994, %add3A_2131 : i32
      %add3A_2133 = arith.constant 3 : i32
      %add3A_2134 = arith.addi %add3A_2132, %add3A_2133 : i32
      %min3A_2135 = arith.constant 124 : i32
      %min3A_2136 = arith.minsi %add3A_2134, %min3A_2135 : i32
      %dma_start3A_2137 = arith.constant 0 : i32
      %dma_start3A_2138 = arith.constant 0 : i32
      %dma_start3A_2139 = tpu.memref_slice %arg16[%dma_start3A_2137, %dma_start3A_2138] : memref<2x80xi32, #tpu.memory_space<vmem>> -> memref<1x80xi32, #tpu.memory_space<vmem>>
      %dma_start3A_2140 = tpu.memref_squeeze %dma_start3A_2139 : memref<1x80xi32, #tpu.memory_space<vmem>> -> memref<80xi32, #tpu.memory_space<vmem>>
      %dma_start3A_2141 = arith.constant 0 : i32
      %dma_start3A_2142 = arith.constant 0 : i32
      %dma_start3A_2143 = tpu.memref_slice %arg2[%arg0, %dma_start3A_2141, %dma_start3A_2142] : memref<2x10000x128xf32, #tpu.memory_space<hbm>> -> memref<1x10000x128xf32, #tpu.memory_space<hbm>>
      %dma_start3A_2144 = tpu.memref_squeeze %dma_start3A_2143 : memref<1x10000x128xf32, #tpu.memory_space<hbm>> -> memref<10000x128xf32, #tpu.memory_space<hbm>>
      %dma_start3A_2145 = arith.constant 0 : i32
      %dma_start3A_2146 = arith.constant 0 : i32
      %dma_start3A_2147 = tpu.memref_slice %dma_start3A_2144[%dma_start3A_2145, %dma_start3A_2146] : memref<10000x128xf32, #tpu.memory_space<hbm>> -> memref<10000x128xf32, #tpu.memory_space<hbm>>
      tpu.enqueue_indirect_dma source(%dma_start3A_2147 : memref<10000x128xf32, #tpu.memory_space<hbm>>) target(%arg9 : memref<80x128xf32, #tpu.memory_space<vmem>>) offsets(%dma_start3A_2140 : memref<80xi32, #tpu.memory_space<vmem>>) semaphore(%arg22 : memref<!tpu.dma_semaphore, #tpu.memory_space<semaphore_mem>>)
      %add3A_2148 = arith.constant 12 : i32
      %add3A_2149 = arith.addi %mul3A_994, %add3A_2148 : i32
      %add3A_2150 = arith.constant 3 : i32
      %add3A_2151 = arith.addi %add3A_2149, %add3A_2150 : i32
      %min3A_2152 = arith.constant 124 : i32
      %min3A_2153 = arith.minsi %add3A_2151, %min3A_2152 : i32
      %dma_start3A_2154 = arith.constant 0 : i32
      %dma_start3A_2155 = arith.constant 0 : i32
      %dma_start3A_2156 = tpu.memref_slice %arg17[%dma_start3A_2154, %dma_start3A_2155] : memref<2x80xi32, #tpu.memory_space<vmem>> -> memref<1x80xi32, #tpu.memory_space<vmem>>
      %dma_start3A_2157 = arith.constant 0 : i32
      %dma_start3A_2158 = arith.constant 0 : i32
      %dma_start3A_2159 = arith.constant 0 : i32
      %dma_start3A_2160 = tpu.memref_slice %arg3[%arg1, %dma_start3A_2157, %dma_start3A_2158, %dma_start3A_2159] : memref<16x125x1x80xi32, #tpu.memory_space<hbm>> -> memref<1x125x1x80xi32, #tpu.memory_space<hbm>>
      %dma_start3A_2161 = tpu.memref_squeeze %dma_start3A_2160 : memref<1x125x1x80xi32, #tpu.memory_space<hbm>> -> memref<125x1x80xi32, #tpu.memory_space<hbm>>
      %dma_start3A_2162 = arith.constant 0 : i32
      %dma_start3A_2163 = arith.constant 0 : i32
      %dma_start3A_2164 = tpu.memref_slice %dma_start3A_2161[%min3A_2153, %dma_start3A_2162, %dma_start3A_2163] : memref<125x1x80xi32, #tpu.memory_space<hbm>> -> memref<1x1x80xi32, #tpu.memory_space<hbm>>
      %dma_start3A_2165 = tpu.memref_squeeze %dma_start3A_2164 : memref<1x1x80xi32, #tpu.memory_space<hbm>> -> memref<1x80xi32, #tpu.memory_space<hbm>>
      %dma_start3A_2166 = arith.constant 0 : i32
      %dma_start3A_2167 = arith.constant 0 : i32
      %dma_start3A_2168 = tpu.memref_slice %arg17[%dma_start3A_2166, %dma_start3A_2167] : memref<2x80xi32, #tpu.memory_space<vmem>> -> memref<1x80xi32, #tpu.memory_space<vmem>>
      %dma_start3A_2169 = arith.constant 0 : i32
      %dma_start3A_2170 = arith.constant 0 : i32
      %dma_start3A_2171 = arith.constant 0 : i32
      %dma_start3A_2172 = tpu.memref_slice %arg3[%arg1, %dma_start3A_2169, %dma_start3A_2170, %dma_start3A_2171] : memref<16x125x1x80xi32, #tpu.memory_space<hbm>> -> memref<1x125x1x80xi32, #tpu.memory_space<hbm>>
      %dma_start3A_2173 = tpu.memref_squeeze %dma_start3A_2172 : memref<1x125x1x80xi32, #tpu.memory_space<hbm>> -> memref<125x1x80xi32, #tpu.memory_space<hbm>>
      %dma_start3A_2174 = arith.constant 0 : i32
      %dma_start3A_2175 = arith.constant 0 : i32
      %dma_start3A_2176 = tpu.memref_slice %dma_start3A_2173[%min3A_2153, %dma_start3A_2174, %dma_start3A_2175] : memref<125x1x80xi32, #tpu.memory_space<hbm>> -> memref<1x1x80xi32, #tpu.memory_space<hbm>>
      %dma_start3A_2177 = tpu.memref_squeeze %dma_start3A_2176 : memref<1x1x80xi32, #tpu.memory_space<hbm>> -> memref<1x80xi32, #tpu.memory_space<hbm>>
      tpu.enqueue_dma source(%dma_start3A_2177 : memref<1x80xi32, #tpu.memory_space<hbm>>) target(%dma_start3A_2168 : memref<1x80xi32, #tpu.memory_space<vmem>>) target_semaphore(%arg30 : memref<!tpu.dma_semaphore, #tpu.memory_space<semaphore_mem>>)
      %dma_start3A_2178 = arith.constant 1 : i32
      %dma_start3A_2179 = arith.constant 0 : i32
      %dma_start3A_2180 = tpu.memref_slice %arg17[%dma_start3A_2178, %dma_start3A_2179] : memref<2x80xi32, #tpu.memory_space<vmem>> -> memref<1x80xi32, #tpu.memory_space<vmem>>
      %dma_start3A_2181 = arith.constant 0 : i32
      %dma_start3A_2182 = arith.constant 0 : i32
      %dma_start3A_2183 = arith.constant 0 : i32
      %dma_start3A_2184 = tpu.memref_slice %arg4[%arg1, %dma_start3A_2181, %dma_start3A_2182, %dma_start3A_2183] : memref<16x125x1x80xi32, #tpu.memory_space<hbm>> -> memref<1x125x1x80xi32, #tpu.memory_space<hbm>>
      %dma_start3A_2185 = tpu.memref_squeeze %dma_start3A_2184 : memref<1x125x1x80xi32, #tpu.memory_space<hbm>> -> memref<125x1x80xi32, #tpu.memory_space<hbm>>
      %dma_start3A_2186 = arith.constant 0 : i32
      %dma_start3A_2187 = arith.constant 0 : i32
      %dma_start3A_2188 = tpu.memref_slice %dma_start3A_2185[%min3A_2153, %dma_start3A_2186, %dma_start3A_2187] : memref<125x1x80xi32, #tpu.memory_space<hbm>> -> memref<1x1x80xi32, #tpu.memory_space<hbm>>
      %dma_start3A_2189 = tpu.memref_squeeze %dma_start3A_2188 : memref<1x1x80xi32, #tpu.memory_space<hbm>> -> memref<1x80xi32, #tpu.memory_space<hbm>>
      %dma_start3A_2190 = arith.constant 1 : i32
      %dma_start3A_2191 = arith.constant 0 : i32
      %dma_start3A_2192 = tpu.memref_slice %arg17[%dma_start3A_2190, %dma_start3A_2191] : memref<2x80xi32, #tpu.memory_space<vmem>> -> memref<1x80xi32, #tpu.memory_space<vmem>>
      %dma_start3A_2193 = arith.constant 0 : i32
      %dma_start3A_2194 = arith.constant 0 : i32
      %dma_start3A_2195 = arith.constant 0 : i32
      %dma_start3A_2196 = tpu.memref_slice %arg4[%arg1, %dma_start3A_2193, %dma_start3A_2194, %dma_start3A_2195] : memref<16x125x1x80xi32, #tpu.memory_space<hbm>> -> memref<1x125x1x80xi32, #tpu.memory_space<hbm>>
      %dma_start3A_2197 = tpu.memref_squeeze %dma_start3A_2196 : memref<1x125x1x80xi32, #tpu.memory_space<hbm>> -> memref<125x1x80xi32, #tpu.memory_space<hbm>>
      %dma_start3A_2198 = arith.constant 0 : i32
      %dma_start3A_2199 = arith.constant 0 : i32
      %dma_start3A_2200 = tpu.memref_slice %dma_start3A_2197[%min3A_2153, %dma_start3A_2198, %dma_start3A_2199] : memref<125x1x80xi32, #tpu.memory_space<hbm>> -> memref<1x1x80xi32, #tpu.memory_space<hbm>>
      %dma_start3A_2201 = tpu.memref_squeeze %dma_start3A_2200 : memref<1x1x80xi32, #tpu.memory_space<hbm>> -> memref<1x80xi32, #tpu.memory_space<hbm>>
      tpu.enqueue_dma source(%dma_start3A_2201 : memref<1x80xi32, #tpu.memory_space<hbm>>) target(%dma_start3A_2192 : memref<1x80xi32, #tpu.memory_space<vmem>>) target_semaphore(%arg30 : memref<!tpu.dma_semaphore, #tpu.memory_space<semaphore_mem>>)
    }
    %scan3A_656 = arith.constant 15 : i32
    %dma_wait3A_657 = arith.constant 0 : i32
    %dma_wait3A_658 = arith.constant 0 : i32
    %dma_wait3A_659 = tpu.memref_slice %arg10[%dma_wait3A_657, %dma_wait3A_658] : memref<2x80xi32, #tpu.memory_space<vmem>> -> memref<1x80xi32, #tpu.memory_space<vmem>>
    %dma_wait3A_660 = tpu.memref_squeeze %dma_wait3A_659 : memref<1x80xi32, #tpu.memory_space<vmem>> -> memref<80xi32, #tpu.memory_space<vmem>>
    %dma_wait3A_661 = arith.constant 0 : i32
    %dma_wait3A_662 = arith.constant 0 : i32
    %dma_wait3A_663 = tpu.memref_slice %arg2[%arg0, %dma_wait3A_661, %dma_wait3A_662] : memref<2x10000x128xf32, #tpu.memory_space<hbm>> -> memref<1x10000x128xf32, #tpu.memory_space<hbm>>
    %dma_wait3A_664 = tpu.memref_squeeze %dma_wait3A_663 : memref<1x10000x128xf32, #tpu.memory_space<hbm>> -> memref<10000x128xf32, #tpu.memory_space<hbm>>
    %dma_wait3A_665 = arith.constant 0 : i32
    %dma_wait3A_666 = arith.constant 0 : i32
    %dma_wait3A_667 = tpu.memref_slice %dma_wait3A_664[%dma_wait3A_665, %dma_wait3A_666] : memref<10000x128xf32, #tpu.memory_space<hbm>> -> memref<10000x128xf32, #tpu.memory_space<hbm>>
    tpu.wait_indirect_dma semaphore(%arg19 : memref<!tpu.dma_semaphore, #tpu.memory_space<semaphore_mem>>) src(%dma_wait3A_667 : memref<10000x128xf32, #tpu.memory_space<hbm>>) dst(%arg6 : memref<80x128xf32, #tpu.memory_space<vmem>>)
    %dma_start3A_668 = arith.constant 1 : i32
    %dma_start3A_669 = arith.constant 0 : i32
    %dma_start3A_670 = tpu.memref_slice %arg10[%dma_start3A_668, %dma_start3A_669] : memref<2x80xi32, #tpu.memory_space<vmem>> -> memref<1x80xi32, #tpu.memory_space<vmem>>
    %dma_start3A_671 = tpu.memref_squeeze %dma_start3A_670 : memref<1x80xi32, #tpu.memory_space<vmem>> -> memref<80xi32, #tpu.memory_space<vmem>>
    %dma_start3A_672 = arith.constant 0 : i32
    %dma_start3A_673 = arith.constant 0 : i32
    %dma_start3A_674 = tpu.memref_slice %arg18[%dma_start3A_672, %dma_start3A_673] : memref<10000x128xf32, #tpu.memory_space<vmem_shared>> -> memref<10000x128xf32, #tpu.memory_space<vmem_shared>>
    tpu.enqueue_indirect_dma source(%arg6 : memref<80x128xf32, #tpu.memory_space<vmem>>) target(%dma_start3A_674 : memref<10000x128xf32, #tpu.memory_space<vmem_shared>>) offsets(%dma_start3A_671 : memref<80xi32, #tpu.memory_space<vmem>>) semaphore(%arg19 : memref<!tpu.dma_semaphore, #tpu.memory_space<semaphore_mem>>) {add = true}
    %dma_wait3A_675 = arith.constant 0 : i32
    %dma_wait3A_676 = arith.constant 0 : i32
    %dma_wait3A_677 = tpu.memref_slice %arg12[%dma_wait3A_675, %dma_wait3A_676] : memref<2x80xi32, #tpu.memory_space<vmem>> -> memref<1x80xi32, #tpu.memory_space<vmem>>
    %dma_wait3A_678 = tpu.memref_squeeze %dma_wait3A_677 : memref<1x80xi32, #tpu.memory_space<vmem>> -> memref<80xi32, #tpu.memory_space<vmem>>
    %dma_wait3A_679 = arith.constant 0 : i32
    %dma_wait3A_680 = arith.constant 0 : i32
    %dma_wait3A_681 = tpu.memref_slice %arg2[%arg0, %dma_wait3A_679, %dma_wait3A_680] : memref<2x10000x128xf32, #tpu.memory_space<hbm>> -> memref<1x10000x128xf32, #tpu.memory_space<hbm>>
    %dma_wait3A_682 = tpu.memref_squeeze %dma_wait3A_681 : memref<1x10000x128xf32, #tpu.memory_space<hbm>> -> memref<10000x128xf32, #tpu.memory_space<hbm>>
    %dma_wait3A_683 = arith.constant 0 : i32
    %dma_wait3A_684 = arith.constant 0 : i32
    %dma_wait3A_685 = tpu.memref_slice %dma_wait3A_682[%dma_wait3A_683, %dma_wait3A_684] : memref<10000x128xf32, #tpu.memory_space<hbm>> -> memref<10000x128xf32, #tpu.memory_space<hbm>>
    tpu.wait_indirect_dma semaphore(%arg20 : memref<!tpu.dma_semaphore, #tpu.memory_space<semaphore_mem>>) src(%dma_wait3A_685 : memref<10000x128xf32, #tpu.memory_space<hbm>>) dst(%arg7 : memref<80x128xf32, #tpu.memory_space<vmem>>)
    %dma_start3A_686 = arith.constant 1 : i32
    %dma_start3A_687 = arith.constant 0 : i32
    %dma_start3A_688 = tpu.memref_slice %arg12[%dma_start3A_686, %dma_start3A_687] : memref<2x80xi32, #tpu.memory_space<vmem>> -> memref<1x80xi32, #tpu.memory_space<vmem>>
    %dma_start3A_689 = tpu.memref_squeeze %dma_start3A_688 : memref<1x80xi32, #tpu.memory_space<vmem>> -> memref<80xi32, #tpu.memory_space<vmem>>
    %dma_start3A_690 = arith.constant 0 : i32
    %dma_start3A_691 = arith.constant 0 : i32
    %dma_start3A_692 = tpu.memref_slice %arg18[%dma_start3A_690, %dma_start3A_691] : memref<10000x128xf32, #tpu.memory_space<vmem_shared>> -> memref<10000x128xf32, #tpu.memory_space<vmem_shared>>
    tpu.enqueue_indirect_dma source(%arg7 : memref<80x128xf32, #tpu.memory_space<vmem>>) target(%dma_start3A_692 : memref<10000x128xf32, #tpu.memory_space<vmem_shared>>) offsets(%dma_start3A_689 : memref<80xi32, #tpu.memory_space<vmem>>) semaphore(%arg20 : memref<!tpu.dma_semaphore, #tpu.memory_space<semaphore_mem>>) {add = true}
    %dma_wait3A_693 = arith.constant 0 : i32
    %dma_wait3A_694 = arith.constant 0 : i32
    %dma_wait3A_695 = tpu.memref_slice %arg14[%dma_wait3A_693, %dma_wait3A_694] : memref<2x80xi32, #tpu.memory_space<vmem>> -> memref<1x80xi32, #tpu.memory_space<vmem>>
    %dma_wait3A_696 = tpu.memref_squeeze %dma_wait3A_695 : memref<1x80xi32, #tpu.memory_space<vmem>> -> memref<80xi32, #tpu.memory_space<vmem>>
    %dma_wait3A_697 = arith.constant 0 : i32
    %dma_wait3A_698 = arith.constant 0 : i32
    %dma_wait3A_699 = tpu.memref_slice %arg2[%arg0, %dma_wait3A_697, %dma_wait3A_698] : memref<2x10000x128xf32, #tpu.memory_space<hbm>> -> memref<1x10000x128xf32, #tpu.memory_space<hbm>>
    %dma_wait3A_700 = tpu.memref_squeeze %dma_wait3A_699 : memref<1x10000x128xf32, #tpu.memory_space<hbm>> -> memref<10000x128xf32, #tpu.memory_space<hbm>>
    %dma_wait3A_701 = arith.constant 0 : i32
    %dma_wait3A_702 = arith.constant 0 : i32
    %dma_wait3A_703 = tpu.memref_slice %dma_wait3A_700[%dma_wait3A_701, %dma_wait3A_702] : memref<10000x128xf32, #tpu.memory_space<hbm>> -> memref<10000x128xf32, #tpu.memory_space<hbm>>
    tpu.wait_indirect_dma semaphore(%arg21 : memref<!tpu.dma_semaphore, #tpu.memory_space<semaphore_mem>>) src(%dma_wait3A_703 : memref<10000x128xf32, #tpu.memory_space<hbm>>) dst(%arg8 : memref<80x128xf32, #tpu.memory_space<vmem>>)
    %dma_start3A_704 = arith.constant 1 : i32
    %dma_start3A_705 = arith.constant 0 : i32
    %dma_start3A_706 = tpu.memref_slice %arg14[%dma_start3A_704, %dma_start3A_705] : memref<2x80xi32, #tpu.memory_space<vmem>> -> memref<1x80xi32, #tpu.memory_space<vmem>>
    %dma_start3A_707 = tpu.memref_squeeze %dma_start3A_706 : memref<1x80xi32, #tpu.memory_space<vmem>> -> memref<80xi32, #tpu.memory_space<vmem>>
    %dma_start3A_708 = arith.constant 0 : i32
    %dma_start3A_709 = arith.constant 0 : i32
    %dma_start3A_710 = tpu.memref_slice %arg18[%dma_start3A_708, %dma_start3A_709] : memref<10000x128xf32, #tpu.memory_space<vmem_shared>> -> memref<10000x128xf32, #tpu.memory_space<vmem_shared>>
    tpu.enqueue_indirect_dma source(%arg8 : memref<80x128xf32, #tpu.memory_space<vmem>>) target(%dma_start3A_710 : memref<10000x128xf32, #tpu.memory_space<vmem_shared>>) offsets(%dma_start3A_707 : memref<80xi32, #tpu.memory_space<vmem>>) semaphore(%arg21 : memref<!tpu.dma_semaphore, #tpu.memory_space<semaphore_mem>>) {add = true}
    %dma_wait3A_711 = arith.constant 0 : i32
    %dma_wait3A_712 = arith.constant 0 : i32
    %dma_wait3A_713 = tpu.memref_slice %arg16[%dma_wait3A_711, %dma_wait3A_712] : memref<2x80xi32, #tpu.memory_space<vmem>> -> memref<1x80xi32, #tpu.memory_space<vmem>>
    %dma_wait3A_714 = tpu.memref_squeeze %dma_wait3A_713 : memref<1x80xi32, #tpu.memory_space<vmem>> -> memref<80xi32, #tpu.memory_space<vmem>>
    %dma_wait3A_715 = arith.constant 0 : i32
    %dma_wait3A_716 = arith.constant 0 : i32
    %dma_wait3A_717 = tpu.memref_slice %arg2[%arg0, %dma_wait3A_715, %dma_wait3A_716] : memref<2x10000x128xf32, #tpu.memory_space<hbm>> -> memref<1x10000x128xf32, #tpu.memory_space<hbm>>
    %dma_wait3A_718 = tpu.memref_squeeze %dma_wait3A_717 : memref<1x10000x128xf32, #tpu.memory_space<hbm>> -> memref<10000x128xf32, #tpu.memory_space<hbm>>
    %dma_wait3A_719 = arith.constant 0 : i32
    %dma_wait3A_720 = arith.constant 0 : i32
    %dma_wait3A_721 = tpu.memref_slice %dma_wait3A_718[%dma_wait3A_719, %dma_wait3A_720] : memref<10000x128xf32, #tpu.memory_space<hbm>> -> memref<10000x128xf32, #tpu.memory_space<hbm>>
    tpu.wait_indirect_dma semaphore(%arg22 : memref<!tpu.dma_semaphore, #tpu.memory_space<semaphore_mem>>) src(%dma_wait3A_721 : memref<10000x128xf32, #tpu.memory_space<hbm>>) dst(%arg9 : memref<80x128xf32, #tpu.memory_space<vmem>>)
    %dma_start3A_722 = arith.constant 1 : i32
    %dma_start3A_723 = arith.constant 0 : i32
    %dma_start3A_724 = tpu.memref_slice %arg16[%dma_start3A_722, %dma_start3A_723] : memref<2x80xi32, #tpu.memory_space<vmem>> -> memref<1x80xi32, #tpu.memory_space<vmem>>
    %dma_start3A_725 = tpu.memref_squeeze %dma_start3A_724 : memref<1x80xi32, #tpu.memory_space<vmem>> -> memref<80xi32, #tpu.memory_space<vmem>>
    %dma_start3A_726 = arith.constant 0 : i32
    %dma_start3A_727 = arith.constant 0 : i32
    %dma_start3A_728 = tpu.memref_slice %arg18[%dma_start3A_726, %dma_start3A_727] : memref<10000x128xf32, #tpu.memory_space<vmem_shared>> -> memref<10000x128xf32, #tpu.memory_space<vmem_shared>>
    tpu.enqueue_indirect_dma source(%arg9 : memref<80x128xf32, #tpu.memory_space<vmem>>) target(%dma_start3A_728 : memref<10000x128xf32, #tpu.memory_space<vmem_shared>>) offsets(%dma_start3A_725 : memref<80xi32, #tpu.memory_space<vmem>>) semaphore(%arg22 : memref<!tpu.dma_semaphore, #tpu.memory_space<semaphore_mem>>) {add = true}
    %dma_wait3A_729 = arith.constant 1 : i32
    %dma_wait3A_730 = arith.constant 0 : i32
    %dma_wait3A_731 = tpu.memref_slice %arg10[%dma_wait3A_729, %dma_wait3A_730] : memref<2x80xi32, #tpu.memory_space<vmem>> -> memref<1x80xi32, #tpu.memory_space<vmem>>
    %dma_wait3A_732 = tpu.memref_squeeze %dma_wait3A_731 : memref<1x80xi32, #tpu.memory_space<vmem>> -> memref<80xi32, #tpu.memory_space<vmem>>
    %dma_wait3A_733 = arith.constant 0 : i32
    %dma_wait3A_734 = arith.constant 0 : i32
    %dma_wait3A_735 = tpu.memref_slice %arg18[%dma_wait3A_733, %dma_wait3A_734] : memref<10000x128xf32, #tpu.memory_space<vmem_shared>> -> memref<10000x128xf32, #tpu.memory_space<vmem_shared>>
    tpu.wait_indirect_dma semaphore(%arg19 : memref<!tpu.dma_semaphore, #tpu.memory_space<semaphore_mem>>) src(%arg6 : memref<80x128xf32, #tpu.memory_space<vmem>>) dst(%dma_wait3A_735 : memref<10000x128xf32, #tpu.memory_space<vmem_shared>>)
    %dma_wait3A_736 = arith.constant 124 : i32
    %dma_wait3A_737 = arith.constant 0 : i32
    %dma_wait3A_738 = arith.constant 0 : i32
    %dma_wait3A_739 = tpu.memref_slice %arg11[%dma_wait3A_737, %dma_wait3A_738] : memref<2x80xi32, #tpu.memory_space<vmem>> -> memref<1x80xi32, #tpu.memory_space<vmem>>
    %dma_wait3A_740 = arith.constant 0 : i32
    %dma_wait3A_741 = arith.constant 0 : i32
    %dma_wait3A_742 = arith.constant 0 : i32
    %dma_wait3A_743 = tpu.memref_slice %arg3[%arg1, %dma_wait3A_740, %dma_wait3A_741, %dma_wait3A_742] : memref<16x125x1x80xi32, #tpu.memory_space<hbm>> -> memref<1x125x1x80xi32, #tpu.memory_space<hbm>>
    %dma_wait3A_744 = tpu.memref_squeeze %dma_wait3A_743 : memref<1x125x1x80xi32, #tpu.memory_space<hbm>> -> memref<125x1x80xi32, #tpu.memory_space<hbm>>
    %dma_wait3A_745 = arith.constant 0 : i32
    %dma_wait3A_746 = arith.constant 0 : i32
    %dma_wait3A_747 = tpu.memref_slice %dma_wait3A_744[%dma_wait3A_736, %dma_wait3A_745, %dma_wait3A_746] : memref<125x1x80xi32, #tpu.memory_space<hbm>> -> memref<1x1x80xi32, #tpu.memory_space<hbm>>
    %dma_wait3A_748 = tpu.memref_squeeze %dma_wait3A_747 : memref<1x1x80xi32, #tpu.memory_space<hbm>> -> memref<1x80xi32, #tpu.memory_space<hbm>>
    %dma_wait3A_749 = arith.constant 0 : i32
    %dma_wait3A_750 = arith.constant 0 : i32
    %dma_wait3A_751 = tpu.memref_slice %arg11[%dma_wait3A_749, %dma_wait3A_750] : memref<2x80xi32, #tpu.memory_space<vmem>> -> memref<1x80xi32, #tpu.memory_space<vmem>>
    %dma_wait3A_752 = arith.constant 0 : i32
    %dma_wait3A_753 = arith.constant 0 : i32
    %dma_wait3A_754 = arith.constant 0 : i32
    %dma_wait3A_755 = tpu.memref_slice %arg3[%arg1, %dma_wait3A_752, %dma_wait3A_753, %dma_wait3A_754] : memref<16x125x1x80xi32, #tpu.memory_space<hbm>> -> memref<1x125x1x80xi32, #tpu.memory_space<hbm>>
    %dma_wait3A_756 = tpu.memref_squeeze %dma_wait3A_755 : memref<1x125x1x80xi32, #tpu.memory_space<hbm>> -> memref<125x1x80xi32, #tpu.memory_space<hbm>>
    %dma_wait3A_757 = arith.constant 0 : i32
    %dma_wait3A_758 = arith.constant 0 : i32
    %dma_wait3A_759 = tpu.memref_slice %dma_wait3A_756[%dma_wait3A_736, %dma_wait3A_757, %dma_wait3A_758] : memref<125x1x80xi32, #tpu.memory_space<hbm>> -> memref<1x1x80xi32, #tpu.memory_space<hbm>>
    %dma_wait3A_760 = tpu.memref_squeeze %dma_wait3A_759 : memref<1x1x80xi32, #tpu.memory_space<hbm>> -> memref<1x80xi32, #tpu.memory_space<hbm>>
    tpu.wait_dma2 semaphore(%arg24 : memref<!tpu.dma_semaphore, #tpu.memory_space<semaphore_mem>>) src(%dma_wait3A_760 : memref<1x80xi32, #tpu.memory_space<hbm>>) dst(%dma_wait3A_751 : memref<1x80xi32, #tpu.memory_space<vmem>>)
    %dma_wait3A_761 = arith.constant 124 : i32
    %dma_wait3A_762 = arith.constant 1 : i32
    %dma_wait3A_763 = arith.constant 0 : i32
    %dma_wait3A_764 = tpu.memref_slice %arg11[%dma_wait3A_762, %dma_wait3A_763] : memref<2x80xi32, #tpu.memory_space<vmem>> -> memref<1x80xi32, #tpu.memory_space<vmem>>
    %dma_wait3A_765 = arith.constant 0 : i32
    %dma_wait3A_766 = arith.constant 0 : i32
    %dma_wait3A_767 = arith.constant 0 : i32
    %dma_wait3A_768 = tpu.memref_slice %arg4[%arg1, %dma_wait3A_765, %dma_wait3A_766, %dma_wait3A_767] : memref<16x125x1x80xi32, #tpu.memory_space<hbm>> -> memref<1x125x1x80xi32, #tpu.memory_space<hbm>>
    %dma_wait3A_769 = tpu.memref_squeeze %dma_wait3A_768 : memref<1x125x1x80xi32, #tpu.memory_space<hbm>> -> memref<125x1x80xi32, #tpu.memory_space<hbm>>
    %dma_wait3A_770 = arith.constant 0 : i32
    %dma_wait3A_771 = arith.constant 0 : i32
    %dma_wait3A_772 = tpu.memref_slice %dma_wait3A_769[%dma_wait3A_761, %dma_wait3A_770, %dma_wait3A_771] : memref<125x1x80xi32, #tpu.memory_space<hbm>> -> memref<1x1x80xi32, #tpu.memory_space<hbm>>
    %dma_wait3A_773 = tpu.memref_squeeze %dma_wait3A_772 : memref<1x1x80xi32, #tpu.memory_space<hbm>> -> memref<1x80xi32, #tpu.memory_space<hbm>>
    %dma_wait3A_774 = arith.constant 1 : i32
    %dma_wait3A_775 = arith.constant 0 : i32
    %dma_wait3A_776 = tpu.memref_slice %arg11[%dma_wait3A_774, %dma_wait3A_775] : memref<2x80xi32, #tpu.memory_space<vmem>> -> memref<1x80xi32, #tpu.memory_space<vmem>>
    %dma_wait3A_777 = arith.constant 0 : i32
    %dma_wait3A_778 = arith.constant 0 : i32
    %dma_wait3A_779 = arith.constant 0 : i32
    %dma_wait3A_780 = tpu.memref_slice %arg4[%arg1, %dma_wait3A_777, %dma_wait3A_778, %dma_wait3A_779] : memref<16x125x1x80xi32, #tpu.memory_space<hbm>> -> memref<1x125x1x80xi32, #tpu.memory_space<hbm>>
    %dma_wait3A_781 = tpu.memref_squeeze %dma_wait3A_780 : memref<1x125x1x80xi32, #tpu.memory_space<hbm>> -> memref<125x1x80xi32, #tpu.memory_space<hbm>>
    %dma_wait3A_782 = arith.constant 0 : i32
    %dma_wait3A_783 = arith.constant 0 : i32
    %dma_wait3A_784 = tpu.memref_slice %dma_wait3A_781[%dma_wait3A_761, %dma_wait3A_782, %dma_wait3A_783] : memref<125x1x80xi32, #tpu.memory_space<hbm>> -> memref<1x1x80xi32, #tpu.memory_space<hbm>>
    %dma_wait3A_785 = tpu.memref_squeeze %dma_wait3A_784 : memref<1x1x80xi32, #tpu.memory_space<hbm>> -> memref<1x80xi32, #tpu.memory_space<hbm>>
    tpu.wait_dma2 semaphore(%arg24 : memref<!tpu.dma_semaphore, #tpu.memory_space<semaphore_mem>>) src(%dma_wait3A_785 : memref<1x80xi32, #tpu.memory_space<hbm>>) dst(%dma_wait3A_776 : memref<1x80xi32, #tpu.memory_space<vmem>>)
    %dma_start3A_786 = arith.constant 0 : i32
    %dma_start3A_787 = arith.constant 0 : i32
    %dma_start3A_788 = tpu.memref_slice %arg11[%dma_start3A_786, %dma_start3A_787] : memref<2x80xi32, #tpu.memory_space<vmem>> -> memref<1x80xi32, #tpu.memory_space<vmem>>
    %dma_start3A_789 = tpu.memref_squeeze %dma_start3A_788 : memref<1x80xi32, #tpu.memory_space<vmem>> -> memref<80xi32, #tpu.memory_space<vmem>>
    %dma_start3A_790 = arith.constant 0 : i32
    %dma_start3A_791 = arith.constant 0 : i32
    %dma_start3A_792 = tpu.memref_slice %arg2[%arg0, %dma_start3A_790, %dma_start3A_791] : memref<2x10000x128xf32, #tpu.memory_space<hbm>> -> memref<1x10000x128xf32, #tpu.memory_space<hbm>>
    %dma_start3A_793 = tpu.memref_squeeze %dma_start3A_792 : memref<1x10000x128xf32, #tpu.memory_space<hbm>> -> memref<10000x128xf32, #tpu.memory_space<hbm>>
    %dma_start3A_794 = arith.constant 0 : i32
    %dma_start3A_795 = arith.constant 0 : i32
    %dma_start3A_796 = tpu.memref_slice %dma_start3A_793[%dma_start3A_794, %dma_start3A_795] : memref<10000x128xf32, #tpu.memory_space<hbm>> -> memref<10000x128xf32, #tpu.memory_space<hbm>>
    tpu.enqueue_indirect_dma source(%dma_start3A_796 : memref<10000x128xf32, #tpu.memory_space<hbm>>) target(%arg6 : memref<80x128xf32, #tpu.memory_space<vmem>>) offsets(%dma_start3A_789 : memref<80xi32, #tpu.memory_space<vmem>>) semaphore(%arg19 : memref<!tpu.dma_semaphore, #tpu.memory_space<semaphore_mem>>)
    %dma_wait3A_797 = arith.constant 1 : i32
    %dma_wait3A_798 = arith.constant 0 : i32
    %dma_wait3A_799 = tpu.memref_slice %arg12[%dma_wait3A_797, %dma_wait3A_798] : memref<2x80xi32, #tpu.memory_space<vmem>> -> memref<1x80xi32, #tpu.memory_space<vmem>>
    %dma_wait3A_800 = tpu.memref_squeeze %dma_wait3A_799 : memref<1x80xi32, #tpu.memory_space<vmem>> -> memref<80xi32, #tpu.memory_space<vmem>>
    %dma_wait3A_801 = arith.constant 0 : i32
    %dma_wait3A_802 = arith.constant 0 : i32
    %dma_wait3A_803 = tpu.memref_slice %arg18[%dma_wait3A_801, %dma_wait3A_802] : memref<10000x128xf32, #tpu.memory_space<vmem_shared>> -> memref<10000x128xf32, #tpu.memory_space<vmem_shared>>
    tpu.wait_indirect_dma semaphore(%arg20 : memref<!tpu.dma_semaphore, #tpu.memory_space<semaphore_mem>>) src(%arg7 : memref<80x128xf32, #tpu.memory_space<vmem>>) dst(%dma_wait3A_803 : memref<10000x128xf32, #tpu.memory_space<vmem_shared>>)
    %dma_wait3A_804 = arith.constant 124 : i32
    %dma_wait3A_805 = arith.constant 0 : i32
    %dma_wait3A_806 = arith.constant 0 : i32
    %dma_wait3A_807 = tpu.memref_slice %arg13[%dma_wait3A_805, %dma_wait3A_806] : memref<2x80xi32, #tpu.memory_space<vmem>> -> memref<1x80xi32, #tpu.memory_space<vmem>>
    %dma_wait3A_808 = arith.constant 0 : i32
    %dma_wait3A_809 = arith.constant 0 : i32
    %dma_wait3A_810 = arith.constant 0 : i32
    %dma_wait3A_811 = tpu.memref_slice %arg3[%arg1, %dma_wait3A_808, %dma_wait3A_809, %dma_wait3A_810] : memref<16x125x1x80xi32, #tpu.memory_space<hbm>> -> memref<1x125x1x80xi32, #tpu.memory_space<hbm>>
    %dma_wait3A_812 = tpu.memref_squeeze %dma_wait3A_811 : memref<1x125x1x80xi32, #tpu.memory_space<hbm>> -> memref<125x1x80xi32, #tpu.memory_space<hbm>>
    %dma_wait3A_813 = arith.constant 0 : i32
    %dma_wait3A_814 = arith.constant 0 : i32
    %dma_wait3A_815 = tpu.memref_slice %dma_wait3A_812[%dma_wait3A_804, %dma_wait3A_813, %dma_wait3A_814] : memref<125x1x80xi32, #tpu.memory_space<hbm>> -> memref<1x1x80xi32, #tpu.memory_space<hbm>>
    %dma_wait3A_816 = tpu.memref_squeeze %dma_wait3A_815 : memref<1x1x80xi32, #tpu.memory_space<hbm>> -> memref<1x80xi32, #tpu.memory_space<hbm>>
    %dma_wait3A_817 = arith.constant 0 : i32
    %dma_wait3A_818 = arith.constant 0 : i32
    %dma_wait3A_819 = tpu.memref_slice %arg13[%dma_wait3A_817, %dma_wait3A_818] : memref<2x80xi32, #tpu.memory_space<vmem>> -> memref<1x80xi32, #tpu.memory_space<vmem>>
    %dma_wait3A_820 = arith.constant 0 : i32
    %dma_wait3A_821 = arith.constant 0 : i32
    %dma_wait3A_822 = arith.constant 0 : i32
    %dma_wait3A_823 = tpu.memref_slice %arg3[%arg1, %dma_wait3A_820, %dma_wait3A_821, %dma_wait3A_822] : memref<16x125x1x80xi32, #tpu.memory_space<hbm>> -> memref<1x125x1x80xi32, #tpu.memory_space<hbm>>
    %dma_wait3A_824 = tpu.memref_squeeze %dma_wait3A_823 : memref<1x125x1x80xi32, #tpu.memory_space<hbm>> -> memref<125x1x80xi32, #tpu.memory_space<hbm>>
    %dma_wait3A_825 = arith.constant 0 : i32
    %dma_wait3A_826 = arith.constant 0 : i32
    %dma_wait3A_827 = tpu.memref_slice %dma_wait3A_824[%dma_wait3A_804, %dma_wait3A_825, %dma_wait3A_826] : memref<125x1x80xi32, #tpu.memory_space<hbm>> -> memref<1x1x80xi32, #tpu.memory_space<hbm>>
    %dma_wait3A_828 = tpu.memref_squeeze %dma_wait3A_827 : memref<1x1x80xi32, #tpu.memory_space<hbm>> -> memref<1x80xi32, #tpu.memory_space<hbm>>
    tpu.wait_dma2 semaphore(%arg26 : memref<!tpu.dma_semaphore, #tpu.memory_space<semaphore_mem>>) src(%dma_wait3A_828 : memref<1x80xi32, #tpu.memory_space<hbm>>) dst(%dma_wait3A_819 : memref<1x80xi32, #tpu.memory_space<vmem>>)
    %dma_wait3A_829 = arith.constant 124 : i32
    %dma_wait3A_830 = arith.constant 1 : i32
    %dma_wait3A_831 = arith.constant 0 : i32
    %dma_wait3A_832 = tpu.memref_slice %arg13[%dma_wait3A_830, %dma_wait3A_831] : memref<2x80xi32, #tpu.memory_space<vmem>> -> memref<1x80xi32, #tpu.memory_space<vmem>>
    %dma_wait3A_833 = arith.constant 0 : i32
    %dma_wait3A_834 = arith.constant 0 : i32
    %dma_wait3A_835 = arith.constant 0 : i32
    %dma_wait3A_836 = tpu.memref_slice %arg4[%arg1, %dma_wait3A_833, %dma_wait3A_834, %dma_wait3A_835] : memref<16x125x1x80xi32, #tpu.memory_space<hbm>> -> memref<1x125x1x80xi32, #tpu.memory_space<hbm>>
    %dma_wait3A_837 = tpu.memref_squeeze %dma_wait3A_836 : memref<1x125x1x80xi32, #tpu.memory_space<hbm>> -> memref<125x1x80xi32, #tpu.memory_space<hbm>>
    %dma_wait3A_838 = arith.constant 0 : i32
    %dma_wait3A_839 = arith.constant 0 : i32
    %dma_wait3A_840 = tpu.memref_slice %dma_wait3A_837[%dma_wait3A_829, %dma_wait3A_838, %dma_wait3A_839] : memref<125x1x80xi32, #tpu.memory_space<hbm>> -> memref<1x1x80xi32, #tpu.memory_space<hbm>>
    %dma_wait3A_841 = tpu.memref_squeeze %dma_wait3A_840 : memref<1x1x80xi32, #tpu.memory_space<hbm>> -> memref<1x80xi32, #tpu.memory_space<hbm>>
    %dma_wait3A_842 = arith.constant 1 : i32
    %dma_wait3A_843 = arith.constant 0 : i32
    %dma_wait3A_844 = tpu.memref_slice %arg13[%dma_wait3A_842, %dma_wait3A_843] : memref<2x80xi32, #tpu.memory_space<vmem>> -> memref<1x80xi32, #tpu.memory_space<vmem>>
    %dma_wait3A_845 = arith.constant 0 : i32
    %dma_wait3A_846 = arith.constant 0 : i32
    %dma_wait3A_847 = arith.constant 0 : i32
    %dma_wait3A_848 = tpu.memref_slice %arg4[%arg1, %dma_wait3A_845, %dma_wait3A_846, %dma_wait3A_847] : memref<16x125x1x80xi32, #tpu.memory_space<hbm>> -> memref<1x125x1x80xi32, #tpu.memory_space<hbm>>
    %dma_wait3A_849 = tpu.memref_squeeze %dma_wait3A_848 : memref<1x125x1x80xi32, #tpu.memory_space<hbm>> -> memref<125x1x80xi32, #tpu.memory_space<hbm>>
    %dma_wait3A_850 = arith.constant 0 : i32
    %dma_wait3A_851 = arith.constant 0 : i32
    %dma_wait3A_852 = tpu.memref_slice %dma_wait3A_849[%dma_wait3A_829, %dma_wait3A_850, %dma_wait3A_851] : memref<125x1x80xi32, #tpu.memory_space<hbm>> -> memref<1x1x80xi32, #tpu.memory_space<hbm>>
    %dma_wait3A_853 = tpu.memref_squeeze %dma_wait3A_852 : memref<1x1x80xi32, #tpu.memory_space<hbm>> -> memref<1x80xi32, #tpu.memory_space<hbm>>
    tpu.wait_dma2 semaphore(%arg26 : memref<!tpu.dma_semaphore, #tpu.memory_space<semaphore_mem>>) src(%dma_wait3A_853 : memref<1x80xi32, #tpu.memory_space<hbm>>) dst(%dma_wait3A_844 : memref<1x80xi32, #tpu.memory_space<vmem>>)
    %dma_wait3A_854 = arith.constant 1 : i32
    %dma_wait3A_855 = arith.constant 0 : i32
    %dma_wait3A_856 = tpu.memref_slice %arg14[%dma_wait3A_854, %dma_wait3A_855] : memref<2x80xi32, #tpu.memory_space<vmem>> -> memref<1x80xi32, #tpu.memory_space<vmem>>
    %dma_wait3A_857 = tpu.memref_squeeze %dma_wait3A_856 : memref<1x80xi32, #tpu.memory_space<vmem>> -> memref<80xi32, #tpu.memory_space<vmem>>
    %dma_wait3A_858 = arith.constant 0 : i32
    %dma_wait3A_859 = arith.constant 0 : i32
    %dma_wait3A_860 = tpu.memref_slice %arg18[%dma_wait3A_858, %dma_wait3A_859] : memref<10000x128xf32, #tpu.memory_space<vmem_shared>> -> memref<10000x128xf32, #tpu.memory_space<vmem_shared>>
    tpu.wait_indirect_dma semaphore(%arg21 : memref<!tpu.dma_semaphore, #tpu.memory_space<semaphore_mem>>) src(%arg8 : memref<80x128xf32, #tpu.memory_space<vmem>>) dst(%dma_wait3A_860 : memref<10000x128xf32, #tpu.memory_space<vmem_shared>>)
    %dma_wait3A_861 = arith.constant 124 : i32
    %dma_wait3A_862 = arith.constant 0 : i32
    %dma_wait3A_863 = arith.constant 0 : i32
    %dma_wait3A_864 = tpu.memref_slice %arg15[%dma_wait3A_862, %dma_wait3A_863] : memref<2x80xi32, #tpu.memory_space<vmem>> -> memref<1x80xi32, #tpu.memory_space<vmem>>
    %dma_wait3A_865 = arith.constant 0 : i32
    %dma_wait3A_866 = arith.constant 0 : i32
    %dma_wait3A_867 = arith.constant 0 : i32
    %dma_wait3A_868 = tpu.memref_slice %arg3[%arg1, %dma_wait3A_865, %dma_wait3A_866, %dma_wait3A_867] : memref<16x125x1x80xi32, #tpu.memory_space<hbm>> -> memref<1x125x1x80xi32, #tpu.memory_space<hbm>>
    %dma_wait3A_869 = tpu.memref_squeeze %dma_wait3A_868 : memref<1x125x1x80xi32, #tpu.memory_space<hbm>> -> memref<125x1x80xi32, #tpu.memory_space<hbm>>
    %dma_wait3A_870 = arith.constant 0 : i32
    %dma_wait3A_871 = arith.constant 0 : i32
    %dma_wait3A_872 = tpu.memref_slice %dma_wait3A_869[%dma_wait3A_861, %dma_wait3A_870, %dma_wait3A_871] : memref<125x1x80xi32, #tpu.memory_space<hbm>> -> memref<1x1x80xi32, #tpu.memory_space<hbm>>
    %dma_wait3A_873 = tpu.memref_squeeze %dma_wait3A_872 : memref<1x1x80xi32, #tpu.memory_space<hbm>> -> memref<1x80xi32, #tpu.memory_space<hbm>>
    %dma_wait3A_874 = arith.constant 0 : i32
    %dma_wait3A_875 = arith.constant 0 : i32
    %dma_wait3A_876 = tpu.memref_slice %arg15[%dma_wait3A_874, %dma_wait3A_875] : memref<2x80xi32, #tpu.memory_space<vmem>> -> memref<1x80xi32, #tpu.memory_space<vmem>>
    %dma_wait3A_877 = arith.constant 0 : i32
    %dma_wait3A_878 = arith.constant 0 : i32
    %dma_wait3A_879 = arith.constant 0 : i32
    %dma_wait3A_880 = tpu.memref_slice %arg3[%arg1, %dma_wait3A_877, %dma_wait3A_878, %dma_wait3A_879] : memref<16x125x1x80xi32, #tpu.memory_space<hbm>> -> memref<1x125x1x80xi32, #tpu.memory_space<hbm>>
    %dma_wait3A_881 = tpu.memref_squeeze %dma_wait3A_880 : memref<1x125x1x80xi32, #tpu.memory_space<hbm>> -> memref<125x1x80xi32, #tpu.memory_space<hbm>>
    %dma_wait3A_882 = arith.constant 0 : i32
    %dma_wait3A_883 = arith.constant 0 : i32
    %dma_wait3A_884 = tpu.memref_slice %dma_wait3A_881[%dma_wait3A_861, %dma_wait3A_882, %dma_wait3A_883] : memref<125x1x80xi32, #tpu.memory_space<hbm>> -> memref<1x1x80xi32, #tpu.memory_space<hbm>>
    %dma_wait3A_885 = tpu.memref_squeeze %dma_wait3A_884 : memref<1x1x80xi32, #tpu.memory_space<hbm>> -> memref<1x80xi32, #tpu.memory_space<hbm>>
    tpu.wait_dma2 semaphore(%arg28 : memref<!tpu.dma_semaphore, #tpu.memory_space<semaphore_mem>>) src(%dma_wait3A_885 : memref<1x80xi32, #tpu.memory_space<hbm>>) dst(%dma_wait3A_876 : memref<1x80xi32, #tpu.memory_space<vmem>>)
    %dma_wait3A_886 = arith.constant 124 : i32
    %dma_wait3A_887 = arith.constant 1 : i32
    %dma_wait3A_888 = arith.constant 0 : i32
    %dma_wait3A_889 = tpu.memref_slice %arg15[%dma_wait3A_887, %dma_wait3A_888] : memref<2x80xi32, #tpu.memory_space<vmem>> -> memref<1x80xi32, #tpu.memory_space<vmem>>
    %dma_wait3A_890 = arith.constant 0 : i32
    %dma_wait3A_891 = arith.constant 0 : i32
    %dma_wait3A_892 = arith.constant 0 : i32
    %dma_wait3A_893 = tpu.memref_slice %arg4[%arg1, %dma_wait3A_890, %dma_wait3A_891, %dma_wait3A_892] : memref<16x125x1x80xi32, #tpu.memory_space<hbm>> -> memref<1x125x1x80xi32, #tpu.memory_space<hbm>>
    %dma_wait3A_894 = tpu.memref_squeeze %dma_wait3A_893 : memref<1x125x1x80xi32, #tpu.memory_space<hbm>> -> memref<125x1x80xi32, #tpu.memory_space<hbm>>
    %dma_wait3A_895 = arith.constant 0 : i32
    %dma_wait3A_896 = arith.constant 0 : i32
    %dma_wait3A_897 = tpu.memref_slice %dma_wait3A_894[%dma_wait3A_886, %dma_wait3A_895, %dma_wait3A_896] : memref<125x1x80xi32, #tpu.memory_space<hbm>> -> memref<1x1x80xi32, #tpu.memory_space<hbm>>
    %dma_wait3A_898 = tpu.memref_squeeze %dma_wait3A_897 : memref<1x1x80xi32, #tpu.memory_space<hbm>> -> memref<1x80xi32, #tpu.memory_space<hbm>>
    %dma_wait3A_899 = arith.constant 1 : i32
    %dma_wait3A_900 = arith.constant 0 : i32
    %dma_wait3A_901 = tpu.memref_slice %arg15[%dma_wait3A_899, %dma_wait3A_900] : memref<2x80xi32, #tpu.memory_space<vmem>> -> memref<1x80xi32, #tpu.memory_space<vmem>>
    %dma_wait3A_902 = arith.constant 0 : i32
    %dma_wait3A_903 = arith.constant 0 : i32
    %dma_wait3A_904 = arith.constant 0 : i32
    %dma_wait3A_905 = tpu.memref_slice %arg4[%arg1, %dma_wait3A_902, %dma_wait3A_903, %dma_wait3A_904] : memref<16x125x1x80xi32, #tpu.memory_space<hbm>> -> memref<1x125x1x80xi32, #tpu.memory_space<hbm>>
    %dma_wait3A_906 = tpu.memref_squeeze %dma_wait3A_905 : memref<1x125x1x80xi32, #tpu.memory_space<hbm>> -> memref<125x1x80xi32, #tpu.memory_space<hbm>>
    %dma_wait3A_907 = arith.constant 0 : i32
    %dma_wait3A_908 = arith.constant 0 : i32
    %dma_wait3A_909 = tpu.memref_slice %dma_wait3A_906[%dma_wait3A_886, %dma_wait3A_907, %dma_wait3A_908] : memref<125x1x80xi32, #tpu.memory_space<hbm>> -> memref<1x1x80xi32, #tpu.memory_space<hbm>>
    %dma_wait3A_910 = tpu.memref_squeeze %dma_wait3A_909 : memref<1x1x80xi32, #tpu.memory_space<hbm>> -> memref<1x80xi32, #tpu.memory_space<hbm>>
    tpu.wait_dma2 semaphore(%arg28 : memref<!tpu.dma_semaphore, #tpu.memory_space<semaphore_mem>>) src(%dma_wait3A_910 : memref<1x80xi32, #tpu.memory_space<hbm>>) dst(%dma_wait3A_901 : memref<1x80xi32, #tpu.memory_space<vmem>>)
    %dma_wait3A_911 = arith.constant 1 : i32
    %dma_wait3A_912 = arith.constant 0 : i32
    %dma_wait3A_913 = tpu.memref_slice %arg16[%dma_wait3A_911, %dma_wait3A_912] : memref<2x80xi32, #tpu.memory_space<vmem>> -> memref<1x80xi32, #tpu.memory_space<vmem>>
    %dma_wait3A_914 = tpu.memref_squeeze %dma_wait3A_913 : memref<1x80xi32, #tpu.memory_space<vmem>> -> memref<80xi32, #tpu.memory_space<vmem>>
    %dma_wait3A_915 = arith.constant 0 : i32
    %dma_wait3A_916 = arith.constant 0 : i32
    %dma_wait3A_917 = tpu.memref_slice %arg18[%dma_wait3A_915, %dma_wait3A_916] : memref<10000x128xf32, #tpu.memory_space<vmem_shared>> -> memref<10000x128xf32, #tpu.memory_space<vmem_shared>>
    tpu.wait_indirect_dma semaphore(%arg22 : memref<!tpu.dma_semaphore, #tpu.memory_space<semaphore_mem>>) src(%arg9 : memref<80x128xf32, #tpu.memory_space<vmem>>) dst(%dma_wait3A_917 : memref<10000x128xf32, #tpu.memory_space<vmem_shared>>)
    %dma_wait3A_918 = arith.constant 124 : i32
    %dma_wait3A_919 = arith.constant 0 : i32
    %dma_wait3A_920 = arith.constant 0 : i32
    %dma_wait3A_921 = tpu.memref_slice %arg17[%dma_wait3A_919, %dma_wait3A_920] : memref<2x80xi32, #tpu.memory_space<vmem>> -> memref<1x80xi32, #tpu.memory_space<vmem>>
    %dma_wait3A_922 = arith.constant 0 : i32
    %dma_wait3A_923 = arith.constant 0 : i32
    %dma_wait3A_924 = arith.constant 0 : i32
    %dma_wait3A_925 = tpu.memref_slice %arg3[%arg1, %dma_wait3A_922, %dma_wait3A_923, %dma_wait3A_924] : memref<16x125x1x80xi32, #tpu.memory_space<hbm>> -> memref<1x125x1x80xi32, #tpu.memory_space<hbm>>
    %dma_wait3A_926 = tpu.memref_squeeze %dma_wait3A_925 : memref<1x125x1x80xi32, #tpu.memory_space<hbm>> -> memref<125x1x80xi32, #tpu.memory_space<hbm>>
    %dma_wait3A_927 = arith.constant 0 : i32
    %dma_wait3A_928 = arith.constant 0 : i32
    %dma_wait3A_929 = tpu.memref_slice %dma_wait3A_926[%dma_wait3A_918, %dma_wait3A_927, %dma_wait3A_928] : memref<125x1x80xi32, #tpu.memory_space<hbm>> -> memref<1x1x80xi32, #tpu.memory_space<hbm>>
    %dma_wait3A_930 = tpu.memref_squeeze %dma_wait3A_929 : memref<1x1x80xi32, #tpu.memory_space<hbm>> -> memref<1x80xi32, #tpu.memory_space<hbm>>
    %dma_wait3A_931 = arith.constant 0 : i32
    %dma_wait3A_932 = arith.constant 0 : i32
    %dma_wait3A_933 = tpu.memref_slice %arg17[%dma_wait3A_931, %dma_wait3A_932] : memref<2x80xi32, #tpu.memory_space<vmem>> -> memref<1x80xi32, #tpu.memory_space<vmem>>
    %dma_wait3A_934 = arith.constant 0 : i32
    %dma_wait3A_935 = arith.constant 0 : i32
    %dma_wait3A_936 = arith.constant 0 : i32
    %dma_wait3A_937 = tpu.memref_slice %arg3[%arg1, %dma_wait3A_934, %dma_wait3A_935, %dma_wait3A_936] : memref<16x125x1x80xi32, #tpu.memory_space<hbm>> -> memref<1x125x1x80xi32, #tpu.memory_space<hbm>>
    %dma_wait3A_938 = tpu.memref_squeeze %dma_wait3A_937 : memref<1x125x1x80xi32, #tpu.memory_space<hbm>> -> memref<125x1x80xi32, #tpu.memory_space<hbm>>
    %dma_wait3A_939 = arith.constant 0 : i32
    %dma_wait3A_940 = arith.constant 0 : i32
    %dma_wait3A_941 = tpu.memref_slice %dma_wait3A_938[%dma_wait3A_918, %dma_wait3A_939, %dma_wait3A_940] : memref<125x1x80xi32, #tpu.memory_space<hbm>> -> memref<1x1x80xi32, #tpu.memory_space<hbm>>
    %dma_wait3A_942 = tpu.memref_squeeze %dma_wait3A_941 : memref<1x1x80xi32, #tpu.memory_space<hbm>> -> memref<1x80xi32, #tpu.memory_space<hbm>>
    tpu.wait_dma2 semaphore(%arg30 : memref<!tpu.dma_semaphore, #tpu.memory_space<semaphore_mem>>) src(%dma_wait3A_942 : memref<1x80xi32, #tpu.memory_space<hbm>>) dst(%dma_wait3A_933 : memref<1x80xi32, #tpu.memory_space<vmem>>)
    %dma_wait3A_943 = arith.constant 124 : i32
    %dma_wait3A_944 = arith.constant 1 : i32
    %dma_wait3A_945 = arith.constant 0 : i32
    %dma_wait3A_946 = tpu.memref_slice %arg17[%dma_wait3A_944, %dma_wait3A_945] : memref<2x80xi32, #tpu.memory_space<vmem>> -> memref<1x80xi32, #tpu.memory_space<vmem>>
    %dma_wait3A_947 = arith.constant 0 : i32
    %dma_wait3A_948 = arith.constant 0 : i32
    %dma_wait3A_949 = arith.constant 0 : i32
    %dma_wait3A_950 = tpu.memref_slice %arg4[%arg1, %dma_wait3A_947, %dma_wait3A_948, %dma_wait3A_949] : memref<16x125x1x80xi32, #tpu.memory_space<hbm>> -> memref<1x125x1x80xi32, #tpu.memory_space<hbm>>
    %dma_wait3A_951 = tpu.memref_squeeze %dma_wait3A_950 : memref<1x125x1x80xi32, #tpu.memory_space<hbm>> -> memref<125x1x80xi32, #tpu.memory_space<hbm>>
    %dma_wait3A_952 = arith.constant 0 : i32
    %dma_wait3A_953 = arith.constant 0 : i32
    %dma_wait3A_954 = tpu.memref_slice %dma_wait3A_951[%dma_wait3A_943, %dma_wait3A_952, %dma_wait3A_953] : memref<125x1x80xi32, #tpu.memory_space<hbm>> -> memref<1x1x80xi32, #tpu.memory_space<hbm>>
    %dma_wait3A_955 = tpu.memref_squeeze %dma_wait3A_954 : memref<1x1x80xi32, #tpu.memory_space<hbm>> -> memref<1x80xi32, #tpu.memory_space<hbm>>
    %dma_wait3A_956 = arith.constant 1 : i32
    %dma_wait3A_957 = arith.constant 0 : i32
    %dma_wait3A_958 = tpu.memref_slice %arg17[%dma_wait3A_956, %dma_wait3A_957] : memref<2x80xi32, #tpu.memory_space<vmem>> -> memref<1x80xi32, #tpu.memory_space<vmem>>
    %dma_wait3A_959 = arith.constant 0 : i32
    %dma_wait3A_960 = arith.constant 0 : i32
    %dma_wait3A_961 = arith.constant 0 : i32
    %dma_wait3A_962 = tpu.memref_slice %arg4[%arg1, %dma_wait3A_959, %dma_wait3A_960, %dma_wait3A_961] : memref<16x125x1x80xi32, #tpu.memory_space<hbm>> -> memref<1x125x1x80xi32, #tpu.memory_space<hbm>>
    %dma_wait3A_963 = tpu.memref_squeeze %dma_wait3A_962 : memref<1x125x1x80xi32, #tpu.memory_space<hbm>> -> memref<125x1x80xi32, #tpu.memory_space<hbm>>
    %dma_wait3A_964 = arith.constant 0 : i32
    %dma_wait3A_965 = arith.constant 0 : i32
    %dma_wait3A_966 = tpu.memref_slice %dma_wait3A_963[%dma_wait3A_943, %dma_wait3A_964, %dma_wait3A_965] : memref<125x1x80xi32, #tpu.memory_space<hbm>> -> memref<1x1x80xi32, #tpu.memory_space<hbm>>
    %dma_wait3A_967 = tpu.memref_squeeze %dma_wait3A_966 : memref<1x1x80xi32, #tpu.memory_space<hbm>> -> memref<1x80xi32, #tpu.memory_space<hbm>>
    tpu.wait_dma2 semaphore(%arg30 : memref<!tpu.dma_semaphore, #tpu.memory_space<semaphore_mem>>) src(%dma_wait3A_967 : memref<1x80xi32, #tpu.memory_space<hbm>>) dst(%dma_wait3A_958 : memref<1x80xi32, #tpu.memory_space<vmem>>)
    %dma_wait3A_968 = arith.constant 0 : i32
    %dma_wait3A_969 = arith.constant 0 : i32
    %dma_wait3A_970 = tpu.memref_slice %arg11[%dma_wait3A_968, %dma_wait3A_969] : memref<2x80xi32, #tpu.memory_space<vmem>> -> memref<1x80xi32, #tpu.memory_space<vmem>>
    %dma_wait3A_971 = tpu.memref_squeeze %dma_wait3A_970 : memref<1x80xi32, #tpu.memory_space<vmem>> -> memref<80xi32, #tpu.memory_space<vmem>>
    %dma_wait3A_972 = arith.constant 0 : i32
    %dma_wait3A_973 = arith.constant 0 : i32
    %dma_wait3A_974 = tpu.memref_slice %arg2[%arg0, %dma_wait3A_972, %dma_wait3A_973] : memref<2x10000x128xf32, #tpu.memory_space<hbm>> -> memref<1x10000x128xf32, #tpu.memory_space<hbm>>
    %dma_wait3A_975 = tpu.memref_squeeze %dma_wait3A_974 : memref<1x10000x128xf32, #tpu.memory_space<hbm>> -> memref<10000x128xf32, #tpu.memory_space<hbm>>
    %dma_wait3A_976 = arith.constant 0 : i32
    %dma_wait3A_977 = arith.constant 0 : i32
    %dma_wait3A_978 = tpu.memref_slice %dma_wait3A_975[%dma_wait3A_976, %dma_wait3A_977] : memref<10000x128xf32, #tpu.memory_space<hbm>> -> memref<10000x128xf32, #tpu.memory_space<hbm>>
    tpu.wait_indirect_dma semaphore(%arg19 : memref<!tpu.dma_semaphore, #tpu.memory_space<semaphore_mem>>) src(%dma_wait3A_978 : memref<10000x128xf32, #tpu.memory_space<hbm>>) dst(%arg6 : memref<80x128xf32, #tpu.memory_space<vmem>>)
    %run_scoped3A = arith.constant 1 : i32
    "tpu.region"() ({
      %run_scoped3A_990 = tpu.sem_alloc : memref<!tpu.dma_semaphore, #tpu.memory_space<semaphore_mem>>
      %dma_start3A_991 = arith.constant 0 : i32
      %dma_start3A_992 = tpu.memref_slice %arg11[%run_scoped3A, %dma_start3A_991] : memref<2x80xi32, #tpu.memory_space<vmem>> -> memref<1x80xi32, #tpu.memory_space<vmem>>
      %dma_start3A_993 = tpu.memref_squeeze %dma_start3A_992 : memref<1x80xi32, #tpu.memory_space<vmem>> -> memref<80xi32, #tpu.memory_space<vmem>>
      %dma_start3A_994 = arith.constant 0 : i32
      %dma_start3A_995 = arith.constant 0 : i32
      %dma_start3A_996 = tpu.memref_slice %arg18[%dma_start3A_994, %dma_start3A_995] : memref<10000x128xf32, #tpu.memory_space<vmem_shared>> -> memref<10000x128xf32, #tpu.memory_space<vmem_shared>>
      tpu.enqueue_indirect_dma source(%arg6 : memref<80x128xf32, #tpu.memory_space<vmem>>) target(%dma_start3A_996 : memref<10000x128xf32, #tpu.memory_space<vmem_shared>>) offsets(%dma_start3A_993 : memref<80xi32, #tpu.memory_space<vmem>>) semaphore(%run_scoped3A_990 : memref<!tpu.dma_semaphore, #tpu.memory_space<semaphore_mem>>) {add = true}
      %dma_wait3A_997 = arith.constant 0 : i32
      %dma_wait3A_998 = tpu.memref_slice %arg11[%run_scoped3A, %dma_wait3A_997] : memref<2x80xi32, #tpu.memory_space<vmem>> -> memref<1x80xi32, #tpu.memory_space<vmem>>
      %dma_wait3A_999 = tpu.memref_squeeze %dma_wait3A_998 : memref<1x80xi32, #tpu.memory_space<vmem>> -> memref<80xi32, #tpu.memory_space<vmem>>
      %dma_wait3A_1000 = arith.constant 0 : i32
      %dma_wait3A_1001 = arith.constant 0 : i32
      %dma_wait3A_1002 = tpu.memref_slice %arg18[%dma_wait3A_1000, %dma_wait3A_1001] : memref<10000x128xf32, #tpu.memory_space<vmem_shared>> -> memref<10000x128xf32, #tpu.memory_space<vmem_shared>>
      tpu.wait_indirect_dma semaphore(%run_scoped3A_990 : memref<!tpu.dma_semaphore, #tpu.memory_space<semaphore_mem>>) src(%arg6 : memref<80x128xf32, #tpu.memory_space<vmem>>) dst(%dma_wait3A_1002 : memref<10000x128xf32, #tpu.memory_space<vmem_shared>>)
      tpu.yield
    }) : () -> ()
    %barrier3A_979 = arith.constant 0 : index
    tpu.barrier barrier_id(%barrier3A_979)
    %lt3A_980 = arith.constant 15 : i32
    %lt3A_981 = arith.cmpi slt, %arg1, %lt3A_980 : i32
    %convert_element_type3A_982 = arith.extui %lt3A_981 : i1 to i32
    %cond3A_983 = arith.constant 0 : i32
    %cond3A_984 = arith.cmpi ne, %convert_element_type3A_982, %cond3A_983 : i32
    scf.if %cond3A_984 {
      %mul3A = arith.constant 632 : i32
      %mul3A_990 = arith.muli %arg1, %mul3A : i32
      %mul3A_991 = arith.constant 632 : i32
      %mul3A_992 = arith.muli %arg1, %mul3A_991 : i32
      "tpu.region"() ({
        %run_scoped3A_993 = tpu.sem_alloc : memref<!tpu.dma_semaphore, #tpu.memory_space<semaphore_mem>>
        %dma_start3A_994 = arith.constant 0 : i32
        %dma_start3A_995 = arith.constant 0 : i32
        %dma_start3A_996 = tpu.memref_slice %arg5[%arg0, %dma_start3A_994, %dma_start3A_995] : memref<2x10000x128xf32, #tpu.memory_space<hbm>> -> memref<1x10000x128xf32, #tpu.memory_space<hbm>>
        %dma_start3A_997 = tpu.memref_squeeze %dma_start3A_996 : memref<1x10000x128xf32, #tpu.memory_space<hbm>> -> memref<10000x128xf32, #tpu.memory_space<hbm>>
        %dma_start3A_998 = arith.constant 0 : i32
        %dma_start3A_999 = tpu.memref_slice %dma_start3A_997[%mul3A_992, %dma_start3A_998] : memref<10000x128xf32, #tpu.memory_space<hbm>> -> memref<632x128xf32, #tpu.memory_space<hbm>>
        %dma_start3A_1000 = arith.constant 0 : i32
        %dma_start3A_1001 = tpu.memref_slice %arg18[%mul3A_990, %dma_start3A_1000] : memref<10000x128xf32, #tpu.memory_space<vmem_shared>> -> memref<632x128xf32, #tpu.memory_space<vmem_shared>>
        tpu.enqueue_dma source(%dma_start3A_1001 : memref<632x128xf32, #tpu.memory_space<vmem_shared>>) target(%dma_start3A_999 : memref<632x128xf32, #tpu.memory_space<hbm>>) target_semaphore(%run_scoped3A_993 : memref<!tpu.dma_semaphore, #tpu.memory_space<semaphore_mem>>)
        %dma_wait3A_1002 = arith.constant 0 : i32
        %dma_wait3A_1003 = arith.constant 0 : i32
        %dma_wait3A_1004 = tpu.memref_slice %arg5[%arg0, %dma_wait3A_1002, %dma_wait3A_1003] : memref<2x10000x128xf32, #tpu.memory_space<hbm>> -> memref<1x10000x128xf32, #tpu.memory_space<hbm>>
        %dma_wait3A_1005 = tpu.memref_squeeze %dma_wait3A_1004 : memref<1x10000x128xf32, #tpu.memory_space<hbm>> -> memref<10000x128xf32, #tpu.memory_space<hbm>>
        %dma_wait3A_1006 = arith.constant 0 : i32
        %dma_wait3A_1007 = tpu.memref_slice %dma_wait3A_1005[%mul3A_992, %dma_wait3A_1006] : memref<10000x128xf32, #tpu.memory_space<hbm>> -> memref<632x128xf32, #tpu.memory_space<hbm>>
        %dma_wait3A_1008 = arith.constant 0 : i32
        %dma_wait3A_1009 = tpu.memref_slice %arg18[%mul3A_990, %dma_wait3A_1008] : memref<10000x128xf32, #tpu.memory_space<vmem_shared>> -> memref<632x128xf32, #tpu.memory_space<vmem_shared>>
        tpu.wait_dma2 semaphore(%run_scoped3A_993 : memref<!tpu.dma_semaphore, #tpu.memory_space<semaphore_mem>>) src(%dma_wait3A_1009 : memref<632x128xf32, #tpu.memory_space<vmem_shared>>) dst(%dma_wait3A_1007 : memref<632x128xf32, #tpu.memory_space<hbm>>)
        tpu.yield
      }) : () -> ()
    } else {
    }
    %eq3A_985 = arith.constant 15 : i32
    %eq3A_986 = arith.cmpi eq, %arg1, %eq3A_985 : i32
    %convert_element_type3A_987 = arith.extui %eq3A_986 : i1 to i32
    %cond3A_988 = arith.constant 0 : i32
    %cond3A_989 = arith.cmpi ne, %convert_element_type3A_987, %cond3A_988 : i32
    scf.if %cond3A_989 {
      "tpu.region"() ({
        %run_scoped3A_990 = tpu.sem_alloc : memref<!tpu.dma_semaphore, #tpu.memory_space<semaphore_mem>>
        %dma_start3A_991 = arith.constant 0 : i32
        %dma_start3A_992 = arith.constant 0 : i32
        %dma_start3A_993 = tpu.memref_slice %arg5[%arg0, %dma_start3A_991, %dma_start3A_992] : memref<2x10000x128xf32, #tpu.memory_space<hbm>> -> memref<1x10000x128xf32, #tpu.memory_space<hbm>>
        %dma_start3A_994 = tpu.memref_squeeze %dma_start3A_993 : memref<1x10000x128xf32, #tpu.memory_space<hbm>> -> memref<10000x128xf32, #tpu.memory_space<hbm>>
        %dma_start3A_995 = arith.constant 9480 : i32
        %dma_start3A_996 = arith.constant 0 : i32
        %dma_start3A_997 = tpu.memref_slice %dma_start3A_994[%dma_start3A_995, %dma_start3A_996] : memref<10000x128xf32, #tpu.memory_space<hbm>> -> memref<520x128xf32, #tpu.memory_space<hbm>>
        %dma_start3A_998 = arith.constant 9480 : i32
        %dma_start3A_999 = arith.constant 0 : i32
        %dma_start3A_1000 = tpu.memref_slice %arg18[%dma_start3A_998, %dma_start3A_999] : memref<10000x128xf32, #tpu.memory_space<vmem_shared>> -> memref<520x128xf32, #tpu.memory_space<vmem_shared>>
        tpu.enqueue_dma source(%dma_start3A_1000 : memref<520x128xf32, #tpu.memory_space<vmem_shared>>) target(%dma_start3A_997 : memref<520x128xf32, #tpu.memory_space<hbm>>) target_semaphore(%run_scoped3A_990 : memref<!tpu.dma_semaphore, #tpu.memory_space<semaphore_mem>>)
        %dma_wait3A_1001 = arith.constant 0 : i32
        %dma_wait3A_1002 = arith.constant 0 : i32
        %dma_wait3A_1003 = tpu.memref_slice %arg5[%arg0, %dma_wait3A_1001, %dma_wait3A_1002] : memref<2x10000x128xf32, #tpu.memory_space<hbm>> -> memref<1x10000x128xf32, #tpu.memory_space<hbm>>
        %dma_wait3A_1004 = tpu.memref_squeeze %dma_wait3A_1003 : memref<1x10000x128xf32, #tpu.memory_space<hbm>> -> memref<10000x128xf32, #tpu.memory_space<hbm>>
        %dma_wait3A_1005 = arith.constant 9480 : i32
        %dma_wait3A_1006 = arith.constant 0 : i32
        %dma_wait3A_1007 = tpu.memref_slice %dma_wait3A_1004[%dma_wait3A_1005, %dma_wait3A_1006] : memref<10000x128xf32, #tpu.memory_space<hbm>> -> memref<520x128xf32, #tpu.memory_space<hbm>>
        %dma_wait3A_1008 = arith.constant 9480 : i32
        %dma_wait3A_1009 = arith.constant 0 : i32
        %dma_wait3A_1010 = tpu.memref_slice %arg18[%dma_wait3A_1008, %dma_wait3A_1009] : memref<10000x128xf32, #tpu.memory_space<vmem_shared>> -> memref<520x128xf32, #tpu.memory_space<vmem_shared>>
        tpu.wait_dma2 semaphore(%run_scoped3A_990 : memref<!tpu.dma_semaphore, #tpu.memory_space<semaphore_mem>>) src(%dma_wait3A_1010 : memref<520x128xf32, #tpu.memory_space<vmem_shared>>) dst(%dma_wait3A_1007 : memref<520x128xf32, #tpu.memory_space<hbm>>)
        tpu.yield
      }) : () -> ()
    } else {
    }
    return
  }
}

</mosaic_0001>

<sc_bundles>
// kernel: _message_passing.3.cloned.1.call-start
scs
__scs_entry_jumppad:
0x0: {  	(pc) =	sbr.rel $0x88, $3  }
0x1: {  	(tag) =	ssettag $0x0;
	lr =	simm.s32 $0x1  }
0x2: {  	[smem:$0x3F9E] =	sst lr;
	_ =	strace $0xD0000000  }
0x3: {  	_ = 	snop  }
0x4: {  	_ = 	snop  }
0x5: {  	_ = 	snop  }
0x6: {  	_ = 	snop  }
0x7: {  	_ = 	snop  }
__scs_overlays_trampoline_lowered:
0x8: {  	[smem:$0x3FAD] =	sst s0  }
0x9: {  	[smem:$0x3FAE] =	sst s1  }
0xa: {  	[smem:$0x3FAF] =	sst s2  }
0xb: {  	[smem:$0x3FB0] =	sst s3  }
0xc: {  	[smem:$0x3FB1] =	sst s4  }
0xd: {  	[smem:$0x3FB2] =	sst s5  }
0xe: {  	[smem:$0x3FB3] =	sst s6  }
0xf: {  	[smem:$0x3FB4] =	sst s7  }
0x10: {  	[smem:$0x3FB5] =	sst s8  }
0x11: {  	[smem:$0x3FB6] =	sst s9;
	s0 =	simm.s32 @!p0 $0x0  }
0x12: {  	s1 =	sld [smem:$0x3F9C];
	s0 =	simm.s32 @p0 $0x1  }
0x13: {  	[smem:$0x3FB7] =	sst s0;
	s0 =	simm.s32 @!p1 $0x0  }
0x14: {  	s2 =	sld [smem:$0x3F9B];
	s0 =	simm.s32 @p1 $0x1  }
0x15: {  	[smem:$0x3FB8] =	sst s0;
	s0 =	simm.s32 @!p2 $0x0  }
0x16: {  	s3 =	sld [smem:$0x3FDB];
	s0 =	simm.s32 @p2 $0x1  }
0x17: {  	s4 =	simm.s32 $0x1BF5;
	[smem:$0x3FBA] =	sst s0  }
0x18: {  	s0 =	sld [smem:$0x3F9D];
	_ =	swait.ge [sflag:s4], $0x0  }
0x19: {  	s7 =	sld [smem:$0x3F9E]  }
0x1a: {  	s8 =	sadd.s32 $0xFFFFE003, lr  }
0x1b: {  	s9 =	sadd.s32 $0xFFFFFEF7, lr;
	s5 =	simm.s32 $0xFFFFFFFF;
	p2 =	slt.u32 s8, $0xFFFFF086  }
0x1c: {  	p1 =	slt.u32 s9, $0xF7A;
	s5 =	simm.s32 @!p2 $0x0  }
0x1d: {  	s5 =	simm.s32 @p1 $0x1;
	p0 =	seq.s32 s7, s2  }
0x1e: {  	s7 =	smul.u32 @!p0 $0xF7A, s2;
	p2 =	seq.s32 @!p0 s5, $0x0  }
0x1f: {  	s9 =	smul.u32 $0xF7A, s1;
	s8 =	simm.s32 @!p0 $0x1BF5;
	p2 =	por !p2, p0  }
0x20: {  	[sflag:s8] =	ssyncset.s32 @!p0 $0xFFFFF086;
	s6 =	sadd.s32 @!p0 s3, s7;
	s7 =	simm.s32 @!p0 $0x108  }
0x21: {  	s3 =	sadd.s32 s3, s9;
	s6 =	sadd.s32 @!p0 $0x88, s6;
	s7 =	simm.s32 @p2 $0x1082  }
0x22: {  	[simem:s7], [sflag:s8] =	dma.local @!p0 [hbm:s6], $0xF7A  }
0x23: {  	s9 =	sor.u32 $0xD0000000, s2;
	s6 =	simm.s32 $0x108;
	_ =	swait.ge @!p0 [sflag:s8], $0x0  }
0x24: {  	s3 =	sadd.s32 $0x88, s3;
	s6 =	simm.s32 @!p1 $0x1082;
	[sflag:s4] =	ssyncset.s32 $0xFFFFF086  }
0x25: {  	[simem:s6], [sflag:s4] =	dma.local [hbm:s3], $0xF7A  }
0x26: {  	[smem:$0x3F9E] =	sst s1;
	(tag) =	ssettag s2;
	_ =	strace s9  }
0x27: {  	s1 =	sld [smem:$0x3FAE]  }
0x28: {  	s2 =	sld [smem:$0x3FAF]  }
0x29: {  	s4 =	sld [smem:$0x3FB1]  }
0x2a: {  	p0 =	seq.s32 s5, $0x0;
	s5 =	sld [smem:$0x3FB2]  }
0x2b: {  	s6 =	sld [smem:$0x3FB3]  }
0x2c: {  	s7 =	sld [smem:$0x3FB4]  }
0x2d: {  	s3 =	simm.s32 $0x108;
	s8 =	sld [smem:$0x3FB5]  }
0x2e: {  	s3 =	simm.s32 @!p0 $0x1082;
	s9 =	sld [smem:$0x3FB6]  }
0x2f: {  	lr =	sadd.s32 s0, s3;
	s0 =	sld [smem:$0x3FAD]  }
0x30: {  	s3 =	sld [smem:$0x3FB0]  }
0x31: {  	[smem:$0x3FB9] =	sst s10  }
0x32: {  	s10 =	sld [smem:$0x3FB7];
	_ =	sdelay $0x3  }
0x33: {  	p0 =	seq.s32 s10, $0x1;
	s10 =	sld [smem:$0x3FB9];
	_ =	sdelay $0x3  }
0x34: {  	[smem:$0x3FB9] =	sst s10  }
0x35: {  	s10 =	sld [smem:$0x3FB8];
	_ =	sdelay $0x3  }
0x36: {  	p1 =	seq.s32 s10, $0x1;
	s10 =	sld [smem:$0x3FB9];
	_ =	sdelay $0x3  }
0x37: {  	[smem:$0x3FB9] =	sst s10  }
0x38: {  	s10 =	sld [smem:$0x3FBA]  }
0x39: {  	_ = 	snop;
	(pc) =	sbr.ind lr, $3  }
0x3a: {  	_ = 	snop  }
0x3b: {  	_ = 	snop  }
0x3c: {  	p2 =	seq.s32 s10, $0x1;
	s10 =	sld [smem:$0x3FB9]  }
0x3d: {  	_ =	shalt  }
0x3e: {  	_ =	shalt  }
0x3f: {  	_ =	shalt  }
0x40: {  	_ =	shalt  }
0x41: {  	_ =	shalt  }
0x42: {  	_ =	shalt  }
0x43: {  	_ =	shalt  }
0x44: {  	_ =	shalt  }
0x45: {  	_ =	shalt  }
0x46: {  	_ =	shalt  }
0x47: {  	_ =	shalt  }
0x48: {  	_ =	shalt  }
0x49: {  	_ =	shalt  }
0x4a: {  	_ =	shalt  }
0x4b: {  	_ =	shalt  }
0x4c: {  	_ =	shalt  }
0x4d: {  	_ =	shalt  }
0x4e: {  	_ =	shalt  }
0x4f: {  	_ =	shalt  }
0x50: {  	_ =	shalt  }
0x51: {  	_ =	shalt  }
0x52: {  	_ =	shalt  }
0x53: {  	_ =	shalt  }
0x54: {  	_ =	shalt  }
0x55: {  	_ =	shalt  }
0x56: {  	_ =	shalt  }
0x57: {  	_ =	shalt  }
0x58: {  	_ =	shalt  }
0x59: {  	_ =	shalt  }
0x5a: {  	_ =	shalt  }
0x5b: {  	_ =	shalt  }
0x5c: {  	_ =	shalt  }
0x5d: {  	_ =	shalt  }
0x5e: {  	_ =	shalt  }
0x5f: {  	_ =	shalt  }
0x60: {  	_ =	shalt  }
0x61: {  	_ =	shalt  }
0x62: {  	_ =	shalt  }
0x63: {  	_ =	shalt  }
0x64: {  	_ =	shalt  }
0x65: {  	_ =	shalt  }
0x66: {  	_ =	shalt  }
0x67: {  	_ =	shalt  }
0x68: {  	_ =	shalt  }
0x69: {  	_ =	shalt  }
0x6a: {  	_ =	shalt  }
0x6b: {  	_ =	shalt  }
0x6c: {  	_ =	shalt  }
0x6d: {  	_ =	shalt  }
0x6e: {  	_ =	shalt  }
0x6f: {  	_ =	shalt  }
0x70: {  	_ =	shalt  }
0x71: {  	_ =	shalt  }
0x72: {  	_ =	shalt  }
0x73: {  	_ =	shalt  }
0x74: {  	_ =	shalt  }
0x75: {  	_ =	shalt  }
0x76: {  	_ =	shalt  }
0x77: {  	_ =	shalt  }
0x78: {  	_ =	shalt  }
0x79: {  	_ =	shalt  }
0x7a: {  	_ =	shalt  }
0x7b: {  	_ =	shalt  }
0x7c: {  	_ =	shalt  }
0x7d: {  	_ =	shalt  }
0x7e: {  	_ =	shalt  }
0x7f: {  	_ =	shalt  }
0x80: {  	_ =	shalt  }
0x81: {  	_ =	shalt  }
0x82: {  	_ =	shalt  }
0x83: {  	_ =	shalt  }
0x84: {  	_ =	shalt  }
0x85: {  	_ =	shalt  }
0x86: {  	_ =	shalt  }
0x87: {  	_ =	shalt  }
.Lfunc_end0:
.L_simem_size_0:
called_computation_lowered:
.L_overlay_start_0:
0x88: {  	s2 =	sld [smem:$0x3FD9]  }
0x89: {  	s3 =	sld [smem:$0x3FFE];
	_ =	sdelay $0x1  }
0x8a: {  	s1 =	srdreg.scid  }
0x8b: {  	s0 =	sand.u32 $0x1, s1  }
0x8c: {  	s17 =	sshll.u32 s0, $0xA;
	s2 =	sadd.s32 s3, s2  }
0x8d: {  	s2 =	sadd.s32 s2, s17  }
0x8e: {  	[smem:$0x3FC5] =	sst s2  }
0x8f: {  	_ = 	snop  }
0x90: {  	s2 =	sld [smem:$0x3FC9]  }
0x91: {  	s18 =	sld [smem:$0x3FD0];
	(tm) =	ssettm $0x1  }
0x92: {  	s4 =	sld [smem:$0x3FFB];
	_ =	sdelay $0x3  }
0x93: {  	_ =	strace s4  }
0x94: {  	s4 =	sld [smem:$0x3FFC];
	_ =	sdelay $0x3  }
0x95: {  	_ =	strace s4  }
0x96: {  	s4 =	sld [smem:$0x3FFD];
	_ =	sdelay $0x3  }
0x97: {  	_ =	strace s4  }
0x98: {  	_ =	strace $0x8FFFFFFF  }
0x99: {  	s19 =	sld [smem:$0x3FDB];
	_ =	sdelay $0x1  }
0x9a: {  	s5 =	simm.s32 $_scs_section_size  }
0x9b: {  	s6 =	simm.s32 $_size__tile_overlayer_lowered;
	s7 =	simm.s32 $_tile_overlayer_lowered  }
0x9c: {  	s22 =	simm.s32 $0x1BFF;
	s21 =	sshll.u32 s7, $0x1;
	s4 =	sadd.s32 s5, s19  }
0x9d: {  	s8 =	simm.s32 $0x0;
	s20 =	sshll.u32 s6, $0x1;
	s6 =	sadd.s32 s21, s4  }
0x9e: {  	[timem:s8], [sflag:s22] =	dma.local [hbm:s6], s20  }
0x9f: {  	_ =	swait.ge [sflag:s22], s20  }
0xa0: {  	s5 =	ssub.s32 $0x0, s20;
	[sflag:s22] =	ssyncset.done $0x0  }
0xa1: {  	[sflag:s22] =	ssyncadd.s32 s5;
	_ =	sdelay $0x1  }
0xa2: {  	s23 =	simm.s32 $0x1B8B  }
0xa3: {  	_ =	swait.ge [sflag:s23], $0x1  }
0xa4: {  	[sflag:s23] =	ssyncset.done $0x0  }
0xa5: {  	s25 =	simm.s32 $0x1B8E;
	s24 =	sld [smem:$0x3FFE];
	[sflag:s23] =	ssyncadd.s32 $0xFFFFFFFF  }
0xa6: {  	s26 =	simm.s32 $execute0_lowered;
	[smem:$0x3FD2] =	sst s25  }
0xa7: {  	s6 =	sshll.u32 s26, $0x1;
	_ =	strace $0x80000046;
	[dreg:$0x1] =	wrdreg $0xFFFFFFFF  }
0xa8: {  	s28 =	simm.s32 $_size_execute0_lowered;
	s4 =	sadd.s32 s4, s6;
	[dreg:$0x0] =	wrdreg $0x0  }
0xa9: {  	s6 =	sshll.u32 s28, $0x1;
	[dreg:$0x2] =	wrdreg s4  }
0xaa: {  	[dreg:$0x3] =	wrdreg s6  }
0xab: {  	[dreg:$0x4] =	wrdreg $0xC0  }
0xac: {  	_ =	task [dreg:s8], $0x5FFFF  }
0xad: {  	[dreg:$0x1] =	wrdreg $0xFFFFFFFF  }
0xae: {  	[dreg:$0x0] =	wrdreg $0x60  }
0xaf: {  	[dreg:$0x2] =	wrdreg s2  }
0xb0: {  	[dreg:$0x3] =	wrdreg s24  }
0xb1: {  	[dreg:$0x4] =	wrdreg s18  }
0xb2: {  	[dreg:$0x5] =	wrdreg $0xA5000  }
0xb3: {  	[dreg:$0x6] =	wrdreg $0x9  }
0xb4: {  	_ =	task.clear_ibuf [dreg:s8], $0x7FFFF;
	_ =	strace $0x90000046  }
0xb5: {  	s29 =	simm.s32 $0x9;
	_ =	strace $0x80000048  }
0xb6: {  	_ =	swait.ge [sflag:s29], $0x1  }
0xb7: {  	[sflag:s29] =	ssyncadd.s32 $0xFFFFFFFF  }
0xb8: {  	_ =	strace $0x90000048  }
0xb9: {  	_ =	sfence  }
0xba: {  	s30 =	sld [smem:$0x0];
	_ =	sdelay $0x2  }
0xbb: {  	s31 =	sshll.u32 s1, $0xD;
	s1 =	sshrl.u32 s1, $0x2  }
0xbc: {  	s3 =	sand.u32 $0x4000, s31;
	s1 =	sadd.s32 s1, s30  }
0xbd: {  	s0 =	sor.u32 s3, s0;
	s1 =	sshll.u32 s1, $0x11  }
0xbe: {  	s0 =	sor.u32 s1, s0  }
0xbf: {  	s0 =	sadd.s32 $0x8F2B, s0  }
0xc0: {  	[sflag:s0] =	ssyncadd.remote.s32 $0x1  }
0xc1: {  	_ =	sfence.sel $0xFFFF  }
0xc2: {  	[dreg:$0x0] =	wrdreg $0xFFFFFFFF;
	(pc) =	sbr.abs _section_cstart, $3  }
0xc3: {  	[dreg:$0x1] =	wrdreg $0xFFFFFFFF  }
0xc4: {  	_ =	task.clear_ibuf [dreg:s8], $0x2FFFF;
	_ =	strace $0x9FFFFFFF  }
0xc5: {  	(tm) =	ssettm $0x7FFFFFFF  }
tec
execute0_lowered:
.L_overlay_start_1:
0x0: {  	(tag) =	ssettag $0x1  }
0x1: {  	s0 =	rddreg [dreg:$0x0]  }
0x2: {  	s1 =	rddreg [dreg:$0x1]  }
0x3: {  	s6 =	rddreg [dreg:$0x2]  }
0x4: {  	s22 =	rddreg [dreg:$0x3]  }
0x5: {  	s3 =	srdreg.scid;
	s11 =	stileid.u32  }
0x6: {  	s7 =	sand.u32 $0x1, s3;
	s3 =	simm.s32 $0x0;
	s4 =	smul.u32 $0x4E2, s11  }
0x7: {  	s30 =	simm.s32 $0x0;
	s12 =	sadd.s32 $0x137400, s22;
	[smem:$0x7FF] =	sst s3  }
0x8: {  	_ =	strace $0x80000047;
	s1 =	sadd.s32 s4, s1;
	[dreg:$0x17] =	wrdreg s12  }
0x9: {  	[smem:$0x7FC] =	sst s30;
	s9 =	sadd.s32 $0x40A, s1  }
0xa: {  	s14 =	sadd.s32 $0x540A, s1;
	[dreg:$0x5] =	wrdreg s9  }
0xb: {  	s28 =	simm.s32 $0xA280;
	s15 =	sadd.s32 $0x414, s1;
	[dreg:$0x6] =	wrdreg s14  }
0xc: {  	s29 =	simm.s32 $0xA410;
	s16 =	sadd.s32 $0x5414, s1;
	[dreg:$0x7] =	wrdreg s15  }
0xd: {  	s31 =	simm.s32 $0xA0F0;
	s17 =	sadd.s32 $0x41E, s1;
	[dreg:$0x8] =	wrdreg s16  }
0xe: {  	s26 =	smul.u32 $0x4F000, s11;
	s18 =	sadd.s32 $0x541E, s1;
	[dreg:$0x9] =	wrdreg s17  }
0xf: {  	p0 =	sne.s32 s11, $0xF;
	s19 =	sadd.s32 $0x428, s1;
	[dreg:$0xa] =	wrdreg s18  }
0x10: {  	p1 =	seq.s32 s11, $0xF;
	s20 =	sadd.s32 $0x5428, s1;
	[dreg:$0xb] =	wrdreg s19  }
0x11: {  	s5 =	ssub.s32 $0x2, s7;
	s21 =	sadd.s32 $0x432, s1;
	[dreg:$0xc] =	wrdreg s20  }
0x12: {  	s7 =	smul.u32 $0x27100, s7;
	s23 =	sadd.s32 $0x5432, s1;
	[dreg:$0xd] =	wrdreg s21  }
0x13: {  	s8 =	sshrl.u32 s5, $0x1;
	s24 =	sadd.s32 $0x43C, s1;
	[dreg:$0xe] =	wrdreg s23  }
0x14: {  	s8 =	ssub.s32 s5, s8;
	s10 =	sadd.s32 $0x543C, s1;
	[dreg:$0xf] =	wrdreg s24  }
0x15: {  	s5 =	sadd.s32 $0x400, s1;
	s2 =	sadd.s32 $0x446, s1;
	[dreg:$0x10] =	wrdreg s10  }
0x16: {  	s25 =	sadd.s32 $0x5400, s1;
	s1 =	sadd.s32 $0x5446, s1;
	[dreg:$0x11] =	wrdreg s2  }
0x17: {  	s4 =	smul.u32 $0x13C00, s11;
	s6 =	sadd.s32 s6, s7;
	[dreg:$0x12] =	wrdreg s1  }
0x18: {  	s12 =	simm.s32 $0x7800;
	s30 =	simm.s32 $0x5000;
	[dreg:$0x14] =	wrdreg s6  }
0x19: {  	s20 =	sadd.s32 s0, s7;
	s10 =	smax.u32 s8, $0x1;
	[smem:$0x7FD] =	sst s25  }
0x1a: {  	s9 =	sshrl.u32 s26, $0x2;
	s2 =	sadd.s32 $0x128400, s22;
	[dreg:$0x15] =	wrdreg s10  }
0x1b: {  	s0 =	sshrl.u32 s4, $0x3;
	s18 =	sadd.s32 $0x12AC00, s22;
	[dreg:$0x18] =	wrdreg s2  }
0x1c: {  	s19 =	sadd.s32 $0x12D400, s22;
	s21 =	sadd.s32 $0x12FC00, s22;
	[dreg:$0x1f] =	wrdreg s18  }
0x1d: {  	s1 =	sadd.s32 s4, s22;
	s23 =	sadd.s32 $0x132400, s22;
	[smem:$0x7F6] =	sst s19  }
0x1e: {  	s26 =	sadd.s32 $0x134C00, s22;
	s4 =	simm.s32 $0xA2D0;
	[smem:$0x7F8] =	sst s21  }
0x1f: {  	s7 =	simm.s32 $0x50;
	s8 =	simm.s32 $0x6;
	[smem:$0x7F9] =	sst s23  }
0x20: {  	s9 =	sadd.s32 s9, s22;
	s0 =	sadd.s32 @!p1 s0, s6;
	[smem:$0x7FB] =	sst s26  }
0x21: {  	s19 =	simm.s32 $0xA000;
	s23 =	simm.s32 $0xA050;
	[dreg:$0x1e] =	wrdreg s0  }
0x22: {  	s26 =	simm.s32 $0xA0A0;
	s11 =	sadd.s32 $0x11800, s9;
	[dreg:$0x13] =	wrdreg s9  }
0x23: {  	s6 =	simm.s32 $0x7;
	s13 =	sadd.s32 $0x2800, s9;
	[dreg:$0x16] =	wrdreg s11  }
0x24: {  	s10 =	simm.s32 $0x2800;
	s14 =	sadd.s32 $0x5000, s9;
	[dreg:$0x19] =	wrdreg s13  }
0x25: {  	s18 =	simm.s32 $0x1;
	s15 =	sadd.s32 $0x7800, s9;
	[dreg:$0x1a] =	wrdreg s14  }
0x26: {  	s21 =	simm.s32 $0xA;
	s16 =	sadd.s32 $0xA000, s9;
	[dreg:$0x1b] =	wrdreg s15  }
0x27: {  	s2 =	simm.s32 $0xC;
	s17 =	sadd.s32 $0xC800, s9;
	[dreg:$0x1c] =	wrdreg s16  }
0x28: {  	s0 =	sshrl.u32 @!p1 s1, $0x3;
	s24 =	sadd.s32 $0xF000, s9;
	[dreg:$0x1d] =	wrdreg s17  }
0x29: {  	s1 =	simm.s32 $0xA4B0;
	s9 =	simm.s32 $0xB;
	[smem:$0x7F7] =	sst s0  }
0x2a: {  	[smem:$0x7FA] =	sst s24;
	s24 =	simm.s32 $0xA140;
	s0 =	simm.s32 $0xA190  }
0x2b: {  	s17 =	simm.s32 $0xA3C0;
	s11 =	simm.s32 $0x9;
	s15 =	simm.s32 $0x5  }
0x2c: {  	v0 =	vimm.f32 $0.0e+00;
	s13 =	simm.s32 $0x3;
	s14 =	simm.s32 $0x4;
	s16 =	simm.s32 $0x8  }
.LBB2_1:
0x2d: {  	[tilespmem:s19], [sflag:$0x5] =	stream.linear.gather [hbm4b:s5+s3], $0x50, $0x38;
	[tilespmem:$0x1DD80] =	vst v63  }
0x2e: {  	_ = 	snop  }
0x2f: {  	[tilespmem:s23], [sflag:$0x5] =	stream.linear.gather [hbm4b:s25+s3], $0x50, $0x38;
	[tilespmem:$0x1DD80] =	vst v63  }
0x30: {  	s23 =	rddreg [dreg:$0x5]  }
0x31: {  	[tilespmem:s24], [sflag:$0x7] =	stream.linear.gather [hbm4b:s23+s3], $0x50, $0x38;
	[tilespmem:$0x1DD80] =	vst v63  }
0x32: {  	s25 =	rddreg [dreg:$0x6]  }
0x33: {  	[tilespmem:s0], [sflag:$0x7] =	stream.linear.gather [hbm4b:s25+s3], $0x50, $0x38;
	[tilespmem:$0x1DD80] =	vst v63  }
0x34: {  	s0 =	rddreg [dreg:$0x7]  }
0x35: {  	[tilespmem:s28], [sflag:$0x9] =	stream.linear.gather [hbm4b:s0+s3], $0x50, $0x38;
	[tilespmem:$0x1DD80] =	vst v63  }
0x36: {  	s23 =	rddreg [dreg:$0x8]  }
0x37: {  	[tilespmem:s4], [sflag:$0x9] =	stream.linear.gather [hbm4b:s23+s3], $0x50, $0x38;
	[tilespmem:$0x1DD80] =	vst v63  }
0x38: {  	s25 =	rddreg [dreg:$0x9]  }
0x39: {  	[tilespmem:s17], [sflag:$0xB] =	stream.linear.gather [hbm4b:s25+s3], $0x50, $0x38;
	[tilespmem:$0x1DD80] =	vst v63  }
0x3a: {  	s0 =	rddreg [dreg:$0xa]  }
0x3b: {  	[tilespmem:s29], [sflag:$0xB] =	stream.linear.gather [hbm4b:s0+s3], $0x50, $0x38;
	[tilespmem:$0x1DD80] =	vst v63  }
0x3c: {  	s4 =	rddreg [dreg:$0xb]  }
0x3d: {  	[tilespmem:s26], [sflag:$0x6] =	stream.linear.gather [hbm4b:s4+s3], $0x50, $0x38;
	[tilespmem:$0x1DD80] =	vst v63  }
0x3e: {  	s23 =	rddreg [dreg:$0xc]  }
0x3f: {  	[tilespmem:s31], [sflag:$0x6] =	stream.linear.gather [hbm4b:s23+s3], $0x50, $0x38;
	[tilespmem:$0x1DD80] =	vst v63  }
0x40: {  	s25 =	rddreg [dreg:$0xd];
	s31 =	simm.s32 $0xA1E0  }
0x41: {  	[tilespmem:s31], [sflag:$0x8] =	stream.linear.gather [hbm4b:s25+s3], $0x50, $0x38;
	[tilespmem:$0x1DD80] =	vst v63  }
0x42: {  	s29 =	simm.s32 $0xA230;
	s26 =	rddreg [dreg:$0xe]  }
0x43: {  	[tilespmem:s29], [sflag:$0x8] =	stream.linear.gather [hbm4b:s26+s3], $0x50, $0x38;
	[tilespmem:$0x1DD80] =	vst v63  }
0x44: {  	s0 =	rddreg [dreg:$0xf];
	s4 =	simm.s32 $0xA320  }
0x45: {  	[tilespmem:s4], [sflag:$0xA] =	stream.linear.gather [hbm4b:s0+s3], $0x50, $0x38;
	[tilespmem:$0x1DD80] =	vst v63  }
0x46: {  	s23 =	rddreg [dreg:$0x10];
	s25 =	simm.s32 $0xA370  }
0x47: {  	[tilespmem:s25], [sflag:$0xA] =	stream.linear.gather [hbm4b:s23+s3], $0x50, $0x38;
	[tilespmem:$0x1DD80] =	vst v63  }
0x48: {  	s26 =	rddreg [dreg:$0x11];
	s0 =	simm.s32 $0xA460  }
0x49: {  	[tilespmem:s0], [sflag:$0xC] =	stream.linear.gather [hbm4b:s26+s3], $0x50, $0x38;
	[tilespmem:$0x1DD80] =	vst v63  }
0x4a: {  	s29 =	rddreg [dreg:$0x12]  }
0x4b: {  	[tilespmem:s1], [sflag:$0xC] =	stream.linear.gather [hbm4b:s29+s3], $0x50, $0x38;
	[tilespmem:$0x1DD80] =	vst v63  }
0x4c: {  	_ =	swait.ge [sflag:s6], $0x50  }
0x4d: {  	[sflag:s6] =	ssyncset.done $0x0  }
0x4e: {  	[sflag:s6] =	ssyncadd.s32 $0xFFFFFFB0  }
0x4f: {  	_ =	swait.ge [sflag:s6], $0x50  }
0x50: {  	[sflag:s6] =	ssyncset.done $0x0  }
0x51: {  	[sflag:s6] =	ssyncadd.s32 $0xFFFFFFB0  }
0x52: {  	[tilespmem:s10], [sflag:$0x2] =	stream.indirect.gather [hbm4b:s20+s7], $0x80, s24, s7, $0xb8;
	[tilespmem:$0x1DD80] =	vst v63  }
0x53: {  	_ =	swait.ge [sflag:s11], $0x50  }
0x54: {  	[sflag:s11] =	ssyncset.done $0x0  }
0x55: {  	[sflag:s11] =	ssyncadd.s32 $0xFFFFFFB0  }
0x56: {  	_ =	swait.ge [sflag:s11], $0x50  }
0x57: {  	[sflag:s11] =	ssyncset.done $0x0  }
0x58: {  	[sflag:s11] =	ssyncadd.s32 $0xFFFFFFB0  }
0x59: {  	[tilespmem:s30], [sflag:$0x3] =	stream.indirect.gather [hbm4b:s20+s7], $0x80, s28, s7, $0xb8;
	[tilespmem:$0x1DD80] =	vst v63  }
0x5a: {  	_ =	swait.ge [sflag:s9], $0x50  }
0x5b: {  	[sflag:s9] =	ssyncset.done $0x0  }
0x5c: {  	[sflag:s9] =	ssyncadd.s32 $0xFFFFFFB0  }
0x5d: {  	_ =	swait.ge [sflag:s9], $0x50  }
0x5e: {  	s19 =	simm.s32 $0x70;
	[sflag:s9] =	ssyncset.done $0x0  }
0x5f: {  	s4 =	simm.s32 $0xA190;
	s23 =	simm.s32 $0x3C0;
	[sflag:s9] =	ssyncadd.s32 $0xFFFFFFB0  }
0x60: {  	[tilespmem:s12], [sflag:$0x4] =	stream.indirect.gather [hbm4b:s20+s7], $0x80, s17, s7, $0xb8;
	[tilespmem:$0x1DD80] =	vst v63  }
.LBB2_2:
0x61: {  	p2 =	sne.s32 s23, $0x9FC0;
	[tilespmem:s19+$0x0] =	vst v0  }
0x62: {  	[tilespmem:s19+$0xFFFFFF90] =	vst v0  }
0x63: {  	[tilespmem:s19+$0xFFFFFFA0] =	vst v0  }
.Ltmp0:
0x64: {  	[tilespmem:s19+$0xFFFFFFB0] =	vst v0;
	(pc) =	sbr.rel @p2 .LBB2_2-.Ltmp0, $4  }
0x65: {  	[tilespmem:s19+$0xFFFFFFC0] =	vst v0  }
0x66: {  	[tilespmem:s19+$0xFFFFFFD0] =	vst v0  }
0x67: {  	[tilespmem:s19+$0xFFFFFFE0] =	vst v0  }
0x68: {  	[tilespmem:s19+$0xFFFFFFF0] =	vst v0;
	s19 =	sshra.s32 s23, $0x2;
	s23 =	sadd.s32 $0x200, s23  }
0x69: {  	[tilespmem:s19+$0x0] =	vst v0  }
0x6a: {  	[tilespmem:s19+$0xFFFFFF90] =	vst v0  }
0x6b: {  	[tilespmem:s19+$0xFFFFFFA0] =	vst v0  }
0x6c: {  	[tilespmem:s19+$0xFFFFFFB0] =	vst v0  }
0x6d: {  	[tilespmem:s19+$0xFFFFFFC0] =	vst v0  }
0x6e: {  	[tilespmem:s19+$0xFFFFFFD0] =	vst v0  }
0x6f: {  	[tilespmem:s19+$0xFFFFFFE0] =	vst v0  }
0x70: {  	[tilespmem:s19+$0xFFFFFFF0] =	vst v0;
	s19 =	simm.s32 @p0 $0x0;
	s23 =	rddreg [dreg:$0x13]  }
0x71: {  	[spmem:s23] =	stream.linear.scatter @p0 [tilespmem:s19], [sflag:$0xD], $0x2800, $0x38;
	[tilespmem:$0x1DD80] =	vst v63  }
0x72: {  	s23 =	simm.s32 @p0 $0xD  }
0x73: {  	_ =	swait.ge @p0 [sflag:s23], $0x2800  }
0x74: {  	[sflag:s23] =	ssyncset.done @p0 $0x0  }
0x75: {  	s24 =	rddreg [dreg:$0x19];
	[sflag:s23] =	ssyncadd.s32 @p0 $0xFFFFD800  }
0x76: {  	[spmem:s24] =	stream.linear.scatter @p0 [tilespmem:s19], [sflag:$0xD], $0x2800, $0x38;
	[tilespmem:$0x1DD80] =	vst v63  }
0x77: {  	_ =	swait.ge @p0 [sflag:s23], $0x2800  }
0x78: {  	[sflag:s23] =	ssyncset.done @p0 $0x0  }
0x79: {  	s24 =	rddreg [dreg:$0x1a];
	[sflag:s23] =	ssyncadd.s32 @p0 $0xFFFFD800  }
0x7a: {  	[spmem:s24] =	stream.linear.scatter @p0 [tilespmem:s19], [sflag:$0xD], $0x2800, $0x38;
	[tilespmem:$0x1DD80] =	vst v63  }
0x7b: {  	_ =	swait.ge @p0 [sflag:s23], $0x2800  }
0x7c: {  	[sflag:s23] =	ssyncset.done @p0 $0x0  }
0x7d: {  	s24 =	rddreg [dreg:$0x1b];
	[sflag:s23] =	ssyncadd.s32 @p0 $0xFFFFD800  }
0x7e: {  	[spmem:s24] =	stream.linear.scatter @p0 [tilespmem:s19], [sflag:$0xD], $0x2800, $0x38;
	[tilespmem:$0x1DD80] =	vst v63  }
0x7f: {  	_ =	swait.ge @p0 [sflag:s23], $0x2800  }
0x80: {  	[sflag:s23] =	ssyncset.done @p0 $0x0  }
0x81: {  	s24 =	rddreg [dreg:$0x1c];
	[sflag:s23] =	ssyncadd.s32 @p0 $0xFFFFD800  }
0x82: {  	[spmem:s24] =	stream.linear.scatter @p0 [tilespmem:s19], [sflag:$0xD], $0x2800, $0x38;
	[tilespmem:$0x1DD80] =	vst v63  }
0x83: {  	_ =	swait.ge @p0 [sflag:s23], $0x2800  }
0x84: {  	[sflag:s23] =	ssyncset.done @p0 $0x0  }
0x85: {  	s24 =	rddreg [dreg:$0x1d];
	[sflag:s23] =	ssyncadd.s32 @p0 $0xFFFFD800  }
0x86: {  	[spmem:s24] =	stream.linear.scatter @p0 [tilespmem:s19], [sflag:$0xD], $0x2800, $0x38;
	[tilespmem:$0x1DD80] =	vst v63  }
0x87: {  	_ =	swait.ge @p0 [sflag:s23], $0x2800  }
0x88: {  	s24 =	sld [smem:$0x7FA]  }
0x89: {  	[sflag:s23] =	ssyncset.done @p0 $0x0  }
0x8a: {  	[sflag:s23] =	ssyncadd.s32 @p0 $0xFFFFD800  }
0x8b: {  	[spmem:s24] =	stream.linear.scatter @p0 [tilespmem:s19], [sflag:$0xD], $0x2800, $0x38;
	[tilespmem:$0x1DD80] =	vst v63  }
0x8c: {  	_ =	swait.ge @p0 [sflag:s23], $0x2800  }
0x8d: {  	[sflag:s23] =	ssyncset.done @p0 $0x0  }
0x8e: {  	s24 =	rddreg [dreg:$0x16];
	[sflag:s23] =	ssyncadd.s32 @p0 $0xFFFFD800  }
0x8f: {  	[spmem:s24] =	stream.linear.scatter @p0 [tilespmem:s19], [sflag:$0xD], $0x2400, $0x38;
	[tilespmem:$0x1DD80] =	vst v63  }
0x90: {  	_ =	swait.ge @p0 [sflag:s23], $0x2400  }
0x91: {  	s19 =	simm.s32 @!p0 $0x0;
	[sflag:s23] =	ssyncset.done @p0 $0x0  }
0x92: {  	s1 =	rddreg [dreg:$0x18];
	[sflag:s23] =	ssyncadd.s32 @p0 $0xFFFFDC00;
	s23 =	simm.s32 @!p0 $0xD  }
0x93: {  	[spmem:s1] =	stream.linear.scatter @!p0 [tilespmem:s19], [sflag:$0xD], $0x2800, $0x38;
	[tilespmem:$0x1DD80] =	vst v63  }
0x94: {  	_ =	swait.ge @!p0 [sflag:s23], $0x2800  }
0x95: {  	[sflag:s23] =	ssyncset.done @!p0 $0x0  }
0x96: {  	s24 =	rddreg [dreg:$0x1f];
	[sflag:s23] =	ssyncadd.s32 @!p0 $0xFFFFD800  }
0x97: {  	[spmem:s24] =	stream.linear.scatter @!p0 [tilespmem:s19], [sflag:$0xD], $0x2800, $0x38;
	[tilespmem:$0x1DD80] =	vst v63  }
0x98: {  	_ =	swait.ge @!p0 [sflag:s23], $0x2800  }
0x99: {  	s24 =	sld [smem:$0x7F6]  }
0x9a: {  	[sflag:s23] =	ssyncset.done @!p0 $0x0  }
0x9b: {  	[sflag:s23] =	ssyncadd.s32 @!p0 $0xFFFFD800  }
0x9c: {  	[spmem:s24] =	stream.linear.scatter @!p0 [tilespmem:s19], [sflag:$0xD], $0x2800, $0x38;
	[tilespmem:$0x1DD80] =	vst v63  }
0x9d: {  	_ =	swait.ge @!p0 [sflag:s23], $0x2800  }
0x9e: {  	s24 =	sld [smem:$0x7F8]  }
0x9f: {  	[sflag:s23] =	ssyncset.done @!p0 $0x0  }
0xa0: {  	[sflag:s23] =	ssyncadd.s32 @!p0 $0xFFFFD800  }
0xa1: {  	[spmem:s24] =	stream.linear.scatter @!p0 [tilespmem:s19], [sflag:$0xD], $0x2800, $0x38;
	[tilespmem:$0x1DD80] =	vst v63  }
0xa2: {  	_ =	swait.ge @!p0 [sflag:s23], $0x2800  }
0xa3: {  	s24 =	sld [smem:$0x7F9]  }
0xa4: {  	[sflag:s23] =	ssyncset.done @!p0 $0x0  }
0xa5: {  	[sflag:s23] =	ssyncadd.s32 @!p0 $0xFFFFD800  }
0xa6: {  	[spmem:s24] =	stream.linear.scatter @!p0 [tilespmem:s19], [sflag:$0xD], $0x2800, $0x38;
	[tilespmem:$0x1DD80] =	vst v63  }
0xa7: {  	_ =	swait.ge @!p0 [sflag:s23], $0x2800  }
0xa8: {  	s24 =	sld [smem:$0x7FB]  }
0xa9: {  	[sflag:s23] =	ssyncset.done @!p0 $0x0  }
0xaa: {  	[sflag:s23] =	ssyncadd.s32 @!p0 $0xFFFFD800  }
0xab: {  	[spmem:s24] =	stream.linear.scatter @!p0 [tilespmem:s19], [sflag:$0xD], $0x2800, $0x38;
	[tilespmem:$0x1DD80] =	vst v63  }
0xac: {  	_ =	swait.ge @!p0 [sflag:s23], $0x2800  }
0xad: {  	[sflag:s23] =	ssyncset.done @!p0 $0x0  }
0xae: {  	s24 =	rddreg [dreg:$0x17];
	[sflag:s23] =	ssyncadd.s32 @!p0 $0xFFFFD800  }
0xaf: {  	[spmem:s24] =	stream.linear.scatter @!p0 [tilespmem:s19], [sflag:$0xD], $0x1400, $0x38;
	[tilespmem:$0x1DD80] =	vst v63  }
0xb0: {  	_ =	swait.ge @!p0 [sflag:s23], $0x1400  }
0xb1: {  	[sflag:s23] =	ssyncset.done @!p0 $0x0  }
0xb2: {  	[sflag:s23] =	ssyncadd.s32 @!p0 $0xFFFFEC00  }
0xb3: {  	_ =	swait.ge [sflag:s15], $0x50  }
0xb4: {  	[sflag:s15] =	ssyncset.done $0x0  }
0xb5: {  	[sflag:s15] =	ssyncadd.s32 $0xFFFFFFB0  }
0xb6: {  	_ =	swait.ge [sflag:s15], $0x50  }
0xb7: {  	[sflag:s15] =	ssyncset.done $0x0  }
0xb8: {  	s28 =	simm.s32 $0xA000;
	s19 =	simm.s32 $0x0;
	[sflag:s15] =	ssyncadd.s32 $0xFFFFFFB0  }
0xb9: {  	[tilespmem:s19], [sflag:$0x1] =	stream.indirect.gather [hbm4b:s20+s7], $0x80, s28, s7, $0xb8;
	[tilespmem:$0x1DD80] =	vst v63  }
0xba: {  	[bflag:$0x0] =	sbarrier.arrive $0xFFFF  }
0xbb: {  	_ =	swait.ge [sflag:s18], $0x2800  }
0xbc: {  	[sflag:s18] =	ssyncset.done $0x0  }
0xbd: {  	s26 =	simm.s32 $0x2;
	s1 =	simm.s32 $0xA050;
	[sflag:s18] =	ssyncadd.s32 $0xFFFFD800  }
0xbe: {  	[spmem:s22] =	stream.indirect.scatter.add.f32 [tilespmem:s3], [sflag:$0x1], $0x80, s1, s7, $0xb8;
	[tilespmem:$0x1DD80] =	vst v63  }
0xbf: {  	_ =	swait.ge [sflag:s26], $0x2800  }
0xc0: {  	[sflag:s26] =	ssyncset.done $0x0  }
0xc1: {  	[sflag:s26] =	ssyncadd.s32 $0xFFFFD800  }
0xc2: {  	[spmem:s22] =	stream.indirect.scatter.add.f32 [tilespmem:s10], [sflag:$0x2], $0x80, s4, s7, $0xb8;
	[tilespmem:$0x1DD80] =	vst v63  }
0xc3: {  	_ =	swait.ge [sflag:s13], $0x2800  }
0xc4: {  	[sflag:s13] =	ssyncset.done $0x0  }
0xc5: {  	s25 =	simm.s32 $0xA2D0;
	[sflag:s13] =	ssyncadd.s32 $0xFFFFD800  }
0xc6: {  	[spmem:s22] =	stream.indirect.scatter.add.f32 [tilespmem:s30], [sflag:$0x3], $0x80, s25, s7, $0xb8;
	[tilespmem:$0x1DD80] =	vst v63  }
0xc7: {  	_ =	swait.ge [sflag:s14], $0x2800  }
0xc8: {  	[sflag:s14] =	ssyncset.done $0x0  }
0xc9: {  	s17 =	simm.s32 $0xA410;
	[sflag:s14] =	ssyncadd.s32 $0xFFFFD800  }
0xca: {  	[spmem:s22] =	stream.indirect.scatter.add.f32 [tilespmem:s12], [sflag:$0x4], $0x80, s17, s7, $0xb8;
	[tilespmem:$0x1DD80] =	vst v63  }
0xcb: {  	_ =	swait.ge [sflag:s18], $0x2800  }
0xcc: {  	[sflag:s18] =	ssyncset.done $0x0  }
0xcd: {  	[sflag:s18] =	ssyncadd.s32 $0xFFFFD800  }
0xce: {  	_ =	swait.ge [sflag:s8], $0x50  }
0xcf: {  	[sflag:s8] =	ssyncset.done $0x0  }
0xd0: {  	[sflag:s8] =	ssyncadd.s32 $0xFFFFFFB0  }
0xd1: {  	_ =	swait.ge [sflag:s8], $0x50  }
0xd2: {  	[sflag:s8] =	ssyncset.done $0x0  }
0xd3: {  	s4 =	simm.s32 $0xA0A0;
	[sflag:s8] =	ssyncadd.s32 $0xFFFFFFB0  }
0xd4: {  	[tilespmem:s3], [sflag:$0x1] =	stream.indirect.gather [hbm4b:s20+s7], $0x80, s4, s7, $0xb8;
	[tilespmem:$0x1DD80] =	vst v63  }
0xd5: {  	s23 =	sadd.s32 $0x0, s5;
	s4 =	sld [smem:$0x7FD]  }
0xd6: {  	s25 =	sadd.s32 $0x50, s23  }
0xd7: {  	[tilespmem:s28], [sflag:$0x5] =	stream.linear.gather [hbm4b:s25+s3], $0x50, $0x38;
	[tilespmem:$0x1DD80] =	vst v63  }
0xd8: {  	s24 =	sadd.s32 $0x0, s4  }
0xd9: {  	s17 =	sadd.s32 $0x50, s24  }
0xda: {  	[tilespmem:s1], [sflag:$0x5] =	stream.linear.gather [hbm4b:s17+s3], $0x50, $0x38;
	[tilespmem:$0x1DD80] =	vst v63  }
0xdb: {  	_ =	swait.ge [sflag:s26], $0x2800  }
0xdc: {  	[sflag:s26] =	ssyncset.done $0x0  }
0xdd: {  	[sflag:s26] =	ssyncadd.s32 $0xFFFFD800  }
0xde: {  	_ =	swait.ge [sflag:s16], $0x50  }
0xdf: {  	[sflag:s16] =	ssyncset.done $0x0  }
0xe0: {  	[sflag:s16] =	ssyncadd.s32 $0xFFFFFFB0  }
0xe1: {  	_ =	swait.ge [sflag:s16], $0x50  }
0xe2: {  	[sflag:s16] =	ssyncset.done $0x0  }
0xe3: {  	[sflag:s16] =	ssyncadd.s32 $0xFFFFFFB0  }
0xe4: {  	[tilespmem:s10], [sflag:$0x2] =	stream.indirect.gather [hbm4b:s20+s7], $0x80, s31, s7, $0xb8;
	[tilespmem:$0x1DD80] =	vst v63  }
0xe5: {  	s25 =	sadd.s32 $0x5A, s23;
	s16 =	simm.s32 $0xA140  }
0xe6: {  	[tilespmem:s16], [sflag:$0x7] =	stream.linear.gather [hbm4b:s25+s3], $0x50, $0x38;
	[tilespmem:$0x1DD80] =	vst v63  }
0xe7: {  	s31 =	simm.s32 $0xA190;
	s25 =	sadd.s32 $0x5A, s24  }
0xe8: {  	[tilespmem:s31], [sflag:$0x7] =	stream.linear.gather [hbm4b:s25+s3], $0x50, $0x38;
	[tilespmem:$0x1DD80] =	vst v63  }
0xe9: {  	_ =	swait.ge [sflag:s13], $0x2800  }
0xea: {  	[sflag:s13] =	ssyncset.done $0x0  }
0xeb: {  	[sflag:s13] =	ssyncadd.s32 $0xFFFFD800  }
0xec: {  	_ =	swait.ge [sflag:s21], $0x50  }
0xed: {  	[sflag:s21] =	ssyncset.done $0x0  }
0xee: {  	[sflag:s21] =	ssyncadd.s32 $0xFFFFFFB0  }
0xef: {  	_ =	swait.ge [sflag:s21], $0x50  }
0xf0: {  	[sflag:s21] =	ssyncset.done $0x0  }
0xf1: {  	[sflag:s21] =	ssyncadd.s32 $0xFFFFFFB0;
	s21 =	simm.s32 $0xA320  }
0xf2: {  	[tilespmem:s30], [sflag:$0x3] =	stream.indirect.gather [hbm4b:s20+s7], $0x80, s21, s7, $0xb8;
	[tilespmem:$0x1DD80] =	vst v63  }
0xf3: {  	s25 =	sadd.s32 $0x64, s23;
	s31 =	simm.s32 $0xA280  }
0xf4: {  	[tilespmem:s31], [sflag:$0x9] =	stream.linear.gather [hbm4b:s25+s3], $0x50, $0x38;
	[tilespmem:$0x1DD80] =	vst v63  }
0xf5: {  	s8 =	simm.s32 $0xA2D0;
	s25 =	sadd.s32 $0x64, s24  }
0xf6: {  	[tilespmem:s8], [sflag:$0x9] =	stream.linear.gather [hbm4b:s25+s3], $0x50, $0x38;
	[tilespmem:$0x1DD80] =	vst v63  }
0xf7: {  	_ =	swait.ge [sflag:s14], $0x2800  }
0xf8: {  	[sflag:s14] =	ssyncset.done $0x0  }
0xf9: {  	[sflag:s14] =	ssyncadd.s32 $0xFFFFD800  }
0xfa: {  	_ =	swait.ge [sflag:s2], $0x50  }
0xfb: {  	[sflag:s2] =	ssyncset.done $0x0  }
0xfc: {  	[sflag:s2] =	ssyncadd.s32 $0xFFFFFFB0  }
0xfd: {  	_ =	swait.ge [sflag:s2], $0x50  }
0xfe: {  	[sflag:s2] =	ssyncset.done $0x0  }
0xff: {  	[sflag:s2] =	ssyncadd.s32 $0xFFFFFFB0  }
0x100: {  	[tilespmem:s12], [sflag:$0x4] =	stream.indirect.gather [hbm4b:s20+s7], $0x80, s0, s7, $0xb8;
	[tilespmem:$0x1DD80] =	vst v63  }
0x101: {  	s2 =	simm.s32 $0xA3C0;
	s0 =	sadd.s32 $0x6E, s23  }
0x102: {  	[tilespmem:s2], [sflag:$0xB] =	stream.linear.gather [hbm4b:s0+s3], $0x50, $0x38;
	[tilespmem:$0x1DD80] =	vst v63  }
0x103: {  	s1 =	simm.s32 $0xA410;
	s8 =	sadd.s32 $0x6E, s24  }
0x104: {  	[tilespmem:s1], [sflag:$0xB] =	stream.linear.gather [hbm4b:s8+s3], $0x50, $0x38;
	[tilespmem:$0x1DD80] =	vst v63  }
0x105: {  	_ =	swait.ge [sflag:s18], $0x2800  }
0x106: {  	[sflag:s18] =	ssyncset.done $0x0  }
0x107: {  	s25 =	simm.s32 $0xA0F0;
	[sflag:s18] =	ssyncadd.s32 $0xFFFFD800  }
0x108: {  	[spmem:s22] =	stream.indirect.scatter.add.f32 [tilespmem:s3], [sflag:$0x1], $0x80, s25, s7, $0xb8;
	[tilespmem:$0x1DD80] =	vst v63  }
0x109: {  	_ =	swait.ge [sflag:s26], $0x2800  }
0x10a: {  	[sflag:s26] =	ssyncset.done $0x0  }
0x10b: {  	s8 =	simm.s32 $0xA230;
	[sflag:s26] =	ssyncadd.s32 $0xFFFFD800  }
0x10c: {  	[spmem:s22] =	stream.indirect.scatter.add.f32 [tilespmem:s10], [sflag:$0x2], $0x80, s8, s7, $0xb8;
	[tilespmem:$0x1DD80] =	vst v63  }
0x10d: {  	_ =	swait.ge [sflag:s13], $0x2800  }
0x10e: {  	[sflag:s13] =	ssyncset.done $0x0  }
0x10f: {  	s18 =	simm.s32 $0xA370;
	[sflag:s13] =	ssyncadd.s32 $0xFFFFD800  }
0x110: {  	[spmem:s22] =	stream.indirect.scatter.add.f32 [tilespmem:s30], [sflag:$0x3], $0x80, s18, s7, $0xb8;
	[tilespmem:$0x1DD80] =	vst v63  }
0x111: {  	_ =	swait.ge [sflag:s14], $0x2800  }
0x112: {  	[sflag:s14] =	ssyncset.done $0x0  }
0x113: {  	s0 =	simm.s32 $0xA4B0;
	s26 =	simm.s32 $0x1;
	[sflag:s14] =	ssyncadd.s32 $0xFFFFD800  }
0x114: {  	[spmem:s22] =	stream.indirect.scatter.add.f32 [tilespmem:s12], [sflag:$0x4], $0x80, s0, s7, $0xb8;
	[tilespmem:$0x1DD80] =	vst v63  }
0x115: {  	_ =	swait.ge [sflag:s26], $0x2800  }
0x116: {  	[sflag:s26] =	ssyncset.done $0x0  }
0x117: {  	[sflag:s26] =	ssyncadd.s32 $0xFFFFD800  }
0x118: {  	_ =	swait.ge [sflag:s15], $0x50  }
0x119: {  	[sflag:s15] =	ssyncset.done $0x0  }
0x11a: {  	[sflag:s15] =	ssyncadd.s32 $0xFFFFFFB0  }
0x11b: {  	_ =	swait.ge [sflag:s15], $0x50  }
0x11c: {  	[sflag:s15] =	ssyncset.done $0x0  }
0x11d: {  	[sflag:s15] =	ssyncadd.s32 $0xFFFFFFB0  }
0x11e: {  	[tilespmem:s3], [sflag:$0x1] =	stream.indirect.gather [hbm4b:s20+s7], $0x80, s28, s7, $0xb8;
	[tilespmem:$0x1DD80] =	vst v63  }
0x11f: {  	s29 =	simm.s32 $0xA0A0;
	s23 =	sadd.s32 $0x78, s23  }
0x120: {  	[tilespmem:s29], [sflag:$0x6] =	stream.linear.gather [hbm4b:s23+s3], $0x50, $0x38;
	[tilespmem:$0x1DD80] =	vst v63  }
0x121: {  	s0 =	simm.s32 $0x2;
	s28 =	sadd.s32 $0x78, s24  }
0x122: {  	[tilespmem:s25], [sflag:$0x6] =	stream.linear.gather [hbm4b:s28+s3], $0x50, $0x38;
	[tilespmem:$0x1DD80] =	vst v63  }
0x123: {  	_ =	swait.ge [sflag:s0], $0x2800  }
0x124: {  	[sflag:s0] =	ssyncset.done $0x0  }
0x125: {  	[sflag:s0] =	ssyncadd.s32 $0xFFFFD800  }
0x126: {  	_ =	swait.ge [sflag:s6], $0x50  }
0x127: {  	s15 =	smin.u32 s19, $0x6F;
	[sflag:s6] =	ssyncset.done $0x0  }
0x128: {  	s23 =	smul.u32 $0x50, s15;
	[sflag:s6] =	ssyncadd.s32 $0xFFFFFFB0  }
0x129: {  	_ =	swait.ge [sflag:s6], $0x50  }
0x12a: {  	s23 =	sshrl.u32 s23, $0x3;
	[sflag:s6] =	ssyncset.done $0x0  }
0x12b: {  	s23 =	sadd.s32 $0x82, s23;
	[sflag:s6] =	ssyncadd.s32 $0xFFFFFFB0  }
0x12c: {  	[tilespmem:s10], [sflag:$0x2] =	stream.indirect.gather [hbm4b:s20+s7], $0x80, s16, s7, $0xb8;
	[tilespmem:$0x1DD80] =	vst v63  }
0x12d: {  	s17 =	simm.s32 $0xA1E0;
	s16 =	sadd.s32 s5, s23  }
0x12e: {  	[tilespmem:s17], [sflag:$0x8] =	stream.linear.gather [hbm4b:s16+s3], $0x50, $0x38;
	[tilespmem:$0x1DD80] =	vst v63  }
0x12f: {  	s23 =	sadd.s32 s4, s23  }
0x130: {  	[tilespmem:s8], [sflag:$0x8] =	stream.linear.gather [hbm4b:s23+s3], $0x50, $0x38;
	[tilespmem:$0x1DD80] =	vst v63  }
0x131: {  	_ =	swait.ge [sflag:s13], $0x2800  }
0x132: {  	[sflag:s13] =	ssyncset.done $0x0  }
0x133: {  	[sflag:s13] =	ssyncadd.s32 $0xFFFFD800  }
0x134: {  	_ =	swait.ge [sflag:s11], $0x50  }
0x135: {  	s24 =	smin.u32 s19, $0x6E;
	[sflag:s11] =	ssyncset.done $0x0  }
0x136: {  	s23 =	smul.u32 $0x50, s24;
	[sflag:s11] =	ssyncadd.s32 $0xFFFFFFB0  }
0x137: {  	_ =	swait.ge [sflag:s11], $0x50  }
0x138: {  	s23 =	sshrl.u32 s23, $0x3;
	[sflag:s11] =	ssyncset.done $0x0  }
0x139: {  	s23 =	sadd.s32 $0x8C, s23;
	[sflag:s11] =	ssyncadd.s32 $0xFFFFFFB0  }
0x13a: {  	[tilespmem:s30], [sflag:$0x3] =	stream.indirect.gather [hbm4b:s20+s7], $0x80, s31, s7, $0xb8;
	[tilespmem:$0x1DD80] =	vst v63  }
0x13b: {  	s25 =	sadd.s32 s5, s23  }
0x13c: {  	[tilespmem:s21], [sflag:$0xA] =	stream.linear.gather [hbm4b:s25+s3], $0x50, $0x38;
	[tilespmem:$0x1DD80] =	vst v63  }
0x13d: {  	s23 =	sadd.s32 s4, s23  }
0x13e: {  	[tilespmem:s18], [sflag:$0xA] =	stream.linear.gather [hbm4b:s23+s3], $0x50, $0x38;
	[tilespmem:$0x1DD80] =	vst v63  }
0x13f: {  	_ =	swait.ge [sflag:s14], $0x2800  }
0x140: {  	[sflag:s14] =	ssyncset.done $0x0  }
0x141: {  	[sflag:s14] =	ssyncadd.s32 $0xFFFFD800  }
0x142: {  	_ =	swait.ge [sflag:s9], $0x50  }
0x143: {  	s28 =	smin.u32 s19, $0x6D;
	[sflag:s9] =	ssyncset.done $0x0  }
0x144: {  	s23 =	smul.u32 $0x50, s28;
	[sflag:s9] =	ssyncadd.s32 $0xFFFFFFB0  }
0x145: {  	_ =	swait.ge [sflag:s9], $0x50  }
0x146: {  	s23 =	sshrl.u32 s23, $0x3;
	[sflag:s9] =	ssyncset.done $0x0  }
0x147: {  	s1 =	simm.s32 $0xA460;
	s31 =	sadd.s32 $0x96, s23;
	[sflag:s9] =	ssyncadd.s32 $0xFFFFFFB0  }
0x148: {  	[tilespmem:s12], [sflag:$0x4] =	stream.indirect.gather [hbm4b:s20+s7], $0x80, s2, s7, $0xb8;
	[tilespmem:$0x1DD80] =	vst v63  }
0x149: {  	s15 =	simm.s32 $0x5;
	s29 =	smov.u32 s4;
	s23 =	sadd.s32 s5, s31  }
0x14a: {  	[tilespmem:s1], [sflag:$0xC] =	stream.linear.gather [hbm4b:s23+s3], $0x50, $0x38;
	[tilespmem:$0x1DD80] =	vst v63  }
0x14b: {  	s24 =	sadd.s32 s4, s31;
	s4 =	simm.s32 $0xB;
	s23 =	simm.s32 $0x50  }
.LBB2_4:
0x14c: {  	p2 =	sne.s32 s23, $0x460;
	s19 =	sadd.s32 $0x8, s19  }
0x14d: {  	s25 =	smov.u32 s23;
	s23 =	sadd.s32 $0x50, s23;
	s6 =	simm.s32 $0xA4B0  }
0x14e: {  	[tilespmem:s6], [sflag:$0xC] =	stream.linear.gather [hbm4b:s24+s3], $0x50, $0x38;
	[tilespmem:$0x1DD80] =	vst v63  }
0x14f: {  	_ =	swait.ge [sflag:s26], $0x2800  }
0x150: {  	[sflag:s26] =	ssyncset.done $0x0  }
0x151: {  	s31 =	simm.s32 $0xA050;
	[sflag:s26] =	ssyncadd.s32 $0xFFFFD800  }
0x152: {  	[spmem:s22] =	stream.indirect.scatter.add.f32 [tilespmem:s3], [sflag:$0x1], $0x80, s31, s7, $0xb8;
	[tilespmem:$0x1DD80] =	vst v63  }
0x153: {  	_ =	swait.ge [sflag:s0], $0x2800  }
0x154: {  	[sflag:s0] =	ssyncset.done $0x0  }
0x155: {  	s9 =	simm.s32 $0xA190;
	[sflag:s0] =	ssyncadd.s32 $0xFFFFD800  }
0x156: {  	[spmem:s22] =	stream.indirect.scatter.add.f32 [tilespmem:s10], [sflag:$0x2], $0x80, s9, s7, $0xb8;
	[tilespmem:$0x1DD80] =	vst v63  }
0x157: {  	_ =	swait.ge [sflag:s13], $0x2800  }
0x158: {  	[sflag:s13] =	ssyncset.done $0x0  }
0x159: {  	s11 =	simm.s32 $0xA2D0;
	[sflag:s13] =	ssyncadd.s32 $0xFFFFD800  }
0x15a: {  	[spmem:s22] =	stream.indirect.scatter.add.f32 [tilespmem:s30], [sflag:$0x3], $0x80, s11, s7, $0xb8;
	[tilespmem:$0x1DD80] =	vst v63  }
0x15b: {  	_ =	swait.ge [sflag:s14], $0x2800  }
0x15c: {  	[sflag:s14] =	ssyncset.done $0x0  }
0x15d: {  	s8 =	simm.s32 $0x2800;
	s10 =	simm.s32 $0xA410;
	[sflag:s14] =	ssyncadd.s32 $0xFFFFD800  }
0x15e: {  	[spmem:s22] =	stream.indirect.scatter.add.f32 [tilespmem:s12], [sflag:$0x4], $0x80, s10, s7, $0xb8;
	[tilespmem:$0x1DD80] =	vst v63  }
0x15f: {  	_ =	swait.ge [sflag:s26], $0x2800  }
0x160: {  	[sflag:s26] =	ssyncset.done $0x0  }
0x161: {  	s0 =	simm.s32 $0x6;
	[sflag:s26] =	ssyncadd.s32 $0xFFFFD800  }
0x162: {  	s18 =	simm.s32 $0x2;
	_ =	swait.ge [sflag:s0], $0x50  }
0x163: {  	[sflag:s0] =	ssyncset.done $0x0  }
0x164: {  	[sflag:s0] =	ssyncadd.s32 $0xFFFFFFB0  }
0x165: {  	_ =	swait.ge [sflag:s0], $0x50  }
0x166: {  	s1 =	simm.s32 $0x7800;
	s24 =	sadd.s32 s25, s5;
	[sflag:s0] =	ssyncset.done $0x0  }
0x167: {  	s30 =	simm.s32 $0xA0A0;
	s12 =	simm.s32 $0x5000;
	[sflag:s0] =	ssyncadd.s32 $0xFFFFFFB0  }
0x168: {  	[tilespmem:s3], [sflag:$0x1] =	stream.indirect.gather [hbm4b:s20+s7], $0x80, s30, s7, $0xb8;
	[tilespmem:$0x1DD80] =	vst v63  }
0x169: {  	s25 =	sadd.s32 s25, s29;
	s28 =	sadd.s32 $0x50, s24;
	s0 =	simm.s32 $0xA000  }
0x16a: {  	[tilespmem:s0], [sflag:$0x5] =	stream.linear.gather [hbm4b:s28+s3], $0x50, $0x38;
	[tilespmem:$0x1DD80] =	vst v63  }
0x16b: {  	s28 =	sadd.s32 $0x50, s25  }
0x16c: {  	[tilespmem:s31], [sflag:$0x5] =	stream.linear.gather [hbm4b:s28+s3], $0x50, $0x38;
	[tilespmem:$0x1DD80] =	vst v63  }
0x16d: {  	_ =	swait.ge [sflag:s18], $0x2800  }
0x16e: {  	[sflag:s18] =	ssyncset.done $0x0  }
0x16f: {  	s17 =	simm.s32 $0x8;
	[sflag:s18] =	ssyncadd.s32 $0xFFFFD800  }
0x170: {  	_ =	swait.ge [sflag:s17], $0x50  }
0x171: {  	[sflag:s17] =	ssyncset.done $0x0  }
0x172: {  	[sflag:s17] =	ssyncadd.s32 $0xFFFFFFB0  }
0x173: {  	_ =	swait.ge [sflag:s17], $0x50  }
0x174: {  	[sflag:s17] =	ssyncset.done $0x0  }
0x175: {  	[sflag:s17] =	ssyncadd.s32 $0xFFFFFFB0;
	s17 =	simm.s32 $0xA1E0  }
0x176: {  	[tilespmem:s8], [sflag:$0x2] =	stream.indirect.gather [hbm4b:s20+s7], $0x80, s17, s7, $0xb8;
	[tilespmem:$0x1DD80] =	vst v63  }
0x177: {  	s16 =	simm.s32 $0xA140;
	s28 =	sadd.s32 $0x5A, s24  }
0x178: {  	[tilespmem:s16], [sflag:$0x7] =	stream.linear.gather [hbm4b:s28+s3], $0x50, $0x38;
	[tilespmem:$0x1DD80] =	vst v63  }
0x179: {  	s28 =	sadd.s32 $0x5A, s25  }
0x17a: {  	[tilespmem:s9], [sflag:$0x7] =	stream.linear.gather [hbm4b:s28+s3], $0x50, $0x38;
	[tilespmem:$0x1DD80] =	vst v63  }
0x17b: {  	_ =	swait.ge [sflag:s13], $0x2800  }
0x17c: {  	[sflag:s13] =	ssyncset.done $0x0  }
0x17d: {  	s2 =	simm.s32 $0xA;
	[sflag:s13] =	ssyncadd.s32 $0xFFFFD800  }
0x17e: {  	_ =	swait.ge [sflag:s2], $0x50  }
0x17f: {  	[sflag:s2] =	ssyncset.done $0x0  }
0x180: {  	[sflag:s2] =	ssyncadd.s32 $0xFFFFFFB0  }
0x181: {  	_ =	swait.ge [sflag:s2], $0x50  }
0x182: {  	[sflag:s2] =	ssyncset.done $0x0  }
0x183: {  	s9 =	simm.s32 $0xA320;
	[sflag:s2] =	ssyncadd.s32 $0xFFFFFFB0  }
0x184: {  	[tilespmem:s12], [sflag:$0x3] =	stream.indirect.gather [hbm4b:s20+s7], $0x80, s9, s7, $0xb8;
	[tilespmem:$0x1DD80] =	vst v63  }
0x185: {  	s8 =	simm.s32 $0xA280;
	s28 =	sadd.s32 $0x64, s24  }
0x186: {  	[tilespmem:s8], [sflag:$0x9] =	stream.linear.gather [hbm4b:s28+s3], $0x50, $0x38;
	[tilespmem:$0x1DD80] =	vst v63  }
0x187: {  	s28 =	sadd.s32 $0x64, s25  }
0x188: {  	[tilespmem:s11], [sflag:$0x9] =	stream.linear.gather [hbm4b:s28+s3], $0x50, $0x38;
	[tilespmem:$0x1DD80] =	vst v63  }
0x189: {  	s11 =	simm.s32 $0x9  }
0x18a: {  	_ =	swait.ge [sflag:s14], $0x2800  }
0x18b: {  	[sflag:s14] =	ssyncset.done $0x0  }
0x18c: {  	s2 =	simm.s32 $0xC;
	[sflag:s14] =	ssyncadd.s32 $0xFFFFD800  }
0x18d: {  	_ =	swait.ge [sflag:s2], $0x50  }
0x18e: {  	[sflag:s2] =	ssyncset.done $0x0  }
0x18f: {  	[sflag:s2] =	ssyncadd.s32 $0xFFFFFFB0  }
0x190: {  	_ =	swait.ge [sflag:s2], $0x50  }
0x191: {  	[sflag:s2] =	ssyncset.done $0x0  }
0x192: {  	[sflag:s2] =	ssyncadd.s32 $0xFFFFFFB0;
	s2 =	simm.s32 $0xA460  }
0x193: {  	[tilespmem:s1], [sflag:$0x4] =	stream.indirect.gather [hbm4b:s20+s7], $0x80, s2, s7, $0xb8;
	[tilespmem:$0x1DD80] =	vst v63  }
0x194: {  	s28 =	sadd.s32 $0x6E, s24;
	s2 =	simm.s32 $0xA3C0  }
0x195: {  	[tilespmem:s2], [sflag:$0xB] =	stream.linear.gather [hbm4b:s28+s3], $0x50, $0x38;
	[tilespmem:$0x1DD80] =	vst v63  }
0x196: {  	s28 =	sadd.s32 $0x6E, s25  }
0x197: {  	[tilespmem:s10], [sflag:$0xB] =	stream.linear.gather [hbm4b:s28+s3], $0x50, $0x38;
	[tilespmem:$0x1DD80] =	vst v63  }
0x198: {  	s10 =	simm.s32 $0x2800;
	s28 =	simm.s32 $0xA0F0  }
0x199: {  	_ =	swait.ge [sflag:s26], $0x2800  }
0x19a: {  	[sflag:s26] =	ssyncset.done $0x0  }
0x19b: {  	[sflag:s26] =	ssyncadd.s32 $0xFFFFD800  }
0x19c: {  	[spmem:s22] =	stream.indirect.scatter.add.f32 [tilespmem:s3], [sflag:$0x1], $0x80, s28, s7, $0xb8;
	[tilespmem:$0x1DD80] =	vst v63  }
0x19d: {  	_ =	swait.ge [sflag:s18], $0x2800  }
0x19e: {  	[sflag:s18] =	ssyncset.done $0x0  }
0x19f: {  	s21 =	simm.s32 $0xA230;
	[sflag:s18] =	ssyncadd.s32 $0xFFFFD800  }
0x1a0: {  	[spmem:s22] =	stream.indirect.scatter.add.f32 [tilespmem:s10], [sflag:$0x2], $0x80, s21, s7, $0xb8;
	[tilespmem:$0x1DD80] =	vst v63  }
0x1a1: {  	_ =	swait.ge [sflag:s13], $0x2800  }
0x1a2: {  	[sflag:s13] =	ssyncset.done $0x0  }
0x1a3: {  	s18 =	simm.s32 $0xA370;
	[sflag:s13] =	ssyncadd.s32 $0xFFFFD800  }
0x1a4: {  	[spmem:s22] =	stream.indirect.scatter.add.f32 [tilespmem:s12], [sflag:$0x3], $0x80, s18, s7, $0xb8;
	[tilespmem:$0x1DD80] =	vst v63  }
0x1a5: {  	s12 =	simm.s32 $0x7800  }
0x1a6: {  	_ =	swait.ge [sflag:s14], $0x2800  }
0x1a7: {  	[sflag:s14] =	ssyncset.done $0x0  }
0x1a8: {  	[sflag:s14] =	ssyncadd.s32 $0xFFFFD800  }
0x1a9: {  	[spmem:s22] =	stream.indirect.scatter.add.f32 [tilespmem:s12], [sflag:$0x4], $0x80, s6, s7, $0xb8;
	[tilespmem:$0x1DD80] =	vst v63  }
0x1aa: {  	s1 =	simm.s32 $0xA4B0;
	s6 =	simm.s32 $0x7  }
0x1ab: {  	_ =	swait.ge [sflag:s26], $0x2800  }
0x1ac: {  	[sflag:s26] =	ssyncset.done $0x0  }
0x1ad: {  	[sflag:s26] =	ssyncadd.s32 $0xFFFFD800  }
0x1ae: {  	_ =	swait.ge [sflag:s15], $0x50  }
0x1af: {  	[sflag:s15] =	ssyncset.done $0x0  }
0x1b0: {  	[sflag:s15] =	ssyncadd.s32 $0xFFFFFFB0  }
0x1b1: {  	_ =	swait.ge [sflag:s15], $0x50  }
0x1b2: {  	[sflag:s15] =	ssyncset.done $0x0  }
0x1b3: {  	[sflag:s15] =	ssyncadd.s32 $0xFFFFFFB0  }
0x1b4: {  	[tilespmem:s3], [sflag:$0x1] =	stream.indirect.gather [hbm4b:s20+s7], $0x80, s0, s7, $0xb8;
	[tilespmem:$0x1DD80] =	vst v63  }
0x1b5: {  	s0 =	simm.s32 $0x2  }
0x1b6: {  	s24 =	sadd.s32 $0x78, s24  }
0x1b7: {  	[tilespmem:s30], [sflag:$0x6] =	stream.linear.gather [hbm4b:s24+s3], $0x50, $0x38;
	[tilespmem:$0x1DD80] =	vst v63  }
0x1b8: {  	s31 =	simm.s32 $0xA0A0;
	s30 =	simm.s32 $0x5000  }
0x1b9: {  	s24 =	sadd.s32 $0x78, s25  }
0x1ba: {  	[tilespmem:s28], [sflag:$0x6] =	stream.linear.gather [hbm4b:s24+s3], $0x50, $0x38;
	[tilespmem:$0x1DD80] =	vst v63  }
0x1bb: {  	_ =	swait.ge [sflag:s0], $0x2800  }
0x1bc: {  	[sflag:s0] =	ssyncset.done $0x0  }
0x1bd: {  	[sflag:s0] =	ssyncadd.s32 $0xFFFFD800  }
0x1be: {  	_ =	swait.ge [sflag:s6], $0x50  }
0x1bf: {  	s24 =	smin.u32 s19, $0x6F;
	[sflag:s6] =	ssyncset.done $0x0  }
0x1c0: {  	s24 =	smul.u32 $0x50, s24;
	[sflag:s6] =	ssyncadd.s32 $0xFFFFFFB0  }
0x1c1: {  	_ =	swait.ge [sflag:s6], $0x50  }
0x1c2: {  	s24 =	sshrl.u32 s24, $0x3;
	[sflag:s6] =	ssyncset.done $0x0  }
0x1c3: {  	s24 =	sadd.s32 $0x82, s24;
	[sflag:s6] =	ssyncadd.s32 $0xFFFFFFB0  }
0x1c4: {  	[tilespmem:s10], [sflag:$0x2] =	stream.indirect.gather [hbm4b:s20+s7], $0x80, s16, s7, $0xb8;
	[tilespmem:$0x1DD80] =	vst v63  }
0x1c5: {  	s25 =	sadd.s32 s5, s24;
	s24 =	sadd.s32 s29, s24  }
0x1c6: {  	[tilespmem:s17], [sflag:$0x8] =	stream.linear.gather [hbm4b:s25+s3], $0x50, $0x38;
	[tilespmem:$0x1DD80] =	vst v63  }
0x1c7: {  	_ = 	snop  }
0x1c8: {  	[tilespmem:s21], [sflag:$0x8] =	stream.linear.gather [hbm4b:s24+s3], $0x50, $0x38;
	[tilespmem:$0x1DD80] =	vst v63  }
0x1c9: {  	_ =	swait.ge [sflag:s13], $0x2800  }
0x1ca: {  	[sflag:s13] =	ssyncset.done $0x0  }
0x1cb: {  	[sflag:s13] =	ssyncadd.s32 $0xFFFFD800  }
0x1cc: {  	_ =	swait.ge [sflag:s11], $0x50  }
0x1cd: {  	s24 =	smin.u32 s19, $0x6E;
	[sflag:s11] =	ssyncset.done $0x0  }
0x1ce: {  	s24 =	smul.u32 $0x50, s24;
	[sflag:s11] =	ssyncadd.s32 $0xFFFFFFB0  }
0x1cf: {  	_ =	swait.ge [sflag:s11], $0x50  }
0x1d0: {  	s24 =	sshrl.u32 s24, $0x3;
	[sflag:s11] =	ssyncset.done $0x0  }
0x1d1: {  	s24 =	sadd.s32 $0x8C, s24;
	[sflag:s11] =	ssyncadd.s32 $0xFFFFFFB0  }
0x1d2: {  	[tilespmem:s30], [sflag:$0x3] =	stream.indirect.gather [hbm4b:s20+s7], $0x80, s8, s7, $0xb8;
	[tilespmem:$0x1DD80] =	vst v63  }
0x1d3: {  	s25 =	sadd.s32 s5, s24;
	s24 =	sadd.s32 s29, s24  }
0x1d4: {  	[tilespmem:s9], [sflag:$0xA] =	stream.linear.gather [hbm4b:s25+s3], $0x50, $0x38;
	[tilespmem:$0x1DD80] =	vst v63  }
0x1d5: {  	_ = 	snop  }
0x1d6: {  	[tilespmem:s18], [sflag:$0xA] =	stream.linear.gather [hbm4b:s24+s3], $0x50, $0x38;
	[tilespmem:$0x1DD80] =	vst v63  }
0x1d7: {  	_ =	swait.ge [sflag:s14], $0x2800  }
0x1d8: {  	[sflag:s14] =	ssyncset.done $0x0  }
0x1d9: {  	[sflag:s14] =	ssyncadd.s32 $0xFFFFD800  }
0x1da: {  	_ =	swait.ge [sflag:s4], $0x50  }
0x1db: {  	s24 =	smin.u32 s19, $0x6D;
	[sflag:s4] =	ssyncset.done $0x0  }
0x1dc: {  	s24 =	smul.u32 $0x50, s24;
	[sflag:s4] =	ssyncadd.s32 $0xFFFFFFB0  }
0x1dd: {  	_ =	swait.ge [sflag:s4], $0x50  }
.Ltmp1:
0x1de: {  	s24 =	sshrl.u32 s24, $0x3;
	[sflag:s4] =	ssyncset.done $0x0;
	(pc) =	sbr.rel @p2 .LBB2_4-.Ltmp1, $4  }
0x1df: {  	s24 =	sadd.s32 $0x96, s24;
	[sflag:s4] =	ssyncadd.s32 $0xFFFFFFB0  }
0x1e0: {  	[tilespmem:s12], [sflag:$0x4] =	stream.indirect.gather [hbm4b:s20+s7], $0x80, s2, s7, $0xb8;
	[tilespmem:$0x1DD80] =	vst v63  }
0x1e1: {  	s25 =	sadd.s32 s5, s24;
	s24 =	sadd.s32 s29, s24;
	s2 =	simm.s32 $0xA460  }
0x1e2: {  	[tilespmem:s2], [sflag:$0xC] =	stream.linear.gather [hbm4b:s25+s3], $0x50, $0x38;
	[tilespmem:$0x1DD80] =	vst v63  }
0x1e3: {  	[tilespmem:s1], [sflag:$0xC] =	stream.linear.gather [hbm4b:s24+s3], $0x50, $0x38;
	[tilespmem:$0x1DD80] =	vst v63  }
0x1e4: {  	_ =	swait.ge [sflag:s26], $0x2800  }
0x1e5: {  	[sflag:s26] =	ssyncset.done $0x0  }
0x1e6: {  	s2 =	simm.s32 $0x2;
	s4 =	simm.s32 $0xA050;
	[sflag:s26] =	ssyncadd.s32 $0xFFFFD800  }
0x1e7: {  	[spmem:s22] =	stream.indirect.scatter.add.f32 [tilespmem:s3], [sflag:$0x1], $0x80, s4, s7, $0xb8;
	[tilespmem:$0x1DD80] =	vst v63  }
0x1e8: {  	_ =	swait.ge [sflag:s2], $0x2800  }
0x1e9: {  	[sflag:s2] =	ssyncset.done $0x0  }
0x1ea: {  	s16 =	simm.s32 $0xA190;
	[sflag:s2] =	ssyncadd.s32 $0xFFFFD800  }
0x1eb: {  	[spmem:s22] =	stream.indirect.scatter.add.f32 [tilespmem:s10], [sflag:$0x2], $0x80, s16, s7, $0xb8;
	[tilespmem:$0x1DD80] =	vst v63  }
0x1ec: {  	_ =	swait.ge [sflag:s13], $0x2800  }
0x1ed: {  	[sflag:s13] =	ssyncset.done $0x0  }
0x1ee: {  	s17 =	simm.s32 $0xA2D0;
	[sflag:s13] =	ssyncadd.s32 $0xFFFFD800  }
0x1ef: {  	[spmem:s22] =	stream.indirect.scatter.add.f32 [tilespmem:s30], [sflag:$0x3], $0x80, s17, s7, $0xb8;
	[tilespmem:$0x1DD80] =	vst v63  }
0x1f0: {  	_ =	swait.ge [sflag:s14], $0x2800  }
0x1f1: {  	[sflag:s14] =	ssyncset.done $0x0  }
0x1f2: {  	s18 =	simm.s32 $0xA410;
	[sflag:s14] =	ssyncadd.s32 $0xFFFFD800  }
0x1f3: {  	[spmem:s22] =	stream.indirect.scatter.add.f32 [tilespmem:s12], [sflag:$0x4], $0x80, s18, s7, $0xb8;
	[tilespmem:$0x1DD80] =	vst v63  }
0x1f4: {  	_ =	swait.ge [sflag:s26], $0x2800  }
0x1f5: {  	[sflag:s26] =	ssyncset.done $0x0  }
0x1f6: {  	s19 =	simm.s32 $0x6;
	[sflag:s26] =	ssyncadd.s32 $0xFFFFD800  }
0x1f7: {  	_ =	swait.ge [sflag:s19], $0x50  }
0x1f8: {  	[sflag:s19] =	ssyncset.done $0x0  }
0x1f9: {  	[sflag:s19] =	ssyncadd.s32 $0xFFFFFFB0  }
0x1fa: {  	_ =	swait.ge [sflag:s19], $0x50  }
0x1fb: {  	[sflag:s19] =	ssyncset.done $0x0  }
0x1fc: {  	[sflag:s19] =	ssyncadd.s32 $0xFFFFFFB0  }
0x1fd: {  	[tilespmem:s3], [sflag:$0x1] =	stream.indirect.gather [hbm4b:s20+s7], $0x80, s31, s7, $0xb8;
	[tilespmem:$0x1DD80] =	vst v63  }
0x1fe: {  	_ =	swait.ge [sflag:s2], $0x2800  }
0x1ff: {  	[sflag:s2] =	ssyncset.done $0x0  }
0x200: {  	s21 =	simm.s32 $0x8;
	[sflag:s2] =	ssyncadd.s32 $0xFFFFD800  }
0x201: {  	_ =	swait.ge [sflag:s21], $0x50  }
0x202: {  	[sflag:s21] =	ssyncset.done $0x0  }
0x203: {  	[sflag:s21] =	ssyncadd.s32 $0xFFFFFFB0  }
0x204: {  	_ =	swait.ge [sflag:s21], $0x50  }
0x205: {  	[sflag:s21] =	ssyncset.done $0x0  }
0x206: {  	[sflag:s21] =	ssyncadd.s32 $0xFFFFFFB0  }
0x207: {  	_ =	swait.ge [sflag:s13], $0x2800  }
0x208: {  	[sflag:s13] =	ssyncset.done $0x0  }
0x209: {  	s23 =	simm.s32 $0xA;
	[sflag:s13] =	ssyncadd.s32 $0xFFFFD800  }
0x20a: {  	_ =	swait.ge [sflag:s23], $0x50  }
0x20b: {  	[sflag:s23] =	ssyncset.done $0x0  }
0x20c: {  	[sflag:s23] =	ssyncadd.s32 $0xFFFFFFB0  }
0x20d: {  	_ =	swait.ge [sflag:s23], $0x50  }
0x20e: {  	[sflag:s23] =	ssyncset.done $0x0  }
0x20f: {  	[sflag:s23] =	ssyncadd.s32 $0xFFFFFFB0  }
0x210: {  	_ =	swait.ge [sflag:s14], $0x2800  }
0x211: {  	[sflag:s14] =	ssyncset.done $0x0  }
0x212: {  	s24 =	simm.s32 $0xC;
	[sflag:s14] =	ssyncadd.s32 $0xFFFFD800  }
0x213: {  	_ =	swait.ge [sflag:s24], $0x50  }
0x214: {  	[sflag:s24] =	ssyncset.done $0x0  }
0x215: {  	[sflag:s24] =	ssyncadd.s32 $0xFFFFFFB0  }
0x216: {  	_ =	swait.ge [sflag:s24], $0x50  }
0x217: {  	[sflag:s24] =	ssyncset.done $0x0  }
0x218: {  	[sflag:s24] =	ssyncadd.s32 $0xFFFFFFB0  }
0x219: {  	_ =	swait.ge [sflag:s26], $0x2800  }
0x21a: {  	[sflag:s26] =	ssyncset.done $0x0  }
0x21b: {  	s19 =	simm.s32 $0xD;
	[sflag:s26] =	ssyncadd.s32 $0xFFFFD800  }
0x21c: {  	[spmem:s22] =	stream.indirect.scatter.add.f32 [tilespmem:s3], [sflag:$0xD], $0x80, s28, s7, $0xb8;
	[tilespmem:$0x1DD80] =	vst v63  }
0x21d: {  	_ =	swait.ge [sflag:s19], $0x2800  }
0x21e: {  	[sflag:s19] =	ssyncset.done $0x0  }
0x21f: {  	[sflag:s19] =	ssyncadd.s32 $0xFFFFD800  }
0x220: {  	[bflag:$0x0] =	sbarrier.arrive $0xFFFF  }
0x221: {  	s19 =	rddreg [dreg:$0x14]  }
0x222: {  	s0 =	rddreg [dreg:$0x18]  }
0x223: {  	s24 =	simm.s32 @p1 $0x1FCD;
	s19 =	sadd.s32 @p1 $0x25080, s19;
	s23 =	sshrl.u32 @p1 s0, $0x3  }
0x224: {  	[hbm:s19], [sflag:s24] =	dma.local @p1 [spmem:s23], $0x2080  }
0x225: {  	s19 =	simm.s32 @p1 $0xD  }
0x226: {  	_ =	swait.ge @p1 [sflag:s19], $0x2080  }
0x227: {  	s23 =	stileid.u32;
	s24 =	sld [smem:$0x7F7]  }
0x228: {  	s23 =	sshll.u32 @!p1 s23, $0x6;
	[sflag:s19] =	ssyncset.done @p1 $0x0  }
0x229: {  	[sflag:s19] =	ssyncadd.s32 @p1 $0xFFFFDF80;
	s19 =	sor.u32 @!p1 $0x1C0D, s23;
	s23 =	rddreg [dreg:$0x1e]  }
0x22a: {  	[hbm:s23], [sflag:s19] =	dma.local @!p1 [spmem:s24], $0x2780  }
0x22b: {  	s19 =	simm.s32 @!p1 $0xD  }
0x22c: {  	_ =	swait.ge @!p1 [sflag:s19], $0x2780  }
0x22d: {  	s25 =	sld [smem:$0x7FC]  }
0x22e: {  	s9 =	simm.s32 $0xB  }
0x22f: {  	s15 =	simm.s32 $0x5;
	s8 =	simm.s32 $0x6;
	s4 =	simm.s32 $0xA2D0  }
0x230: {  	s16 =	simm.s32 $0x8;
	s26 =	rddreg [dreg:$0x15];
	s24 =	sadd.s32 $0x1, s25  }
0x231: {  	s17 =	simm.s32 $0xA3C0;
	s18 =	simm.s32 $0x1;
	p2 =	sne.s32 s24, s26  }
.Ltmp2:
0x232: {  	s31 =	simm.s32 $0xA0F0;
	s2 =	simm.s32 $0xC;
	(pc) =	sbr.rel @p2 .LBB2_1-.Ltmp2, $4  }
0x233: {  	s21 =	simm.s32 $0xA;
	s28 =	simm.s32 $0xA280;
	[sflag:s19] =	ssyncset.done @!p1 $0x0  }
0x234: {  	s0 =	simm.s32 $0xA190;
	s23 =	simm.s32 $0xA050;
	[sflag:s19] =	ssyncadd.s32 @!p1 $0xFFFFD880  }
0x235: {  	s19 =	simm.s32 $0xA000;
	s25 =	smov.u32 s29;
	s29 =	simm.s32 $0xA410  }
0x236: {  	[smem:$0x7FC] =	sst s24;
	s24 =	simm.s32 $0xA140;
	s26 =	simm.s32 $0xA0A0  }
0x237: {  	_ =	sfence.sel $0x180000  }
0x238: {  	[bflag:$0x0] =	sbarrier.arrive $0xFFFF  }
0x239: {  	_ =	strace $0x90000047  }
0x23a: {  	s0 =	stileid.u32;
	[bflag:$0x2] =	sbarrier.arrive $0xFFFF  }
0x23b: {  	p0 =	sne.s32 s0, $0x0;
	s0 =	rddreg [dreg:$0x4]  }
0x23c: {  	s0 =	sadd.s32 @!p0 $0x100000, s0  }
0x23d: {  	[sflag:s0] =	ssyncadd.tile.s32 @!p0 $0x1;
	_ =	shalt  }
.Lfunc_end2:
_tile_overlayer_lowered:
.L_overlay_start_2:
0x23e: {  	(tag) =	ssettag $0x2  }
0x23f: {  	s0 =	rddreg [dreg:$0x0];
	s2 =	stileid.u32  }
0x240: {  	s1 =	rddreg [dreg:$0x1];
	p0 =	sne.s32 s2, $0x0  }
0x241: {  	s3 =	rddreg [dreg:$0x2];
	[bflag:$0x3] =	sbarrier.arrive $0xFFFF;
	s2 =	simm.s32 @!p0 $0x1C0D  }
0x242: {  	[timem:s3], [sflag:s2] =	dma.local @!p0 [hbm:s0], s1  }
0x243: {  	s0 =	simm.s32 @!p0 $0xD  }
0x244: {  	_ =	swait.ge @!p0 [sflag:s0], s1  }
0x245: {  	s1 =	ssub.s32 @!p0 $0x0, s1;
	[sflag:s0] =	ssyncset.done @!p0 $0x0  }
0x246: {  	[sflag:s0] =	ssyncadd.s32 @!p0 s1  }
0x247: {  	[bflag:$0x3] =	sbarrier.arrive $0xFFFF  }
0x248: {  	_ =	shalt  }

</sc_bundles>
